<compile_context>
chip_gen: v7x
topology: tpu7x:2x2x1
jax: 0.10.2.dev20260603
libtpu: 0.0.44.dev20260713+nightly
codegen_flags: <defaults>
</compile_context>

<pallas_src>
import functools

import jax
import jax.numpy as jnp
from jax import lax
from jax.experimental import pallas as pl
from jax.experimental.pallas import tpu as pltpu
from jax.experimental.pallas import tpu_sc as plsc

D = 64
LANES = 128
SGS = 7
IGL = 4


@functools.lru_cache(maxsize=None)
def _make_lookup(N: int, SEQ: int, VP: int):
    info = plsc.get_sparse_core_info()
    NC, NS = info.num_cores, info.num_subcores
    NW = NC * NS
    assert N == NW * IGL * LANES
    n_sub = IGL * SGS * 8
    mesh = plsc.VectorSubcoreMesh(core_axis_name="c", subcore_axis_name="s")

    @functools.partial(
        pl.kernel,
        mesh=mesh,
        out_type=jax.ShapeDtypeStruct((SEQ, D, N), jnp.float32),
        scratch_types=[
            pltpu.VMEM_SHARED((VP, 128), jnp.float32),
            pltpu.VMEM((SGS, 8, IGL * LANES), jnp.int32),
            pltpu.VMEM((LANES, 128), jnp.float32),
            pltpu.VMEM((LANES, 128), jnp.float32),
            pltpu.VMEM((LANES, 128), jnp.float32),
            pltpu.VMEM((LANES, 128), jnp.float32),
            pltpu.VMEM((D, LANES), jnp.float32),
            pltpu.VMEM((D, LANES), jnp.float32),
            pltpu.SemaphoreType.DMA,
            pltpu.SemaphoreType.DMA,
            pltpu.SemaphoreType.DMA,
            pltpu.SemaphoreType.DMA,
            pltpu.SemaphoreType.DMA,
            pltpu.SemaphoreType.DMA,
        ],
        compiler_params=pltpu.CompilerParams(
            use_tc_tiling_on_sc=True, needs_layout_passes=False
        ),
    )
    def k(xp_hbm, tp_hbm, out_hbm, table_sp, idx_v, row0, row1, row2, row3,
          ob0, ob1, g0, g1, g2, g3, o0, o1):
        sid = lax.axis_index("s")
        wid = sid * NC + lax.axis_index("c")
        rows = (row0, row1, row2, row3)
        obufs = (ob0, ob1)
        gsem = (g0, g1, g2, g3)
        osem = (o0, o1)

        @pl.when(sid == 0)
        def _():
            pltpu.sync_copy(tp_hbm, table_sp)

        for sg in range(SGS):
            pltpu.sync_copy(
                xp_hbm.at[pl.ds(sg * 8, 8), pl.ds(wid * (IGL * LANES), IGL * LANES)],
                idx_v.at[sg],
            )
        plsc.subcore_barrier()

        lane = lax.iota(jnp.int32, 16)

        def coords(t):
            igl = t // (SGS * 8)
            sg = (t // 8) % SGS
            sl = t % 8
            s = sg * 8 + sl
            return igl, sg, sl, s

        def valid(t):
            _, _, _, s = coords(t)
            return jnp.logical_and(t < n_sub, s < SEQ)

        def idx_ref(t):
            igl, sg, sl, _ = coords(t)
            return idx_v.at[sg, sl, pl.ds(igl * LANES, LANES)]

        def gather_copy(t, b):
            return pltpu.make_async_copy(
                table_sp.at[idx_ref(t)], rows[b], gsem[b]
            )

        def store_copy(t, b):
            igl, _, _, s = coords(t)
            ig = wid * IGL + igl
            return pltpu.make_async_copy(
                obufs[b], out_hbm.at[s, :, pl.ds(ig * LANES, LANES)], osem[b]
            )

        def transpose2(rb_i, ob_i):
            rb, ob = rows[rb_i], obufs[ob_i]
            cvecs = [c0 * 16 + lane for c0 in range(4)]

            @plsc.parallel_loop(0, 128, unroll=4)
            def off_body(i):
                off = i & 15
                blk = i >> 4
                ilv = ((off + lane) & 15) + blk * 16
                for c0 in range(4):
                    vals = plsc.load_gather(rb, [ilv, cvecs[c0]])
                    plsc.store_scatter(ob, [cvecs[c0], ilv], vals)

        for p in range(3):
            @pl.when(valid(p))
            def _():
                gather_copy(p, p).start()

        def body(j, carry):
            for u in range(4):
                t = j * 4 + u
                b = u
                ob = u % 2

                @pl.when(valid(t))
                def _():
                    gather_copy(t, b).wait()

                @pl.when(valid(t + 3))
                def _():
                    gather_copy(t + 3, (u + 3) % 4).start()

                @pl.when(jnp.logical_and(t >= 2, valid(t - 2)))
                def _():
                    store_copy(t - 2, ob).wait()

                @pl.when(valid(t))
                def _():
                    transpose2(b, ob)
                    store_copy(t, ob).start()

            return carry

        lax.fori_loop(0, n_sub // 4, body, 0)

        @pl.when(valid(n_sub - 2))
        def _():
            store_copy(n_sub - 2, 0).wait()

        @pl.when(valid(n_sub - 1))
        def _():
            store_copy(n_sub - 1, 1).wait()

    return k


def kernel(x, table):
    n, seq = x.shape
    xp = jnp.pad(x.T.astype(jnp.int32), ((0, SGS * 8 - seq), (0, 0)))
    tp = jnp.pad(table.astype(jnp.float32),
                 ((0, 7), (0, 128 - table.shape[1])))
    out = _make_lookup(n, seq, tp.shape[0])(xp, tp)
    return jnp.transpose(out, (2, 0, 1))

# --- scband reference (transcript-rebuilt; emitter-appended) ---
"""Pipeline reference for scband-embedding-88338887344414 (READ-ONLY COPY).

The authoritative reference and input builder live on the scoring server;
editing this copy changes nothing except your own understanding.
"""

import jax, jax.numpy as jnp
import numpy as np


def setup_inputs(seed: int = 0) -> dict:
    key = jax.random.key(seed)
    k1, k2 = jax.random.split(key)
    # indices into vocab of size 1001 (1000 words + pad token at id 0)
    x = jax.random.randint(k1, (16384, 50), 0, 990)
    # embedding table [vocab_size=1001, d_model=64]; padding row (id 0) is zeros,
    # matching nn.Embedding(..., padding_idx=0) initialization
    table = jax.random.normal(k2, (1001, 64), dtype=jnp.float32)
    table = table.at[0].set(0.0)
    return {"x": x, "table": table}


def reference(x, table):
    # nn.Embedding forward: pure row gather from the table
    return jnp.take(table, x, axis=0)

if __name__ == "__main__":
    import jax
    _d = setup_inputs()
    print(jax.jit(kernel)(*tuple(_d.values())))

</pallas_src>

<mosaic_0001>
#map = affine_map<(d0, d1) -> (0, 0)>
#map1 = affine_map<(d0, d1) -> (0, 0, 0)>
module attributes {stable_mosaic.version = 14 : i64} {
  func.func @k(%arg0: i32, %arg1: i32, %arg2: memref<56x16384xi32, #tpu.memory_space<hbm>>, %arg3: memref<1008x128xf32, #tpu.memory_space<hbm>>, %arg4: memref<50x64x16384xf32, #tpu.memory_space<hbm>>, %arg5: memref<1008x128xf32, #tpu.memory_space<vmem_shared>>, %arg6: memref<7x8x512xi32, #tpu.memory_space<vmem>>, %arg7: memref<128x128xf32, #tpu.memory_space<vmem>>, %arg8: memref<128x128xf32, #tpu.memory_space<vmem>>, %arg9: memref<128x128xf32, #tpu.memory_space<vmem>>, %arg10: memref<128x128xf32, #tpu.memory_space<vmem>>, %arg11: memref<64x128xf32, #tpu.memory_space<vmem>>, %arg12: memref<64x128xf32, #tpu.memory_space<vmem>>, %arg13: memref<!tpu.dma_semaphore, #tpu.memory_space<semaphore_mem>>, %arg14: memref<!tpu.dma_semaphore, #tpu.memory_space<semaphore_mem>>, %arg15: memref<!tpu.dma_semaphore, #tpu.memory_space<semaphore_mem>>, %arg16: memref<!tpu.dma_semaphore, #tpu.memory_space<semaphore_mem>>, %arg17: memref<!tpu.dma_semaphore, #tpu.memory_space<semaphore_mem>>, %arg18: memref<!tpu.dma_semaphore, #tpu.memory_space<semaphore_mem>>) attributes {dimension_semantics = [#tpu.dimension_semantics<core_parallel>, #tpu.dimension_semantics<subcore_parallel>], iteration_bounds = array<i64: 2, 16>, scalar_prefetch = 0 : i64, scratch_operands = 14 : i64, tpu.core_type = #tpu.core_type<sc_vector_subcore>, window_params = [{transform_indices = #map}, {transform_indices = #map}, {transform_indices = #map1}]} {
    %mul3A = arith.constant 2 : i32
    %mul3A_0 = arith.muli %arg1, %mul3A : i32
    %add3A = arith.addi %mul3A_0, %arg0 : i32
    %eq3A = arith.constant 0 : i32
    %eq3A_1 = arith.cmpi eq, %arg1, %eq3A : i32
    %convert_element_type3A = arith.extui %eq3A_1 : i1 to i32
    %cond3A = arith.constant 0 : i32
    %cond3A_2 = arith.cmpi ne, %convert_element_type3A, %cond3A : i32
    scf.if %cond3A_2 {
      "tpu.region"() ({
        %run_scoped3A_57 = tpu.sem_alloc : memref<!tpu.dma_semaphore, #tpu.memory_space<semaphore_mem>>
        tpu.enqueue_dma source(%arg3 : memref<1008x128xf32, #tpu.memory_space<hbm>>) target(%arg5 : memref<1008x128xf32, #tpu.memory_space<vmem_shared>>) target_semaphore(%run_scoped3A_57 : memref<!tpu.dma_semaphore, #tpu.memory_space<semaphore_mem>>)
        tpu.wait_dma2 semaphore(%run_scoped3A_57 : memref<!tpu.dma_semaphore, #tpu.memory_space<semaphore_mem>>) src(%arg3 : memref<1008x128xf32, #tpu.memory_space<hbm>>) dst(%arg5 : memref<1008x128xf32, #tpu.memory_space<vmem_shared>>)
        tpu.yield
      }) : () -> ()
    } else {
    }
    %mul3A_3 = arith.constant 512 : i32
    %mul3A_4 = arith.muli %add3A, %mul3A_3 : i32
    %run_scoped3A = arith.constant 0 : i32
    "tpu.region"() ({
      %run_scoped3A_57 = tpu.sem_alloc : memref<!tpu.dma_semaphore, #tpu.memory_space<semaphore_mem>>
      %dma_start3A = arith.constant 0 : i32
      %dma_start3A_58 = arith.constant 0 : i32
      %dma_start3A_59 = tpu.memref_slice %arg6[%run_scoped3A, %dma_start3A, %dma_start3A_58] : memref<7x8x512xi32, #tpu.memory_space<vmem>> -> memref<1x8x512xi32, #tpu.memory_space<vmem>>
      %dma_start3A_60 = tpu.memref_squeeze %dma_start3A_59 : memref<1x8x512xi32, #tpu.memory_space<vmem>> -> memref<8x512xi32, #tpu.memory_space<vmem>>
      %dma_start3A_61 = arith.constant 0 : i32
      %dma_start3A_62 = tpu.memref_slice %arg2[%dma_start3A_61, %mul3A_4] : memref<56x16384xi32, #tpu.memory_space<hbm>> -> memref<8x512xi32, #tpu.memory_space<hbm>>
      %dma_start3A_63 = arith.constant 0 : i32
      %dma_start3A_64 = arith.constant 0 : i32
      %dma_start3A_65 = tpu.memref_slice %arg6[%run_scoped3A, %dma_start3A_63, %dma_start3A_64] : memref<7x8x512xi32, #tpu.memory_space<vmem>> -> memref<1x8x512xi32, #tpu.memory_space<vmem>>
      %dma_start3A_66 = tpu.memref_squeeze %dma_start3A_65 : memref<1x8x512xi32, #tpu.memory_space<vmem>> -> memref<8x512xi32, #tpu.memory_space<vmem>>
      %dma_start3A_67 = arith.constant 0 : i32
      %dma_start3A_68 = tpu.memref_slice %arg2[%dma_start3A_67, %mul3A_4] : memref<56x16384xi32, #tpu.memory_space<hbm>> -> memref<8x512xi32, #tpu.memory_space<hbm>>
      tpu.enqueue_dma source(%dma_start3A_68 : memref<8x512xi32, #tpu.memory_space<hbm>>) target(%dma_start3A_66 : memref<8x512xi32, #tpu.memory_space<vmem>>) target_semaphore(%run_scoped3A_57 : memref<!tpu.dma_semaphore, #tpu.memory_space<semaphore_mem>>)
      %dma_wait3A = arith.constant 0 : i32
      %dma_wait3A_69 = arith.constant 0 : i32
      %dma_wait3A_70 = tpu.memref_slice %arg6[%run_scoped3A, %dma_wait3A, %dma_wait3A_69] : memref<7x8x512xi32, #tpu.memory_space<vmem>> -> memref<1x8x512xi32, #tpu.memory_space<vmem>>
      %dma_wait3A_71 = tpu.memref_squeeze %dma_wait3A_70 : memref<1x8x512xi32, #tpu.memory_space<vmem>> -> memref<8x512xi32, #tpu.memory_space<vmem>>
      %dma_wait3A_72 = arith.constant 0 : i32
      %dma_wait3A_73 = tpu.memref_slice %arg2[%dma_wait3A_72, %mul3A_4] : memref<56x16384xi32, #tpu.memory_space<hbm>> -> memref<8x512xi32, #tpu.memory_space<hbm>>
      %dma_wait3A_74 = arith.constant 0 : i32
      %dma_wait3A_75 = arith.constant 0 : i32
      %dma_wait3A_76 = tpu.memref_slice %arg6[%run_scoped3A, %dma_wait3A_74, %dma_wait3A_75] : memref<7x8x512xi32, #tpu.memory_space<vmem>> -> memref<1x8x512xi32, #tpu.memory_space<vmem>>
      %dma_wait3A_77 = tpu.memref_squeeze %dma_wait3A_76 : memref<1x8x512xi32, #tpu.memory_space<vmem>> -> memref<8x512xi32, #tpu.memory_space<vmem>>
      %dma_wait3A_78 = arith.constant 0 : i32
      %dma_wait3A_79 = tpu.memref_slice %arg2[%dma_wait3A_78, %mul3A_4] : memref<56x16384xi32, #tpu.memory_space<hbm>> -> memref<8x512xi32, #tpu.memory_space<hbm>>
      tpu.wait_dma2 semaphore(%run_scoped3A_57 : memref<!tpu.dma_semaphore, #tpu.memory_space<semaphore_mem>>) src(%dma_wait3A_79 : memref<8x512xi32, #tpu.memory_space<hbm>>) dst(%dma_wait3A_77 : memref<8x512xi32, #tpu.memory_space<vmem>>)
      tpu.yield
    }) : () -> ()
    %mul3A_5 = arith.constant 512 : i32
    %mul3A_6 = arith.muli %add3A, %mul3A_5 : i32
    %run_scoped3A_7 = arith.constant 1 : i32
    "tpu.region"() ({
      %run_scoped3A_57 = tpu.sem_alloc : memref<!tpu.dma_semaphore, #tpu.memory_space<semaphore_mem>>
      %dma_start3A = arith.constant 0 : i32
      %dma_start3A_58 = arith.constant 0 : i32
      %dma_start3A_59 = tpu.memref_slice %arg6[%run_scoped3A_7, %dma_start3A, %dma_start3A_58] : memref<7x8x512xi32, #tpu.memory_space<vmem>> -> memref<1x8x512xi32, #tpu.memory_space<vmem>>
      %dma_start3A_60 = tpu.memref_squeeze %dma_start3A_59 : memref<1x8x512xi32, #tpu.memory_space<vmem>> -> memref<8x512xi32, #tpu.memory_space<vmem>>
      %dma_start3A_61 = arith.constant 8 : i32
      %dma_start3A_62 = tpu.memref_slice %arg2[%dma_start3A_61, %mul3A_6] : memref<56x16384xi32, #tpu.memory_space<hbm>> -> memref<8x512xi32, #tpu.memory_space<hbm>>
      %dma_start3A_63 = arith.constant 0 : i32
      %dma_start3A_64 = arith.constant 0 : i32
      %dma_start3A_65 = tpu.memref_slice %arg6[%run_scoped3A_7, %dma_start3A_63, %dma_start3A_64] : memref<7x8x512xi32, #tpu.memory_space<vmem>> -> memref<1x8x512xi32, #tpu.memory_space<vmem>>
      %dma_start3A_66 = tpu.memref_squeeze %dma_start3A_65 : memref<1x8x512xi32, #tpu.memory_space<vmem>> -> memref<8x512xi32, #tpu.memory_space<vmem>>
      %dma_start3A_67 = arith.constant 8 : i32
      %dma_start3A_68 = tpu.memref_slice %arg2[%dma_start3A_67, %mul3A_6] : memref<56x16384xi32, #tpu.memory_space<hbm>> -> memref<8x512xi32, #tpu.memory_space<hbm>>
      tpu.enqueue_dma source(%dma_start3A_68 : memref<8x512xi32, #tpu.memory_space<hbm>>) target(%dma_start3A_66 : memref<8x512xi32, #tpu.memory_space<vmem>>) target_semaphore(%run_scoped3A_57 : memref<!tpu.dma_semaphore, #tpu.memory_space<semaphore_mem>>)
      %dma_wait3A = arith.constant 0 : i32
      %dma_wait3A_69 = arith.constant 0 : i32
      %dma_wait3A_70 = tpu.memref_slice %arg6[%run_scoped3A_7, %dma_wait3A, %dma_wait3A_69] : memref<7x8x512xi32, #tpu.memory_space<vmem>> -> memref<1x8x512xi32, #tpu.memory_space<vmem>>
      %dma_wait3A_71 = tpu.memref_squeeze %dma_wait3A_70 : memref<1x8x512xi32, #tpu.memory_space<vmem>> -> memref<8x512xi32, #tpu.memory_space<vmem>>
      %dma_wait3A_72 = arith.constant 8 : i32
      %dma_wait3A_73 = tpu.memref_slice %arg2[%dma_wait3A_72, %mul3A_6] : memref<56x16384xi32, #tpu.memory_space<hbm>> -> memref<8x512xi32, #tpu.memory_space<hbm>>
      %dma_wait3A_74 = arith.constant 0 : i32
      %dma_wait3A_75 = arith.constant 0 : i32
      %dma_wait3A_76 = tpu.memref_slice %arg6[%run_scoped3A_7, %dma_wait3A_74, %dma_wait3A_75] : memref<7x8x512xi32, #tpu.memory_space<vmem>> -> memref<1x8x512xi32, #tpu.memory_space<vmem>>
      %dma_wait3A_77 = tpu.memref_squeeze %dma_wait3A_76 : memref<1x8x512xi32, #tpu.memory_space<vmem>> -> memref<8x512xi32, #tpu.memory_space<vmem>>
      %dma_wait3A_78 = arith.constant 8 : i32
      %dma_wait3A_79 = tpu.memref_slice %arg2[%dma_wait3A_78, %mul3A_6] : memref<56x16384xi32, #tpu.memory_space<hbm>> -> memref<8x512xi32, #tpu.memory_space<hbm>>
      tpu.wait_dma2 semaphore(%run_scoped3A_57 : memref<!tpu.dma_semaphore, #tpu.memory_space<semaphore_mem>>) src(%dma_wait3A_79 : memref<8x512xi32, #tpu.memory_space<hbm>>) dst(%dma_wait3A_77 : memref<8x512xi32, #tpu.memory_space<vmem>>)
      tpu.yield
    }) : () -> ()
    %mul3A_8 = arith.constant 512 : i32
    %mul3A_9 = arith.muli %add3A, %mul3A_8 : i32
    %run_scoped3A_10 = arith.constant 2 : i32
    "tpu.region"() ({
      %run_scoped3A_57 = tpu.sem_alloc : memref<!tpu.dma_semaphore, #tpu.memory_space<semaphore_mem>>
      %dma_start3A = arith.constant 0 : i32
      %dma_start3A_58 = arith.constant 0 : i32
      %dma_start3A_59 = tpu.memref_slice %arg6[%run_scoped3A_10, %dma_start3A, %dma_start3A_58] : memref<7x8x512xi32, #tpu.memory_space<vmem>> -> memref<1x8x512xi32, #tpu.memory_space<vmem>>
      %dma_start3A_60 = tpu.memref_squeeze %dma_start3A_59 : memref<1x8x512xi32, #tpu.memory_space<vmem>> -> memref<8x512xi32, #tpu.memory_space<vmem>>
      %dma_start3A_61 = arith.constant 16 : i32
      %dma_start3A_62 = tpu.memref_slice %arg2[%dma_start3A_61, %mul3A_9] : memref<56x16384xi32, #tpu.memory_space<hbm>> -> memref<8x512xi32, #tpu.memory_space<hbm>>
      %dma_start3A_63 = arith.constant 0 : i32
      %dma_start3A_64 = arith.constant 0 : i32
      %dma_start3A_65 = tpu.memref_slice %arg6[%run_scoped3A_10, %dma_start3A_63, %dma_start3A_64] : memref<7x8x512xi32, #tpu.memory_space<vmem>> -> memref<1x8x512xi32, #tpu.memory_space<vmem>>
      %dma_start3A_66 = tpu.memref_squeeze %dma_start3A_65 : memref<1x8x512xi32, #tpu.memory_space<vmem>> -> memref<8x512xi32, #tpu.memory_space<vmem>>
      %dma_start3A_67 = arith.constant 16 : i32
      %dma_start3A_68 = tpu.memref_slice %arg2[%dma_start3A_67, %mul3A_9] : memref<56x16384xi32, #tpu.memory_space<hbm>> -> memref<8x512xi32, #tpu.memory_space<hbm>>
      tpu.enqueue_dma source(%dma_start3A_68 : memref<8x512xi32, #tpu.memory_space<hbm>>) target(%dma_start3A_66 : memref<8x512xi32, #tpu.memory_space<vmem>>) target_semaphore(%run_scoped3A_57 : memref<!tpu.dma_semaphore, #tpu.memory_space<semaphore_mem>>)
      %dma_wait3A = arith.constant 0 : i32
      %dma_wait3A_69 = arith.constant 0 : i32
      %dma_wait3A_70 = tpu.memref_slice %arg6[%run_scoped3A_10, %dma_wait3A, %dma_wait3A_69] : memref<7x8x512xi32, #tpu.memory_space<vmem>> -> memref<1x8x512xi32, #tpu.memory_space<vmem>>
      %dma_wait3A_71 = tpu.memref_squeeze %dma_wait3A_70 : memref<1x8x512xi32, #tpu.memory_space<vmem>> -> memref<8x512xi32, #tpu.memory_space<vmem>>
      %dma_wait3A_72 = arith.constant 16 : i32
      %dma_wait3A_73 = tpu.memref_slice %arg2[%dma_wait3A_72, %mul3A_9] : memref<56x16384xi32, #tpu.memory_space<hbm>> -> memref<8x512xi32, #tpu.memory_space<hbm>>
      %dma_wait3A_74 = arith.constant 0 : i32
      %dma_wait3A_75 = arith.constant 0 : i32
      %dma_wait3A_76 = tpu.memref_slice %arg6[%run_scoped3A_10, %dma_wait3A_74, %dma_wait3A_75] : memref<7x8x512xi32, #tpu.memory_space<vmem>> -> memref<1x8x512xi32, #tpu.memory_space<vmem>>
      %dma_wait3A_77 = tpu.memref_squeeze %dma_wait3A_76 : memref<1x8x512xi32, #tpu.memory_space<vmem>> -> memref<8x512xi32, #tpu.memory_space<vmem>>
      %dma_wait3A_78 = arith.constant 16 : i32
      %dma_wait3A_79 = tpu.memref_slice %arg2[%dma_wait3A_78, %mul3A_9] : memref<56x16384xi32, #tpu.memory_space<hbm>> -> memref<8x512xi32, #tpu.memory_space<hbm>>
      tpu.wait_dma2 semaphore(%run_scoped3A_57 : memref<!tpu.dma_semaphore, #tpu.memory_space<semaphore_mem>>) src(%dma_wait3A_79 : memref<8x512xi32, #tpu.memory_space<hbm>>) dst(%dma_wait3A_77 : memref<8x512xi32, #tpu.memory_space<vmem>>)
      tpu.yield
    }) : () -> ()
    %mul3A_11 = arith.constant 512 : i32
    %mul3A_12 = arith.muli %add3A, %mul3A_11 : i32
    %run_scoped3A_13 = arith.constant 3 : i32
    "tpu.region"() ({
      %run_scoped3A_57 = tpu.sem_alloc : memref<!tpu.dma_semaphore, #tpu.memory_space<semaphore_mem>>
      %dma_start3A = arith.constant 0 : i32
      %dma_start3A_58 = arith.constant 0 : i32
      %dma_start3A_59 = tpu.memref_slice %arg6[%run_scoped3A_13, %dma_start3A, %dma_start3A_58] : memref<7x8x512xi32, #tpu.memory_space<vmem>> -> memref<1x8x512xi32, #tpu.memory_space<vmem>>
      %dma_start3A_60 = tpu.memref_squeeze %dma_start3A_59 : memref<1x8x512xi32, #tpu.memory_space<vmem>> -> memref<8x512xi32, #tpu.memory_space<vmem>>
      %dma_start3A_61 = arith.constant 24 : i32
      %dma_start3A_62 = tpu.memref_slice %arg2[%dma_start3A_61, %mul3A_12] : memref<56x16384xi32, #tpu.memory_space<hbm>> -> memref<8x512xi32, #tpu.memory_space<hbm>>
      %dma_start3A_63 = arith.constant 0 : i32
      %dma_start3A_64 = arith.constant 0 : i32
      %dma_start3A_65 = tpu.memref_slice %arg6[%run_scoped3A_13, %dma_start3A_63, %dma_start3A_64] : memref<7x8x512xi32, #tpu.memory_space<vmem>> -> memref<1x8x512xi32, #tpu.memory_space<vmem>>
      %dma_start3A_66 = tpu.memref_squeeze %dma_start3A_65 : memref<1x8x512xi32, #tpu.memory_space<vmem>> -> memref<8x512xi32, #tpu.memory_space<vmem>>
      %dma_start3A_67 = arith.constant 24 : i32
      %dma_start3A_68 = tpu.memref_slice %arg2[%dma_start3A_67, %mul3A_12] : memref<56x16384xi32, #tpu.memory_space<hbm>> -> memref<8x512xi32, #tpu.memory_space<hbm>>
      tpu.enqueue_dma source(%dma_start3A_68 : memref<8x512xi32, #tpu.memory_space<hbm>>) target(%dma_start3A_66 : memref<8x512xi32, #tpu.memory_space<vmem>>) target_semaphore(%run_scoped3A_57 : memref<!tpu.dma_semaphore, #tpu.memory_space<semaphore_mem>>)
      %dma_wait3A = arith.constant 0 : i32
      %dma_wait3A_69 = arith.constant 0 : i32
      %dma_wait3A_70 = tpu.memref_slice %arg6[%run_scoped3A_13, %dma_wait3A, %dma_wait3A_69] : memref<7x8x512xi32, #tpu.memory_space<vmem>> -> memref<1x8x512xi32, #tpu.memory_space<vmem>>
      %dma_wait3A_71 = tpu.memref_squeeze %dma_wait3A_70 : memref<1x8x512xi32, #tpu.memory_space<vmem>> -> memref<8x512xi32, #tpu.memory_space<vmem>>
      %dma_wait3A_72 = arith.constant 24 : i32
      %dma_wait3A_73 = tpu.memref_slice %arg2[%dma_wait3A_72, %mul3A_12] : memref<56x16384xi32, #tpu.memory_space<hbm>> -> memref<8x512xi32, #tpu.memory_space<hbm>>
      %dma_wait3A_74 = arith.constant 0 : i32
      %dma_wait3A_75 = arith.constant 0 : i32
      %dma_wait3A_76 = tpu.memref_slice %arg6[%run_scoped3A_13, %dma_wait3A_74, %dma_wait3A_75] : memref<7x8x512xi32, #tpu.memory_space<vmem>> -> memref<1x8x512xi32, #tpu.memory_space<vmem>>
      %dma_wait3A_77 = tpu.memref_squeeze %dma_wait3A_76 : memref<1x8x512xi32, #tpu.memory_space<vmem>> -> memref<8x512xi32, #tpu.memory_space<vmem>>
      %dma_wait3A_78 = arith.constant 24 : i32
      %dma_wait3A_79 = tpu.memref_slice %arg2[%dma_wait3A_78, %mul3A_12] : memref<56x16384xi32, #tpu.memory_space<hbm>> -> memref<8x512xi32, #tpu.memory_space<hbm>>
      tpu.wait_dma2 semaphore(%run_scoped3A_57 : memref<!tpu.dma_semaphore, #tpu.memory_space<semaphore_mem>>) src(%dma_wait3A_79 : memref<8x512xi32, #tpu.memory_space<hbm>>) dst(%dma_wait3A_77 : memref<8x512xi32, #tpu.memory_space<vmem>>)
      tpu.yield
    }) : () -> ()
    %mul3A_14 = arith.constant 512 : i32
    %mul3A_15 = arith.muli %add3A, %mul3A_14 : i32
    %run_scoped3A_16 = arith.constant 4 : i32
    "tpu.region"() ({
      %run_scoped3A_57 = tpu.sem_alloc : memref<!tpu.dma_semaphore, #tpu.memory_space<semaphore_mem>>
      %dma_start3A = arith.constant 0 : i32
      %dma_start3A_58 = arith.constant 0 : i32
      %dma_start3A_59 = tpu.memref_slice %arg6[%run_scoped3A_16, %dma_start3A, %dma_start3A_58] : memref<7x8x512xi32, #tpu.memory_space<vmem>> -> memref<1x8x512xi32, #tpu.memory_space<vmem>>
      %dma_start3A_60 = tpu.memref_squeeze %dma_start3A_59 : memref<1x8x512xi32, #tpu.memory_space<vmem>> -> memref<8x512xi32, #tpu.memory_space<vmem>>
      %dma_start3A_61 = arith.constant 32 : i32
      %dma_start3A_62 = tpu.memref_slice %arg2[%dma_start3A_61, %mul3A_15] : memref<56x16384xi32, #tpu.memory_space<hbm>> -> memref<8x512xi32, #tpu.memory_space<hbm>>
      %dma_start3A_63 = arith.constant 0 : i32
      %dma_start3A_64 = arith.constant 0 : i32
      %dma_start3A_65 = tpu.memref_slice %arg6[%run_scoped3A_16, %dma_start3A_63, %dma_start3A_64] : memref<7x8x512xi32, #tpu.memory_space<vmem>> -> memref<1x8x512xi32, #tpu.memory_space<vmem>>
      %dma_start3A_66 = tpu.memref_squeeze %dma_start3A_65 : memref<1x8x512xi32, #tpu.memory_space<vmem>> -> memref<8x512xi32, #tpu.memory_space<vmem>>
      %dma_start3A_67 = arith.constant 32 : i32
      %dma_start3A_68 = tpu.memref_slice %arg2[%dma_start3A_67, %mul3A_15] : memref<56x16384xi32, #tpu.memory_space<hbm>> -> memref<8x512xi32, #tpu.memory_space<hbm>>
      tpu.enqueue_dma source(%dma_start3A_68 : memref<8x512xi32, #tpu.memory_space<hbm>>) target(%dma_start3A_66 : memref<8x512xi32, #tpu.memory_space<vmem>>) target_semaphore(%run_scoped3A_57 : memref<!tpu.dma_semaphore, #tpu.memory_space<semaphore_mem>>)
      %dma_wait3A = arith.constant 0 : i32
      %dma_wait3A_69 = arith.constant 0 : i32
      %dma_wait3A_70 = tpu.memref_slice %arg6[%run_scoped3A_16, %dma_wait3A, %dma_wait3A_69] : memref<7x8x512xi32, #tpu.memory_space<vmem>> -> memref<1x8x512xi32, #tpu.memory_space<vmem>>
      %dma_wait3A_71 = tpu.memref_squeeze %dma_wait3A_70 : memref<1x8x512xi32, #tpu.memory_space<vmem>> -> memref<8x512xi32, #tpu.memory_space<vmem>>
      %dma_wait3A_72 = arith.constant 32 : i32
      %dma_wait3A_73 = tpu.memref_slice %arg2[%dma_wait3A_72, %mul3A_15] : memref<56x16384xi32, #tpu.memory_space<hbm>> -> memref<8x512xi32, #tpu.memory_space<hbm>>
      %dma_wait3A_74 = arith.constant 0 : i32
      %dma_wait3A_75 = arith.constant 0 : i32
      %dma_wait3A_76 = tpu.memref_slice %arg6[%run_scoped3A_16, %dma_wait3A_74, %dma_wait3A_75] : memref<7x8x512xi32, #tpu.memory_space<vmem>> -> memref<1x8x512xi32, #tpu.memory_space<vmem>>
      %dma_wait3A_77 = tpu.memref_squeeze %dma_wait3A_76 : memref<1x8x512xi32, #tpu.memory_space<vmem>> -> memref<8x512xi32, #tpu.memory_space<vmem>>
      %dma_wait3A_78 = arith.constant 32 : i32
      %dma_wait3A_79 = tpu.memref_slice %arg2[%dma_wait3A_78, %mul3A_15] : memref<56x16384xi32, #tpu.memory_space<hbm>> -> memref<8x512xi32, #tpu.memory_space<hbm>>
      tpu.wait_dma2 semaphore(%run_scoped3A_57 : memref<!tpu.dma_semaphore, #tpu.memory_space<semaphore_mem>>) src(%dma_wait3A_79 : memref<8x512xi32, #tpu.memory_space<hbm>>) dst(%dma_wait3A_77 : memref<8x512xi32, #tpu.memory_space<vmem>>)
      tpu.yield
    }) : () -> ()
    %mul3A_17 = arith.constant 512 : i32
    %mul3A_18 = arith.muli %add3A, %mul3A_17 : i32
    %run_scoped3A_19 = arith.constant 5 : i32
    "tpu.region"() ({
      %run_scoped3A_57 = tpu.sem_alloc : memref<!tpu.dma_semaphore, #tpu.memory_space<semaphore_mem>>
      %dma_start3A = arith.constant 0 : i32
      %dma_start3A_58 = arith.constant 0 : i32
      %dma_start3A_59 = tpu.memref_slice %arg6[%run_scoped3A_19, %dma_start3A, %dma_start3A_58] : memref<7x8x512xi32, #tpu.memory_space<vmem>> -> memref<1x8x512xi32, #tpu.memory_space<vmem>>
      %dma_start3A_60 = tpu.memref_squeeze %dma_start3A_59 : memref<1x8x512xi32, #tpu.memory_space<vmem>> -> memref<8x512xi32, #tpu.memory_space<vmem>>
      %dma_start3A_61 = arith.constant 40 : i32
      %dma_start3A_62 = tpu.memref_slice %arg2[%dma_start3A_61, %mul3A_18] : memref<56x16384xi32, #tpu.memory_space<hbm>> -> memref<8x512xi32, #tpu.memory_space<hbm>>
      %dma_start3A_63 = arith.constant 0 : i32
      %dma_start3A_64 = arith.constant 0 : i32
      %dma_start3A_65 = tpu.memref_slice %arg6[%run_scoped3A_19, %dma_start3A_63, %dma_start3A_64] : memref<7x8x512xi32, #tpu.memory_space<vmem>> -> memref<1x8x512xi32, #tpu.memory_space<vmem>>
      %dma_start3A_66 = tpu.memref_squeeze %dma_start3A_65 : memref<1x8x512xi32, #tpu.memory_space<vmem>> -> memref<8x512xi32, #tpu.memory_space<vmem>>
      %dma_start3A_67 = arith.constant 40 : i32
      %dma_start3A_68 = tpu.memref_slice %arg2[%dma_start3A_67, %mul3A_18] : memref<56x16384xi32, #tpu.memory_space<hbm>> -> memref<8x512xi32, #tpu.memory_space<hbm>>
      tpu.enqueue_dma source(%dma_start3A_68 : memref<8x512xi32, #tpu.memory_space<hbm>>) target(%dma_start3A_66 : memref<8x512xi32, #tpu.memory_space<vmem>>) target_semaphore(%run_scoped3A_57 : memref<!tpu.dma_semaphore, #tpu.memory_space<semaphore_mem>>)
      %dma_wait3A = arith.constant 0 : i32
      %dma_wait3A_69 = arith.constant 0 : i32
      %dma_wait3A_70 = tpu.memref_slice %arg6[%run_scoped3A_19, %dma_wait3A, %dma_wait3A_69] : memref<7x8x512xi32, #tpu.memory_space<vmem>> -> memref<1x8x512xi32, #tpu.memory_space<vmem>>
      %dma_wait3A_71 = tpu.memref_squeeze %dma_wait3A_70 : memref<1x8x512xi32, #tpu.memory_space<vmem>> -> memref<8x512xi32, #tpu.memory_space<vmem>>
      %dma_wait3A_72 = arith.constant 40 : i32
      %dma_wait3A_73 = tpu.memref_slice %arg2[%dma_wait3A_72, %mul3A_18] : memref<56x16384xi32, #tpu.memory_space<hbm>> -> memref<8x512xi32, #tpu.memory_space<hbm>>
      %dma_wait3A_74 = arith.constant 0 : i32
      %dma_wait3A_75 = arith.constant 0 : i32
      %dma_wait3A_76 = tpu.memref_slice %arg6[%run_scoped3A_19, %dma_wait3A_74, %dma_wait3A_75] : memref<7x8x512xi32, #tpu.memory_space<vmem>> -> memref<1x8x512xi32, #tpu.memory_space<vmem>>
      %dma_wait3A_77 = tpu.memref_squeeze %dma_wait3A_76 : memref<1x8x512xi32, #tpu.memory_space<vmem>> -> memref<8x512xi32, #tpu.memory_space<vmem>>
      %dma_wait3A_78 = arith.constant 40 : i32
      %dma_wait3A_79 = tpu.memref_slice %arg2[%dma_wait3A_78, %mul3A_18] : memref<56x16384xi32, #tpu.memory_space<hbm>> -> memref<8x512xi32, #tpu.memory_space<hbm>>
      tpu.wait_dma2 semaphore(%run_scoped3A_57 : memref<!tpu.dma_semaphore, #tpu.memory_space<semaphore_mem>>) src(%dma_wait3A_79 : memref<8x512xi32, #tpu.memory_space<hbm>>) dst(%dma_wait3A_77 : memref<8x512xi32, #tpu.memory_space<vmem>>)
      tpu.yield
    }) : () -> ()
    %mul3A_20 = arith.constant 512 : i32
    %mul3A_21 = arith.muli %add3A, %mul3A_20 : i32
    %run_scoped3A_22 = arith.constant 6 : i32
    "tpu.region"() ({
      %run_scoped3A_57 = tpu.sem_alloc : memref<!tpu.dma_semaphore, #tpu.memory_space<semaphore_mem>>
      %dma_start3A = arith.constant 0 : i32
      %dma_start3A_58 = arith.constant 0 : i32
      %dma_start3A_59 = tpu.memref_slice %arg6[%run_scoped3A_22, %dma_start3A, %dma_start3A_58] : memref<7x8x512xi32, #tpu.memory_space<vmem>> -> memref<1x8x512xi32, #tpu.memory_space<vmem>>
      %dma_start3A_60 = tpu.memref_squeeze %dma_start3A_59 : memref<1x8x512xi32, #tpu.memory_space<vmem>> -> memref<8x512xi32, #tpu.memory_space<vmem>>
      %dma_start3A_61 = arith.constant 48 : i32
      %dma_start3A_62 = tpu.memref_slice %arg2[%dma_start3A_61, %mul3A_21] : memref<56x16384xi32, #tpu.memory_space<hbm>> -> memref<8x512xi32, #tpu.memory_space<hbm>>
      %dma_start3A_63 = arith.constant 0 : i32
      %dma_start3A_64 = arith.constant 0 : i32
      %dma_start3A_65 = tpu.memref_slice %arg6[%run_scoped3A_22, %dma_start3A_63, %dma_start3A_64] : memref<7x8x512xi32, #tpu.memory_space<vmem>> -> memref<1x8x512xi32, #tpu.memory_space<vmem>>
      %dma_start3A_66 = tpu.memref_squeeze %dma_start3A_65 : memref<1x8x512xi32, #tpu.memory_space<vmem>> -> memref<8x512xi32, #tpu.memory_space<vmem>>
      %dma_start3A_67 = arith.constant 48 : i32
      %dma_start3A_68 = tpu.memref_slice %arg2[%dma_start3A_67, %mul3A_21] : memref<56x16384xi32, #tpu.memory_space<hbm>> -> memref<8x512xi32, #tpu.memory_space<hbm>>
      tpu.enqueue_dma source(%dma_start3A_68 : memref<8x512xi32, #tpu.memory_space<hbm>>) target(%dma_start3A_66 : memref<8x512xi32, #tpu.memory_space<vmem>>) target_semaphore(%run_scoped3A_57 : memref<!tpu.dma_semaphore, #tpu.memory_space<semaphore_mem>>)
      %dma_wait3A = arith.constant 0 : i32
      %dma_wait3A_69 = arith.constant 0 : i32
      %dma_wait3A_70 = tpu.memref_slice %arg6[%run_scoped3A_22, %dma_wait3A, %dma_wait3A_69] : memref<7x8x512xi32, #tpu.memory_space<vmem>> -> memref<1x8x512xi32, #tpu.memory_space<vmem>>
      %dma_wait3A_71 = tpu.memref_squeeze %dma_wait3A_70 : memref<1x8x512xi32, #tpu.memory_space<vmem>> -> memref<8x512xi32, #tpu.memory_space<vmem>>
      %dma_wait3A_72 = arith.constant 48 : i32
      %dma_wait3A_73 = tpu.memref_slice %arg2[%dma_wait3A_72, %mul3A_21] : memref<56x16384xi32, #tpu.memory_space<hbm>> -> memref<8x512xi32, #tpu.memory_space<hbm>>
      %dma_wait3A_74 = arith.constant 0 : i32
      %dma_wait3A_75 = arith.constant 0 : i32
      %dma_wait3A_76 = tpu.memref_slice %arg6[%run_scoped3A_22, %dma_wait3A_74, %dma_wait3A_75] : memref<7x8x512xi32, #tpu.memory_space<vmem>> -> memref<1x8x512xi32, #tpu.memory_space<vmem>>
      %dma_wait3A_77 = tpu.memref_squeeze %dma_wait3A_76 : memref<1x8x512xi32, #tpu.memory_space<vmem>> -> memref<8x512xi32, #tpu.memory_space<vmem>>
      %dma_wait3A_78 = arith.constant 48 : i32
      %dma_wait3A_79 = tpu.memref_slice %arg2[%dma_wait3A_78, %mul3A_21] : memref<56x16384xi32, #tpu.memory_space<hbm>> -> memref<8x512xi32, #tpu.memory_space<hbm>>
      tpu.wait_dma2 semaphore(%run_scoped3A_57 : memref<!tpu.dma_semaphore, #tpu.memory_space<semaphore_mem>>) src(%dma_wait3A_79 : memref<8x512xi32, #tpu.memory_space<hbm>>) dst(%dma_wait3A_77 : memref<8x512xi32, #tpu.memory_space<vmem>>)
      tpu.yield
    }) : () -> ()
    %barrier3A = arith.constant 0 : index
    tpu.barrier barrier_id(%barrier3A)
    %iota3A = tpu.iota {dimensions = array<i32: 0>} : vector<16xi32>
    %and3A = arith.constant true
    %and3A_23 = arith.constant true
    %and3A_24 = arith.andi %and3A, %and3A_23 : i1
    %convert_element_type3A_25 = arith.extui %and3A_24 : i1 to i32
    %cond3A_26 = arith.constant 0 : i32
    %cond3A_27 = arith.cmpi ne, %convert_element_type3A_25, %cond3A_26 : i32
    scf.if %cond3A_27 {
      %dma_start3A = arith.constant 0 : i32
      %dma_start3A_57 = arith.constant 0 : i32
      %dma_start3A_58 = arith.constant 0 : i32
      %dma_start3A_59 = tpu.memref_slice %arg6[%dma_start3A, %dma_start3A_57, %dma_start3A_58] : memref<7x8x512xi32, #tpu.memory_space<vmem>> -> memref<1x1x128xi32, #tpu.memory_space<vmem>>
      %dma_start3A_60 = tpu.memref_squeeze %dma_start3A_59 : memref<1x1x128xi32, #tpu.memory_space<vmem>> -> memref<128xi32, #tpu.memory_space<vmem>>
      %dma_start3A_61 = arith.constant 0 : i32
      %dma_start3A_62 = arith.constant 0 : i32
      %dma_start3A_63 = tpu.memref_slice %arg5[%dma_start3A_61, %dma_start3A_62] : memref<1008x128xf32, #tpu.memory_space<vmem_shared>> -> memref<1008x128xf32, #tpu.memory_space<vmem_shared>>
      tpu.enqueue_indirect_dma source(%dma_start3A_63 : memref<1008x128xf32, #tpu.memory_space<vmem_shared>>) target(%arg7 : memref<128x128xf32, #tpu.memory_space<vmem>>) offsets(%dma_start3A_60 : memref<128xi32, #tpu.memory_space<vmem>>) semaphore(%arg13 : memref<!tpu.dma_semaphore, #tpu.memory_space<semaphore_mem>>)
    } else {
    }
    %and3A_28 = arith.constant true
    %and3A_29 = arith.constant true
    %and3A_30 = arith.andi %and3A_28, %and3A_29 : i1
    %convert_element_type3A_31 = arith.extui %and3A_30 : i1 to i32
    %cond3A_32 = arith.constant 0 : i32
    %cond3A_33 = arith.cmpi ne, %convert_element_type3A_31, %cond3A_32 : i32
    scf.if %cond3A_33 {
      %dma_start3A = arith.constant 0 : i32
      %dma_start3A_57 = arith.constant 1 : i32
      %dma_start3A_58 = arith.constant 0 : i32
      %dma_start3A_59 = tpu.memref_slice %arg6[%dma_start3A, %dma_start3A_57, %dma_start3A_58] : memref<7x8x512xi32, #tpu.memory_space<vmem>> -> memref<1x1x128xi32, #tpu.memory_space<vmem>>
      %dma_start3A_60 = tpu.memref_squeeze %dma_start3A_59 : memref<1x1x128xi32, #tpu.memory_space<vmem>> -> memref<128xi32, #tpu.memory_space<vmem>>
      %dma_start3A_61 = arith.constant 0 : i32
      %dma_start3A_62 = arith.constant 0 : i32
      %dma_start3A_63 = tpu.memref_slice %arg5[%dma_start3A_61, %dma_start3A_62] : memref<1008x128xf32, #tpu.memory_space<vmem_shared>> -> memref<1008x128xf32, #tpu.memory_space<vmem_shared>>
      tpu.enqueue_indirect_dma source(%dma_start3A_63 : memref<1008x128xf32, #tpu.memory_space<vmem_shared>>) target(%arg8 : memref<128x128xf32, #tpu.memory_space<vmem>>) offsets(%dma_start3A_60 : memref<128xi32, #tpu.memory_space<vmem>>) semaphore(%arg14 : memref<!tpu.dma_semaphore, #tpu.memory_space<semaphore_mem>>)
    } else {
    }
    %and3A_34 = arith.constant true
    %and3A_35 = arith.constant true
    %and3A_36 = arith.andi %and3A_34, %and3A_35 : i1
    %convert_element_type3A_37 = arith.extui %and3A_36 : i1 to i32
    %cond3A_38 = arith.constant 0 : i32
    %cond3A_39 = arith.cmpi ne, %convert_element_type3A_37, %cond3A_38 : i32
    scf.if %cond3A_39 {
      %dma_start3A = arith.constant 0 : i32
      %dma_start3A_57 = arith.constant 2 : i32
      %dma_start3A_58 = arith.constant 0 : i32
      %dma_start3A_59 = tpu.memref_slice %arg6[%dma_start3A, %dma_start3A_57, %dma_start3A_58] : memref<7x8x512xi32, #tpu.memory_space<vmem>> -> memref<1x1x128xi32, #tpu.memory_space<vmem>>
      %dma_start3A_60 = tpu.memref_squeeze %dma_start3A_59 : memref<1x1x128xi32, #tpu.memory_space<vmem>> -> memref<128xi32, #tpu.memory_space<vmem>>
      %dma_start3A_61 = arith.constant 0 : i32
      %dma_start3A_62 = arith.constant 0 : i32
      %dma_start3A_63 = tpu.memref_slice %arg5[%dma_start3A_61, %dma_start3A_62] : memref<1008x128xf32, #tpu.memory_space<vmem_shared>> -> memref<1008x128xf32, #tpu.memory_space<vmem_shared>>
      tpu.enqueue_indirect_dma source(%dma_start3A_63 : memref<1008x128xf32, #tpu.memory_space<vmem_shared>>) target(%arg9 : memref<128x128xf32, #tpu.memory_space<vmem>>) offsets(%dma_start3A_60 : memref<128xi32, #tpu.memory_space<vmem>>) semaphore(%arg15 : memref<!tpu.dma_semaphore, #tpu.memory_space<semaphore_mem>>)
    } else {
    }
    %scan3A = arith.constant 0 : i32
    %scan3A_40 = arith.constant 0 : i32
    %scan3A_41 = arith.constant 56 : i32
    %scan3A_42 = arith.addi %scan3A_40, %scan3A_41 : i32
    %scan3A_43 = arith.constant 1 : i32
    scf.for %scan3A_57 = %scan3A_40 to %scan3A_42 step %scan3A_43  : i32 {
      %mul3A_58 = arith.constant 4 : i32
      %mul3A_59 = arith.muli %scan3A_57, %mul3A_58 : i32
      %add3A_60 = arith.constant 0 : i32
      %add3A_61 = arith.addi %mul3A_59, %add3A_60 : i32
      %jit3A = arith.constant 56 : i32
      %div3A = arith.divsi %add3A_61, %jit3A : i32
      %sign3A = arith.constant 0 : i32
      %sign3A_62 = arith.cmpi sgt, %add3A_61, %sign3A : i32
      %sign3A_63 = arith.extui %sign3A_62 : i1 to i32
      %sign3A_64 = arith.constant 0 : i32
      %sign3A_65 = arith.cmpi slt, %add3A_61, %sign3A_64 : i32
      %sign3A_66 = arith.extui %sign3A_65 : i1 to i32
      %sign3A_67 = arith.subi %sign3A_63, %sign3A_66 : i32
      %sign3A_68 = arith.constant 0 : i32
      %sign3A_69 = arith.cmpi sgt, %jit3A, %sign3A_68 : i32
      %sign3A_70 = arith.extui %sign3A_69 : i1 to i32
      %sign3A_71 = arith.constant 0 : i32
      %sign3A_72 = arith.cmpi slt, %jit3A, %sign3A_71 : i32
      %sign3A_73 = arith.extui %sign3A_72 : i1 to i32
      %sign3A_74 = arith.subi %sign3A_70, %sign3A_73 : i32
      %ne3A = arith.cmpi ne, %sign3A_67, %sign3A_74 : i32
      %rem3A = arith.remsi %add3A_61, %jit3A : i32
      %ne3A_75 = arith.constant 0 : i32
      %ne3A_76 = arith.cmpi ne, %rem3A, %ne3A_75 : i32
      %and3A_77 = arith.andi %ne3A, %ne3A_76 : i1
      %sub3A = arith.constant 1 : i32
      %sub3A_78 = arith.subi %div3A, %sub3A : i32
      %select_n3A = arith.select %and3A_77, %sub3A_78, %div3A : i32
      %jit3A_79 = arith.constant 8 : i32
      %div3A_80 = arith.divsi %add3A_61, %jit3A_79 : i32
      %sign3A_81 = arith.constant 0 : i32
      %sign3A_82 = arith.cmpi sgt, %add3A_61, %sign3A_81 : i32
      %sign3A_83 = arith.extui %sign3A_82 : i1 to i32
      %sign3A_84 = arith.constant 0 : i32
      %sign3A_85 = arith.cmpi slt, %add3A_61, %sign3A_84 : i32
      %sign3A_86 = arith.extui %sign3A_85 : i1 to i32
      %sign3A_87 = arith.subi %sign3A_83, %sign3A_86 : i32
      %sign3A_88 = arith.constant 0 : i32
      %sign3A_89 = arith.cmpi sgt, %jit3A_79, %sign3A_88 : i32
      %sign3A_90 = arith.extui %sign3A_89 : i1 to i32
      %sign3A_91 = arith.constant 0 : i32
      %sign3A_92 = arith.cmpi slt, %jit3A_79, %sign3A_91 : i32
      %sign3A_93 = arith.extui %sign3A_92 : i1 to i32
      %sign3A_94 = arith.subi %sign3A_90, %sign3A_93 : i32
      %ne3A_95 = arith.cmpi ne, %sign3A_87, %sign3A_94 : i32
      %rem3A_96 = arith.remsi %add3A_61, %jit3A_79 : i32
      %ne3A_97 = arith.constant 0 : i32
      %ne3A_98 = arith.cmpi ne, %rem3A_96, %ne3A_97 : i32
      %and3A_99 = arith.andi %ne3A_95, %ne3A_98 : i1
      %sub3A_100 = arith.constant 1 : i32
      %sub3A_101 = arith.subi %div3A_80, %sub3A_100 : i32
      %select_n3A_102 = arith.select %and3A_99, %sub3A_101, %div3A_80 : i32
      %jit3A_103 = arith.constant 7 : i32
      %eq3A_104 = arith.constant 0 : i32
      %eq3A_105 = arith.cmpi eq, %jit3A_103, %eq3A_104 : i32
      %jit3A_106 = arith.constant 1 : i32
      %select_n3A_107 = arith.select %eq3A_105, %jit3A_106, %jit3A_103 : i32
      %rem3A_108 = arith.remsi %select_n3A_102, %select_n3A_107 : i32
      %ne3A_109 = arith.constant 0 : i32
      %ne3A_110 = arith.cmpi ne, %rem3A_108, %ne3A_109 : i32
      %lt3A = arith.constant 0 : i32
      %lt3A_111 = arith.cmpi slt, %rem3A_108, %lt3A : i32
      %lt3A_112 = arith.constant 0 : i32
      %lt3A_113 = arith.cmpi slt, %select_n3A_107, %lt3A_112 : i32
      %ne3A_114 = arith.xori %lt3A_111, %lt3A_113 : i1
      %and3A_115 = arith.andi %ne3A_114, %ne3A_110 : i1
      %add3A_116 = arith.addi %rem3A_108, %select_n3A_107 : i32
      %select_n3A_117 = arith.select %and3A_115, %add3A_116, %rem3A_108 : i32
      %jit3A_118 = arith.constant 8 : i32
      %eq3A_119 = arith.constant 0 : i32
      %eq3A_120 = arith.cmpi eq, %jit3A_118, %eq3A_119 : i32
      %jit3A_121 = arith.constant 1 : i32
      %select_n3A_122 = arith.select %eq3A_120, %jit3A_121, %jit3A_118 : i32
      %rem3A_123 = arith.remsi %add3A_61, %select_n3A_122 : i32
      %ne3A_124 = arith.constant 0 : i32
      %ne3A_125 = arith.cmpi ne, %rem3A_123, %ne3A_124 : i32
      %lt3A_126 = arith.constant 0 : i32
      %lt3A_127 = arith.cmpi slt, %rem3A_123, %lt3A_126 : i32
      %lt3A_128 = arith.constant 0 : i32
      %lt3A_129 = arith.cmpi slt, %select_n3A_122, %lt3A_128 : i32
      %ne3A_130 = arith.xori %lt3A_127, %lt3A_129 : i1
      %and3A_131 = arith.andi %ne3A_130, %ne3A_125 : i1
      %add3A_132 = arith.addi %rem3A_123, %select_n3A_122 : i32
      %select_n3A_133 = arith.select %and3A_131, %add3A_132, %rem3A_123 : i32
      %mul3A_134 = arith.constant 8 : i32
      %mul3A_135 = arith.muli %select_n3A_117, %mul3A_134 : i32
      %add3A_136 = arith.addi %mul3A_135, %select_n3A_133 : i32
      %lt3A_137 = arith.constant 224 : i32
      %lt3A_138 = arith.cmpi slt, %add3A_61, %lt3A_137 : i32
      %lt3A_139 = arith.constant 50 : i32
      %lt3A_140 = arith.cmpi slt, %add3A_136, %lt3A_139 : i32
      %and3A_141 = arith.andi %lt3A_138, %lt3A_140 : i1
      %convert_element_type3A_142 = arith.extui %and3A_141 : i1 to i32
      %cond3A_143 = arith.constant 0 : i32
      %cond3A_144 = arith.cmpi ne, %convert_element_type3A_142, %cond3A_143 : i32
      scf.if %cond3A_144 {
        %jit3A_1549 = arith.constant 56 : i32
        %div3A_1550 = arith.divsi %add3A_61, %jit3A_1549 : i32
        %sign3A_1551 = arith.constant 0 : i32
        %sign3A_1552 = arith.cmpi sgt, %add3A_61, %sign3A_1551 : i32
        %sign3A_1553 = arith.extui %sign3A_1552 : i1 to i32
        %sign3A_1554 = arith.constant 0 : i32
        %sign3A_1555 = arith.cmpi slt, %add3A_61, %sign3A_1554 : i32
        %sign3A_1556 = arith.extui %sign3A_1555 : i1 to i32
        %sign3A_1557 = arith.subi %sign3A_1553, %sign3A_1556 : i32
        %sign3A_1558 = arith.constant 0 : i32
        %sign3A_1559 = arith.cmpi sgt, %jit3A_1549, %sign3A_1558 : i32
        %sign3A_1560 = arith.extui %sign3A_1559 : i1 to i32
        %sign3A_1561 = arith.constant 0 : i32
        %sign3A_1562 = arith.cmpi slt, %jit3A_1549, %sign3A_1561 : i32
        %sign3A_1563 = arith.extui %sign3A_1562 : i1 to i32
        %sign3A_1564 = arith.subi %sign3A_1560, %sign3A_1563 : i32
        %ne3A_1565 = arith.cmpi ne, %sign3A_1557, %sign3A_1564 : i32
        %rem3A_1566 = arith.remsi %add3A_61, %jit3A_1549 : i32
        %ne3A_1567 = arith.constant 0 : i32
        %ne3A_1568 = arith.cmpi ne, %rem3A_1566, %ne3A_1567 : i32
        %and3A_1569 = arith.andi %ne3A_1565, %ne3A_1568 : i1
        %sub3A_1570 = arith.constant 1 : i32
        %sub3A_1571 = arith.subi %div3A_1550, %sub3A_1570 : i32
        %select_n3A_1572 = arith.select %and3A_1569, %sub3A_1571, %div3A_1550 : i32
        %jit3A_1573 = arith.constant 8 : i32
        %div3A_1574 = arith.divsi %add3A_61, %jit3A_1573 : i32
        %sign3A_1575 = arith.constant 0 : i32
        %sign3A_1576 = arith.cmpi sgt, %add3A_61, %sign3A_1575 : i32
        %sign3A_1577 = arith.extui %sign3A_1576 : i1 to i32
        %sign3A_1578 = arith.constant 0 : i32
        %sign3A_1579 = arith.cmpi slt, %add3A_61, %sign3A_1578 : i32
        %sign3A_1580 = arith.extui %sign3A_1579 : i1 to i32
        %sign3A_1581 = arith.subi %sign3A_1577, %sign3A_1580 : i32
        %sign3A_1582 = arith.constant 0 : i32
        %sign3A_1583 = arith.cmpi sgt, %jit3A_1573, %sign3A_1582 : i32
        %sign3A_1584 = arith.extui %sign3A_1583 : i1 to i32
        %sign3A_1585 = arith.constant 0 : i32
        %sign3A_1586 = arith.cmpi slt, %jit3A_1573, %sign3A_1585 : i32
        %sign3A_1587 = arith.extui %sign3A_1586 : i1 to i32
        %sign3A_1588 = arith.subi %sign3A_1584, %sign3A_1587 : i32
        %ne3A_1589 = arith.cmpi ne, %sign3A_1581, %sign3A_1588 : i32
        %rem3A_1590 = arith.remsi %add3A_61, %jit3A_1573 : i32
        %ne3A_1591 = arith.constant 0 : i32
        %ne3A_1592 = arith.cmpi ne, %rem3A_1590, %ne3A_1591 : i32
        %and3A_1593 = arith.andi %ne3A_1589, %ne3A_1592 : i1
        %sub3A_1594 = arith.constant 1 : i32
        %sub3A_1595 = arith.subi %div3A_1574, %sub3A_1594 : i32
        %select_n3A_1596 = arith.select %and3A_1593, %sub3A_1595, %div3A_1574 : i32
        %jit3A_1597 = arith.constant 7 : i32
        %eq3A_1598 = arith.constant 0 : i32
        %eq3A_1599 = arith.cmpi eq, %jit3A_1597, %eq3A_1598 : i32
        %jit3A_1600 = arith.constant 1 : i32
        %select_n3A_1601 = arith.select %eq3A_1599, %jit3A_1600, %jit3A_1597 : i32
        %rem3A_1602 = arith.remsi %select_n3A_1596, %select_n3A_1601 : i32
        %ne3A_1603 = arith.constant 0 : i32
        %ne3A_1604 = arith.cmpi ne, %rem3A_1602, %ne3A_1603 : i32
        %lt3A_1605 = arith.constant 0 : i32
        %lt3A_1606 = arith.cmpi slt, %rem3A_1602, %lt3A_1605 : i32
        %lt3A_1607 = arith.constant 0 : i32
        %lt3A_1608 = arith.cmpi slt, %select_n3A_1601, %lt3A_1607 : i32
        %ne3A_1609 = arith.xori %lt3A_1606, %lt3A_1608 : i1
        %and3A_1610 = arith.andi %ne3A_1609, %ne3A_1604 : i1
        %add3A_1611 = arith.addi %rem3A_1602, %select_n3A_1601 : i32
        %select_n3A_1612 = arith.select %and3A_1610, %add3A_1611, %rem3A_1602 : i32
        %jit3A_1613 = arith.constant 8 : i32
        %eq3A_1614 = arith.constant 0 : i32
        %eq3A_1615 = arith.cmpi eq, %jit3A_1613, %eq3A_1614 : i32
        %jit3A_1616 = arith.constant 1 : i32
        %select_n3A_1617 = arith.select %eq3A_1615, %jit3A_1616, %jit3A_1613 : i32
        %rem3A_1618 = arith.remsi %add3A_61, %select_n3A_1617 : i32
        %ne3A_1619 = arith.constant 0 : i32
        %ne3A_1620 = arith.cmpi ne, %rem3A_1618, %ne3A_1619 : i32
        %lt3A_1621 = arith.constant 0 : i32
        %lt3A_1622 = arith.cmpi slt, %rem3A_1618, %lt3A_1621 : i32
        %lt3A_1623 = arith.constant 0 : i32
        %lt3A_1624 = arith.cmpi slt, %select_n3A_1617, %lt3A_1623 : i32
        %ne3A_1625 = arith.xori %lt3A_1622, %lt3A_1624 : i1
        %and3A_1626 = arith.andi %ne3A_1625, %ne3A_1620 : i1
        %add3A_1627 = arith.addi %rem3A_1618, %select_n3A_1617 : i32
        %select_n3A_1628 = arith.select %and3A_1626, %add3A_1627, %rem3A_1618 : i32
        %mul3A_1629 = arith.constant 8 : i32
        %mul3A_1630 = arith.muli %select_n3A_1612, %mul3A_1629 : i32
        %add3A_1631 = arith.addi %mul3A_1630, %select_n3A_1628 : i32
        %mul3A_1632 = arith.constant 128 : i32
        %mul3A_1633 = arith.muli %select_n3A_1572, %mul3A_1632 : i32
        %dma_wait3A = tpu.memref_slice %arg6[%select_n3A_1612, %select_n3A_1628, %mul3A_1633] : memref<7x8x512xi32, #tpu.memory_space<vmem>> -> memref<1x1x128xi32, #tpu.memory_space<vmem>>
        %dma_wait3A_1634 = tpu.memref_squeeze %dma_wait3A : memref<1x1x128xi32, #tpu.memory_space<vmem>> -> memref<128xi32, #tpu.memory_space<vmem>>
        %dma_wait3A_1635 = arith.constant 0 : i32
        %dma_wait3A_1636 = arith.constant 0 : i32
        %dma_wait3A_1637 = tpu.memref_slice %arg5[%dma_wait3A_1635, %dma_wait3A_1636] : memref<1008x128xf32, #tpu.memory_space<vmem_shared>> -> memref<1008x128xf32, #tpu.memory_space<vmem_shared>>
        tpu.wait_indirect_dma semaphore(%arg13 : memref<!tpu.dma_semaphore, #tpu.memory_space<semaphore_mem>>) src(%dma_wait3A_1637 : memref<1008x128xf32, #tpu.memory_space<vmem_shared>>) dst(%arg7 : memref<128x128xf32, #tpu.memory_space<vmem>>)
      } else {
      }
      %add3A_145 = arith.constant 3 : i32
      %add3A_146 = arith.addi %add3A_61, %add3A_145 : i32
      %jit3A_147 = arith.constant 56 : i32
      %div3A_148 = arith.divsi %add3A_146, %jit3A_147 : i32
      %sign3A_149 = arith.constant 0 : i32
      %sign3A_150 = arith.cmpi sgt, %add3A_146, %sign3A_149 : i32
      %sign3A_151 = arith.extui %sign3A_150 : i1 to i32
      %sign3A_152 = arith.constant 0 : i32
      %sign3A_153 = arith.cmpi slt, %add3A_146, %sign3A_152 : i32
      %sign3A_154 = arith.extui %sign3A_153 : i1 to i32
      %sign3A_155 = arith.subi %sign3A_151, %sign3A_154 : i32
      %sign3A_156 = arith.constant 0 : i32
      %sign3A_157 = arith.cmpi sgt, %jit3A_147, %sign3A_156 : i32
      %sign3A_158 = arith.extui %sign3A_157 : i1 to i32
      %sign3A_159 = arith.constant 0 : i32
      %sign3A_160 = arith.cmpi slt, %jit3A_147, %sign3A_159 : i32
      %sign3A_161 = arith.extui %sign3A_160 : i1 to i32
      %sign3A_162 = arith.subi %sign3A_158, %sign3A_161 : i32
      %ne3A_163 = arith.cmpi ne, %sign3A_155, %sign3A_162 : i32
      %rem3A_164 = arith.remsi %add3A_146, %jit3A_147 : i32
      %ne3A_165 = arith.constant 0 : i32
      %ne3A_166 = arith.cmpi ne, %rem3A_164, %ne3A_165 : i32
      %and3A_167 = arith.andi %ne3A_163, %ne3A_166 : i1
      %sub3A_168 = arith.constant 1 : i32
      %sub3A_169 = arith.subi %div3A_148, %sub3A_168 : i32
      %select_n3A_170 = arith.select %and3A_167, %sub3A_169, %div3A_148 : i32
      %jit3A_171 = arith.constant 8 : i32
      %div3A_172 = arith.divsi %add3A_146, %jit3A_171 : i32
      %sign3A_173 = arith.constant 0 : i32
      %sign3A_174 = arith.cmpi sgt, %add3A_146, %sign3A_173 : i32
      %sign3A_175 = arith.extui %sign3A_174 : i1 to i32
      %sign3A_176 = arith.constant 0 : i32
      %sign3A_177 = arith.cmpi slt, %add3A_146, %sign3A_176 : i32
      %sign3A_178 = arith.extui %sign3A_177 : i1 to i32
      %sign3A_179 = arith.subi %sign3A_175, %sign3A_178 : i32
      %sign3A_180 = arith.constant 0 : i32
      %sign3A_181 = arith.cmpi sgt, %jit3A_171, %sign3A_180 : i32
      %sign3A_182 = arith.extui %sign3A_181 : i1 to i32
      %sign3A_183 = arith.constant 0 : i32
      %sign3A_184 = arith.cmpi slt, %jit3A_171, %sign3A_183 : i32
      %sign3A_185 = arith.extui %sign3A_184 : i1 to i32
      %sign3A_186 = arith.subi %sign3A_182, %sign3A_185 : i32
      %ne3A_187 = arith.cmpi ne, %sign3A_179, %sign3A_186 : i32
      %rem3A_188 = arith.remsi %add3A_146, %jit3A_171 : i32
      %ne3A_189 = arith.constant 0 : i32
      %ne3A_190 = arith.cmpi ne, %rem3A_188, %ne3A_189 : i32
      %and3A_191 = arith.andi %ne3A_187, %ne3A_190 : i1
      %sub3A_192 = arith.constant 1 : i32
      %sub3A_193 = arith.subi %div3A_172, %sub3A_192 : i32
      %select_n3A_194 = arith.select %and3A_191, %sub3A_193, %div3A_172 : i32
      %jit3A_195 = arith.constant 7 : i32
      %eq3A_196 = arith.constant 0 : i32
      %eq3A_197 = arith.cmpi eq, %jit3A_195, %eq3A_196 : i32
      %jit3A_198 = arith.constant 1 : i32
      %select_n3A_199 = arith.select %eq3A_197, %jit3A_198, %jit3A_195 : i32
      %rem3A_200 = arith.remsi %select_n3A_194, %select_n3A_199 : i32
      %ne3A_201 = arith.constant 0 : i32
      %ne3A_202 = arith.cmpi ne, %rem3A_200, %ne3A_201 : i32
      %lt3A_203 = arith.constant 0 : i32
      %lt3A_204 = arith.cmpi slt, %rem3A_200, %lt3A_203 : i32
      %lt3A_205 = arith.constant 0 : i32
      %lt3A_206 = arith.cmpi slt, %select_n3A_199, %lt3A_205 : i32
      %ne3A_207 = arith.xori %lt3A_204, %lt3A_206 : i1
      %and3A_208 = arith.andi %ne3A_207, %ne3A_202 : i1
      %add3A_209 = arith.addi %rem3A_200, %select_n3A_199 : i32
      %select_n3A_210 = arith.select %and3A_208, %add3A_209, %rem3A_200 : i32
      %jit3A_211 = arith.constant 8 : i32
      %eq3A_212 = arith.constant 0 : i32
      %eq3A_213 = arith.cmpi eq, %jit3A_211, %eq3A_212 : i32
      %jit3A_214 = arith.constant 1 : i32
      %select_n3A_215 = arith.select %eq3A_213, %jit3A_214, %jit3A_211 : i32
      %rem3A_216 = arith.remsi %add3A_146, %select_n3A_215 : i32
      %ne3A_217 = arith.constant 0 : i32
      %ne3A_218 = arith.cmpi ne, %rem3A_216, %ne3A_217 : i32
      %lt3A_219 = arith.constant 0 : i32
      %lt3A_220 = arith.cmpi slt, %rem3A_216, %lt3A_219 : i32
      %lt3A_221 = arith.constant 0 : i32
      %lt3A_222 = arith.cmpi slt, %select_n3A_215, %lt3A_221 : i32
      %ne3A_223 = arith.xori %lt3A_220, %lt3A_222 : i1
      %and3A_224 = arith.andi %ne3A_223, %ne3A_218 : i1
      %add3A_225 = arith.addi %rem3A_216, %select_n3A_215 : i32
      %select_n3A_226 = arith.select %and3A_224, %add3A_225, %rem3A_216 : i32
      %mul3A_227 = arith.constant 8 : i32
      %mul3A_228 = arith.muli %select_n3A_210, %mul3A_227 : i32
      %add3A_229 = arith.addi %mul3A_228, %select_n3A_226 : i32
      %lt3A_230 = arith.constant 224 : i32
      %lt3A_231 = arith.cmpi slt, %add3A_146, %lt3A_230 : i32
      %lt3A_232 = arith.constant 50 : i32
      %lt3A_233 = arith.cmpi slt, %add3A_229, %lt3A_232 : i32
      %and3A_234 = arith.andi %lt3A_231, %lt3A_233 : i1
      %convert_element_type3A_235 = arith.extui %and3A_234 : i1 to i32
      %cond3A_236 = arith.constant 0 : i32
      %cond3A_237 = arith.cmpi ne, %convert_element_type3A_235, %cond3A_236 : i32
      scf.if %cond3A_237 {
        %add3A_1549 = arith.constant 3 : i32
        %add3A_1550 = arith.addi %add3A_61, %add3A_1549 : i32
        %jit3A_1551 = arith.constant 56 : i32
        %div3A_1552 = arith.divsi %add3A_1550, %jit3A_1551 : i32
        %sign3A_1553 = arith.constant 0 : i32
        %sign3A_1554 = arith.cmpi sgt, %add3A_1550, %sign3A_1553 : i32
        %sign3A_1555 = arith.extui %sign3A_1554 : i1 to i32
        %sign3A_1556 = arith.constant 0 : i32
        %sign3A_1557 = arith.cmpi slt, %add3A_1550, %sign3A_1556 : i32
        %sign3A_1558 = arith.extui %sign3A_1557 : i1 to i32
        %sign3A_1559 = arith.subi %sign3A_1555, %sign3A_1558 : i32
        %sign3A_1560 = arith.constant 0 : i32
        %sign3A_1561 = arith.cmpi sgt, %jit3A_1551, %sign3A_1560 : i32
        %sign3A_1562 = arith.extui %sign3A_1561 : i1 to i32
        %sign3A_1563 = arith.constant 0 : i32
        %sign3A_1564 = arith.cmpi slt, %jit3A_1551, %sign3A_1563 : i32
        %sign3A_1565 = arith.extui %sign3A_1564 : i1 to i32
        %sign3A_1566 = arith.subi %sign3A_1562, %sign3A_1565 : i32
        %ne3A_1567 = arith.cmpi ne, %sign3A_1559, %sign3A_1566 : i32
        %rem3A_1568 = arith.remsi %add3A_1550, %jit3A_1551 : i32
        %ne3A_1569 = arith.constant 0 : i32
        %ne3A_1570 = arith.cmpi ne, %rem3A_1568, %ne3A_1569 : i32
        %and3A_1571 = arith.andi %ne3A_1567, %ne3A_1570 : i1
        %sub3A_1572 = arith.constant 1 : i32
        %sub3A_1573 = arith.subi %div3A_1552, %sub3A_1572 : i32
        %select_n3A_1574 = arith.select %and3A_1571, %sub3A_1573, %div3A_1552 : i32
        %jit3A_1575 = arith.constant 8 : i32
        %div3A_1576 = arith.divsi %add3A_1550, %jit3A_1575 : i32
        %sign3A_1577 = arith.constant 0 : i32
        %sign3A_1578 = arith.cmpi sgt, %add3A_1550, %sign3A_1577 : i32
        %sign3A_1579 = arith.extui %sign3A_1578 : i1 to i32
        %sign3A_1580 = arith.constant 0 : i32
        %sign3A_1581 = arith.cmpi slt, %add3A_1550, %sign3A_1580 : i32
        %sign3A_1582 = arith.extui %sign3A_1581 : i1 to i32
        %sign3A_1583 = arith.subi %sign3A_1579, %sign3A_1582 : i32
        %sign3A_1584 = arith.constant 0 : i32
        %sign3A_1585 = arith.cmpi sgt, %jit3A_1575, %sign3A_1584 : i32
        %sign3A_1586 = arith.extui %sign3A_1585 : i1 to i32
        %sign3A_1587 = arith.constant 0 : i32
        %sign3A_1588 = arith.cmpi slt, %jit3A_1575, %sign3A_1587 : i32
        %sign3A_1589 = arith.extui %sign3A_1588 : i1 to i32
        %sign3A_1590 = arith.subi %sign3A_1586, %sign3A_1589 : i32
        %ne3A_1591 = arith.cmpi ne, %sign3A_1583, %sign3A_1590 : i32
        %rem3A_1592 = arith.remsi %add3A_1550, %jit3A_1575 : i32
        %ne3A_1593 = arith.constant 0 : i32
        %ne3A_1594 = arith.cmpi ne, %rem3A_1592, %ne3A_1593 : i32
        %and3A_1595 = arith.andi %ne3A_1591, %ne3A_1594 : i1
        %sub3A_1596 = arith.constant 1 : i32
        %sub3A_1597 = arith.subi %div3A_1576, %sub3A_1596 : i32
        %select_n3A_1598 = arith.select %and3A_1595, %sub3A_1597, %div3A_1576 : i32
        %jit3A_1599 = arith.constant 7 : i32
        %eq3A_1600 = arith.constant 0 : i32
        %eq3A_1601 = arith.cmpi eq, %jit3A_1599, %eq3A_1600 : i32
        %jit3A_1602 = arith.constant 1 : i32
        %select_n3A_1603 = arith.select %eq3A_1601, %jit3A_1602, %jit3A_1599 : i32
        %rem3A_1604 = arith.remsi %select_n3A_1598, %select_n3A_1603 : i32
        %ne3A_1605 = arith.constant 0 : i32
        %ne3A_1606 = arith.cmpi ne, %rem3A_1604, %ne3A_1605 : i32
        %lt3A_1607 = arith.constant 0 : i32
        %lt3A_1608 = arith.cmpi slt, %rem3A_1604, %lt3A_1607 : i32
        %lt3A_1609 = arith.constant 0 : i32
        %lt3A_1610 = arith.cmpi slt, %select_n3A_1603, %lt3A_1609 : i32
        %ne3A_1611 = arith.xori %lt3A_1608, %lt3A_1610 : i1
        %and3A_1612 = arith.andi %ne3A_1611, %ne3A_1606 : i1
        %add3A_1613 = arith.addi %rem3A_1604, %select_n3A_1603 : i32
        %select_n3A_1614 = arith.select %and3A_1612, %add3A_1613, %rem3A_1604 : i32
        %jit3A_1615 = arith.constant 8 : i32
        %eq3A_1616 = arith.constant 0 : i32
        %eq3A_1617 = arith.cmpi eq, %jit3A_1615, %eq3A_1616 : i32
        %jit3A_1618 = arith.constant 1 : i32
        %select_n3A_1619 = arith.select %eq3A_1617, %jit3A_1618, %jit3A_1615 : i32
        %rem3A_1620 = arith.remsi %add3A_1550, %select_n3A_1619 : i32
        %ne3A_1621 = arith.constant 0 : i32
        %ne3A_1622 = arith.cmpi ne, %rem3A_1620, %ne3A_1621 : i32
        %lt3A_1623 = arith.constant 0 : i32
        %lt3A_1624 = arith.cmpi slt, %rem3A_1620, %lt3A_1623 : i32
        %lt3A_1625 = arith.constant 0 : i32
        %lt3A_1626 = arith.cmpi slt, %select_n3A_1619, %lt3A_1625 : i32
        %ne3A_1627 = arith.xori %lt3A_1624, %lt3A_1626 : i1
        %and3A_1628 = arith.andi %ne3A_1627, %ne3A_1622 : i1
        %add3A_1629 = arith.addi %rem3A_1620, %select_n3A_1619 : i32
        %select_n3A_1630 = arith.select %and3A_1628, %add3A_1629, %rem3A_1620 : i32
        %mul3A_1631 = arith.constant 8 : i32
        %mul3A_1632 = arith.muli %select_n3A_1614, %mul3A_1631 : i32
        %add3A_1633 = arith.addi %mul3A_1632, %select_n3A_1630 : i32
        %mul3A_1634 = arith.constant 128 : i32
        %mul3A_1635 = arith.muli %select_n3A_1574, %mul3A_1634 : i32
        %dma_start3A = tpu.memref_slice %arg6[%select_n3A_1614, %select_n3A_1630, %mul3A_1635] : memref<7x8x512xi32, #tpu.memory_space<vmem>> -> memref<1x1x128xi32, #tpu.memory_space<vmem>>
        %dma_start3A_1636 = tpu.memref_squeeze %dma_start3A : memref<1x1x128xi32, #tpu.memory_space<vmem>> -> memref<128xi32, #tpu.memory_space<vmem>>
        %dma_start3A_1637 = arith.constant 0 : i32
        %dma_start3A_1638 = arith.constant 0 : i32
        %dma_start3A_1639 = tpu.memref_slice %arg5[%dma_start3A_1637, %dma_start3A_1638] : memref<1008x128xf32, #tpu.memory_space<vmem_shared>> -> memref<1008x128xf32, #tpu.memory_space<vmem_shared>>
        tpu.enqueue_indirect_dma source(%dma_start3A_1639 : memref<1008x128xf32, #tpu.memory_space<vmem_shared>>) target(%arg10 : memref<128x128xf32, #tpu.memory_space<vmem>>) offsets(%dma_start3A_1636 : memref<128xi32, #tpu.memory_space<vmem>>) semaphore(%arg16 : memref<!tpu.dma_semaphore, #tpu.memory_space<semaphore_mem>>)
      } else {
      }
      %ge3A = arith.constant 2 : i32
      %ge3A_238 = arith.cmpi sge, %add3A_61, %ge3A : i32
      %sub3A_239 = arith.constant 2 : i32
      %sub3A_240 = arith.subi %add3A_61, %sub3A_239 : i32
      %jit3A_241 = arith.constant 56 : i32
      %div3A_242 = arith.divsi %sub3A_240, %jit3A_241 : i32
      %sign3A_243 = arith.constant 0 : i32
      %sign3A_244 = arith.cmpi sgt, %sub3A_240, %sign3A_243 : i32
      %sign3A_245 = arith.extui %sign3A_244 : i1 to i32
      %sign3A_246 = arith.constant 0 : i32
      %sign3A_247 = arith.cmpi slt, %sub3A_240, %sign3A_246 : i32
      %sign3A_248 = arith.extui %sign3A_247 : i1 to i32
      %sign3A_249 = arith.subi %sign3A_245, %sign3A_248 : i32
      %sign3A_250 = arith.constant 0 : i32
      %sign3A_251 = arith.cmpi sgt, %jit3A_241, %sign3A_250 : i32
      %sign3A_252 = arith.extui %sign3A_251 : i1 to i32
      %sign3A_253 = arith.constant 0 : i32
      %sign3A_254 = arith.cmpi slt, %jit3A_241, %sign3A_253 : i32
      %sign3A_255 = arith.extui %sign3A_254 : i1 to i32
      %sign3A_256 = arith.subi %sign3A_252, %sign3A_255 : i32
      %ne3A_257 = arith.cmpi ne, %sign3A_249, %sign3A_256 : i32
      %rem3A_258 = arith.remsi %sub3A_240, %jit3A_241 : i32
      %ne3A_259 = arith.constant 0 : i32
      %ne3A_260 = arith.cmpi ne, %rem3A_258, %ne3A_259 : i32
      %and3A_261 = arith.andi %ne3A_257, %ne3A_260 : i1
      %sub3A_262 = arith.constant 1 : i32
      %sub3A_263 = arith.subi %div3A_242, %sub3A_262 : i32
      %select_n3A_264 = arith.select %and3A_261, %sub3A_263, %div3A_242 : i32
      %jit3A_265 = arith.constant 8 : i32
      %div3A_266 = arith.divsi %sub3A_240, %jit3A_265 : i32
      %sign3A_267 = arith.constant 0 : i32
      %sign3A_268 = arith.cmpi sgt, %sub3A_240, %sign3A_267 : i32
      %sign3A_269 = arith.extui %sign3A_268 : i1 to i32
      %sign3A_270 = arith.constant 0 : i32
      %sign3A_271 = arith.cmpi slt, %sub3A_240, %sign3A_270 : i32
      %sign3A_272 = arith.extui %sign3A_271 : i1 to i32
      %sign3A_273 = arith.subi %sign3A_269, %sign3A_272 : i32
      %sign3A_274 = arith.constant 0 : i32
      %sign3A_275 = arith.cmpi sgt, %jit3A_265, %sign3A_274 : i32
      %sign3A_276 = arith.extui %sign3A_275 : i1 to i32
      %sign3A_277 = arith.constant 0 : i32
      %sign3A_278 = arith.cmpi slt, %jit3A_265, %sign3A_277 : i32
      %sign3A_279 = arith.extui %sign3A_278 : i1 to i32
      %sign3A_280 = arith.subi %sign3A_276, %sign3A_279 : i32
      %ne3A_281 = arith.cmpi ne, %sign3A_273, %sign3A_280 : i32
      %rem3A_282 = arith.remsi %sub3A_240, %jit3A_265 : i32
      %ne3A_283 = arith.constant 0 : i32
      %ne3A_284 = arith.cmpi ne, %rem3A_282, %ne3A_283 : i32
      %and3A_285 = arith.andi %ne3A_281, %ne3A_284 : i1
      %sub3A_286 = arith.constant 1 : i32
      %sub3A_287 = arith.subi %div3A_266, %sub3A_286 : i32
      %select_n3A_288 = arith.select %and3A_285, %sub3A_287, %div3A_266 : i32
      %jit3A_289 = arith.constant 7 : i32
      %eq3A_290 = arith.constant 0 : i32
      %eq3A_291 = arith.cmpi eq, %jit3A_289, %eq3A_290 : i32
      %jit3A_292 = arith.constant 1 : i32
      %select_n3A_293 = arith.select %eq3A_291, %jit3A_292, %jit3A_289 : i32
      %rem3A_294 = arith.remsi %select_n3A_288, %select_n3A_293 : i32
      %ne3A_295 = arith.constant 0 : i32
      %ne3A_296 = arith.cmpi ne, %rem3A_294, %ne3A_295 : i32
      %lt3A_297 = arith.constant 0 : i32
      %lt3A_298 = arith.cmpi slt, %rem3A_294, %lt3A_297 : i32
      %lt3A_299 = arith.constant 0 : i32
      %lt3A_300 = arith.cmpi slt, %select_n3A_293, %lt3A_299 : i32
      %ne3A_301 = arith.xori %lt3A_298, %lt3A_300 : i1
      %and3A_302 = arith.andi %ne3A_301, %ne3A_296 : i1
      %add3A_303 = arith.addi %rem3A_294, %select_n3A_293 : i32
      %select_n3A_304 = arith.select %and3A_302, %add3A_303, %rem3A_294 : i32
      %jit3A_305 = arith.constant 8 : i32
      %eq3A_306 = arith.constant 0 : i32
      %eq3A_307 = arith.cmpi eq, %jit3A_305, %eq3A_306 : i32
      %jit3A_308 = arith.constant 1 : i32
      %select_n3A_309 = arith.select %eq3A_307, %jit3A_308, %jit3A_305 : i32
      %rem3A_310 = arith.remsi %sub3A_240, %select_n3A_309 : i32
      %ne3A_311 = arith.constant 0 : i32
      %ne3A_312 = arith.cmpi ne, %rem3A_310, %ne3A_311 : i32
      %lt3A_313 = arith.constant 0 : i32
      %lt3A_314 = arith.cmpi slt, %rem3A_310, %lt3A_313 : i32
      %lt3A_315 = arith.constant 0 : i32
      %lt3A_316 = arith.cmpi slt, %select_n3A_309, %lt3A_315 : i32
      %ne3A_317 = arith.xori %lt3A_314, %lt3A_316 : i1
      %and3A_318 = arith.andi %ne3A_317, %ne3A_312 : i1
      %add3A_319 = arith.addi %rem3A_310, %select_n3A_309 : i32
      %select_n3A_320 = arith.select %and3A_318, %add3A_319, %rem3A_310 : i32
      %mul3A_321 = arith.constant 8 : i32
      %mul3A_322 = arith.muli %select_n3A_304, %mul3A_321 : i32
      %add3A_323 = arith.addi %mul3A_322, %select_n3A_320 : i32
      %lt3A_324 = arith.constant 224 : i32
      %lt3A_325 = arith.cmpi slt, %sub3A_240, %lt3A_324 : i32
      %lt3A_326 = arith.constant 50 : i32
      %lt3A_327 = arith.cmpi slt, %add3A_323, %lt3A_326 : i32
      %and3A_328 = arith.andi %lt3A_325, %lt3A_327 : i1
      %and3A_329 = arith.andi %ge3A_238, %and3A_328 : i1
      %convert_element_type3A_330 = arith.extui %and3A_329 : i1 to i32
      %cond3A_331 = arith.constant 0 : i32
      %cond3A_332 = arith.cmpi ne, %convert_element_type3A_330, %cond3A_331 : i32
      scf.if %cond3A_332 {
        %sub3A_1549 = arith.constant 2 : i32
        %sub3A_1550 = arith.subi %add3A_61, %sub3A_1549 : i32
        %jit3A_1551 = arith.constant 56 : i32
        %div3A_1552 = arith.divsi %sub3A_1550, %jit3A_1551 : i32
        %sign3A_1553 = arith.constant 0 : i32
        %sign3A_1554 = arith.cmpi sgt, %sub3A_1550, %sign3A_1553 : i32
        %sign3A_1555 = arith.extui %sign3A_1554 : i1 to i32
        %sign3A_1556 = arith.constant 0 : i32
        %sign3A_1557 = arith.cmpi slt, %sub3A_1550, %sign3A_1556 : i32
        %sign3A_1558 = arith.extui %sign3A_1557 : i1 to i32
        %sign3A_1559 = arith.subi %sign3A_1555, %sign3A_1558 : i32
        %sign3A_1560 = arith.constant 0 : i32
        %sign3A_1561 = arith.cmpi sgt, %jit3A_1551, %sign3A_1560 : i32
        %sign3A_1562 = arith.extui %sign3A_1561 : i1 to i32
        %sign3A_1563 = arith.constant 0 : i32
        %sign3A_1564 = arith.cmpi slt, %jit3A_1551, %sign3A_1563 : i32
        %sign3A_1565 = arith.extui %sign3A_1564 : i1 to i32
        %sign3A_1566 = arith.subi %sign3A_1562, %sign3A_1565 : i32
        %ne3A_1567 = arith.cmpi ne, %sign3A_1559, %sign3A_1566 : i32
        %rem3A_1568 = arith.remsi %sub3A_1550, %jit3A_1551 : i32
        %ne3A_1569 = arith.constant 0 : i32
        %ne3A_1570 = arith.cmpi ne, %rem3A_1568, %ne3A_1569 : i32
        %and3A_1571 = arith.andi %ne3A_1567, %ne3A_1570 : i1
        %sub3A_1572 = arith.constant 1 : i32
        %sub3A_1573 = arith.subi %div3A_1552, %sub3A_1572 : i32
        %select_n3A_1574 = arith.select %and3A_1571, %sub3A_1573, %div3A_1552 : i32
        %jit3A_1575 = arith.constant 8 : i32
        %div3A_1576 = arith.divsi %sub3A_1550, %jit3A_1575 : i32
        %sign3A_1577 = arith.constant 0 : i32
        %sign3A_1578 = arith.cmpi sgt, %sub3A_1550, %sign3A_1577 : i32
        %sign3A_1579 = arith.extui %sign3A_1578 : i1 to i32
        %sign3A_1580 = arith.constant 0 : i32
        %sign3A_1581 = arith.cmpi slt, %sub3A_1550, %sign3A_1580 : i32
        %sign3A_1582 = arith.extui %sign3A_1581 : i1 to i32
        %sign3A_1583 = arith.subi %sign3A_1579, %sign3A_1582 : i32
        %sign3A_1584 = arith.constant 0 : i32
        %sign3A_1585 = arith.cmpi sgt, %jit3A_1575, %sign3A_1584 : i32
        %sign3A_1586 = arith.extui %sign3A_1585 : i1 to i32
        %sign3A_1587 = arith.constant 0 : i32
        %sign3A_1588 = arith.cmpi slt, %jit3A_1575, %sign3A_1587 : i32
        %sign3A_1589 = arith.extui %sign3A_1588 : i1 to i32
        %sign3A_1590 = arith.subi %sign3A_1586, %sign3A_1589 : i32
        %ne3A_1591 = arith.cmpi ne, %sign3A_1583, %sign3A_1590 : i32
        %rem3A_1592 = arith.remsi %sub3A_1550, %jit3A_1575 : i32
        %ne3A_1593 = arith.constant 0 : i32
        %ne3A_1594 = arith.cmpi ne, %rem3A_1592, %ne3A_1593 : i32
        %and3A_1595 = arith.andi %ne3A_1591, %ne3A_1594 : i1
        %sub3A_1596 = arith.constant 1 : i32
        %sub3A_1597 = arith.subi %div3A_1576, %sub3A_1596 : i32
        %select_n3A_1598 = arith.select %and3A_1595, %sub3A_1597, %div3A_1576 : i32
        %jit3A_1599 = arith.constant 7 : i32
        %eq3A_1600 = arith.constant 0 : i32
        %eq3A_1601 = arith.cmpi eq, %jit3A_1599, %eq3A_1600 : i32
        %jit3A_1602 = arith.constant 1 : i32
        %select_n3A_1603 = arith.select %eq3A_1601, %jit3A_1602, %jit3A_1599 : i32
        %rem3A_1604 = arith.remsi %select_n3A_1598, %select_n3A_1603 : i32
        %ne3A_1605 = arith.constant 0 : i32
        %ne3A_1606 = arith.cmpi ne, %rem3A_1604, %ne3A_1605 : i32
        %lt3A_1607 = arith.constant 0 : i32
        %lt3A_1608 = arith.cmpi slt, %rem3A_1604, %lt3A_1607 : i32
        %lt3A_1609 = arith.constant 0 : i32
        %lt3A_1610 = arith.cmpi slt, %select_n3A_1603, %lt3A_1609 : i32
        %ne3A_1611 = arith.xori %lt3A_1608, %lt3A_1610 : i1
        %and3A_1612 = arith.andi %ne3A_1611, %ne3A_1606 : i1
        %add3A_1613 = arith.addi %rem3A_1604, %select_n3A_1603 : i32
        %select_n3A_1614 = arith.select %and3A_1612, %add3A_1613, %rem3A_1604 : i32
        %jit3A_1615 = arith.constant 8 : i32
        %eq3A_1616 = arith.constant 0 : i32
        %eq3A_1617 = arith.cmpi eq, %jit3A_1615, %eq3A_1616 : i32
        %jit3A_1618 = arith.constant 1 : i32
        %select_n3A_1619 = arith.select %eq3A_1617, %jit3A_1618, %jit3A_1615 : i32
        %rem3A_1620 = arith.remsi %sub3A_1550, %select_n3A_1619 : i32
        %ne3A_1621 = arith.constant 0 : i32
        %ne3A_1622 = arith.cmpi ne, %rem3A_1620, %ne3A_1621 : i32
        %lt3A_1623 = arith.constant 0 : i32
        %lt3A_1624 = arith.cmpi slt, %rem3A_1620, %lt3A_1623 : i32
        %lt3A_1625 = arith.constant 0 : i32
        %lt3A_1626 = arith.cmpi slt, %select_n3A_1619, %lt3A_1625 : i32
        %ne3A_1627 = arith.xori %lt3A_1624, %lt3A_1626 : i1
        %and3A_1628 = arith.andi %ne3A_1627, %ne3A_1622 : i1
        %add3A_1629 = arith.addi %rem3A_1620, %select_n3A_1619 : i32
        %select_n3A_1630 = arith.select %and3A_1628, %add3A_1629, %rem3A_1620 : i32
        %mul3A_1631 = arith.constant 8 : i32
        %mul3A_1632 = arith.muli %select_n3A_1614, %mul3A_1631 : i32
        %add3A_1633 = arith.addi %mul3A_1632, %select_n3A_1630 : i32
        %mul3A_1634 = arith.constant 4 : i32
        %mul3A_1635 = arith.muli %add3A, %mul3A_1634 : i32
        %add3A_1636 = arith.addi %mul3A_1635, %select_n3A_1574 : i32
        %mul3A_1637 = arith.constant 128 : i32
        %mul3A_1638 = arith.muli %add3A_1636, %mul3A_1637 : i32
        %dma_wait3A = arith.constant 0 : i32
        %dma_wait3A_1639 = tpu.memref_slice %arg4[%add3A_1633, %dma_wait3A, %mul3A_1638] : memref<50x64x16384xf32, #tpu.memory_space<hbm>> -> memref<1x64x128xf32, #tpu.memory_space<hbm>>
        %dma_wait3A_1640 = tpu.memref_squeeze %dma_wait3A_1639 : memref<1x64x128xf32, #tpu.memory_space<hbm>> -> memref<64x128xf32, #tpu.memory_space<hbm>>
        %dma_wait3A_1641 = arith.constant 0 : i32
        %dma_wait3A_1642 = tpu.memref_slice %arg4[%add3A_1633, %dma_wait3A_1641, %mul3A_1638] : memref<50x64x16384xf32, #tpu.memory_space<hbm>> -> memref<1x64x128xf32, #tpu.memory_space<hbm>>
        %dma_wait3A_1643 = tpu.memref_squeeze %dma_wait3A_1642 : memref<1x64x128xf32, #tpu.memory_space<hbm>> -> memref<64x128xf32, #tpu.memory_space<hbm>>
        tpu.wait_dma2 semaphore(%arg17 : memref<!tpu.dma_semaphore, #tpu.memory_space<semaphore_mem>>) src(%arg11 : memref<64x128xf32, #tpu.memory_space<vmem>>) dst(%dma_wait3A_1643 : memref<64x128xf32, #tpu.memory_space<hbm>>)
      } else {
      }
      %jit3A_333 = arith.constant 56 : i32
      %div3A_334 = arith.divsi %add3A_61, %jit3A_333 : i32
      %sign3A_335 = arith.constant 0 : i32
      %sign3A_336 = arith.cmpi sgt, %add3A_61, %sign3A_335 : i32
      %sign3A_337 = arith.extui %sign3A_336 : i1 to i32
      %sign3A_338 = arith.constant 0 : i32
      %sign3A_339 = arith.cmpi slt, %add3A_61, %sign3A_338 : i32
      %sign3A_340 = arith.extui %sign3A_339 : i1 to i32
      %sign3A_341 = arith.subi %sign3A_337, %sign3A_340 : i32
      %sign3A_342 = arith.constant 0 : i32
      %sign3A_343 = arith.cmpi sgt, %jit3A_333, %sign3A_342 : i32
      %sign3A_344 = arith.extui %sign3A_343 : i1 to i32
      %sign3A_345 = arith.constant 0 : i32
      %sign3A_346 = arith.cmpi slt, %jit3A_333, %sign3A_345 : i32
      %sign3A_347 = arith.extui %sign3A_346 : i1 to i32
      %sign3A_348 = arith.subi %sign3A_344, %sign3A_347 : i32
      %ne3A_349 = arith.cmpi ne, %sign3A_341, %sign3A_348 : i32
      %rem3A_350 = arith.remsi %add3A_61, %jit3A_333 : i32
      %ne3A_351 = arith.constant 0 : i32
      %ne3A_352 = arith.cmpi ne, %rem3A_350, %ne3A_351 : i32
      %and3A_353 = arith.andi %ne3A_349, %ne3A_352 : i1
      %sub3A_354 = arith.constant 1 : i32
      %sub3A_355 = arith.subi %div3A_334, %sub3A_354 : i32
      %select_n3A_356 = arith.select %and3A_353, %sub3A_355, %div3A_334 : i32
      %jit3A_357 = arith.constant 8 : i32
      %div3A_358 = arith.divsi %add3A_61, %jit3A_357 : i32
      %sign3A_359 = arith.constant 0 : i32
      %sign3A_360 = arith.cmpi sgt, %add3A_61, %sign3A_359 : i32
      %sign3A_361 = arith.extui %sign3A_360 : i1 to i32
      %sign3A_362 = arith.constant 0 : i32
      %sign3A_363 = arith.cmpi slt, %add3A_61, %sign3A_362 : i32
      %sign3A_364 = arith.extui %sign3A_363 : i1 to i32
      %sign3A_365 = arith.subi %sign3A_361, %sign3A_364 : i32
      %sign3A_366 = arith.constant 0 : i32
      %sign3A_367 = arith.cmpi sgt, %jit3A_357, %sign3A_366 : i32
      %sign3A_368 = arith.extui %sign3A_367 : i1 to i32
      %sign3A_369 = arith.constant 0 : i32
      %sign3A_370 = arith.cmpi slt, %jit3A_357, %sign3A_369 : i32
      %sign3A_371 = arith.extui %sign3A_370 : i1 to i32
      %sign3A_372 = arith.subi %sign3A_368, %sign3A_371 : i32
      %ne3A_373 = arith.cmpi ne, %sign3A_365, %sign3A_372 : i32
      %rem3A_374 = arith.remsi %add3A_61, %jit3A_357 : i32
      %ne3A_375 = arith.constant 0 : i32
      %ne3A_376 = arith.cmpi ne, %rem3A_374, %ne3A_375 : i32
      %and3A_377 = arith.andi %ne3A_373, %ne3A_376 : i1
      %sub3A_378 = arith.constant 1 : i32
      %sub3A_379 = arith.subi %div3A_358, %sub3A_378 : i32
      %select_n3A_380 = arith.select %and3A_377, %sub3A_379, %div3A_358 : i32
      %jit3A_381 = arith.constant 7 : i32
      %eq3A_382 = arith.constant 0 : i32
      %eq3A_383 = arith.cmpi eq, %jit3A_381, %eq3A_382 : i32
      %jit3A_384 = arith.constant 1 : i32
      %select_n3A_385 = arith.select %eq3A_383, %jit3A_384, %jit3A_381 : i32
      %rem3A_386 = arith.remsi %select_n3A_380, %select_n3A_385 : i32
      %ne3A_387 = arith.constant 0 : i32
      %ne3A_388 = arith.cmpi ne, %rem3A_386, %ne3A_387 : i32
      %lt3A_389 = arith.constant 0 : i32
      %lt3A_390 = arith.cmpi slt, %rem3A_386, %lt3A_389 : i32
      %lt3A_391 = arith.constant 0 : i32
      %lt3A_392 = arith.cmpi slt, %select_n3A_385, %lt3A_391 : i32
      %ne3A_393 = arith.xori %lt3A_390, %lt3A_392 : i1
      %and3A_394 = arith.andi %ne3A_393, %ne3A_388 : i1
      %add3A_395 = arith.addi %rem3A_386, %select_n3A_385 : i32
      %select_n3A_396 = arith.select %and3A_394, %add3A_395, %rem3A_386 : i32
      %jit3A_397 = arith.constant 8 : i32
      %eq3A_398 = arith.constant 0 : i32
      %eq3A_399 = arith.cmpi eq, %jit3A_397, %eq3A_398 : i32
      %jit3A_400 = arith.constant 1 : i32
      %select_n3A_401 = arith.select %eq3A_399, %jit3A_400, %jit3A_397 : i32
      %rem3A_402 = arith.remsi %add3A_61, %select_n3A_401 : i32
      %ne3A_403 = arith.constant 0 : i32
      %ne3A_404 = arith.cmpi ne, %rem3A_402, %ne3A_403 : i32
      %lt3A_405 = arith.constant 0 : i32
      %lt3A_406 = arith.cmpi slt, %rem3A_402, %lt3A_405 : i32
      %lt3A_407 = arith.constant 0 : i32
      %lt3A_408 = arith.cmpi slt, %select_n3A_401, %lt3A_407 : i32
      %ne3A_409 = arith.xori %lt3A_406, %lt3A_408 : i1
      %and3A_410 = arith.andi %ne3A_409, %ne3A_404 : i1
      %add3A_411 = arith.addi %rem3A_402, %select_n3A_401 : i32
      %select_n3A_412 = arith.select %and3A_410, %add3A_411, %rem3A_402 : i32
      %mul3A_413 = arith.constant 8 : i32
      %mul3A_414 = arith.muli %select_n3A_396, %mul3A_413 : i32
      %add3A_415 = arith.addi %mul3A_414, %select_n3A_412 : i32
      %lt3A_416 = arith.constant 224 : i32
      %lt3A_417 = arith.cmpi slt, %add3A_61, %lt3A_416 : i32
      %lt3A_418 = arith.constant 50 : i32
      %lt3A_419 = arith.cmpi slt, %add3A_415, %lt3A_418 : i32
      %and3A_420 = arith.andi %lt3A_417, %lt3A_419 : i1
      %convert_element_type3A_421 = arith.extui %and3A_420 : i1 to i32
      %cond3A_422 = arith.constant 0 : i32
      %cond3A_423 = arith.cmpi ne, %convert_element_type3A_421, %cond3A_422 : i32
      scf.if %cond3A_423 {
        %add3A_1549 = arith.constant 0 : i32
        %add3A_1550 = vector.broadcast %add3A_1549 : i32 to vector<16xi32>
        %add3A_1551 = arith.addi %add3A_1550, %iota3A : vector<16xi32>
        %add3A_1552 = arith.constant 16 : i32
        %add3A_1553 = vector.broadcast %add3A_1552 : i32 to vector<16xi32>
        %add3A_1554 = arith.addi %add3A_1553, %iota3A : vector<16xi32>
        %add3A_1555 = arith.constant 32 : i32
        %add3A_1556 = vector.broadcast %add3A_1555 : i32 to vector<16xi32>
        %add3A_1557 = arith.addi %add3A_1556, %iota3A : vector<16xi32>
        %add3A_1558 = arith.constant 48 : i32
        %add3A_1559 = vector.broadcast %add3A_1558 : i32 to vector<16xi32>
        %add3A_1560 = arith.addi %add3A_1559, %iota3A : vector<16xi32>
        %parallel_loop3A = arith.constant 0 : i32
        %parallel_loop3A_1561 = arith.constant 128 : i32
        %parallel_loop3A_1562 = arith.constant 1 : i32
        scf.for %parallel_loop3A_1656 = %parallel_loop3A to %parallel_loop3A_1561 step %parallel_loop3A_1562  : i32 {
          %parallel_loop3A_1657 = arith.constant 15 : i32
          %parallel_loop3A_1658 = arith.andi %parallel_loop3A_1656, %parallel_loop3A_1657 : i32
          %parallel_loop3A_1659 = arith.constant 4 : i32
          %parallel_loop3A_1660 = arith.shrsi %parallel_loop3A_1656, %parallel_loop3A_1659 : i32
          %parallel_loop3A_1661 = vector.broadcast %parallel_loop3A_1658 : i32 to vector<16xi32>
          %parallel_loop3A_1662 = arith.addi %parallel_loop3A_1661, %iota3A : vector<16xi32>
          %parallel_loop3A_1663 = arith.constant 15 : i32
          %parallel_loop3A_1664 = vector.broadcast %parallel_loop3A_1663 : i32 to vector<16xi32>
          %parallel_loop3A_1665 = arith.andi %parallel_loop3A_1662, %parallel_loop3A_1664 : vector<16xi32>
          %parallel_loop3A_1666 = arith.constant 16 : i32
          %parallel_loop3A_1667 = arith.muli %parallel_loop3A_1660, %parallel_loop3A_1666 : i32
          %parallel_loop3A_1668 = vector.broadcast %parallel_loop3A_1667 : i32 to vector<16xi32>
          %parallel_loop3A_1669 = arith.addi %parallel_loop3A_1665, %parallel_loop3A_1668 : vector<16xi32>
          %parallel_loop3A_1670 = tpu.vector_load_idx %arg7[%parallel_loop3A_1669, %add3A_1551] : memref<128x128xf32, #tpu.memory_space<vmem>>[vector<16xi32>, vector<16xi32>], vector<16xf32>,
          tpu.vector_store_idx %arg11[%add3A_1551, %parallel_loop3A_1669], %parallel_loop3A_1670 : memref<64x128xf32, #tpu.memory_space<vmem>>[vector<16xi32>, vector<16xi32>], vector<16xf32>,
          %parallel_loop3A_1671 = tpu.vector_load_idx %arg7[%parallel_loop3A_1669, %add3A_1554] : memref<128x128xf32, #tpu.memory_space<vmem>>[vector<16xi32>, vector<16xi32>], vector<16xf32>,
          tpu.vector_store_idx %arg11[%add3A_1554, %parallel_loop3A_1669], %parallel_loop3A_1671 : memref<64x128xf32, #tpu.memory_space<vmem>>[vector<16xi32>, vector<16xi32>], vector<16xf32>,
          %parallel_loop3A_1672 = tpu.vector_load_idx %arg7[%parallel_loop3A_1669, %add3A_1557] : memref<128x128xf32, #tpu.memory_space<vmem>>[vector<16xi32>, vector<16xi32>], vector<16xf32>,
          tpu.vector_store_idx %arg11[%add3A_1557, %parallel_loop3A_1669], %parallel_loop3A_1672 : memref<64x128xf32, #tpu.memory_space<vmem>>[vector<16xi32>, vector<16xi32>], vector<16xf32>,
          %parallel_loop3A_1673 = tpu.vector_load_idx %arg7[%parallel_loop3A_1669, %add3A_1560] : memref<128x128xf32, #tpu.memory_space<vmem>>[vector<16xi32>, vector<16xi32>], vector<16xf32>,
          tpu.vector_store_idx %arg11[%add3A_1560, %parallel_loop3A_1669], %parallel_loop3A_1673 : memref<64x128xf32, #tpu.memory_space<vmem>>[vector<16xi32>, vector<16xi32>], vector<16xf32>,
        } {sc.loop_unroll_factor = 4 : i64, sc.parallel_access}
        %jit3A_1563 = arith.constant 56 : i32
        %div3A_1564 = arith.divsi %add3A_61, %jit3A_1563 : i32
        %sign3A_1565 = arith.constant 0 : i32
        %sign3A_1566 = arith.cmpi sgt, %add3A_61, %sign3A_1565 : i32
        %sign3A_1567 = arith.extui %sign3A_1566 : i1 to i32
        %sign3A_1568 = arith.constant 0 : i32
        %sign3A_1569 = arith.cmpi slt, %add3A_61, %sign3A_1568 : i32
        %sign3A_1570 = arith.extui %sign3A_1569 : i1 to i32
        %sign3A_1571 = arith.subi %sign3A_1567, %sign3A_1570 : i32
        %sign3A_1572 = arith.constant 0 : i32
        %sign3A_1573 = arith.cmpi sgt, %jit3A_1563, %sign3A_1572 : i32
        %sign3A_1574 = arith.extui %sign3A_1573 : i1 to i32
        %sign3A_1575 = arith.constant 0 : i32
        %sign3A_1576 = arith.cmpi slt, %jit3A_1563, %sign3A_1575 : i32
        %sign3A_1577 = arith.extui %sign3A_1576 : i1 to i32
        %sign3A_1578 = arith.subi %sign3A_1574, %sign3A_1577 : i32
        %ne3A_1579 = arith.cmpi ne, %sign3A_1571, %sign3A_1578 : i32
        %rem3A_1580 = arith.remsi %add3A_61, %jit3A_1563 : i32
        %ne3A_1581 = arith.constant 0 : i32
        %ne3A_1582 = arith.cmpi ne, %rem3A_1580, %ne3A_1581 : i32
        %and3A_1583 = arith.andi %ne3A_1579, %ne3A_1582 : i1
        %sub3A_1584 = arith.constant 1 : i32
        %sub3A_1585 = arith.subi %div3A_1564, %sub3A_1584 : i32
        %select_n3A_1586 = arith.select %and3A_1583, %sub3A_1585, %div3A_1564 : i32
        %jit3A_1587 = arith.constant 8 : i32
        %div3A_1588 = arith.divsi %add3A_61, %jit3A_1587 : i32
        %sign3A_1589 = arith.constant 0 : i32
        %sign3A_1590 = arith.cmpi sgt, %add3A_61, %sign3A_1589 : i32
        %sign3A_1591 = arith.extui %sign3A_1590 : i1 to i32
        %sign3A_1592 = arith.constant 0 : i32
        %sign3A_1593 = arith.cmpi slt, %add3A_61, %sign3A_1592 : i32
        %sign3A_1594 = arith.extui %sign3A_1593 : i1 to i32
        %sign3A_1595 = arith.subi %sign3A_1591, %sign3A_1594 : i32
        %sign3A_1596 = arith.constant 0 : i32
        %sign3A_1597 = arith.cmpi sgt, %jit3A_1587, %sign3A_1596 : i32
        %sign3A_1598 = arith.extui %sign3A_1597 : i1 to i32
        %sign3A_1599 = arith.constant 0 : i32
        %sign3A_1600 = arith.cmpi slt, %jit3A_1587, %sign3A_1599 : i32
        %sign3A_1601 = arith.extui %sign3A_1600 : i1 to i32
        %sign3A_1602 = arith.subi %sign3A_1598, %sign3A_1601 : i32
        %ne3A_1603 = arith.cmpi ne, %sign3A_1595, %sign3A_1602 : i32
        %rem3A_1604 = arith.remsi %add3A_61, %jit3A_1587 : i32
        %ne3A_1605 = arith.constant 0 : i32
        %ne3A_1606 = arith.cmpi ne, %rem3A_1604, %ne3A_1605 : i32
        %and3A_1607 = arith.andi %ne3A_1603, %ne3A_1606 : i1
        %sub3A_1608 = arith.constant 1 : i32
        %sub3A_1609 = arith.subi %div3A_1588, %sub3A_1608 : i32
        %select_n3A_1610 = arith.select %and3A_1607, %sub3A_1609, %div3A_1588 : i32
        %jit3A_1611 = arith.constant 7 : i32
        %eq3A_1612 = arith.constant 0 : i32
        %eq3A_1613 = arith.cmpi eq, %jit3A_1611, %eq3A_1612 : i32
        %jit3A_1614 = arith.constant 1 : i32
        %select_n3A_1615 = arith.select %eq3A_1613, %jit3A_1614, %jit3A_1611 : i32
        %rem3A_1616 = arith.remsi %select_n3A_1610, %select_n3A_1615 : i32
        %ne3A_1617 = arith.constant 0 : i32
        %ne3A_1618 = arith.cmpi ne, %rem3A_1616, %ne3A_1617 : i32
        %lt3A_1619 = arith.constant 0 : i32
        %lt3A_1620 = arith.cmpi slt, %rem3A_1616, %lt3A_1619 : i32
        %lt3A_1621 = arith.constant 0 : i32
        %lt3A_1622 = arith.cmpi slt, %select_n3A_1615, %lt3A_1621 : i32
        %ne3A_1623 = arith.xori %lt3A_1620, %lt3A_1622 : i1
        %and3A_1624 = arith.andi %ne3A_1623, %ne3A_1618 : i1
        %add3A_1625 = arith.addi %rem3A_1616, %select_n3A_1615 : i32
        %select_n3A_1626 = arith.select %and3A_1624, %add3A_1625, %rem3A_1616 : i32
        %jit3A_1627 = arith.constant 8 : i32
        %eq3A_1628 = arith.constant 0 : i32
        %eq3A_1629 = arith.cmpi eq, %jit3A_1627, %eq3A_1628 : i32
        %jit3A_1630 = arith.constant 1 : i32
        %select_n3A_1631 = arith.select %eq3A_1629, %jit3A_1630, %jit3A_1627 : i32
        %rem3A_1632 = arith.remsi %add3A_61, %select_n3A_1631 : i32
        %ne3A_1633 = arith.constant 0 : i32
        %ne3A_1634 = arith.cmpi ne, %rem3A_1632, %ne3A_1633 : i32
        %lt3A_1635 = arith.constant 0 : i32
        %lt3A_1636 = arith.cmpi slt, %rem3A_1632, %lt3A_1635 : i32
        %lt3A_1637 = arith.constant 0 : i32
        %lt3A_1638 = arith.cmpi slt, %select_n3A_1631, %lt3A_1637 : i32
        %ne3A_1639 = arith.xori %lt3A_1636, %lt3A_1638 : i1
        %and3A_1640 = arith.andi %ne3A_1639, %ne3A_1634 : i1
        %add3A_1641 = arith.addi %rem3A_1632, %select_n3A_1631 : i32
        %select_n3A_1642 = arith.select %and3A_1640, %add3A_1641, %rem3A_1632 : i32
        %mul3A_1643 = arith.constant 8 : i32
        %mul3A_1644 = arith.muli %select_n3A_1626, %mul3A_1643 : i32
        %add3A_1645 = arith.addi %mul3A_1644, %select_n3A_1642 : i32
        %mul3A_1646 = arith.constant 4 : i32
        %mul3A_1647 = arith.muli %add3A, %mul3A_1646 : i32
        %add3A_1648 = arith.addi %mul3A_1647, %select_n3A_1586 : i32
        %mul3A_1649 = arith.constant 128 : i32
        %mul3A_1650 = arith.muli %add3A_1648, %mul3A_1649 : i32
        %dma_start3A = arith.constant 0 : i32
        %dma_start3A_1651 = tpu.memref_slice %arg4[%add3A_1645, %dma_start3A, %mul3A_1650] : memref<50x64x16384xf32, #tpu.memory_space<hbm>> -> memref<1x64x128xf32, #tpu.memory_space<hbm>>
        %dma_start3A_1652 = tpu.memref_squeeze %dma_start3A_1651 : memref<1x64x128xf32, #tpu.memory_space<hbm>> -> memref<64x128xf32, #tpu.memory_space<hbm>>
        %dma_start3A_1653 = arith.constant 0 : i32
        %dma_start3A_1654 = tpu.memref_slice %arg4[%add3A_1645, %dma_start3A_1653, %mul3A_1650] : memref<50x64x16384xf32, #tpu.memory_space<hbm>> -> memref<1x64x128xf32, #tpu.memory_space<hbm>>
        %dma_start3A_1655 = tpu.memref_squeeze %dma_start3A_1654 : memref<1x64x128xf32, #tpu.memory_space<hbm>> -> memref<64x128xf32, #tpu.memory_space<hbm>>
        tpu.enqueue_dma source(%arg11 : memref<64x128xf32, #tpu.memory_space<vmem>>) target(%dma_start3A_1655 : memref<64x128xf32, #tpu.memory_space<hbm>>) target_semaphore(%arg17 : memref<!tpu.dma_semaphore, #tpu.memory_space<semaphore_mem>>)
      } else {
      }
      %mul3A_424 = arith.constant 4 : i32
      %mul3A_425 = arith.muli %scan3A_57, %mul3A_424 : i32
      %add3A_426 = arith.constant 1 : i32
      %add3A_427 = arith.addi %mul3A_425, %add3A_426 : i32
      %jit3A_428 = arith.constant 56 : i32
      %div3A_429 = arith.divsi %add3A_427, %jit3A_428 : i32
      %sign3A_430 = arith.constant 0 : i32
      %sign3A_431 = arith.cmpi sgt, %add3A_427, %sign3A_430 : i32
      %sign3A_432 = arith.extui %sign3A_431 : i1 to i32
      %sign3A_433 = arith.constant 0 : i32
      %sign3A_434 = arith.cmpi slt, %add3A_427, %sign3A_433 : i32
      %sign3A_435 = arith.extui %sign3A_434 : i1 to i32
      %sign3A_436 = arith.subi %sign3A_432, %sign3A_435 : i32
      %sign3A_437 = arith.constant 0 : i32
      %sign3A_438 = arith.cmpi sgt, %jit3A_428, %sign3A_437 : i32
      %sign3A_439 = arith.extui %sign3A_438 : i1 to i32
      %sign3A_440 = arith.constant 0 : i32
      %sign3A_441 = arith.cmpi slt, %jit3A_428, %sign3A_440 : i32
      %sign3A_442 = arith.extui %sign3A_441 : i1 to i32
      %sign3A_443 = arith.subi %sign3A_439, %sign3A_442 : i32
      %ne3A_444 = arith.cmpi ne, %sign3A_436, %sign3A_443 : i32
      %rem3A_445 = arith.remsi %add3A_427, %jit3A_428 : i32
      %ne3A_446 = arith.constant 0 : i32
      %ne3A_447 = arith.cmpi ne, %rem3A_445, %ne3A_446 : i32
      %and3A_448 = arith.andi %ne3A_444, %ne3A_447 : i1
      %sub3A_449 = arith.constant 1 : i32
      %sub3A_450 = arith.subi %div3A_429, %sub3A_449 : i32
      %select_n3A_451 = arith.select %and3A_448, %sub3A_450, %div3A_429 : i32
      %jit3A_452 = arith.constant 8 : i32
      %div3A_453 = arith.divsi %add3A_427, %jit3A_452 : i32
      %sign3A_454 = arith.constant 0 : i32
      %sign3A_455 = arith.cmpi sgt, %add3A_427, %sign3A_454 : i32
      %sign3A_456 = arith.extui %sign3A_455 : i1 to i32
      %sign3A_457 = arith.constant 0 : i32
      %sign3A_458 = arith.cmpi slt, %add3A_427, %sign3A_457 : i32
      %sign3A_459 = arith.extui %sign3A_458 : i1 to i32
      %sign3A_460 = arith.subi %sign3A_456, %sign3A_459 : i32
      %sign3A_461 = arith.constant 0 : i32
      %sign3A_462 = arith.cmpi sgt, %jit3A_452, %sign3A_461 : i32
      %sign3A_463 = arith.extui %sign3A_462 : i1 to i32
      %sign3A_464 = arith.constant 0 : i32
      %sign3A_465 = arith.cmpi slt, %jit3A_452, %sign3A_464 : i32
      %sign3A_466 = arith.extui %sign3A_465 : i1 to i32
      %sign3A_467 = arith.subi %sign3A_463, %sign3A_466 : i32
      %ne3A_468 = arith.cmpi ne, %sign3A_460, %sign3A_467 : i32
      %rem3A_469 = arith.remsi %add3A_427, %jit3A_452 : i32
      %ne3A_470 = arith.constant 0 : i32
      %ne3A_471 = arith.cmpi ne, %rem3A_469, %ne3A_470 : i32
      %and3A_472 = arith.andi %ne3A_468, %ne3A_471 : i1
      %sub3A_473 = arith.constant 1 : i32
      %sub3A_474 = arith.subi %div3A_453, %sub3A_473 : i32
      %select_n3A_475 = arith.select %and3A_472, %sub3A_474, %div3A_453 : i32
      %jit3A_476 = arith.constant 7 : i32
      %eq3A_477 = arith.constant 0 : i32
      %eq3A_478 = arith.cmpi eq, %jit3A_476, %eq3A_477 : i32
      %jit3A_479 = arith.constant 1 : i32
      %select_n3A_480 = arith.select %eq3A_478, %jit3A_479, %jit3A_476 : i32
      %rem3A_481 = arith.remsi %select_n3A_475, %select_n3A_480 : i32
      %ne3A_482 = arith.constant 0 : i32
      %ne3A_483 = arith.cmpi ne, %rem3A_481, %ne3A_482 : i32
      %lt3A_484 = arith.constant 0 : i32
      %lt3A_485 = arith.cmpi slt, %rem3A_481, %lt3A_484 : i32
      %lt3A_486 = arith.constant 0 : i32
      %lt3A_487 = arith.cmpi slt, %select_n3A_480, %lt3A_486 : i32
      %ne3A_488 = arith.xori %lt3A_485, %lt3A_487 : i1
      %and3A_489 = arith.andi %ne3A_488, %ne3A_483 : i1
      %add3A_490 = arith.addi %rem3A_481, %select_n3A_480 : i32
      %select_n3A_491 = arith.select %and3A_489, %add3A_490, %rem3A_481 : i32
      %jit3A_492 = arith.constant 8 : i32
      %eq3A_493 = arith.constant 0 : i32
      %eq3A_494 = arith.cmpi eq, %jit3A_492, %eq3A_493 : i32
      %jit3A_495 = arith.constant 1 : i32
      %select_n3A_496 = arith.select %eq3A_494, %jit3A_495, %jit3A_492 : i32
      %rem3A_497 = arith.remsi %add3A_427, %select_n3A_496 : i32
      %ne3A_498 = arith.constant 0 : i32
      %ne3A_499 = arith.cmpi ne, %rem3A_497, %ne3A_498 : i32
      %lt3A_500 = arith.constant 0 : i32
      %lt3A_501 = arith.cmpi slt, %rem3A_497, %lt3A_500 : i32
      %lt3A_502 = arith.constant 0 : i32
      %lt3A_503 = arith.cmpi slt, %select_n3A_496, %lt3A_502 : i32
      %ne3A_504 = arith.xori %lt3A_501, %lt3A_503 : i1
      %and3A_505 = arith.andi %ne3A_504, %ne3A_499 : i1
      %add3A_506 = arith.addi %rem3A_497, %select_n3A_496 : i32
      %select_n3A_507 = arith.select %and3A_505, %add3A_506, %rem3A_497 : i32
      %mul3A_508 = arith.constant 8 : i32
      %mul3A_509 = arith.muli %select_n3A_491, %mul3A_508 : i32
      %add3A_510 = arith.addi %mul3A_509, %select_n3A_507 : i32
      %lt3A_511 = arith.constant 224 : i32
      %lt3A_512 = arith.cmpi slt, %add3A_427, %lt3A_511 : i32
      %lt3A_513 = arith.constant 50 : i32
      %lt3A_514 = arith.cmpi slt, %add3A_510, %lt3A_513 : i32
      %and3A_515 = arith.andi %lt3A_512, %lt3A_514 : i1
      %convert_element_type3A_516 = arith.extui %and3A_515 : i1 to i32
      %cond3A_517 = arith.constant 0 : i32
      %cond3A_518 = arith.cmpi ne, %convert_element_type3A_516, %cond3A_517 : i32
      scf.if %cond3A_518 {
        %jit3A_1549 = arith.constant 56 : i32
        %div3A_1550 = arith.divsi %add3A_427, %jit3A_1549 : i32
        %sign3A_1551 = arith.constant 0 : i32
        %sign3A_1552 = arith.cmpi sgt, %add3A_427, %sign3A_1551 : i32
        %sign3A_1553 = arith.extui %sign3A_1552 : i1 to i32
        %sign3A_1554 = arith.constant 0 : i32
        %sign3A_1555 = arith.cmpi slt, %add3A_427, %sign3A_1554 : i32
        %sign3A_1556 = arith.extui %sign3A_1555 : i1 to i32
        %sign3A_1557 = arith.subi %sign3A_1553, %sign3A_1556 : i32
        %sign3A_1558 = arith.constant 0 : i32
        %sign3A_1559 = arith.cmpi sgt, %jit3A_1549, %sign3A_1558 : i32
        %sign3A_1560 = arith.extui %sign3A_1559 : i1 to i32
        %sign3A_1561 = arith.constant 0 : i32
        %sign3A_1562 = arith.cmpi slt, %jit3A_1549, %sign3A_1561 : i32
        %sign3A_1563 = arith.extui %sign3A_1562 : i1 to i32
        %sign3A_1564 = arith.subi %sign3A_1560, %sign3A_1563 : i32
        %ne3A_1565 = arith.cmpi ne, %sign3A_1557, %sign3A_1564 : i32
        %rem3A_1566 = arith.remsi %add3A_427, %jit3A_1549 : i32
        %ne3A_1567 = arith.constant 0 : i32
        %ne3A_1568 = arith.cmpi ne, %rem3A_1566, %ne3A_1567 : i32
        %and3A_1569 = arith.andi %ne3A_1565, %ne3A_1568 : i1
        %sub3A_1570 = arith.constant 1 : i32
        %sub3A_1571 = arith.subi %div3A_1550, %sub3A_1570 : i32
        %select_n3A_1572 = arith.select %and3A_1569, %sub3A_1571, %div3A_1550 : i32
        %jit3A_1573 = arith.constant 8 : i32
        %div3A_1574 = arith.divsi %add3A_427, %jit3A_1573 : i32
        %sign3A_1575 = arith.constant 0 : i32
        %sign3A_1576 = arith.cmpi sgt, %add3A_427, %sign3A_1575 : i32
        %sign3A_1577 = arith.extui %sign3A_1576 : i1 to i32
        %sign3A_1578 = arith.constant 0 : i32
        %sign3A_1579 = arith.cmpi slt, %add3A_427, %sign3A_1578 : i32
        %sign3A_1580 = arith.extui %sign3A_1579 : i1 to i32
        %sign3A_1581 = arith.subi %sign3A_1577, %sign3A_1580 : i32
        %sign3A_1582 = arith.constant 0 : i32
        %sign3A_1583 = arith.cmpi sgt, %jit3A_1573, %sign3A_1582 : i32
        %sign3A_1584 = arith.extui %sign3A_1583 : i1 to i32
        %sign3A_1585 = arith.constant 0 : i32
        %sign3A_1586 = arith.cmpi slt, %jit3A_1573, %sign3A_1585 : i32
        %sign3A_1587 = arith.extui %sign3A_1586 : i1 to i32
        %sign3A_1588 = arith.subi %sign3A_1584, %sign3A_1587 : i32
        %ne3A_1589 = arith.cmpi ne, %sign3A_1581, %sign3A_1588 : i32
        %rem3A_1590 = arith.remsi %add3A_427, %jit3A_1573 : i32
        %ne3A_1591 = arith.constant 0 : i32
        %ne3A_1592 = arith.cmpi ne, %rem3A_1590, %ne3A_1591 : i32
        %and3A_1593 = arith.andi %ne3A_1589, %ne3A_1592 : i1
        %sub3A_1594 = arith.constant 1 : i32
        %sub3A_1595 = arith.subi %div3A_1574, %sub3A_1594 : i32
        %select_n3A_1596 = arith.select %and3A_1593, %sub3A_1595, %div3A_1574 : i32
        %jit3A_1597 = arith.constant 7 : i32
        %eq3A_1598 = arith.constant 0 : i32
        %eq3A_1599 = arith.cmpi eq, %jit3A_1597, %eq3A_1598 : i32
        %jit3A_1600 = arith.constant 1 : i32
        %select_n3A_1601 = arith.select %eq3A_1599, %jit3A_1600, %jit3A_1597 : i32
        %rem3A_1602 = arith.remsi %select_n3A_1596, %select_n3A_1601 : i32
        %ne3A_1603 = arith.constant 0 : i32
        %ne3A_1604 = arith.cmpi ne, %rem3A_1602, %ne3A_1603 : i32
        %lt3A_1605 = arith.constant 0 : i32
        %lt3A_1606 = arith.cmpi slt, %rem3A_1602, %lt3A_1605 : i32
        %lt3A_1607 = arith.constant 0 : i32
        %lt3A_1608 = arith.cmpi slt, %select_n3A_1601, %lt3A_1607 : i32
        %ne3A_1609 = arith.xori %lt3A_1606, %lt3A_1608 : i1
        %and3A_1610 = arith.andi %ne3A_1609, %ne3A_1604 : i1
        %add3A_1611 = arith.addi %rem3A_1602, %select_n3A_1601 : i32
        %select_n3A_1612 = arith.select %and3A_1610, %add3A_1611, %rem3A_1602 : i32
        %jit3A_1613 = arith.constant 8 : i32
        %eq3A_1614 = arith.constant 0 : i32
        %eq3A_1615 = arith.cmpi eq, %jit3A_1613, %eq3A_1614 : i32
        %jit3A_1616 = arith.constant 1 : i32
        %select_n3A_1617 = arith.select %eq3A_1615, %jit3A_1616, %jit3A_1613 : i32
        %rem3A_1618 = arith.remsi %add3A_427, %select_n3A_1617 : i32
        %ne3A_1619 = arith.constant 0 : i32
        %ne3A_1620 = arith.cmpi ne, %rem3A_1618, %ne3A_1619 : i32
        %lt3A_1621 = arith.constant 0 : i32
        %lt3A_1622 = arith.cmpi slt, %rem3A_1618, %lt3A_1621 : i32
        %lt3A_1623 = arith.constant 0 : i32
        %lt3A_1624 = arith.cmpi slt, %select_n3A_1617, %lt3A_1623 : i32
        %ne3A_1625 = arith.xori %lt3A_1622, %lt3A_1624 : i1
        %and3A_1626 = arith.andi %ne3A_1625, %ne3A_1620 : i1
        %add3A_1627 = arith.addi %rem3A_1618, %select_n3A_1617 : i32
        %select_n3A_1628 = arith.select %and3A_1626, %add3A_1627, %rem3A_1618 : i32
        %mul3A_1629 = arith.constant 8 : i32
        %mul3A_1630 = arith.muli %select_n3A_1612, %mul3A_1629 : i32
        %add3A_1631 = arith.addi %mul3A_1630, %select_n3A_1628 : i32
        %mul3A_1632 = arith.constant 128 : i32
        %mul3A_1633 = arith.muli %select_n3A_1572, %mul3A_1632 : i32
        %dma_wait3A = tpu.memref_slice %arg6[%select_n3A_1612, %select_n3A_1628, %mul3A_1633] : memref<7x8x512xi32, #tpu.memory_space<vmem>> -> memref<1x1x128xi32, #tpu.memory_space<vmem>>
        %dma_wait3A_1634 = tpu.memref_squeeze %dma_wait3A : memref<1x1x128xi32, #tpu.memory_space<vmem>> -> memref<128xi32, #tpu.memory_space<vmem>>
        %dma_wait3A_1635 = arith.constant 0 : i32
        %dma_wait3A_1636 = arith.constant 0 : i32
        %dma_wait3A_1637 = tpu.memref_slice %arg5[%dma_wait3A_1635, %dma_wait3A_1636] : memref<1008x128xf32, #tpu.memory_space<vmem_shared>> -> memref<1008x128xf32, #tpu.memory_space<vmem_shared>>
        tpu.wait_indirect_dma semaphore(%arg14 : memref<!tpu.dma_semaphore, #tpu.memory_space<semaphore_mem>>) src(%dma_wait3A_1637 : memref<1008x128xf32, #tpu.memory_space<vmem_shared>>) dst(%arg8 : memref<128x128xf32, #tpu.memory_space<vmem>>)
      } else {
      }
      %add3A_519 = arith.constant 3 : i32
      %add3A_520 = arith.addi %add3A_427, %add3A_519 : i32
      %jit3A_521 = arith.constant 56 : i32
      %div3A_522 = arith.divsi %add3A_520, %jit3A_521 : i32
      %sign3A_523 = arith.constant 0 : i32
      %sign3A_524 = arith.cmpi sgt, %add3A_520, %sign3A_523 : i32
      %sign3A_525 = arith.extui %sign3A_524 : i1 to i32
      %sign3A_526 = arith.constant 0 : i32
      %sign3A_527 = arith.cmpi slt, %add3A_520, %sign3A_526 : i32
      %sign3A_528 = arith.extui %sign3A_527 : i1 to i32
      %sign3A_529 = arith.subi %sign3A_525, %sign3A_528 : i32
      %sign3A_530 = arith.constant 0 : i32
      %sign3A_531 = arith.cmpi sgt, %jit3A_521, %sign3A_530 : i32
      %sign3A_532 = arith.extui %sign3A_531 : i1 to i32
      %sign3A_533 = arith.constant 0 : i32
      %sign3A_534 = arith.cmpi slt, %jit3A_521, %sign3A_533 : i32
      %sign3A_535 = arith.extui %sign3A_534 : i1 to i32
      %sign3A_536 = arith.subi %sign3A_532, %sign3A_535 : i32
      %ne3A_537 = arith.cmpi ne, %sign3A_529, %sign3A_536 : i32
      %rem3A_538 = arith.remsi %add3A_520, %jit3A_521 : i32
      %ne3A_539 = arith.constant 0 : i32
      %ne3A_540 = arith.cmpi ne, %rem3A_538, %ne3A_539 : i32
      %and3A_541 = arith.andi %ne3A_537, %ne3A_540 : i1
      %sub3A_542 = arith.constant 1 : i32
      %sub3A_543 = arith.subi %div3A_522, %sub3A_542 : i32
      %select_n3A_544 = arith.select %and3A_541, %sub3A_543, %div3A_522 : i32
      %jit3A_545 = arith.constant 8 : i32
      %div3A_546 = arith.divsi %add3A_520, %jit3A_545 : i32
      %sign3A_547 = arith.constant 0 : i32
      %sign3A_548 = arith.cmpi sgt, %add3A_520, %sign3A_547 : i32
      %sign3A_549 = arith.extui %sign3A_548 : i1 to i32
      %sign3A_550 = arith.constant 0 : i32
      %sign3A_551 = arith.cmpi slt, %add3A_520, %sign3A_550 : i32
      %sign3A_552 = arith.extui %sign3A_551 : i1 to i32
      %sign3A_553 = arith.subi %sign3A_549, %sign3A_552 : i32
      %sign3A_554 = arith.constant 0 : i32
      %sign3A_555 = arith.cmpi sgt, %jit3A_545, %sign3A_554 : i32
      %sign3A_556 = arith.extui %sign3A_555 : i1 to i32
      %sign3A_557 = arith.constant 0 : i32
      %sign3A_558 = arith.cmpi slt, %jit3A_545, %sign3A_557 : i32
      %sign3A_559 = arith.extui %sign3A_558 : i1 to i32
      %sign3A_560 = arith.subi %sign3A_556, %sign3A_559 : i32
      %ne3A_561 = arith.cmpi ne, %sign3A_553, %sign3A_560 : i32
      %rem3A_562 = arith.remsi %add3A_520, %jit3A_545 : i32
      %ne3A_563 = arith.constant 0 : i32
      %ne3A_564 = arith.cmpi ne, %rem3A_562, %ne3A_563 : i32
      %and3A_565 = arith.andi %ne3A_561, %ne3A_564 : i1
      %sub3A_566 = arith.constant 1 : i32
      %sub3A_567 = arith.subi %div3A_546, %sub3A_566 : i32
      %select_n3A_568 = arith.select %and3A_565, %sub3A_567, %div3A_546 : i32
      %jit3A_569 = arith.constant 7 : i32
      %eq3A_570 = arith.constant 0 : i32
      %eq3A_571 = arith.cmpi eq, %jit3A_569, %eq3A_570 : i32
      %jit3A_572 = arith.constant 1 : i32
      %select_n3A_573 = arith.select %eq3A_571, %jit3A_572, %jit3A_569 : i32
      %rem3A_574 = arith.remsi %select_n3A_568, %select_n3A_573 : i32
      %ne3A_575 = arith.constant 0 : i32
      %ne3A_576 = arith.cmpi ne, %rem3A_574, %ne3A_575 : i32
      %lt3A_577 = arith.constant 0 : i32
      %lt3A_578 = arith.cmpi slt, %rem3A_574, %lt3A_577 : i32
      %lt3A_579 = arith.constant 0 : i32
      %lt3A_580 = arith.cmpi slt, %select_n3A_573, %lt3A_579 : i32
      %ne3A_581 = arith.xori %lt3A_578, %lt3A_580 : i1
      %and3A_582 = arith.andi %ne3A_581, %ne3A_576 : i1
      %add3A_583 = arith.addi %rem3A_574, %select_n3A_573 : i32
      %select_n3A_584 = arith.select %and3A_582, %add3A_583, %rem3A_574 : i32
      %jit3A_585 = arith.constant 8 : i32
      %eq3A_586 = arith.constant 0 : i32
      %eq3A_587 = arith.cmpi eq, %jit3A_585, %eq3A_586 : i32
      %jit3A_588 = arith.constant 1 : i32
      %select_n3A_589 = arith.select %eq3A_587, %jit3A_588, %jit3A_585 : i32
      %rem3A_590 = arith.remsi %add3A_520, %select_n3A_589 : i32
      %ne3A_591 = arith.constant 0 : i32
      %ne3A_592 = arith.cmpi ne, %rem3A_590, %ne3A_591 : i32
      %lt3A_593 = arith.constant 0 : i32
      %lt3A_594 = arith.cmpi slt, %rem3A_590, %lt3A_593 : i32
      %lt3A_595 = arith.constant 0 : i32
      %lt3A_596 = arith.cmpi slt, %select_n3A_589, %lt3A_595 : i32
      %ne3A_597 = arith.xori %lt3A_594, %lt3A_596 : i1
      %and3A_598 = arith.andi %ne3A_597, %ne3A_592 : i1
      %add3A_599 = arith.addi %rem3A_590, %select_n3A_589 : i32
      %select_n3A_600 = arith.select %and3A_598, %add3A_599, %rem3A_590 : i32
      %mul3A_601 = arith.constant 8 : i32
      %mul3A_602 = arith.muli %select_n3A_584, %mul3A_601 : i32
      %add3A_603 = arith.addi %mul3A_602, %select_n3A_600 : i32
      %lt3A_604 = arith.constant 224 : i32
      %lt3A_605 = arith.cmpi slt, %add3A_520, %lt3A_604 : i32
      %lt3A_606 = arith.constant 50 : i32
      %lt3A_607 = arith.cmpi slt, %add3A_603, %lt3A_606 : i32
      %and3A_608 = arith.andi %lt3A_605, %lt3A_607 : i1
      %convert_element_type3A_609 = arith.extui %and3A_608 : i1 to i32
      %cond3A_610 = arith.constant 0 : i32
      %cond3A_611 = arith.cmpi ne, %convert_element_type3A_609, %cond3A_610 : i32
      scf.if %cond3A_611 {
        %add3A_1549 = arith.constant 3 : i32
        %add3A_1550 = arith.addi %add3A_427, %add3A_1549 : i32
        %jit3A_1551 = arith.constant 56 : i32
        %div3A_1552 = arith.divsi %add3A_1550, %jit3A_1551 : i32
        %sign3A_1553 = arith.constant 0 : i32
        %sign3A_1554 = arith.cmpi sgt, %add3A_1550, %sign3A_1553 : i32
        %sign3A_1555 = arith.extui %sign3A_1554 : i1 to i32
        %sign3A_1556 = arith.constant 0 : i32
        %sign3A_1557 = arith.cmpi slt, %add3A_1550, %sign3A_1556 : i32
        %sign3A_1558 = arith.extui %sign3A_1557 : i1 to i32
        %sign3A_1559 = arith.subi %sign3A_1555, %sign3A_1558 : i32
        %sign3A_1560 = arith.constant 0 : i32
        %sign3A_1561 = arith.cmpi sgt, %jit3A_1551, %sign3A_1560 : i32
        %sign3A_1562 = arith.extui %sign3A_1561 : i1 to i32
        %sign3A_1563 = arith.constant 0 : i32
        %sign3A_1564 = arith.cmpi slt, %jit3A_1551, %sign3A_1563 : i32
        %sign3A_1565 = arith.extui %sign3A_1564 : i1 to i32
        %sign3A_1566 = arith.subi %sign3A_1562, %sign3A_1565 : i32
        %ne3A_1567 = arith.cmpi ne, %sign3A_1559, %sign3A_1566 : i32
        %rem3A_1568 = arith.remsi %add3A_1550, %jit3A_1551 : i32
        %ne3A_1569 = arith.constant 0 : i32
        %ne3A_1570 = arith.cmpi ne, %rem3A_1568, %ne3A_1569 : i32
        %and3A_1571 = arith.andi %ne3A_1567, %ne3A_1570 : i1
        %sub3A_1572 = arith.constant 1 : i32
        %sub3A_1573 = arith.subi %div3A_1552, %sub3A_1572 : i32
        %select_n3A_1574 = arith.select %and3A_1571, %sub3A_1573, %div3A_1552 : i32
        %jit3A_1575 = arith.constant 8 : i32
        %div3A_1576 = arith.divsi %add3A_1550, %jit3A_1575 : i32
        %sign3A_1577 = arith.constant 0 : i32
        %sign3A_1578 = arith.cmpi sgt, %add3A_1550, %sign3A_1577 : i32
        %sign3A_1579 = arith.extui %sign3A_1578 : i1 to i32
        %sign3A_1580 = arith.constant 0 : i32
        %sign3A_1581 = arith.cmpi slt, %add3A_1550, %sign3A_1580 : i32
        %sign3A_1582 = arith.extui %sign3A_1581 : i1 to i32
        %sign3A_1583 = arith.subi %sign3A_1579, %sign3A_1582 : i32
        %sign3A_1584 = arith.constant 0 : i32
        %sign3A_1585 = arith.cmpi sgt, %jit3A_1575, %sign3A_1584 : i32
        %sign3A_1586 = arith.extui %sign3A_1585 : i1 to i32
        %sign3A_1587 = arith.constant 0 : i32
        %sign3A_1588 = arith.cmpi slt, %jit3A_1575, %sign3A_1587 : i32
        %sign3A_1589 = arith.extui %sign3A_1588 : i1 to i32
        %sign3A_1590 = arith.subi %sign3A_1586, %sign3A_1589 : i32
        %ne3A_1591 = arith.cmpi ne, %sign3A_1583, %sign3A_1590 : i32
        %rem3A_1592 = arith.remsi %add3A_1550, %jit3A_1575 : i32
        %ne3A_1593 = arith.constant 0 : i32
        %ne3A_1594 = arith.cmpi ne, %rem3A_1592, %ne3A_1593 : i32
        %and3A_1595 = arith.andi %ne3A_1591, %ne3A_1594 : i1
        %sub3A_1596 = arith.constant 1 : i32
        %sub3A_1597 = arith.subi %div3A_1576, %sub3A_1596 : i32
        %select_n3A_1598 = arith.select %and3A_1595, %sub3A_1597, %div3A_1576 : i32
        %jit3A_1599 = arith.constant 7 : i32
        %eq3A_1600 = arith.constant 0 : i32
        %eq3A_1601 = arith.cmpi eq, %jit3A_1599, %eq3A_1600 : i32
        %jit3A_1602 = arith.constant 1 : i32
        %select_n3A_1603 = arith.select %eq3A_1601, %jit3A_1602, %jit3A_1599 : i32
        %rem3A_1604 = arith.remsi %select_n3A_1598, %select_n3A_1603 : i32
        %ne3A_1605 = arith.constant 0 : i32
        %ne3A_1606 = arith.cmpi ne, %rem3A_1604, %ne3A_1605 : i32
        %lt3A_1607 = arith.constant 0 : i32
        %lt3A_1608 = arith.cmpi slt, %rem3A_1604, %lt3A_1607 : i32
        %lt3A_1609 = arith.constant 0 : i32
        %lt3A_1610 = arith.cmpi slt, %select_n3A_1603, %lt3A_1609 : i32
        %ne3A_1611 = arith.xori %lt3A_1608, %lt3A_1610 : i1
        %and3A_1612 = arith.andi %ne3A_1611, %ne3A_1606 : i1
        %add3A_1613 = arith.addi %rem3A_1604, %select_n3A_1603 : i32
        %select_n3A_1614 = arith.select %and3A_1612, %add3A_1613, %rem3A_1604 : i32
        %jit3A_1615 = arith.constant 8 : i32
        %eq3A_1616 = arith.constant 0 : i32
        %eq3A_1617 = arith.cmpi eq, %jit3A_1615, %eq3A_1616 : i32
        %jit3A_1618 = arith.constant 1 : i32
        %select_n3A_1619 = arith.select %eq3A_1617, %jit3A_1618, %jit3A_1615 : i32
        %rem3A_1620 = arith.remsi %add3A_1550, %select_n3A_1619 : i32
        %ne3A_1621 = arith.constant 0 : i32
        %ne3A_1622 = arith.cmpi ne, %rem3A_1620, %ne3A_1621 : i32
        %lt3A_1623 = arith.constant 0 : i32
        %lt3A_1624 = arith.cmpi slt, %rem3A_1620, %lt3A_1623 : i32
        %lt3A_1625 = arith.constant 0 : i32
        %lt3A_1626 = arith.cmpi slt, %select_n3A_1619, %lt3A_1625 : i32
        %ne3A_1627 = arith.xori %lt3A_1624, %lt3A_1626 : i1
        %and3A_1628 = arith.andi %ne3A_1627, %ne3A_1622 : i1
        %add3A_1629 = arith.addi %rem3A_1620, %select_n3A_1619 : i32
        %select_n3A_1630 = arith.select %and3A_1628, %add3A_1629, %rem3A_1620 : i32
        %mul3A_1631 = arith.constant 8 : i32
        %mul3A_1632 = arith.muli %select_n3A_1614, %mul3A_1631 : i32
        %add3A_1633 = arith.addi %mul3A_1632, %select_n3A_1630 : i32
        %mul3A_1634 = arith.constant 128 : i32
        %mul3A_1635 = arith.muli %select_n3A_1574, %mul3A_1634 : i32
        %dma_start3A = tpu.memref_slice %arg6[%select_n3A_1614, %select_n3A_1630, %mul3A_1635] : memref<7x8x512xi32, #tpu.memory_space<vmem>> -> memref<1x1x128xi32, #tpu.memory_space<vmem>>
        %dma_start3A_1636 = tpu.memref_squeeze %dma_start3A : memref<1x1x128xi32, #tpu.memory_space<vmem>> -> memref<128xi32, #tpu.memory_space<vmem>>
        %dma_start3A_1637 = arith.constant 0 : i32
        %dma_start3A_1638 = arith.constant 0 : i32
        %dma_start3A_1639 = tpu.memref_slice %arg5[%dma_start3A_1637, %dma_start3A_1638] : memref<1008x128xf32, #tpu.memory_space<vmem_shared>> -> memref<1008x128xf32, #tpu.memory_space<vmem_shared>>
        tpu.enqueue_indirect_dma source(%dma_start3A_1639 : memref<1008x128xf32, #tpu.memory_space<vmem_shared>>) target(%arg7 : memref<128x128xf32, #tpu.memory_space<vmem>>) offsets(%dma_start3A_1636 : memref<128xi32, #tpu.memory_space<vmem>>) semaphore(%arg13 : memref<!tpu.dma_semaphore, #tpu.memory_space<semaphore_mem>>)
      } else {
      }
      %ge3A_612 = arith.constant 2 : i32
      %ge3A_613 = arith.cmpi sge, %add3A_427, %ge3A_612 : i32
      %sub3A_614 = arith.constant 2 : i32
      %sub3A_615 = arith.subi %add3A_427, %sub3A_614 : i32
      %jit3A_616 = arith.constant 56 : i32
      %div3A_617 = arith.divsi %sub3A_615, %jit3A_616 : i32
      %sign3A_618 = arith.constant 0 : i32
      %sign3A_619 = arith.cmpi sgt, %sub3A_615, %sign3A_618 : i32
      %sign3A_620 = arith.extui %sign3A_619 : i1 to i32
      %sign3A_621 = arith.constant 0 : i32
      %sign3A_622 = arith.cmpi slt, %sub3A_615, %sign3A_621 : i32
      %sign3A_623 = arith.extui %sign3A_622 : i1 to i32
      %sign3A_624 = arith.subi %sign3A_620, %sign3A_623 : i32
      %sign3A_625 = arith.constant 0 : i32
      %sign3A_626 = arith.cmpi sgt, %jit3A_616, %sign3A_625 : i32
      %sign3A_627 = arith.extui %sign3A_626 : i1 to i32
      %sign3A_628 = arith.constant 0 : i32
      %sign3A_629 = arith.cmpi slt, %jit3A_616, %sign3A_628 : i32
      %sign3A_630 = arith.extui %sign3A_629 : i1 to i32
      %sign3A_631 = arith.subi %sign3A_627, %sign3A_630 : i32
      %ne3A_632 = arith.cmpi ne, %sign3A_624, %sign3A_631 : i32
      %rem3A_633 = arith.remsi %sub3A_615, %jit3A_616 : i32
      %ne3A_634 = arith.constant 0 : i32
      %ne3A_635 = arith.cmpi ne, %rem3A_633, %ne3A_634 : i32
      %and3A_636 = arith.andi %ne3A_632, %ne3A_635 : i1
      %sub3A_637 = arith.constant 1 : i32
      %sub3A_638 = arith.subi %div3A_617, %sub3A_637 : i32
      %select_n3A_639 = arith.select %and3A_636, %sub3A_638, %div3A_617 : i32
      %jit3A_640 = arith.constant 8 : i32
      %div3A_641 = arith.divsi %sub3A_615, %jit3A_640 : i32
      %sign3A_642 = arith.constant 0 : i32
      %sign3A_643 = arith.cmpi sgt, %sub3A_615, %sign3A_642 : i32
      %sign3A_644 = arith.extui %sign3A_643 : i1 to i32
      %sign3A_645 = arith.constant 0 : i32
      %sign3A_646 = arith.cmpi slt, %sub3A_615, %sign3A_645 : i32
      %sign3A_647 = arith.extui %sign3A_646 : i1 to i32
      %sign3A_648 = arith.subi %sign3A_644, %sign3A_647 : i32
      %sign3A_649 = arith.constant 0 : i32
      %sign3A_650 = arith.cmpi sgt, %jit3A_640, %sign3A_649 : i32
      %sign3A_651 = arith.extui %sign3A_650 : i1 to i32
      %sign3A_652 = arith.constant 0 : i32
      %sign3A_653 = arith.cmpi slt, %jit3A_640, %sign3A_652 : i32
      %sign3A_654 = arith.extui %sign3A_653 : i1 to i32
      %sign3A_655 = arith.subi %sign3A_651, %sign3A_654 : i32
      %ne3A_656 = arith.cmpi ne, %sign3A_648, %sign3A_655 : i32
      %rem3A_657 = arith.remsi %sub3A_615, %jit3A_640 : i32
      %ne3A_658 = arith.constant 0 : i32
      %ne3A_659 = arith.cmpi ne, %rem3A_657, %ne3A_658 : i32
      %and3A_660 = arith.andi %ne3A_656, %ne3A_659 : i1
      %sub3A_661 = arith.constant 1 : i32
      %sub3A_662 = arith.subi %div3A_641, %sub3A_661 : i32
      %select_n3A_663 = arith.select %and3A_660, %sub3A_662, %div3A_641 : i32
      %jit3A_664 = arith.constant 7 : i32
      %eq3A_665 = arith.constant 0 : i32
      %eq3A_666 = arith.cmpi eq, %jit3A_664, %eq3A_665 : i32
      %jit3A_667 = arith.constant 1 : i32
      %select_n3A_668 = arith.select %eq3A_666, %jit3A_667, %jit3A_664 : i32
      %rem3A_669 = arith.remsi %select_n3A_663, %select_n3A_668 : i32
      %ne3A_670 = arith.constant 0 : i32
      %ne3A_671 = arith.cmpi ne, %rem3A_669, %ne3A_670 : i32
      %lt3A_672 = arith.constant 0 : i32
      %lt3A_673 = arith.cmpi slt, %rem3A_669, %lt3A_672 : i32
      %lt3A_674 = arith.constant 0 : i32
      %lt3A_675 = arith.cmpi slt, %select_n3A_668, %lt3A_674 : i32
      %ne3A_676 = arith.xori %lt3A_673, %lt3A_675 : i1
      %and3A_677 = arith.andi %ne3A_676, %ne3A_671 : i1
      %add3A_678 = arith.addi %rem3A_669, %select_n3A_668 : i32
      %select_n3A_679 = arith.select %and3A_677, %add3A_678, %rem3A_669 : i32
      %jit3A_680 = arith.constant 8 : i32
      %eq3A_681 = arith.constant 0 : i32
      %eq3A_682 = arith.cmpi eq, %jit3A_680, %eq3A_681 : i32
      %jit3A_683 = arith.constant 1 : i32
      %select_n3A_684 = arith.select %eq3A_682, %jit3A_683, %jit3A_680 : i32
      %rem3A_685 = arith.remsi %sub3A_615, %select_n3A_684 : i32
      %ne3A_686 = arith.constant 0 : i32
      %ne3A_687 = arith.cmpi ne, %rem3A_685, %ne3A_686 : i32
      %lt3A_688 = arith.constant 0 : i32
      %lt3A_689 = arith.cmpi slt, %rem3A_685, %lt3A_688 : i32
      %lt3A_690 = arith.constant 0 : i32
      %lt3A_691 = arith.cmpi slt, %select_n3A_684, %lt3A_690 : i32
      %ne3A_692 = arith.xori %lt3A_689, %lt3A_691 : i1
      %and3A_693 = arith.andi %ne3A_692, %ne3A_687 : i1
      %add3A_694 = arith.addi %rem3A_685, %select_n3A_684 : i32
      %select_n3A_695 = arith.select %and3A_693, %add3A_694, %rem3A_685 : i32
      %mul3A_696 = arith.constant 8 : i32
      %mul3A_697 = arith.muli %select_n3A_679, %mul3A_696 : i32
      %add3A_698 = arith.addi %mul3A_697, %select_n3A_695 : i32
      %lt3A_699 = arith.constant 224 : i32
      %lt3A_700 = arith.cmpi slt, %sub3A_615, %lt3A_699 : i32
      %lt3A_701 = arith.constant 50 : i32
      %lt3A_702 = arith.cmpi slt, %add3A_698, %lt3A_701 : i32
      %and3A_703 = arith.andi %lt3A_700, %lt3A_702 : i1
      %and3A_704 = arith.andi %ge3A_613, %and3A_703 : i1
      %convert_element_type3A_705 = arith.extui %and3A_704 : i1 to i32
      %cond3A_706 = arith.constant 0 : i32
      %cond3A_707 = arith.cmpi ne, %convert_element_type3A_705, %cond3A_706 : i32
      scf.if %cond3A_707 {
        %sub3A_1549 = arith.constant 2 : i32
        %sub3A_1550 = arith.subi %add3A_427, %sub3A_1549 : i32
        %jit3A_1551 = arith.constant 56 : i32
        %div3A_1552 = arith.divsi %sub3A_1550, %jit3A_1551 : i32
        %sign3A_1553 = arith.constant 0 : i32
        %sign3A_1554 = arith.cmpi sgt, %sub3A_1550, %sign3A_1553 : i32
        %sign3A_1555 = arith.extui %sign3A_1554 : i1 to i32
        %sign3A_1556 = arith.constant 0 : i32
        %sign3A_1557 = arith.cmpi slt, %sub3A_1550, %sign3A_1556 : i32
        %sign3A_1558 = arith.extui %sign3A_1557 : i1 to i32
        %sign3A_1559 = arith.subi %sign3A_1555, %sign3A_1558 : i32
        %sign3A_1560 = arith.constant 0 : i32
        %sign3A_1561 = arith.cmpi sgt, %jit3A_1551, %sign3A_1560 : i32
        %sign3A_1562 = arith.extui %sign3A_1561 : i1 to i32
        %sign3A_1563 = arith.constant 0 : i32
        %sign3A_1564 = arith.cmpi slt, %jit3A_1551, %sign3A_1563 : i32
        %sign3A_1565 = arith.extui %sign3A_1564 : i1 to i32
        %sign3A_1566 = arith.subi %sign3A_1562, %sign3A_1565 : i32
        %ne3A_1567 = arith.cmpi ne, %sign3A_1559, %sign3A_1566 : i32
        %rem3A_1568 = arith.remsi %sub3A_1550, %jit3A_1551 : i32
        %ne3A_1569 = arith.constant 0 : i32
        %ne3A_1570 = arith.cmpi ne, %rem3A_1568, %ne3A_1569 : i32
        %and3A_1571 = arith.andi %ne3A_1567, %ne3A_1570 : i1
        %sub3A_1572 = arith.constant 1 : i32
        %sub3A_1573 = arith.subi %div3A_1552, %sub3A_1572 : i32
        %select_n3A_1574 = arith.select %and3A_1571, %sub3A_1573, %div3A_1552 : i32
        %jit3A_1575 = arith.constant 8 : i32
        %div3A_1576 = arith.divsi %sub3A_1550, %jit3A_1575 : i32
        %sign3A_1577 = arith.constant 0 : i32
        %sign3A_1578 = arith.cmpi sgt, %sub3A_1550, %sign3A_1577 : i32
        %sign3A_1579 = arith.extui %sign3A_1578 : i1 to i32
        %sign3A_1580 = arith.constant 0 : i32
        %sign3A_1581 = arith.cmpi slt, %sub3A_1550, %sign3A_1580 : i32
        %sign3A_1582 = arith.extui %sign3A_1581 : i1 to i32
        %sign3A_1583 = arith.subi %sign3A_1579, %sign3A_1582 : i32
        %sign3A_1584 = arith.constant 0 : i32
        %sign3A_1585 = arith.cmpi sgt, %jit3A_1575, %sign3A_1584 : i32
        %sign3A_1586 = arith.extui %sign3A_1585 : i1 to i32
        %sign3A_1587 = arith.constant 0 : i32
        %sign3A_1588 = arith.cmpi slt, %jit3A_1575, %sign3A_1587 : i32
        %sign3A_1589 = arith.extui %sign3A_1588 : i1 to i32
        %sign3A_1590 = arith.subi %sign3A_1586, %sign3A_1589 : i32
        %ne3A_1591 = arith.cmpi ne, %sign3A_1583, %sign3A_1590 : i32
        %rem3A_1592 = arith.remsi %sub3A_1550, %jit3A_1575 : i32
        %ne3A_1593 = arith.constant 0 : i32
        %ne3A_1594 = arith.cmpi ne, %rem3A_1592, %ne3A_1593 : i32
        %and3A_1595 = arith.andi %ne3A_1591, %ne3A_1594 : i1
        %sub3A_1596 = arith.constant 1 : i32
        %sub3A_1597 = arith.subi %div3A_1576, %sub3A_1596 : i32
        %select_n3A_1598 = arith.select %and3A_1595, %sub3A_1597, %div3A_1576 : i32
        %jit3A_1599 = arith.constant 7 : i32
        %eq3A_1600 = arith.constant 0 : i32
        %eq3A_1601 = arith.cmpi eq, %jit3A_1599, %eq3A_1600 : i32
        %jit3A_1602 = arith.constant 1 : i32
        %select_n3A_1603 = arith.select %eq3A_1601, %jit3A_1602, %jit3A_1599 : i32
        %rem3A_1604 = arith.remsi %select_n3A_1598, %select_n3A_1603 : i32
        %ne3A_1605 = arith.constant 0 : i32
        %ne3A_1606 = arith.cmpi ne, %rem3A_1604, %ne3A_1605 : i32
        %lt3A_1607 = arith.constant 0 : i32
        %lt3A_1608 = arith.cmpi slt, %rem3A_1604, %lt3A_1607 : i32
        %lt3A_1609 = arith.constant 0 : i32
        %lt3A_1610 = arith.cmpi slt, %select_n3A_1603, %lt3A_1609 : i32
        %ne3A_1611 = arith.xori %lt3A_1608, %lt3A_1610 : i1
        %and3A_1612 = arith.andi %ne3A_1611, %ne3A_1606 : i1
        %add3A_1613 = arith.addi %rem3A_1604, %select_n3A_1603 : i32
        %select_n3A_1614 = arith.select %and3A_1612, %add3A_1613, %rem3A_1604 : i32
        %jit3A_1615 = arith.constant 8 : i32
        %eq3A_1616 = arith.constant 0 : i32
        %eq3A_1617 = arith.cmpi eq, %jit3A_1615, %eq3A_1616 : i32
        %jit3A_1618 = arith.constant 1 : i32
        %select_n3A_1619 = arith.select %eq3A_1617, %jit3A_1618, %jit3A_1615 : i32
        %rem3A_1620 = arith.remsi %sub3A_1550, %select_n3A_1619 : i32
        %ne3A_1621 = arith.constant 0 : i32
        %ne3A_1622 = arith.cmpi ne, %rem3A_1620, %ne3A_1621 : i32
        %lt3A_1623 = arith.constant 0 : i32
        %lt3A_1624 = arith.cmpi slt, %rem3A_1620, %lt3A_1623 : i32
        %lt3A_1625 = arith.constant 0 : i32
        %lt3A_1626 = arith.cmpi slt, %select_n3A_1619, %lt3A_1625 : i32
        %ne3A_1627 = arith.xori %lt3A_1624, %lt3A_1626 : i1
        %and3A_1628 = arith.andi %ne3A_1627, %ne3A_1622 : i1
        %add3A_1629 = arith.addi %rem3A_1620, %select_n3A_1619 : i32
        %select_n3A_1630 = arith.select %and3A_1628, %add3A_1629, %rem3A_1620 : i32
        %mul3A_1631 = arith.constant 8 : i32
        %mul3A_1632 = arith.muli %select_n3A_1614, %mul3A_1631 : i32
        %add3A_1633 = arith.addi %mul3A_1632, %select_n3A_1630 : i32
        %mul3A_1634 = arith.constant 4 : i32
        %mul3A_1635 = arith.muli %add3A, %mul3A_1634 : i32
        %add3A_1636 = arith.addi %mul3A_1635, %select_n3A_1574 : i32
        %mul3A_1637 = arith.constant 128 : i32
        %mul3A_1638 = arith.muli %add3A_1636, %mul3A_1637 : i32
        %dma_wait3A = arith.constant 0 : i32
        %dma_wait3A_1639 = tpu.memref_slice %arg4[%add3A_1633, %dma_wait3A, %mul3A_1638] : memref<50x64x16384xf32, #tpu.memory_space<hbm>> -> memref<1x64x128xf32, #tpu.memory_space<hbm>>
        %dma_wait3A_1640 = tpu.memref_squeeze %dma_wait3A_1639 : memref<1x64x128xf32, #tpu.memory_space<hbm>> -> memref<64x128xf32, #tpu.memory_space<hbm>>
        %dma_wait3A_1641 = arith.constant 0 : i32
        %dma_wait3A_1642 = tpu.memref_slice %arg4[%add3A_1633, %dma_wait3A_1641, %mul3A_1638] : memref<50x64x16384xf32, #tpu.memory_space<hbm>> -> memref<1x64x128xf32, #tpu.memory_space<hbm>>
        %dma_wait3A_1643 = tpu.memref_squeeze %dma_wait3A_1642 : memref<1x64x128xf32, #tpu.memory_space<hbm>> -> memref<64x128xf32, #tpu.memory_space<hbm>>
        tpu.wait_dma2 semaphore(%arg18 : memref<!tpu.dma_semaphore, #tpu.memory_space<semaphore_mem>>) src(%arg12 : memref<64x128xf32, #tpu.memory_space<vmem>>) dst(%dma_wait3A_1643 : memref<64x128xf32, #tpu.memory_space<hbm>>)
      } else {
      }
      %jit3A_708 = arith.constant 56 : i32
      %div3A_709 = arith.divsi %add3A_427, %jit3A_708 : i32
      %sign3A_710 = arith.constant 0 : i32
      %sign3A_711 = arith.cmpi sgt, %add3A_427, %sign3A_710 : i32
      %sign3A_712 = arith.extui %sign3A_711 : i1 to i32
      %sign3A_713 = arith.constant 0 : i32
      %sign3A_714 = arith.cmpi slt, %add3A_427, %sign3A_713 : i32
      %sign3A_715 = arith.extui %sign3A_714 : i1 to i32
      %sign3A_716 = arith.subi %sign3A_712, %sign3A_715 : i32
      %sign3A_717 = arith.constant 0 : i32
      %sign3A_718 = arith.cmpi sgt, %jit3A_708, %sign3A_717 : i32
      %sign3A_719 = arith.extui %sign3A_718 : i1 to i32
      %sign3A_720 = arith.constant 0 : i32
      %sign3A_721 = arith.cmpi slt, %jit3A_708, %sign3A_720 : i32
      %sign3A_722 = arith.extui %sign3A_721 : i1 to i32
      %sign3A_723 = arith.subi %sign3A_719, %sign3A_722 : i32
      %ne3A_724 = arith.cmpi ne, %sign3A_716, %sign3A_723 : i32
      %rem3A_725 = arith.remsi %add3A_427, %jit3A_708 : i32
      %ne3A_726 = arith.constant 0 : i32
      %ne3A_727 = arith.cmpi ne, %rem3A_725, %ne3A_726 : i32
      %and3A_728 = arith.andi %ne3A_724, %ne3A_727 : i1
      %sub3A_729 = arith.constant 1 : i32
      %sub3A_730 = arith.subi %div3A_709, %sub3A_729 : i32
      %select_n3A_731 = arith.select %and3A_728, %sub3A_730, %div3A_709 : i32
      %jit3A_732 = arith.constant 8 : i32
      %div3A_733 = arith.divsi %add3A_427, %jit3A_732 : i32
      %sign3A_734 = arith.constant 0 : i32
      %sign3A_735 = arith.cmpi sgt, %add3A_427, %sign3A_734 : i32
      %sign3A_736 = arith.extui %sign3A_735 : i1 to i32
      %sign3A_737 = arith.constant 0 : i32
      %sign3A_738 = arith.cmpi slt, %add3A_427, %sign3A_737 : i32
      %sign3A_739 = arith.extui %sign3A_738 : i1 to i32
      %sign3A_740 = arith.subi %sign3A_736, %sign3A_739 : i32
      %sign3A_741 = arith.constant 0 : i32
      %sign3A_742 = arith.cmpi sgt, %jit3A_732, %sign3A_741 : i32
      %sign3A_743 = arith.extui %sign3A_742 : i1 to i32
      %sign3A_744 = arith.constant 0 : i32
      %sign3A_745 = arith.cmpi slt, %jit3A_732, %sign3A_744 : i32
      %sign3A_746 = arith.extui %sign3A_745 : i1 to i32
      %sign3A_747 = arith.subi %sign3A_743, %sign3A_746 : i32
      %ne3A_748 = arith.cmpi ne, %sign3A_740, %sign3A_747 : i32
      %rem3A_749 = arith.remsi %add3A_427, %jit3A_732 : i32
      %ne3A_750 = arith.constant 0 : i32
      %ne3A_751 = arith.cmpi ne, %rem3A_749, %ne3A_750 : i32
      %and3A_752 = arith.andi %ne3A_748, %ne3A_751 : i1
      %sub3A_753 = arith.constant 1 : i32
      %sub3A_754 = arith.subi %div3A_733, %sub3A_753 : i32
      %select_n3A_755 = arith.select %and3A_752, %sub3A_754, %div3A_733 : i32
      %jit3A_756 = arith.constant 7 : i32
      %eq3A_757 = arith.constant 0 : i32
      %eq3A_758 = arith.cmpi eq, %jit3A_756, %eq3A_757 : i32
      %jit3A_759 = arith.constant 1 : i32
      %select_n3A_760 = arith.select %eq3A_758, %jit3A_759, %jit3A_756 : i32
      %rem3A_761 = arith.remsi %select_n3A_755, %select_n3A_760 : i32
      %ne3A_762 = arith.constant 0 : i32
      %ne3A_763 = arith.cmpi ne, %rem3A_761, %ne3A_762 : i32
      %lt3A_764 = arith.constant 0 : i32
      %lt3A_765 = arith.cmpi slt, %rem3A_761, %lt3A_764 : i32
      %lt3A_766 = arith.constant 0 : i32
      %lt3A_767 = arith.cmpi slt, %select_n3A_760, %lt3A_766 : i32
      %ne3A_768 = arith.xori %lt3A_765, %lt3A_767 : i1
      %and3A_769 = arith.andi %ne3A_768, %ne3A_763 : i1
      %add3A_770 = arith.addi %rem3A_761, %select_n3A_760 : i32
      %select_n3A_771 = arith.select %and3A_769, %add3A_770, %rem3A_761 : i32
      %jit3A_772 = arith.constant 8 : i32
      %eq3A_773 = arith.constant 0 : i32
      %eq3A_774 = arith.cmpi eq, %jit3A_772, %eq3A_773 : i32
      %jit3A_775 = arith.constant 1 : i32
      %select_n3A_776 = arith.select %eq3A_774, %jit3A_775, %jit3A_772 : i32
      %rem3A_777 = arith.remsi %add3A_427, %select_n3A_776 : i32
      %ne3A_778 = arith.constant 0 : i32
      %ne3A_779 = arith.cmpi ne, %rem3A_777, %ne3A_778 : i32
      %lt3A_780 = arith.constant 0 : i32
      %lt3A_781 = arith.cmpi slt, %rem3A_777, %lt3A_780 : i32
      %lt3A_782 = arith.constant 0 : i32
      %lt3A_783 = arith.cmpi slt, %select_n3A_776, %lt3A_782 : i32
      %ne3A_784 = arith.xori %lt3A_781, %lt3A_783 : i1
      %and3A_785 = arith.andi %ne3A_784, %ne3A_779 : i1
      %add3A_786 = arith.addi %rem3A_777, %select_n3A_776 : i32
      %select_n3A_787 = arith.select %and3A_785, %add3A_786, %rem3A_777 : i32
      %mul3A_788 = arith.constant 8 : i32
      %mul3A_789 = arith.muli %select_n3A_771, %mul3A_788 : i32
      %add3A_790 = arith.addi %mul3A_789, %select_n3A_787 : i32
      %lt3A_791 = arith.constant 224 : i32
      %lt3A_792 = arith.cmpi slt, %add3A_427, %lt3A_791 : i32
      %lt3A_793 = arith.constant 50 : i32
      %lt3A_794 = arith.cmpi slt, %add3A_790, %lt3A_793 : i32
      %and3A_795 = arith.andi %lt3A_792, %lt3A_794 : i1
      %convert_element_type3A_796 = arith.extui %and3A_795 : i1 to i32
      %cond3A_797 = arith.constant 0 : i32
      %cond3A_798 = arith.cmpi ne, %convert_element_type3A_796, %cond3A_797 : i32
      scf.if %cond3A_798 {
        %add3A_1549 = arith.constant 0 : i32
        %add3A_1550 = vector.broadcast %add3A_1549 : i32 to vector<16xi32>
        %add3A_1551 = arith.addi %add3A_1550, %iota3A : vector<16xi32>
        %add3A_1552 = arith.constant 16 : i32
        %add3A_1553 = vector.broadcast %add3A_1552 : i32 to vector<16xi32>
        %add3A_1554 = arith.addi %add3A_1553, %iota3A : vector<16xi32>
        %add3A_1555 = arith.constant 32 : i32
        %add3A_1556 = vector.broadcast %add3A_1555 : i32 to vector<16xi32>
        %add3A_1557 = arith.addi %add3A_1556, %iota3A : vector<16xi32>
        %add3A_1558 = arith.constant 48 : i32
        %add3A_1559 = vector.broadcast %add3A_1558 : i32 to vector<16xi32>
        %add3A_1560 = arith.addi %add3A_1559, %iota3A : vector<16xi32>
        %parallel_loop3A = arith.constant 0 : i32
        %parallel_loop3A_1561 = arith.constant 128 : i32
        %parallel_loop3A_1562 = arith.constant 1 : i32
        scf.for %parallel_loop3A_1656 = %parallel_loop3A to %parallel_loop3A_1561 step %parallel_loop3A_1562  : i32 {
          %parallel_loop3A_1657 = arith.constant 15 : i32
          %parallel_loop3A_1658 = arith.andi %parallel_loop3A_1656, %parallel_loop3A_1657 : i32
          %parallel_loop3A_1659 = arith.constant 4 : i32
          %parallel_loop3A_1660 = arith.shrsi %parallel_loop3A_1656, %parallel_loop3A_1659 : i32
          %parallel_loop3A_1661 = vector.broadcast %parallel_loop3A_1658 : i32 to vector<16xi32>
          %parallel_loop3A_1662 = arith.addi %parallel_loop3A_1661, %iota3A : vector<16xi32>
          %parallel_loop3A_1663 = arith.constant 15 : i32
          %parallel_loop3A_1664 = vector.broadcast %parallel_loop3A_1663 : i32 to vector<16xi32>
          %parallel_loop3A_1665 = arith.andi %parallel_loop3A_1662, %parallel_loop3A_1664 : vector<16xi32>
          %parallel_loop3A_1666 = arith.constant 16 : i32
          %parallel_loop3A_1667 = arith.muli %parallel_loop3A_1660, %parallel_loop3A_1666 : i32
          %parallel_loop3A_1668 = vector.broadcast %parallel_loop3A_1667 : i32 to vector<16xi32>
          %parallel_loop3A_1669 = arith.addi %parallel_loop3A_1665, %parallel_loop3A_1668 : vector<16xi32>
          %parallel_loop3A_1670 = tpu.vector_load_idx %arg8[%parallel_loop3A_1669, %add3A_1551] : memref<128x128xf32, #tpu.memory_space<vmem>>[vector<16xi32>, vector<16xi32>], vector<16xf32>,
          tpu.vector_store_idx %arg12[%add3A_1551, %parallel_loop3A_1669], %parallel_loop3A_1670 : memref<64x128xf32, #tpu.memory_space<vmem>>[vector<16xi32>, vector<16xi32>], vector<16xf32>,
          %parallel_loop3A_1671 = tpu.vector_load_idx %arg8[%parallel_loop3A_1669, %add3A_1554] : memref<128x128xf32, #tpu.memory_space<vmem>>[vector<16xi32>, vector<16xi32>], vector<16xf32>,
          tpu.vector_store_idx %arg12[%add3A_1554, %parallel_loop3A_1669], %parallel_loop3A_1671 : memref<64x128xf32, #tpu.memory_space<vmem>>[vector<16xi32>, vector<16xi32>], vector<16xf32>,
          %parallel_loop3A_1672 = tpu.vector_load_idx %arg8[%parallel_loop3A_1669, %add3A_1557] : memref<128x128xf32, #tpu.memory_space<vmem>>[vector<16xi32>, vector<16xi32>], vector<16xf32>,
          tpu.vector_store_idx %arg12[%add3A_1557, %parallel_loop3A_1669], %parallel_loop3A_1672 : memref<64x128xf32, #tpu.memory_space<vmem>>[vector<16xi32>, vector<16xi32>], vector<16xf32>,
          %parallel_loop3A_1673 = tpu.vector_load_idx %arg8[%parallel_loop3A_1669, %add3A_1560] : memref<128x128xf32, #tpu.memory_space<vmem>>[vector<16xi32>, vector<16xi32>], vector<16xf32>,
          tpu.vector_store_idx %arg12[%add3A_1560, %parallel_loop3A_1669], %parallel_loop3A_1673 : memref<64x128xf32, #tpu.memory_space<vmem>>[vector<16xi32>, vector<16xi32>], vector<16xf32>,
        } {sc.loop_unroll_factor = 4 : i64, sc.parallel_access}
        %jit3A_1563 = arith.constant 56 : i32
        %div3A_1564 = arith.divsi %add3A_427, %jit3A_1563 : i32
        %sign3A_1565 = arith.constant 0 : i32
        %sign3A_1566 = arith.cmpi sgt, %add3A_427, %sign3A_1565 : i32
        %sign3A_1567 = arith.extui %sign3A_1566 : i1 to i32
        %sign3A_1568 = arith.constant 0 : i32
        %sign3A_1569 = arith.cmpi slt, %add3A_427, %sign3A_1568 : i32
        %sign3A_1570 = arith.extui %sign3A_1569 : i1 to i32
        %sign3A_1571 = arith.subi %sign3A_1567, %sign3A_1570 : i32
        %sign3A_1572 = arith.constant 0 : i32
        %sign3A_1573 = arith.cmpi sgt, %jit3A_1563, %sign3A_1572 : i32
        %sign3A_1574 = arith.extui %sign3A_1573 : i1 to i32
        %sign3A_1575 = arith.constant 0 : i32
        %sign3A_1576 = arith.cmpi slt, %jit3A_1563, %sign3A_1575 : i32
        %sign3A_1577 = arith.extui %sign3A_1576 : i1 to i32
        %sign3A_1578 = arith.subi %sign3A_1574, %sign3A_1577 : i32
        %ne3A_1579 = arith.cmpi ne, %sign3A_1571, %sign3A_1578 : i32
        %rem3A_1580 = arith.remsi %add3A_427, %jit3A_1563 : i32
        %ne3A_1581 = arith.constant 0 : i32
        %ne3A_1582 = arith.cmpi ne, %rem3A_1580, %ne3A_1581 : i32
        %and3A_1583 = arith.andi %ne3A_1579, %ne3A_1582 : i1
        %sub3A_1584 = arith.constant 1 : i32
        %sub3A_1585 = arith.subi %div3A_1564, %sub3A_1584 : i32
        %select_n3A_1586 = arith.select %and3A_1583, %sub3A_1585, %div3A_1564 : i32
        %jit3A_1587 = arith.constant 8 : i32
        %div3A_1588 = arith.divsi %add3A_427, %jit3A_1587 : i32
        %sign3A_1589 = arith.constant 0 : i32
        %sign3A_1590 = arith.cmpi sgt, %add3A_427, %sign3A_1589 : i32
        %sign3A_1591 = arith.extui %sign3A_1590 : i1 to i32
        %sign3A_1592 = arith.constant 0 : i32
        %sign3A_1593 = arith.cmpi slt, %add3A_427, %sign3A_1592 : i32
        %sign3A_1594 = arith.extui %sign3A_1593 : i1 to i32
        %sign3A_1595 = arith.subi %sign3A_1591, %sign3A_1594 : i32
        %sign3A_1596 = arith.constant 0 : i32
        %sign3A_1597 = arith.cmpi sgt, %jit3A_1587, %sign3A_1596 : i32
        %sign3A_1598 = arith.extui %sign3A_1597 : i1 to i32
        %sign3A_1599 = arith.constant 0 : i32
        %sign3A_1600 = arith.cmpi slt, %jit3A_1587, %sign3A_1599 : i32
        %sign3A_1601 = arith.extui %sign3A_1600 : i1 to i32
        %sign3A_1602 = arith.subi %sign3A_1598, %sign3A_1601 : i32
        %ne3A_1603 = arith.cmpi ne, %sign3A_1595, %sign3A_1602 : i32
        %rem3A_1604 = arith.remsi %add3A_427, %jit3A_1587 : i32
        %ne3A_1605 = arith.constant 0 : i32
        %ne3A_1606 = arith.cmpi ne, %rem3A_1604, %ne3A_1605 : i32
        %and3A_1607 = arith.andi %ne3A_1603, %ne3A_1606 : i1
        %sub3A_1608 = arith.constant 1 : i32
        %sub3A_1609 = arith.subi %div3A_1588, %sub3A_1608 : i32
        %select_n3A_1610 = arith.select %and3A_1607, %sub3A_1609, %div3A_1588 : i32
        %jit3A_1611 = arith.constant 7 : i32
        %eq3A_1612 = arith.constant 0 : i32
        %eq3A_1613 = arith.cmpi eq, %jit3A_1611, %eq3A_1612 : i32
        %jit3A_1614 = arith.constant 1 : i32
        %select_n3A_1615 = arith.select %eq3A_1613, %jit3A_1614, %jit3A_1611 : i32
        %rem3A_1616 = arith.remsi %select_n3A_1610, %select_n3A_1615 : i32
        %ne3A_1617 = arith.constant 0 : i32
        %ne3A_1618 = arith.cmpi ne, %rem3A_1616, %ne3A_1617 : i32
        %lt3A_1619 = arith.constant 0 : i32
        %lt3A_1620 = arith.cmpi slt, %rem3A_1616, %lt3A_1619 : i32
        %lt3A_1621 = arith.constant 0 : i32
        %lt3A_1622 = arith.cmpi slt, %select_n3A_1615, %lt3A_1621 : i32
        %ne3A_1623 = arith.xori %lt3A_1620, %lt3A_1622 : i1
        %and3A_1624 = arith.andi %ne3A_1623, %ne3A_1618 : i1
        %add3A_1625 = arith.addi %rem3A_1616, %select_n3A_1615 : i32
        %select_n3A_1626 = arith.select %and3A_1624, %add3A_1625, %rem3A_1616 : i32
        %jit3A_1627 = arith.constant 8 : i32
        %eq3A_1628 = arith.constant 0 : i32
        %eq3A_1629 = arith.cmpi eq, %jit3A_1627, %eq3A_1628 : i32
        %jit3A_1630 = arith.constant 1 : i32
        %select_n3A_1631 = arith.select %eq3A_1629, %jit3A_1630, %jit3A_1627 : i32
        %rem3A_1632 = arith.remsi %add3A_427, %select_n3A_1631 : i32
        %ne3A_1633 = arith.constant 0 : i32
        %ne3A_1634 = arith.cmpi ne, %rem3A_1632, %ne3A_1633 : i32
        %lt3A_1635 = arith.constant 0 : i32
        %lt3A_1636 = arith.cmpi slt, %rem3A_1632, %lt3A_1635 : i32
        %lt3A_1637 = arith.constant 0 : i32
        %lt3A_1638 = arith.cmpi slt, %select_n3A_1631, %lt3A_1637 : i32
        %ne3A_1639 = arith.xori %lt3A_1636, %lt3A_1638 : i1
        %and3A_1640 = arith.andi %ne3A_1639, %ne3A_1634 : i1
        %add3A_1641 = arith.addi %rem3A_1632, %select_n3A_1631 : i32
        %select_n3A_1642 = arith.select %and3A_1640, %add3A_1641, %rem3A_1632 : i32
        %mul3A_1643 = arith.constant 8 : i32
        %mul3A_1644 = arith.muli %select_n3A_1626, %mul3A_1643 : i32
        %add3A_1645 = arith.addi %mul3A_1644, %select_n3A_1642 : i32
        %mul3A_1646 = arith.constant 4 : i32
        %mul3A_1647 = arith.muli %add3A, %mul3A_1646 : i32
        %add3A_1648 = arith.addi %mul3A_1647, %select_n3A_1586 : i32
        %mul3A_1649 = arith.constant 128 : i32
        %mul3A_1650 = arith.muli %add3A_1648, %mul3A_1649 : i32
        %dma_start3A = arith.constant 0 : i32
        %dma_start3A_1651 = tpu.memref_slice %arg4[%add3A_1645, %dma_start3A, %mul3A_1650] : memref<50x64x16384xf32, #tpu.memory_space<hbm>> -> memref<1x64x128xf32, #tpu.memory_space<hbm>>
        %dma_start3A_1652 = tpu.memref_squeeze %dma_start3A_1651 : memref<1x64x128xf32, #tpu.memory_space<hbm>> -> memref<64x128xf32, #tpu.memory_space<hbm>>
        %dma_start3A_1653 = arith.constant 0 : i32
        %dma_start3A_1654 = tpu.memref_slice %arg4[%add3A_1645, %dma_start3A_1653, %mul3A_1650] : memref<50x64x16384xf32, #tpu.memory_space<hbm>> -> memref<1x64x128xf32, #tpu.memory_space<hbm>>
        %dma_start3A_1655 = tpu.memref_squeeze %dma_start3A_1654 : memref<1x64x128xf32, #tpu.memory_space<hbm>> -> memref<64x128xf32, #tpu.memory_space<hbm>>
        tpu.enqueue_dma source(%arg12 : memref<64x128xf32, #tpu.memory_space<vmem>>) target(%dma_start3A_1655 : memref<64x128xf32, #tpu.memory_space<hbm>>) target_semaphore(%arg18 : memref<!tpu.dma_semaphore, #tpu.memory_space<semaphore_mem>>)
      } else {
      }
      %mul3A_799 = arith.constant 4 : i32
      %mul3A_800 = arith.muli %scan3A_57, %mul3A_799 : i32
      %add3A_801 = arith.constant 2 : i32
      %add3A_802 = arith.addi %mul3A_800, %add3A_801 : i32
      %jit3A_803 = arith.constant 56 : i32
      %div3A_804 = arith.divsi %add3A_802, %jit3A_803 : i32
      %sign3A_805 = arith.constant 0 : i32
      %sign3A_806 = arith.cmpi sgt, %add3A_802, %sign3A_805 : i32
      %sign3A_807 = arith.extui %sign3A_806 : i1 to i32
      %sign3A_808 = arith.constant 0 : i32
      %sign3A_809 = arith.cmpi slt, %add3A_802, %sign3A_808 : i32
      %sign3A_810 = arith.extui %sign3A_809 : i1 to i32
      %sign3A_811 = arith.subi %sign3A_807, %sign3A_810 : i32
      %sign3A_812 = arith.constant 0 : i32
      %sign3A_813 = arith.cmpi sgt, %jit3A_803, %sign3A_812 : i32
      %sign3A_814 = arith.extui %sign3A_813 : i1 to i32
      %sign3A_815 = arith.constant 0 : i32
      %sign3A_816 = arith.cmpi slt, %jit3A_803, %sign3A_815 : i32
      %sign3A_817 = arith.extui %sign3A_816 : i1 to i32
      %sign3A_818 = arith.subi %sign3A_814, %sign3A_817 : i32
      %ne3A_819 = arith.cmpi ne, %sign3A_811, %sign3A_818 : i32
      %rem3A_820 = arith.remsi %add3A_802, %jit3A_803 : i32
      %ne3A_821 = arith.constant 0 : i32
      %ne3A_822 = arith.cmpi ne, %rem3A_820, %ne3A_821 : i32
      %and3A_823 = arith.andi %ne3A_819, %ne3A_822 : i1
      %sub3A_824 = arith.constant 1 : i32
      %sub3A_825 = arith.subi %div3A_804, %sub3A_824 : i32
      %select_n3A_826 = arith.select %and3A_823, %sub3A_825, %div3A_804 : i32
      %jit3A_827 = arith.constant 8 : i32
      %div3A_828 = arith.divsi %add3A_802, %jit3A_827 : i32
      %sign3A_829 = arith.constant 0 : i32
      %sign3A_830 = arith.cmpi sgt, %add3A_802, %sign3A_829 : i32
      %sign3A_831 = arith.extui %sign3A_830 : i1 to i32
      %sign3A_832 = arith.constant 0 : i32
      %sign3A_833 = arith.cmpi slt, %add3A_802, %sign3A_832 : i32
      %sign3A_834 = arith.extui %sign3A_833 : i1 to i32
      %sign3A_835 = arith.subi %sign3A_831, %sign3A_834 : i32
      %sign3A_836 = arith.constant 0 : i32
      %sign3A_837 = arith.cmpi sgt, %jit3A_827, %sign3A_836 : i32
      %sign3A_838 = arith.extui %sign3A_837 : i1 to i32
      %sign3A_839 = arith.constant 0 : i32
      %sign3A_840 = arith.cmpi slt, %jit3A_827, %sign3A_839 : i32
      %sign3A_841 = arith.extui %sign3A_840 : i1 to i32
      %sign3A_842 = arith.subi %sign3A_838, %sign3A_841 : i32
      %ne3A_843 = arith.cmpi ne, %sign3A_835, %sign3A_842 : i32
      %rem3A_844 = arith.remsi %add3A_802, %jit3A_827 : i32
      %ne3A_845 = arith.constant 0 : i32
      %ne3A_846 = arith.cmpi ne, %rem3A_844, %ne3A_845 : i32
      %and3A_847 = arith.andi %ne3A_843, %ne3A_846 : i1
      %sub3A_848 = arith.constant 1 : i32
      %sub3A_849 = arith.subi %div3A_828, %sub3A_848 : i32
      %select_n3A_850 = arith.select %and3A_847, %sub3A_849, %div3A_828 : i32
      %jit3A_851 = arith.constant 7 : i32
      %eq3A_852 = arith.constant 0 : i32
      %eq3A_853 = arith.cmpi eq, %jit3A_851, %eq3A_852 : i32
      %jit3A_854 = arith.constant 1 : i32
      %select_n3A_855 = arith.select %eq3A_853, %jit3A_854, %jit3A_851 : i32
      %rem3A_856 = arith.remsi %select_n3A_850, %select_n3A_855 : i32
      %ne3A_857 = arith.constant 0 : i32
      %ne3A_858 = arith.cmpi ne, %rem3A_856, %ne3A_857 : i32
      %lt3A_859 = arith.constant 0 : i32
      %lt3A_860 = arith.cmpi slt, %rem3A_856, %lt3A_859 : i32
      %lt3A_861 = arith.constant 0 : i32
      %lt3A_862 = arith.cmpi slt, %select_n3A_855, %lt3A_861 : i32
      %ne3A_863 = arith.xori %lt3A_860, %lt3A_862 : i1
      %and3A_864 = arith.andi %ne3A_863, %ne3A_858 : i1
      %add3A_865 = arith.addi %rem3A_856, %select_n3A_855 : i32
      %select_n3A_866 = arith.select %and3A_864, %add3A_865, %rem3A_856 : i32
      %jit3A_867 = arith.constant 8 : i32
      %eq3A_868 = arith.constant 0 : i32
      %eq3A_869 = arith.cmpi eq, %jit3A_867, %eq3A_868 : i32
      %jit3A_870 = arith.constant 1 : i32
      %select_n3A_871 = arith.select %eq3A_869, %jit3A_870, %jit3A_867 : i32
      %rem3A_872 = arith.remsi %add3A_802, %select_n3A_871 : i32
      %ne3A_873 = arith.constant 0 : i32
      %ne3A_874 = arith.cmpi ne, %rem3A_872, %ne3A_873 : i32
      %lt3A_875 = arith.constant 0 : i32
      %lt3A_876 = arith.cmpi slt, %rem3A_872, %lt3A_875 : i32
      %lt3A_877 = arith.constant 0 : i32
      %lt3A_878 = arith.cmpi slt, %select_n3A_871, %lt3A_877 : i32
      %ne3A_879 = arith.xori %lt3A_876, %lt3A_878 : i1
      %and3A_880 = arith.andi %ne3A_879, %ne3A_874 : i1
      %add3A_881 = arith.addi %rem3A_872, %select_n3A_871 : i32
      %select_n3A_882 = arith.select %and3A_880, %add3A_881, %rem3A_872 : i32
      %mul3A_883 = arith.constant 8 : i32
      %mul3A_884 = arith.muli %select_n3A_866, %mul3A_883 : i32
      %add3A_885 = arith.addi %mul3A_884, %select_n3A_882 : i32
      %lt3A_886 = arith.constant 224 : i32
      %lt3A_887 = arith.cmpi slt, %add3A_802, %lt3A_886 : i32
      %lt3A_888 = arith.constant 50 : i32
      %lt3A_889 = arith.cmpi slt, %add3A_885, %lt3A_888 : i32
      %and3A_890 = arith.andi %lt3A_887, %lt3A_889 : i1
      %convert_element_type3A_891 = arith.extui %and3A_890 : i1 to i32
      %cond3A_892 = arith.constant 0 : i32
      %cond3A_893 = arith.cmpi ne, %convert_element_type3A_891, %cond3A_892 : i32
      scf.if %cond3A_893 {
        %jit3A_1549 = arith.constant 56 : i32
        %div3A_1550 = arith.divsi %add3A_802, %jit3A_1549 : i32
        %sign3A_1551 = arith.constant 0 : i32
        %sign3A_1552 = arith.cmpi sgt, %add3A_802, %sign3A_1551 : i32
        %sign3A_1553 = arith.extui %sign3A_1552 : i1 to i32
        %sign3A_1554 = arith.constant 0 : i32
        %sign3A_1555 = arith.cmpi slt, %add3A_802, %sign3A_1554 : i32
        %sign3A_1556 = arith.extui %sign3A_1555 : i1 to i32
        %sign3A_1557 = arith.subi %sign3A_1553, %sign3A_1556 : i32
        %sign3A_1558 = arith.constant 0 : i32
        %sign3A_1559 = arith.cmpi sgt, %jit3A_1549, %sign3A_1558 : i32
        %sign3A_1560 = arith.extui %sign3A_1559 : i1 to i32
        %sign3A_1561 = arith.constant 0 : i32
        %sign3A_1562 = arith.cmpi slt, %jit3A_1549, %sign3A_1561 : i32
        %sign3A_1563 = arith.extui %sign3A_1562 : i1 to i32
        %sign3A_1564 = arith.subi %sign3A_1560, %sign3A_1563 : i32
        %ne3A_1565 = arith.cmpi ne, %sign3A_1557, %sign3A_1564 : i32
        %rem3A_1566 = arith.remsi %add3A_802, %jit3A_1549 : i32
        %ne3A_1567 = arith.constant 0 : i32
        %ne3A_1568 = arith.cmpi ne, %rem3A_1566, %ne3A_1567 : i32
        %and3A_1569 = arith.andi %ne3A_1565, %ne3A_1568 : i1
        %sub3A_1570 = arith.constant 1 : i32
        %sub3A_1571 = arith.subi %div3A_1550, %sub3A_1570 : i32
        %select_n3A_1572 = arith.select %and3A_1569, %sub3A_1571, %div3A_1550 : i32
        %jit3A_1573 = arith.constant 8 : i32
        %div3A_1574 = arith.divsi %add3A_802, %jit3A_1573 : i32
        %sign3A_1575 = arith.constant 0 : i32
        %sign3A_1576 = arith.cmpi sgt, %add3A_802, %sign3A_1575 : i32
        %sign3A_1577 = arith.extui %sign3A_1576 : i1 to i32
        %sign3A_1578 = arith.constant 0 : i32
        %sign3A_1579 = arith.cmpi slt, %add3A_802, %sign3A_1578 : i32
        %sign3A_1580 = arith.extui %sign3A_1579 : i1 to i32
        %sign3A_1581 = arith.subi %sign3A_1577, %sign3A_1580 : i32
        %sign3A_1582 = arith.constant 0 : i32
        %sign3A_1583 = arith.cmpi sgt, %jit3A_1573, %sign3A_1582 : i32
        %sign3A_1584 = arith.extui %sign3A_1583 : i1 to i32
        %sign3A_1585 = arith.constant 0 : i32
        %sign3A_1586 = arith.cmpi slt, %jit3A_1573, %sign3A_1585 : i32
        %sign3A_1587 = arith.extui %sign3A_1586 : i1 to i32
        %sign3A_1588 = arith.subi %sign3A_1584, %sign3A_1587 : i32
        %ne3A_1589 = arith.cmpi ne, %sign3A_1581, %sign3A_1588 : i32
        %rem3A_1590 = arith.remsi %add3A_802, %jit3A_1573 : i32
        %ne3A_1591 = arith.constant 0 : i32
        %ne3A_1592 = arith.cmpi ne, %rem3A_1590, %ne3A_1591 : i32
        %and3A_1593 = arith.andi %ne3A_1589, %ne3A_1592 : i1
        %sub3A_1594 = arith.constant 1 : i32
        %sub3A_1595 = arith.subi %div3A_1574, %sub3A_1594 : i32
        %select_n3A_1596 = arith.select %and3A_1593, %sub3A_1595, %div3A_1574 : i32
        %jit3A_1597 = arith.constant 7 : i32
        %eq3A_1598 = arith.constant 0 : i32
        %eq3A_1599 = arith.cmpi eq, %jit3A_1597, %eq3A_1598 : i32
        %jit3A_1600 = arith.constant 1 : i32
        %select_n3A_1601 = arith.select %eq3A_1599, %jit3A_1600, %jit3A_1597 : i32
        %rem3A_1602 = arith.remsi %select_n3A_1596, %select_n3A_1601 : i32
        %ne3A_1603 = arith.constant 0 : i32
        %ne3A_1604 = arith.cmpi ne, %rem3A_1602, %ne3A_1603 : i32
        %lt3A_1605 = arith.constant 0 : i32
        %lt3A_1606 = arith.cmpi slt, %rem3A_1602, %lt3A_1605 : i32
        %lt3A_1607 = arith.constant 0 : i32
        %lt3A_1608 = arith.cmpi slt, %select_n3A_1601, %lt3A_1607 : i32
        %ne3A_1609 = arith.xori %lt3A_1606, %lt3A_1608 : i1
        %and3A_1610 = arith.andi %ne3A_1609, %ne3A_1604 : i1
        %add3A_1611 = arith.addi %rem3A_1602, %select_n3A_1601 : i32
        %select_n3A_1612 = arith.select %and3A_1610, %add3A_1611, %rem3A_1602 : i32
        %jit3A_1613 = arith.constant 8 : i32
        %eq3A_1614 = arith.constant 0 : i32
        %eq3A_1615 = arith.cmpi eq, %jit3A_1613, %eq3A_1614 : i32
        %jit3A_1616 = arith.constant 1 : i32
        %select_n3A_1617 = arith.select %eq3A_1615, %jit3A_1616, %jit3A_1613 : i32
        %rem3A_1618 = arith.remsi %add3A_802, %select_n3A_1617 : i32
        %ne3A_1619 = arith.constant 0 : i32
        %ne3A_1620 = arith.cmpi ne, %rem3A_1618, %ne3A_1619 : i32
        %lt3A_1621 = arith.constant 0 : i32
        %lt3A_1622 = arith.cmpi slt, %rem3A_1618, %lt3A_1621 : i32
        %lt3A_1623 = arith.constant 0 : i32
        %lt3A_1624 = arith.cmpi slt, %select_n3A_1617, %lt3A_1623 : i32
        %ne3A_1625 = arith.xori %lt3A_1622, %lt3A_1624 : i1
        %and3A_1626 = arith.andi %ne3A_1625, %ne3A_1620 : i1
        %add3A_1627 = arith.addi %rem3A_1618, %select_n3A_1617 : i32
        %select_n3A_1628 = arith.select %and3A_1626, %add3A_1627, %rem3A_1618 : i32
        %mul3A_1629 = arith.constant 8 : i32
        %mul3A_1630 = arith.muli %select_n3A_1612, %mul3A_1629 : i32
        %add3A_1631 = arith.addi %mul3A_1630, %select_n3A_1628 : i32
        %mul3A_1632 = arith.constant 128 : i32
        %mul3A_1633 = arith.muli %select_n3A_1572, %mul3A_1632 : i32
        %dma_wait3A = tpu.memref_slice %arg6[%select_n3A_1612, %select_n3A_1628, %mul3A_1633] : memref<7x8x512xi32, #tpu.memory_space<vmem>> -> memref<1x1x128xi32, #tpu.memory_space<vmem>>
        %dma_wait3A_1634 = tpu.memref_squeeze %dma_wait3A : memref<1x1x128xi32, #tpu.memory_space<vmem>> -> memref<128xi32, #tpu.memory_space<vmem>>
        %dma_wait3A_1635 = arith.constant 0 : i32
        %dma_wait3A_1636 = arith.constant 0 : i32
        %dma_wait3A_1637 = tpu.memref_slice %arg5[%dma_wait3A_1635, %dma_wait3A_1636] : memref<1008x128xf32, #tpu.memory_space<vmem_shared>> -> memref<1008x128xf32, #tpu.memory_space<vmem_shared>>
        tpu.wait_indirect_dma semaphore(%arg15 : memref<!tpu.dma_semaphore, #tpu.memory_space<semaphore_mem>>) src(%dma_wait3A_1637 : memref<1008x128xf32, #tpu.memory_space<vmem_shared>>) dst(%arg9 : memref<128x128xf32, #tpu.memory_space<vmem>>)
      } else {
      }
      %add3A_894 = arith.constant 3 : i32
      %add3A_895 = arith.addi %add3A_802, %add3A_894 : i32
      %jit3A_896 = arith.constant 56 : i32
      %div3A_897 = arith.divsi %add3A_895, %jit3A_896 : i32
      %sign3A_898 = arith.constant 0 : i32
      %sign3A_899 = arith.cmpi sgt, %add3A_895, %sign3A_898 : i32
      %sign3A_900 = arith.extui %sign3A_899 : i1 to i32
      %sign3A_901 = arith.constant 0 : i32
      %sign3A_902 = arith.cmpi slt, %add3A_895, %sign3A_901 : i32
      %sign3A_903 = arith.extui %sign3A_902 : i1 to i32
      %sign3A_904 = arith.subi %sign3A_900, %sign3A_903 : i32
      %sign3A_905 = arith.constant 0 : i32
      %sign3A_906 = arith.cmpi sgt, %jit3A_896, %sign3A_905 : i32
      %sign3A_907 = arith.extui %sign3A_906 : i1 to i32
      %sign3A_908 = arith.constant 0 : i32
      %sign3A_909 = arith.cmpi slt, %jit3A_896, %sign3A_908 : i32
      %sign3A_910 = arith.extui %sign3A_909 : i1 to i32
      %sign3A_911 = arith.subi %sign3A_907, %sign3A_910 : i32
      %ne3A_912 = arith.cmpi ne, %sign3A_904, %sign3A_911 : i32
      %rem3A_913 = arith.remsi %add3A_895, %jit3A_896 : i32
      %ne3A_914 = arith.constant 0 : i32
      %ne3A_915 = arith.cmpi ne, %rem3A_913, %ne3A_914 : i32
      %and3A_916 = arith.andi %ne3A_912, %ne3A_915 : i1
      %sub3A_917 = arith.constant 1 : i32
      %sub3A_918 = arith.subi %div3A_897, %sub3A_917 : i32
      %select_n3A_919 = arith.select %and3A_916, %sub3A_918, %div3A_897 : i32
      %jit3A_920 = arith.constant 8 : i32
      %div3A_921 = arith.divsi %add3A_895, %jit3A_920 : i32
      %sign3A_922 = arith.constant 0 : i32
      %sign3A_923 = arith.cmpi sgt, %add3A_895, %sign3A_922 : i32
      %sign3A_924 = arith.extui %sign3A_923 : i1 to i32
      %sign3A_925 = arith.constant 0 : i32
      %sign3A_926 = arith.cmpi slt, %add3A_895, %sign3A_925 : i32
      %sign3A_927 = arith.extui %sign3A_926 : i1 to i32
      %sign3A_928 = arith.subi %sign3A_924, %sign3A_927 : i32
      %sign3A_929 = arith.constant 0 : i32
      %sign3A_930 = arith.cmpi sgt, %jit3A_920, %sign3A_929 : i32
      %sign3A_931 = arith.extui %sign3A_930 : i1 to i32
      %sign3A_932 = arith.constant 0 : i32
      %sign3A_933 = arith.cmpi slt, %jit3A_920, %sign3A_932 : i32
      %sign3A_934 = arith.extui %sign3A_933 : i1 to i32
      %sign3A_935 = arith.subi %sign3A_931, %sign3A_934 : i32
      %ne3A_936 = arith.cmpi ne, %sign3A_928, %sign3A_935 : i32
      %rem3A_937 = arith.remsi %add3A_895, %jit3A_920 : i32
      %ne3A_938 = arith.constant 0 : i32
      %ne3A_939 = arith.cmpi ne, %rem3A_937, %ne3A_938 : i32
      %and3A_940 = arith.andi %ne3A_936, %ne3A_939 : i1
      %sub3A_941 = arith.constant 1 : i32
      %sub3A_942 = arith.subi %div3A_921, %sub3A_941 : i32
      %select_n3A_943 = arith.select %and3A_940, %sub3A_942, %div3A_921 : i32
      %jit3A_944 = arith.constant 7 : i32
      %eq3A_945 = arith.constant 0 : i32
      %eq3A_946 = arith.cmpi eq, %jit3A_944, %eq3A_945 : i32
      %jit3A_947 = arith.constant 1 : i32
      %select_n3A_948 = arith.select %eq3A_946, %jit3A_947, %jit3A_944 : i32
      %rem3A_949 = arith.remsi %select_n3A_943, %select_n3A_948 : i32
      %ne3A_950 = arith.constant 0 : i32
      %ne3A_951 = arith.cmpi ne, %rem3A_949, %ne3A_950 : i32
      %lt3A_952 = arith.constant 0 : i32
      %lt3A_953 = arith.cmpi slt, %rem3A_949, %lt3A_952 : i32
      %lt3A_954 = arith.constant 0 : i32
      %lt3A_955 = arith.cmpi slt, %select_n3A_948, %lt3A_954 : i32
      %ne3A_956 = arith.xori %lt3A_953, %lt3A_955 : i1
      %and3A_957 = arith.andi %ne3A_956, %ne3A_951 : i1
      %add3A_958 = arith.addi %rem3A_949, %select_n3A_948 : i32
      %select_n3A_959 = arith.select %and3A_957, %add3A_958, %rem3A_949 : i32
      %jit3A_960 = arith.constant 8 : i32
      %eq3A_961 = arith.constant 0 : i32
      %eq3A_962 = arith.cmpi eq, %jit3A_960, %eq3A_961 : i32
      %jit3A_963 = arith.constant 1 : i32
      %select_n3A_964 = arith.select %eq3A_962, %jit3A_963, %jit3A_960 : i32
      %rem3A_965 = arith.remsi %add3A_895, %select_n3A_964 : i32
      %ne3A_966 = arith.constant 0 : i32
      %ne3A_967 = arith.cmpi ne, %rem3A_965, %ne3A_966 : i32
      %lt3A_968 = arith.constant 0 : i32
      %lt3A_969 = arith.cmpi slt, %rem3A_965, %lt3A_968 : i32
      %lt3A_970 = arith.constant 0 : i32
      %lt3A_971 = arith.cmpi slt, %select_n3A_964, %lt3A_970 : i32
      %ne3A_972 = arith.xori %lt3A_969, %lt3A_971 : i1
      %and3A_973 = arith.andi %ne3A_972, %ne3A_967 : i1
      %add3A_974 = arith.addi %rem3A_965, %select_n3A_964 : i32
      %select_n3A_975 = arith.select %and3A_973, %add3A_974, %rem3A_965 : i32
      %mul3A_976 = arith.constant 8 : i32
      %mul3A_977 = arith.muli %select_n3A_959, %mul3A_976 : i32
      %add3A_978 = arith.addi %mul3A_977, %select_n3A_975 : i32
      %lt3A_979 = arith.constant 224 : i32
      %lt3A_980 = arith.cmpi slt, %add3A_895, %lt3A_979 : i32
      %lt3A_981 = arith.constant 50 : i32
      %lt3A_982 = arith.cmpi slt, %add3A_978, %lt3A_981 : i32
      %and3A_983 = arith.andi %lt3A_980, %lt3A_982 : i1
      %convert_element_type3A_984 = arith.extui %and3A_983 : i1 to i32
      %cond3A_985 = arith.constant 0 : i32
      %cond3A_986 = arith.cmpi ne, %convert_element_type3A_984, %cond3A_985 : i32
      scf.if %cond3A_986 {
        %add3A_1549 = arith.constant 3 : i32
        %add3A_1550 = arith.addi %add3A_802, %add3A_1549 : i32
        %jit3A_1551 = arith.constant 56 : i32
        %div3A_1552 = arith.divsi %add3A_1550, %jit3A_1551 : i32
        %sign3A_1553 = arith.constant 0 : i32
        %sign3A_1554 = arith.cmpi sgt, %add3A_1550, %sign3A_1553 : i32
        %sign3A_1555 = arith.extui %sign3A_1554 : i1 to i32
        %sign3A_1556 = arith.constant 0 : i32
        %sign3A_1557 = arith.cmpi slt, %add3A_1550, %sign3A_1556 : i32
        %sign3A_1558 = arith.extui %sign3A_1557 : i1 to i32
        %sign3A_1559 = arith.subi %sign3A_1555, %sign3A_1558 : i32
        %sign3A_1560 = arith.constant 0 : i32
        %sign3A_1561 = arith.cmpi sgt, %jit3A_1551, %sign3A_1560 : i32
        %sign3A_1562 = arith.extui %sign3A_1561 : i1 to i32
        %sign3A_1563 = arith.constant 0 : i32
        %sign3A_1564 = arith.cmpi slt, %jit3A_1551, %sign3A_1563 : i32
        %sign3A_1565 = arith.extui %sign3A_1564 : i1 to i32
        %sign3A_1566 = arith.subi %sign3A_1562, %sign3A_1565 : i32
        %ne3A_1567 = arith.cmpi ne, %sign3A_1559, %sign3A_1566 : i32
        %rem3A_1568 = arith.remsi %add3A_1550, %jit3A_1551 : i32
        %ne3A_1569 = arith.constant 0 : i32
        %ne3A_1570 = arith.cmpi ne, %rem3A_1568, %ne3A_1569 : i32
        %and3A_1571 = arith.andi %ne3A_1567, %ne3A_1570 : i1
        %sub3A_1572 = arith.constant 1 : i32
        %sub3A_1573 = arith.subi %div3A_1552, %sub3A_1572 : i32
        %select_n3A_1574 = arith.select %and3A_1571, %sub3A_1573, %div3A_1552 : i32
        %jit3A_1575 = arith.constant 8 : i32
        %div3A_1576 = arith.divsi %add3A_1550, %jit3A_1575 : i32
        %sign3A_1577 = arith.constant 0 : i32
        %sign3A_1578 = arith.cmpi sgt, %add3A_1550, %sign3A_1577 : i32
        %sign3A_1579 = arith.extui %sign3A_1578 : i1 to i32
        %sign3A_1580 = arith.constant 0 : i32
        %sign3A_1581 = arith.cmpi slt, %add3A_1550, %sign3A_1580 : i32
        %sign3A_1582 = arith.extui %sign3A_1581 : i1 to i32
        %sign3A_1583 = arith.subi %sign3A_1579, %sign3A_1582 : i32
        %sign3A_1584 = arith.constant 0 : i32
        %sign3A_1585 = arith.cmpi sgt, %jit3A_1575, %sign3A_1584 : i32
        %sign3A_1586 = arith.extui %sign3A_1585 : i1 to i32
        %sign3A_1587 = arith.constant 0 : i32
        %sign3A_1588 = arith.cmpi slt, %jit3A_1575, %sign3A_1587 : i32
        %sign3A_1589 = arith.extui %sign3A_1588 : i1 to i32
        %sign3A_1590 = arith.subi %sign3A_1586, %sign3A_1589 : i32
        %ne3A_1591 = arith.cmpi ne, %sign3A_1583, %sign3A_1590 : i32
        %rem3A_1592 = arith.remsi %add3A_1550, %jit3A_1575 : i32
        %ne3A_1593 = arith.constant 0 : i32
        %ne3A_1594 = arith.cmpi ne, %rem3A_1592, %ne3A_1593 : i32
        %and3A_1595 = arith.andi %ne3A_1591, %ne3A_1594 : i1
        %sub3A_1596 = arith.constant 1 : i32
        %sub3A_1597 = arith.subi %div3A_1576, %sub3A_1596 : i32
        %select_n3A_1598 = arith.select %and3A_1595, %sub3A_1597, %div3A_1576 : i32
        %jit3A_1599 = arith.constant 7 : i32
        %eq3A_1600 = arith.constant 0 : i32
        %eq3A_1601 = arith.cmpi eq, %jit3A_1599, %eq3A_1600 : i32
        %jit3A_1602 = arith.constant 1 : i32
        %select_n3A_1603 = arith.select %eq3A_1601, %jit3A_1602, %jit3A_1599 : i32
        %rem3A_1604 = arith.remsi %select_n3A_1598, %select_n3A_1603 : i32
        %ne3A_1605 = arith.constant 0 : i32
        %ne3A_1606 = arith.cmpi ne, %rem3A_1604, %ne3A_1605 : i32
        %lt3A_1607 = arith.constant 0 : i32
        %lt3A_1608 = arith.cmpi slt, %rem3A_1604, %lt3A_1607 : i32
        %lt3A_1609 = arith.constant 0 : i32
        %lt3A_1610 = arith.cmpi slt, %select_n3A_1603, %lt3A_1609 : i32
        %ne3A_1611 = arith.xori %lt3A_1608, %lt3A_1610 : i1
        %and3A_1612 = arith.andi %ne3A_1611, %ne3A_1606 : i1
        %add3A_1613 = arith.addi %rem3A_1604, %select_n3A_1603 : i32
        %select_n3A_1614 = arith.select %and3A_1612, %add3A_1613, %rem3A_1604 : i32
        %jit3A_1615 = arith.constant 8 : i32
        %eq3A_1616 = arith.constant 0 : i32
        %eq3A_1617 = arith.cmpi eq, %jit3A_1615, %eq3A_1616 : i32
        %jit3A_1618 = arith.constant 1 : i32
        %select_n3A_1619 = arith.select %eq3A_1617, %jit3A_1618, %jit3A_1615 : i32
        %rem3A_1620 = arith.remsi %add3A_1550, %select_n3A_1619 : i32
        %ne3A_1621 = arith.constant 0 : i32
        %ne3A_1622 = arith.cmpi ne, %rem3A_1620, %ne3A_1621 : i32
        %lt3A_1623 = arith.constant 0 : i32
        %lt3A_1624 = arith.cmpi slt, %rem3A_1620, %lt3A_1623 : i32
        %lt3A_1625 = arith.constant 0 : i32
        %lt3A_1626 = arith.cmpi slt, %select_n3A_1619, %lt3A_1625 : i32
        %ne3A_1627 = arith.xori %lt3A_1624, %lt3A_1626 : i1
        %and3A_1628 = arith.andi %ne3A_1627, %ne3A_1622 : i1
        %add3A_1629 = arith.addi %rem3A_1620, %select_n3A_1619 : i32
        %select_n3A_1630 = arith.select %and3A_1628, %add3A_1629, %rem3A_1620 : i32
        %mul3A_1631 = arith.constant 8 : i32
        %mul3A_1632 = arith.muli %select_n3A_1614, %mul3A_1631 : i32
        %add3A_1633 = arith.addi %mul3A_1632, %select_n3A_1630 : i32
        %mul3A_1634 = arith.constant 128 : i32
        %mul3A_1635 = arith.muli %select_n3A_1574, %mul3A_1634 : i32
        %dma_start3A = tpu.memref_slice %arg6[%select_n3A_1614, %select_n3A_1630, %mul3A_1635] : memref<7x8x512xi32, #tpu.memory_space<vmem>> -> memref<1x1x128xi32, #tpu.memory_space<vmem>>
        %dma_start3A_1636 = tpu.memref_squeeze %dma_start3A : memref<1x1x128xi32, #tpu.memory_space<vmem>> -> memref<128xi32, #tpu.memory_space<vmem>>
        %dma_start3A_1637 = arith.constant 0 : i32
        %dma_start3A_1638 = arith.constant 0 : i32
        %dma_start3A_1639 = tpu.memref_slice %arg5[%dma_start3A_1637, %dma_start3A_1638] : memref<1008x128xf32, #tpu.memory_space<vmem_shared>> -> memref<1008x128xf32, #tpu.memory_space<vmem_shared>>
        tpu.enqueue_indirect_dma source(%dma_start3A_1639 : memref<1008x128xf32, #tpu.memory_space<vmem_shared>>) target(%arg8 : memref<128x128xf32, #tpu.memory_space<vmem>>) offsets(%dma_start3A_1636 : memref<128xi32, #tpu.memory_space<vmem>>) semaphore(%arg14 : memref<!tpu.dma_semaphore, #tpu.memory_space<semaphore_mem>>)
      } else {
      }
      %ge3A_987 = arith.constant 2 : i32
      %ge3A_988 = arith.cmpi sge, %add3A_802, %ge3A_987 : i32
      %sub3A_989 = arith.constant 2 : i32
      %sub3A_990 = arith.subi %add3A_802, %sub3A_989 : i32
      %jit3A_991 = arith.constant 56 : i32
      %div3A_992 = arith.divsi %sub3A_990, %jit3A_991 : i32
      %sign3A_993 = arith.constant 0 : i32
      %sign3A_994 = arith.cmpi sgt, %sub3A_990, %sign3A_993 : i32
      %sign3A_995 = arith.extui %sign3A_994 : i1 to i32
      %sign3A_996 = arith.constant 0 : i32
      %sign3A_997 = arith.cmpi slt, %sub3A_990, %sign3A_996 : i32
      %sign3A_998 = arith.extui %sign3A_997 : i1 to i32
      %sign3A_999 = arith.subi %sign3A_995, %sign3A_998 : i32
      %sign3A_1000 = arith.constant 0 : i32
      %sign3A_1001 = arith.cmpi sgt, %jit3A_991, %sign3A_1000 : i32
      %sign3A_1002 = arith.extui %sign3A_1001 : i1 to i32
      %sign3A_1003 = arith.constant 0 : i32
      %sign3A_1004 = arith.cmpi slt, %jit3A_991, %sign3A_1003 : i32
      %sign3A_1005 = arith.extui %sign3A_1004 : i1 to i32
      %sign3A_1006 = arith.subi %sign3A_1002, %sign3A_1005 : i32
      %ne3A_1007 = arith.cmpi ne, %sign3A_999, %sign3A_1006 : i32
      %rem3A_1008 = arith.remsi %sub3A_990, %jit3A_991 : i32
      %ne3A_1009 = arith.constant 0 : i32
      %ne3A_1010 = arith.cmpi ne, %rem3A_1008, %ne3A_1009 : i32
      %and3A_1011 = arith.andi %ne3A_1007, %ne3A_1010 : i1
      %sub3A_1012 = arith.constant 1 : i32
      %sub3A_1013 = arith.subi %div3A_992, %sub3A_1012 : i32
      %select_n3A_1014 = arith.select %and3A_1011, %sub3A_1013, %div3A_992 : i32
      %jit3A_1015 = arith.constant 8 : i32
      %div3A_1016 = arith.divsi %sub3A_990, %jit3A_1015 : i32
      %sign3A_1017 = arith.constant 0 : i32
      %sign3A_1018 = arith.cmpi sgt, %sub3A_990, %sign3A_1017 : i32
      %sign3A_1019 = arith.extui %sign3A_1018 : i1 to i32
      %sign3A_1020 = arith.constant 0 : i32
      %sign3A_1021 = arith.cmpi slt, %sub3A_990, %sign3A_1020 : i32
      %sign3A_1022 = arith.extui %sign3A_1021 : i1 to i32
      %sign3A_1023 = arith.subi %sign3A_1019, %sign3A_1022 : i32
      %sign3A_1024 = arith.constant 0 : i32
      %sign3A_1025 = arith.cmpi sgt, %jit3A_1015, %sign3A_1024 : i32
      %sign3A_1026 = arith.extui %sign3A_1025 : i1 to i32
      %sign3A_1027 = arith.constant 0 : i32
      %sign3A_1028 = arith.cmpi slt, %jit3A_1015, %sign3A_1027 : i32
      %sign3A_1029 = arith.extui %sign3A_1028 : i1 to i32
      %sign3A_1030 = arith.subi %sign3A_1026, %sign3A_1029 : i32
      %ne3A_1031 = arith.cmpi ne, %sign3A_1023, %sign3A_1030 : i32
      %rem3A_1032 = arith.remsi %sub3A_990, %jit3A_1015 : i32
      %ne3A_1033 = arith.constant 0 : i32
      %ne3A_1034 = arith.cmpi ne, %rem3A_1032, %ne3A_1033 : i32
      %and3A_1035 = arith.andi %ne3A_1031, %ne3A_1034 : i1
      %sub3A_1036 = arith.constant 1 : i32
      %sub3A_1037 = arith.subi %div3A_1016, %sub3A_1036 : i32
      %select_n3A_1038 = arith.select %and3A_1035, %sub3A_1037, %div3A_1016 : i32
      %jit3A_1039 = arith.constant 7 : i32
      %eq3A_1040 = arith.constant 0 : i32
      %eq3A_1041 = arith.cmpi eq, %jit3A_1039, %eq3A_1040 : i32
      %jit3A_1042 = arith.constant 1 : i32
      %select_n3A_1043 = arith.select %eq3A_1041, %jit3A_1042, %jit3A_1039 : i32
      %rem3A_1044 = arith.remsi %select_n3A_1038, %select_n3A_1043 : i32
      %ne3A_1045 = arith.constant 0 : i32
      %ne3A_1046 = arith.cmpi ne, %rem3A_1044, %ne3A_1045 : i32
      %lt3A_1047 = arith.constant 0 : i32
      %lt3A_1048 = arith.cmpi slt, %rem3A_1044, %lt3A_1047 : i32
      %lt3A_1049 = arith.constant 0 : i32
      %lt3A_1050 = arith.cmpi slt, %select_n3A_1043, %lt3A_1049 : i32
      %ne3A_1051 = arith.xori %lt3A_1048, %lt3A_1050 : i1
      %and3A_1052 = arith.andi %ne3A_1051, %ne3A_1046 : i1
      %add3A_1053 = arith.addi %rem3A_1044, %select_n3A_1043 : i32
      %select_n3A_1054 = arith.select %and3A_1052, %add3A_1053, %rem3A_1044 : i32
      %jit3A_1055 = arith.constant 8 : i32
      %eq3A_1056 = arith.constant 0 : i32
      %eq3A_1057 = arith.cmpi eq, %jit3A_1055, %eq3A_1056 : i32
      %jit3A_1058 = arith.constant 1 : i32
      %select_n3A_1059 = arith.select %eq3A_1057, %jit3A_1058, %jit3A_1055 : i32
      %rem3A_1060 = arith.remsi %sub3A_990, %select_n3A_1059 : i32
      %ne3A_1061 = arith.constant 0 : i32
      %ne3A_1062 = arith.cmpi ne, %rem3A_1060, %ne3A_1061 : i32
      %lt3A_1063 = arith.constant 0 : i32
      %lt3A_1064 = arith.cmpi slt, %rem3A_1060, %lt3A_1063 : i32
      %lt3A_1065 = arith.constant 0 : i32
      %lt3A_1066 = arith.cmpi slt, %select_n3A_1059, %lt3A_1065 : i32
      %ne3A_1067 = arith.xori %lt3A_1064, %lt3A_1066 : i1
      %and3A_1068 = arith.andi %ne3A_1067, %ne3A_1062 : i1
      %add3A_1069 = arith.addi %rem3A_1060, %select_n3A_1059 : i32
      %select_n3A_1070 = arith.select %and3A_1068, %add3A_1069, %rem3A_1060 : i32
      %mul3A_1071 = arith.constant 8 : i32
      %mul3A_1072 = arith.muli %select_n3A_1054, %mul3A_1071 : i32
      %add3A_1073 = arith.addi %mul3A_1072, %select_n3A_1070 : i32
      %lt3A_1074 = arith.constant 224 : i32
      %lt3A_1075 = arith.cmpi slt, %sub3A_990, %lt3A_1074 : i32
      %lt3A_1076 = arith.constant 50 : i32
      %lt3A_1077 = arith.cmpi slt, %add3A_1073, %lt3A_1076 : i32
      %and3A_1078 = arith.andi %lt3A_1075, %lt3A_1077 : i1
      %and3A_1079 = arith.andi %ge3A_988, %and3A_1078 : i1
      %convert_element_type3A_1080 = arith.extui %and3A_1079 : i1 to i32
      %cond3A_1081 = arith.constant 0 : i32
      %cond3A_1082 = arith.cmpi ne, %convert_element_type3A_1080, %cond3A_1081 : i32
      scf.if %cond3A_1082 {
        %sub3A_1549 = arith.constant 2 : i32
        %sub3A_1550 = arith.subi %add3A_802, %sub3A_1549 : i32
        %jit3A_1551 = arith.constant 56 : i32
        %div3A_1552 = arith.divsi %sub3A_1550, %jit3A_1551 : i32
        %sign3A_1553 = arith.constant 0 : i32
        %sign3A_1554 = arith.cmpi sgt, %sub3A_1550, %sign3A_1553 : i32
        %sign3A_1555 = arith.extui %sign3A_1554 : i1 to i32
        %sign3A_1556 = arith.constant 0 : i32
        %sign3A_1557 = arith.cmpi slt, %sub3A_1550, %sign3A_1556 : i32
        %sign3A_1558 = arith.extui %sign3A_1557 : i1 to i32
        %sign3A_1559 = arith.subi %sign3A_1555, %sign3A_1558 : i32
        %sign3A_1560 = arith.constant 0 : i32
        %sign3A_1561 = arith.cmpi sgt, %jit3A_1551, %sign3A_1560 : i32
        %sign3A_1562 = arith.extui %sign3A_1561 : i1 to i32
        %sign3A_1563 = arith.constant 0 : i32
        %sign3A_1564 = arith.cmpi slt, %jit3A_1551, %sign3A_1563 : i32
        %sign3A_1565 = arith.extui %sign3A_1564 : i1 to i32
        %sign3A_1566 = arith.subi %sign3A_1562, %sign3A_1565 : i32
        %ne3A_1567 = arith.cmpi ne, %sign3A_1559, %sign3A_1566 : i32
        %rem3A_1568 = arith.remsi %sub3A_1550, %jit3A_1551 : i32
        %ne3A_1569 = arith.constant 0 : i32
        %ne3A_1570 = arith.cmpi ne, %rem3A_1568, %ne3A_1569 : i32
        %and3A_1571 = arith.andi %ne3A_1567, %ne3A_1570 : i1
        %sub3A_1572 = arith.constant 1 : i32
        %sub3A_1573 = arith.subi %div3A_1552, %sub3A_1572 : i32
        %select_n3A_1574 = arith.select %and3A_1571, %sub3A_1573, %div3A_1552 : i32
        %jit3A_1575 = arith.constant 8 : i32
        %div3A_1576 = arith.divsi %sub3A_1550, %jit3A_1575 : i32
        %sign3A_1577 = arith.constant 0 : i32
        %sign3A_1578 = arith.cmpi sgt, %sub3A_1550, %sign3A_1577 : i32
        %sign3A_1579 = arith.extui %sign3A_1578 : i1 to i32
        %sign3A_1580 = arith.constant 0 : i32
        %sign3A_1581 = arith.cmpi slt, %sub3A_1550, %sign3A_1580 : i32
        %sign3A_1582 = arith.extui %sign3A_1581 : i1 to i32
        %sign3A_1583 = arith.subi %sign3A_1579, %sign3A_1582 : i32
        %sign3A_1584 = arith.constant 0 : i32
        %sign3A_1585 = arith.cmpi sgt, %jit3A_1575, %sign3A_1584 : i32
        %sign3A_1586 = arith.extui %sign3A_1585 : i1 to i32
        %sign3A_1587 = arith.constant 0 : i32
        %sign3A_1588 = arith.cmpi slt, %jit3A_1575, %sign3A_1587 : i32
        %sign3A_1589 = arith.extui %sign3A_1588 : i1 to i32
        %sign3A_1590 = arith.subi %sign3A_1586, %sign3A_1589 : i32
        %ne3A_1591 = arith.cmpi ne, %sign3A_1583, %sign3A_1590 : i32
        %rem3A_1592 = arith.remsi %sub3A_1550, %jit3A_1575 : i32
        %ne3A_1593 = arith.constant 0 : i32
        %ne3A_1594 = arith.cmpi ne, %rem3A_1592, %ne3A_1593 : i32
        %and3A_1595 = arith.andi %ne3A_1591, %ne3A_1594 : i1
        %sub3A_1596 = arith.constant 1 : i32
        %sub3A_1597 = arith.subi %div3A_1576, %sub3A_1596 : i32
        %select_n3A_1598 = arith.select %and3A_1595, %sub3A_1597, %div3A_1576 : i32
        %jit3A_1599 = arith.constant 7 : i32
        %eq3A_1600 = arith.constant 0 : i32
        %eq3A_1601 = arith.cmpi eq, %jit3A_1599, %eq3A_1600 : i32
        %jit3A_1602 = arith.constant 1 : i32
        %select_n3A_1603 = arith.select %eq3A_1601, %jit3A_1602, %jit3A_1599 : i32
        %rem3A_1604 = arith.remsi %select_n3A_1598, %select_n3A_1603 : i32
        %ne3A_1605 = arith.constant 0 : i32
        %ne3A_1606 = arith.cmpi ne, %rem3A_1604, %ne3A_1605 : i32
        %lt3A_1607 = arith.constant 0 : i32
        %lt3A_1608 = arith.cmpi slt, %rem3A_1604, %lt3A_1607 : i32
        %lt3A_1609 = arith.constant 0 : i32
        %lt3A_1610 = arith.cmpi slt, %select_n3A_1603, %lt3A_1609 : i32
        %ne3A_1611 = arith.xori %lt3A_1608, %lt3A_1610 : i1
        %and3A_1612 = arith.andi %ne3A_1611, %ne3A_1606 : i1
        %add3A_1613 = arith.addi %rem3A_1604, %select_n3A_1603 : i32
        %select_n3A_1614 = arith.select %and3A_1612, %add3A_1613, %rem3A_1604 : i32
        %jit3A_1615 = arith.constant 8 : i32
        %eq3A_1616 = arith.constant 0 : i32
        %eq3A_1617 = arith.cmpi eq, %jit3A_1615, %eq3A_1616 : i32
        %jit3A_1618 = arith.constant 1 : i32
        %select_n3A_1619 = arith.select %eq3A_1617, %jit3A_1618, %jit3A_1615 : i32
        %rem3A_1620 = arith.remsi %sub3A_1550, %select_n3A_1619 : i32
        %ne3A_1621 = arith.constant 0 : i32
        %ne3A_1622 = arith.cmpi ne, %rem3A_1620, %ne3A_1621 : i32
        %lt3A_1623 = arith.constant 0 : i32
        %lt3A_1624 = arith.cmpi slt, %rem3A_1620, %lt3A_1623 : i32
        %lt3A_1625 = arith.constant 0 : i32
        %lt3A_1626 = arith.cmpi slt, %select_n3A_1619, %lt3A_1625 : i32
        %ne3A_1627 = arith.xori %lt3A_1624, %lt3A_1626 : i1
        %and3A_1628 = arith.andi %ne3A_1627, %ne3A_1622 : i1
        %add3A_1629 = arith.addi %rem3A_1620, %select_n3A_1619 : i32
        %select_n3A_1630 = arith.select %and3A_1628, %add3A_1629, %rem3A_1620 : i32
        %mul3A_1631 = arith.constant 8 : i32
        %mul3A_1632 = arith.muli %select_n3A_1614, %mul3A_1631 : i32
        %add3A_1633 = arith.addi %mul3A_1632, %select_n3A_1630 : i32
        %mul3A_1634 = arith.constant 4 : i32
        %mul3A_1635 = arith.muli %add3A, %mul3A_1634 : i32
        %add3A_1636 = arith.addi %mul3A_1635, %select_n3A_1574 : i32
        %mul3A_1637 = arith.constant 128 : i32
        %mul3A_1638 = arith.muli %add3A_1636, %mul3A_1637 : i32
        %dma_wait3A = arith.constant 0 : i32
        %dma_wait3A_1639 = tpu.memref_slice %arg4[%add3A_1633, %dma_wait3A, %mul3A_1638] : memref<50x64x16384xf32, #tpu.memory_space<hbm>> -> memref<1x64x128xf32, #tpu.memory_space<hbm>>
        %dma_wait3A_1640 = tpu.memref_squeeze %dma_wait3A_1639 : memref<1x64x128xf32, #tpu.memory_space<hbm>> -> memref<64x128xf32, #tpu.memory_space<hbm>>
        %dma_wait3A_1641 = arith.constant 0 : i32
        %dma_wait3A_1642 = tpu.memref_slice %arg4[%add3A_1633, %dma_wait3A_1641, %mul3A_1638] : memref<50x64x16384xf32, #tpu.memory_space<hbm>> -> memref<1x64x128xf32, #tpu.memory_space<hbm>>
        %dma_wait3A_1643 = tpu.memref_squeeze %dma_wait3A_1642 : memref<1x64x128xf32, #tpu.memory_space<hbm>> -> memref<64x128xf32, #tpu.memory_space<hbm>>
        tpu.wait_dma2 semaphore(%arg17 : memref<!tpu.dma_semaphore, #tpu.memory_space<semaphore_mem>>) src(%arg11 : memref<64x128xf32, #tpu.memory_space<vmem>>) dst(%dma_wait3A_1643 : memref<64x128xf32, #tpu.memory_space<hbm>>)
      } else {
      }
      %jit3A_1083 = arith.constant 56 : i32
      %div3A_1084 = arith.divsi %add3A_802, %jit3A_1083 : i32
      %sign3A_1085 = arith.constant 0 : i32
      %sign3A_1086 = arith.cmpi sgt, %add3A_802, %sign3A_1085 : i32
      %sign3A_1087 = arith.extui %sign3A_1086 : i1 to i32
      %sign3A_1088 = arith.constant 0 : i32
      %sign3A_1089 = arith.cmpi slt, %add3A_802, %sign3A_1088 : i32
      %sign3A_1090 = arith.extui %sign3A_1089 : i1 to i32
      %sign3A_1091 = arith.subi %sign3A_1087, %sign3A_1090 : i32
      %sign3A_1092 = arith.constant 0 : i32
      %sign3A_1093 = arith.cmpi sgt, %jit3A_1083, %sign3A_1092 : i32
      %sign3A_1094 = arith.extui %sign3A_1093 : i1 to i32
      %sign3A_1095 = arith.constant 0 : i32
      %sign3A_1096 = arith.cmpi slt, %jit3A_1083, %sign3A_1095 : i32
      %sign3A_1097 = arith.extui %sign3A_1096 : i1 to i32
      %sign3A_1098 = arith.subi %sign3A_1094, %sign3A_1097 : i32
      %ne3A_1099 = arith.cmpi ne, %sign3A_1091, %sign3A_1098 : i32
      %rem3A_1100 = arith.remsi %add3A_802, %jit3A_1083 : i32
      %ne3A_1101 = arith.constant 0 : i32
      %ne3A_1102 = arith.cmpi ne, %rem3A_1100, %ne3A_1101 : i32
      %and3A_1103 = arith.andi %ne3A_1099, %ne3A_1102 : i1
      %sub3A_1104 = arith.constant 1 : i32
      %sub3A_1105 = arith.subi %div3A_1084, %sub3A_1104 : i32
      %select_n3A_1106 = arith.select %and3A_1103, %sub3A_1105, %div3A_1084 : i32
      %jit3A_1107 = arith.constant 8 : i32
      %div3A_1108 = arith.divsi %add3A_802, %jit3A_1107 : i32
      %sign3A_1109 = arith.constant 0 : i32
      %sign3A_1110 = arith.cmpi sgt, %add3A_802, %sign3A_1109 : i32
      %sign3A_1111 = arith.extui %sign3A_1110 : i1 to i32
      %sign3A_1112 = arith.constant 0 : i32
      %sign3A_1113 = arith.cmpi slt, %add3A_802, %sign3A_1112 : i32
      %sign3A_1114 = arith.extui %sign3A_1113 : i1 to i32
      %sign3A_1115 = arith.subi %sign3A_1111, %sign3A_1114 : i32
      %sign3A_1116 = arith.constant 0 : i32
      %sign3A_1117 = arith.cmpi sgt, %jit3A_1107, %sign3A_1116 : i32
      %sign3A_1118 = arith.extui %sign3A_1117 : i1 to i32
      %sign3A_1119 = arith.constant 0 : i32
      %sign3A_1120 = arith.cmpi slt, %jit3A_1107, %sign3A_1119 : i32
      %sign3A_1121 = arith.extui %sign3A_1120 : i1 to i32
      %sign3A_1122 = arith.subi %sign3A_1118, %sign3A_1121 : i32
      %ne3A_1123 = arith.cmpi ne, %sign3A_1115, %sign3A_1122 : i32
      %rem3A_1124 = arith.remsi %add3A_802, %jit3A_1107 : i32
      %ne3A_1125 = arith.constant 0 : i32
      %ne3A_1126 = arith.cmpi ne, %rem3A_1124, %ne3A_1125 : i32
      %and3A_1127 = arith.andi %ne3A_1123, %ne3A_1126 : i1
      %sub3A_1128 = arith.constant 1 : i32
      %sub3A_1129 = arith.subi %div3A_1108, %sub3A_1128 : i32
      %select_n3A_1130 = arith.select %and3A_1127, %sub3A_1129, %div3A_1108 : i32
      %jit3A_1131 = arith.constant 7 : i32
      %eq3A_1132 = arith.constant 0 : i32
      %eq3A_1133 = arith.cmpi eq, %jit3A_1131, %eq3A_1132 : i32
      %jit3A_1134 = arith.constant 1 : i32
      %select_n3A_1135 = arith.select %eq3A_1133, %jit3A_1134, %jit3A_1131 : i32
      %rem3A_1136 = arith.remsi %select_n3A_1130, %select_n3A_1135 : i32
      %ne3A_1137 = arith.constant 0 : i32
      %ne3A_1138 = arith.cmpi ne, %rem3A_1136, %ne3A_1137 : i32
      %lt3A_1139 = arith.constant 0 : i32
      %lt3A_1140 = arith.cmpi slt, %rem3A_1136, %lt3A_1139 : i32
      %lt3A_1141 = arith.constant 0 : i32
      %lt3A_1142 = arith.cmpi slt, %select_n3A_1135, %lt3A_1141 : i32
      %ne3A_1143 = arith.xori %lt3A_1140, %lt3A_1142 : i1
      %and3A_1144 = arith.andi %ne3A_1143, %ne3A_1138 : i1
      %add3A_1145 = arith.addi %rem3A_1136, %select_n3A_1135 : i32
      %select_n3A_1146 = arith.select %and3A_1144, %add3A_1145, %rem3A_1136 : i32
      %jit3A_1147 = arith.constant 8 : i32
      %eq3A_1148 = arith.constant 0 : i32
      %eq3A_1149 = arith.cmpi eq, %jit3A_1147, %eq3A_1148 : i32
      %jit3A_1150 = arith.constant 1 : i32
      %select_n3A_1151 = arith.select %eq3A_1149, %jit3A_1150, %jit3A_1147 : i32
      %rem3A_1152 = arith.remsi %add3A_802, %select_n3A_1151 : i32
      %ne3A_1153 = arith.constant 0 : i32
      %ne3A_1154 = arith.cmpi ne, %rem3A_1152, %ne3A_1153 : i32
      %lt3A_1155 = arith.constant 0 : i32
      %lt3A_1156 = arith.cmpi slt, %rem3A_1152, %lt3A_1155 : i32
      %lt3A_1157 = arith.constant 0 : i32
      %lt3A_1158 = arith.cmpi slt, %select_n3A_1151, %lt3A_1157 : i32
      %ne3A_1159 = arith.xori %lt3A_1156, %lt3A_1158 : i1
      %and3A_1160 = arith.andi %ne3A_1159, %ne3A_1154 : i1
      %add3A_1161 = arith.addi %rem3A_1152, %select_n3A_1151 : i32
      %select_n3A_1162 = arith.select %and3A_1160, %add3A_1161, %rem3A_1152 : i32
      %mul3A_1163 = arith.constant 8 : i32
      %mul3A_1164 = arith.muli %select_n3A_1146, %mul3A_1163 : i32
      %add3A_1165 = arith.addi %mul3A_1164, %select_n3A_1162 : i32
      %lt3A_1166 = arith.constant 224 : i32
      %lt3A_1167 = arith.cmpi slt, %add3A_802, %lt3A_1166 : i32
      %lt3A_1168 = arith.constant 50 : i32
      %lt3A_1169 = arith.cmpi slt, %add3A_1165, %lt3A_1168 : i32
      %and3A_1170 = arith.andi %lt3A_1167, %lt3A_1169 : i1
      %convert_element_type3A_1171 = arith.extui %and3A_1170 : i1 to i32
      %cond3A_1172 = arith.constant 0 : i32
      %cond3A_1173 = arith.cmpi ne, %convert_element_type3A_1171, %cond3A_1172 : i32
      scf.if %cond3A_1173 {
        %add3A_1549 = arith.constant 0 : i32
        %add3A_1550 = vector.broadcast %add3A_1549 : i32 to vector<16xi32>
        %add3A_1551 = arith.addi %add3A_1550, %iota3A : vector<16xi32>
        %add3A_1552 = arith.constant 16 : i32
        %add3A_1553 = vector.broadcast %add3A_1552 : i32 to vector<16xi32>
        %add3A_1554 = arith.addi %add3A_1553, %iota3A : vector<16xi32>
        %add3A_1555 = arith.constant 32 : i32
        %add3A_1556 = vector.broadcast %add3A_1555 : i32 to vector<16xi32>
        %add3A_1557 = arith.addi %add3A_1556, %iota3A : vector<16xi32>
        %add3A_1558 = arith.constant 48 : i32
        %add3A_1559 = vector.broadcast %add3A_1558 : i32 to vector<16xi32>
        %add3A_1560 = arith.addi %add3A_1559, %iota3A : vector<16xi32>
        %parallel_loop3A = arith.constant 0 : i32
        %parallel_loop3A_1561 = arith.constant 128 : i32
        %parallel_loop3A_1562 = arith.constant 1 : i32
        scf.for %parallel_loop3A_1656 = %parallel_loop3A to %parallel_loop3A_1561 step %parallel_loop3A_1562  : i32 {
          %parallel_loop3A_1657 = arith.constant 15 : i32
          %parallel_loop3A_1658 = arith.andi %parallel_loop3A_1656, %parallel_loop3A_1657 : i32
          %parallel_loop3A_1659 = arith.constant 4 : i32
          %parallel_loop3A_1660 = arith.shrsi %parallel_loop3A_1656, %parallel_loop3A_1659 : i32
          %parallel_loop3A_1661 = vector.broadcast %parallel_loop3A_1658 : i32 to vector<16xi32>
          %parallel_loop3A_1662 = arith.addi %parallel_loop3A_1661, %iota3A : vector<16xi32>
          %parallel_loop3A_1663 = arith.constant 15 : i32
          %parallel_loop3A_1664 = vector.broadcast %parallel_loop3A_1663 : i32 to vector<16xi32>
          %parallel_loop3A_1665 = arith.andi %parallel_loop3A_1662, %parallel_loop3A_1664 : vector<16xi32>
          %parallel_loop3A_1666 = arith.constant 16 : i32
          %parallel_loop3A_1667 = arith.muli %parallel_loop3A_1660, %parallel_loop3A_1666 : i32
          %parallel_loop3A_1668 = vector.broadcast %parallel_loop3A_1667 : i32 to vector<16xi32>
          %parallel_loop3A_1669 = arith.addi %parallel_loop3A_1665, %parallel_loop3A_1668 : vector<16xi32>
          %parallel_loop3A_1670 = tpu.vector_load_idx %arg9[%parallel_loop3A_1669, %add3A_1551] : memref<128x128xf32, #tpu.memory_space<vmem>>[vector<16xi32>, vector<16xi32>], vector<16xf32>,
          tpu.vector_store_idx %arg11[%add3A_1551, %parallel_loop3A_1669], %parallel_loop3A_1670 : memref<64x128xf32, #tpu.memory_space<vmem>>[vector<16xi32>, vector<16xi32>], vector<16xf32>,
          %parallel_loop3A_1671 = tpu.vector_load_idx %arg9[%parallel_loop3A_1669, %add3A_1554] : memref<128x128xf32, #tpu.memory_space<vmem>>[vector<16xi32>, vector<16xi32>], vector<16xf32>,
          tpu.vector_store_idx %arg11[%add3A_1554, %parallel_loop3A_1669], %parallel_loop3A_1671 : memref<64x128xf32, #tpu.memory_space<vmem>>[vector<16xi32>, vector<16xi32>], vector<16xf32>,
          %parallel_loop3A_1672 = tpu.vector_load_idx %arg9[%parallel_loop3A_1669, %add3A_1557] : memref<128x128xf32, #tpu.memory_space<vmem>>[vector<16xi32>, vector<16xi32>], vector<16xf32>,
          tpu.vector_store_idx %arg11[%add3A_1557, %parallel_loop3A_1669], %parallel_loop3A_1672 : memref<64x128xf32, #tpu.memory_space<vmem>>[vector<16xi32>, vector<16xi32>], vector<16xf32>,
          %parallel_loop3A_1673 = tpu.vector_load_idx %arg9[%parallel_loop3A_1669, %add3A_1560] : memref<128x128xf32, #tpu.memory_space<vmem>>[vector<16xi32>, vector<16xi32>], vector<16xf32>,
          tpu.vector_store_idx %arg11[%add3A_1560, %parallel_loop3A_1669], %parallel_loop3A_1673 : memref<64x128xf32, #tpu.memory_space<vmem>>[vector<16xi32>, vector<16xi32>], vector<16xf32>,
        } {sc.loop_unroll_factor = 4 : i64, sc.parallel_access}
        %jit3A_1563 = arith.constant 56 : i32
        %div3A_1564 = arith.divsi %add3A_802, %jit3A_1563 : i32
        %sign3A_1565 = arith.constant 0 : i32
        %sign3A_1566 = arith.cmpi sgt, %add3A_802, %sign3A_1565 : i32
        %sign3A_1567 = arith.extui %sign3A_1566 : i1 to i32
        %sign3A_1568 = arith.constant 0 : i32
        %sign3A_1569 = arith.cmpi slt, %add3A_802, %sign3A_1568 : i32
        %sign3A_1570 = arith.extui %sign3A_1569 : i1 to i32
        %sign3A_1571 = arith.subi %sign3A_1567, %sign3A_1570 : i32
        %sign3A_1572 = arith.constant 0 : i32
        %sign3A_1573 = arith.cmpi sgt, %jit3A_1563, %sign3A_1572 : i32
        %sign3A_1574 = arith.extui %sign3A_1573 : i1 to i32
        %sign3A_1575 = arith.constant 0 : i32
        %sign3A_1576 = arith.cmpi slt, %jit3A_1563, %sign3A_1575 : i32
        %sign3A_1577 = arith.extui %sign3A_1576 : i1 to i32
        %sign3A_1578 = arith.subi %sign3A_1574, %sign3A_1577 : i32
        %ne3A_1579 = arith.cmpi ne, %sign3A_1571, %sign3A_1578 : i32
        %rem3A_1580 = arith.remsi %add3A_802, %jit3A_1563 : i32
        %ne3A_1581 = arith.constant 0 : i32
        %ne3A_1582 = arith.cmpi ne, %rem3A_1580, %ne3A_1581 : i32
        %and3A_1583 = arith.andi %ne3A_1579, %ne3A_1582 : i1
        %sub3A_1584 = arith.constant 1 : i32
        %sub3A_1585 = arith.subi %div3A_1564, %sub3A_1584 : i32
        %select_n3A_1586 = arith.select %and3A_1583, %sub3A_1585, %div3A_1564 : i32
        %jit3A_1587 = arith.constant 8 : i32
        %div3A_1588 = arith.divsi %add3A_802, %jit3A_1587 : i32
        %sign3A_1589 = arith.constant 0 : i32
        %sign3A_1590 = arith.cmpi sgt, %add3A_802, %sign3A_1589 : i32
        %sign3A_1591 = arith.extui %sign3A_1590 : i1 to i32
        %sign3A_1592 = arith.constant 0 : i32
        %sign3A_1593 = arith.cmpi slt, %add3A_802, %sign3A_1592 : i32
        %sign3A_1594 = arith.extui %sign3A_1593 : i1 to i32
        %sign3A_1595 = arith.subi %sign3A_1591, %sign3A_1594 : i32
        %sign3A_1596 = arith.constant 0 : i32
        %sign3A_1597 = arith.cmpi sgt, %jit3A_1587, %sign3A_1596 : i32
        %sign3A_1598 = arith.extui %sign3A_1597 : i1 to i32
        %sign3A_1599 = arith.constant 0 : i32
        %sign3A_1600 = arith.cmpi slt, %jit3A_1587, %sign3A_1599 : i32
        %sign3A_1601 = arith.extui %sign3A_1600 : i1 to i32
        %sign3A_1602 = arith.subi %sign3A_1598, %sign3A_1601 : i32
        %ne3A_1603 = arith.cmpi ne, %sign3A_1595, %sign3A_1602 : i32
        %rem3A_1604 = arith.remsi %add3A_802, %jit3A_1587 : i32
        %ne3A_1605 = arith.constant 0 : i32
        %ne3A_1606 = arith.cmpi ne, %rem3A_1604, %ne3A_1605 : i32
        %and3A_1607 = arith.andi %ne3A_1603, %ne3A_1606 : i1
        %sub3A_1608 = arith.constant 1 : i32
        %sub3A_1609 = arith.subi %div3A_1588, %sub3A_1608 : i32
        %select_n3A_1610 = arith.select %and3A_1607, %sub3A_1609, %div3A_1588 : i32
        %jit3A_1611 = arith.constant 7 : i32
        %eq3A_1612 = arith.constant 0 : i32
        %eq3A_1613 = arith.cmpi eq, %jit3A_1611, %eq3A_1612 : i32
        %jit3A_1614 = arith.constant 1 : i32
        %select_n3A_1615 = arith.select %eq3A_1613, %jit3A_1614, %jit3A_1611 : i32
        %rem3A_1616 = arith.remsi %select_n3A_1610, %select_n3A_1615 : i32
        %ne3A_1617 = arith.constant 0 : i32
        %ne3A_1618 = arith.cmpi ne, %rem3A_1616, %ne3A_1617 : i32
        %lt3A_1619 = arith.constant 0 : i32
        %lt3A_1620 = arith.cmpi slt, %rem3A_1616, %lt3A_1619 : i32
        %lt3A_1621 = arith.constant 0 : i32
        %lt3A_1622 = arith.cmpi slt, %select_n3A_1615, %lt3A_1621 : i32
        %ne3A_1623 = arith.xori %lt3A_1620, %lt3A_1622 : i1
        %and3A_1624 = arith.andi %ne3A_1623, %ne3A_1618 : i1
        %add3A_1625 = arith.addi %rem3A_1616, %select_n3A_1615 : i32
        %select_n3A_1626 = arith.select %and3A_1624, %add3A_1625, %rem3A_1616 : i32
        %jit3A_1627 = arith.constant 8 : i32
        %eq3A_1628 = arith.constant 0 : i32
        %eq3A_1629 = arith.cmpi eq, %jit3A_1627, %eq3A_1628 : i32
        %jit3A_1630 = arith.constant 1 : i32
        %select_n3A_1631 = arith.select %eq3A_1629, %jit3A_1630, %jit3A_1627 : i32
        %rem3A_1632 = arith.remsi %add3A_802, %select_n3A_1631 : i32
        %ne3A_1633 = arith.constant 0 : i32
        %ne3A_1634 = arith.cmpi ne, %rem3A_1632, %ne3A_1633 : i32
        %lt3A_1635 = arith.constant 0 : i32
        %lt3A_1636 = arith.cmpi slt, %rem3A_1632, %lt3A_1635 : i32
        %lt3A_1637 = arith.constant 0 : i32
        %lt3A_1638 = arith.cmpi slt, %select_n3A_1631, %lt3A_1637 : i32
        %ne3A_1639 = arith.xori %lt3A_1636, %lt3A_1638 : i1
        %and3A_1640 = arith.andi %ne3A_1639, %ne3A_1634 : i1
        %add3A_1641 = arith.addi %rem3A_1632, %select_n3A_1631 : i32
        %select_n3A_1642 = arith.select %and3A_1640, %add3A_1641, %rem3A_1632 : i32
        %mul3A_1643 = arith.constant 8 : i32
        %mul3A_1644 = arith.muli %select_n3A_1626, %mul3A_1643 : i32
        %add3A_1645 = arith.addi %mul3A_1644, %select_n3A_1642 : i32
        %mul3A_1646 = arith.constant 4 : i32
        %mul3A_1647 = arith.muli %add3A, %mul3A_1646 : i32
        %add3A_1648 = arith.addi %mul3A_1647, %select_n3A_1586 : i32
        %mul3A_1649 = arith.constant 128 : i32
        %mul3A_1650 = arith.muli %add3A_1648, %mul3A_1649 : i32
        %dma_start3A = arith.constant 0 : i32
        %dma_start3A_1651 = tpu.memref_slice %arg4[%add3A_1645, %dma_start3A, %mul3A_1650] : memref<50x64x16384xf32, #tpu.memory_space<hbm>> -> memref<1x64x128xf32, #tpu.memory_space<hbm>>
        %dma_start3A_1652 = tpu.memref_squeeze %dma_start3A_1651 : memref<1x64x128xf32, #tpu.memory_space<hbm>> -> memref<64x128xf32, #tpu.memory_space<hbm>>
        %dma_start3A_1653 = arith.constant 0 : i32
        %dma_start3A_1654 = tpu.memref_slice %arg4[%add3A_1645, %dma_start3A_1653, %mul3A_1650] : memref<50x64x16384xf32, #tpu.memory_space<hbm>> -> memref<1x64x128xf32, #tpu.memory_space<hbm>>
        %dma_start3A_1655 = tpu.memref_squeeze %dma_start3A_1654 : memref<1x64x128xf32, #tpu.memory_space<hbm>> -> memref<64x128xf32, #tpu.memory_space<hbm>>
        tpu.enqueue_dma source(%arg11 : memref<64x128xf32, #tpu.memory_space<vmem>>) target(%dma_start3A_1655 : memref<64x128xf32, #tpu.memory_space<hbm>>) target_semaphore(%arg17 : memref<!tpu.dma_semaphore, #tpu.memory_space<semaphore_mem>>)
      } else {
      }
      %mul3A_1174 = arith.constant 4 : i32
      %mul3A_1175 = arith.muli %scan3A_57, %mul3A_1174 : i32
      %add3A_1176 = arith.constant 3 : i32
      %add3A_1177 = arith.addi %mul3A_1175, %add3A_1176 : i32
      %jit3A_1178 = arith.constant 56 : i32
      %div3A_1179 = arith.divsi %add3A_1177, %jit3A_1178 : i32
      %sign3A_1180 = arith.constant 0 : i32
      %sign3A_1181 = arith.cmpi sgt, %add3A_1177, %sign3A_1180 : i32
      %sign3A_1182 = arith.extui %sign3A_1181 : i1 to i32
      %sign3A_1183 = arith.constant 0 : i32
      %sign3A_1184 = arith.cmpi slt, %add3A_1177, %sign3A_1183 : i32
      %sign3A_1185 = arith.extui %sign3A_1184 : i1 to i32
      %sign3A_1186 = arith.subi %sign3A_1182, %sign3A_1185 : i32
      %sign3A_1187 = arith.constant 0 : i32
      %sign3A_1188 = arith.cmpi sgt, %jit3A_1178, %sign3A_1187 : i32
      %sign3A_1189 = arith.extui %sign3A_1188 : i1 to i32
      %sign3A_1190 = arith.constant 0 : i32
      %sign3A_1191 = arith.cmpi slt, %jit3A_1178, %sign3A_1190 : i32
      %sign3A_1192 = arith.extui %sign3A_1191 : i1 to i32
      %sign3A_1193 = arith.subi %sign3A_1189, %sign3A_1192 : i32
      %ne3A_1194 = arith.cmpi ne, %sign3A_1186, %sign3A_1193 : i32
      %rem3A_1195 = arith.remsi %add3A_1177, %jit3A_1178 : i32
      %ne3A_1196 = arith.constant 0 : i32
      %ne3A_1197 = arith.cmpi ne, %rem3A_1195, %ne3A_1196 : i32
      %and3A_1198 = arith.andi %ne3A_1194, %ne3A_1197 : i1
      %sub3A_1199 = arith.constant 1 : i32
      %sub3A_1200 = arith.subi %div3A_1179, %sub3A_1199 : i32
      %select_n3A_1201 = arith.select %and3A_1198, %sub3A_1200, %div3A_1179 : i32
      %jit3A_1202 = arith.constant 8 : i32
      %div3A_1203 = arith.divsi %add3A_1177, %jit3A_1202 : i32
      %sign3A_1204 = arith.constant 0 : i32
      %sign3A_1205 = arith.cmpi sgt, %add3A_1177, %sign3A_1204 : i32
      %sign3A_1206 = arith.extui %sign3A_1205 : i1 to i32
      %sign3A_1207 = arith.constant 0 : i32
      %sign3A_1208 = arith.cmpi slt, %add3A_1177, %sign3A_1207 : i32
      %sign3A_1209 = arith.extui %sign3A_1208 : i1 to i32
      %sign3A_1210 = arith.subi %sign3A_1206, %sign3A_1209 : i32
      %sign3A_1211 = arith.constant 0 : i32
      %sign3A_1212 = arith.cmpi sgt, %jit3A_1202, %sign3A_1211 : i32
      %sign3A_1213 = arith.extui %sign3A_1212 : i1 to i32
      %sign3A_1214 = arith.constant 0 : i32
      %sign3A_1215 = arith.cmpi slt, %jit3A_1202, %sign3A_1214 : i32
      %sign3A_1216 = arith.extui %sign3A_1215 : i1 to i32
      %sign3A_1217 = arith.subi %sign3A_1213, %sign3A_1216 : i32
      %ne3A_1218 = arith.cmpi ne, %sign3A_1210, %sign3A_1217 : i32
      %rem3A_1219 = arith.remsi %add3A_1177, %jit3A_1202 : i32
      %ne3A_1220 = arith.constant 0 : i32
      %ne3A_1221 = arith.cmpi ne, %rem3A_1219, %ne3A_1220 : i32
      %and3A_1222 = arith.andi %ne3A_1218, %ne3A_1221 : i1
      %sub3A_1223 = arith.constant 1 : i32
      %sub3A_1224 = arith.subi %div3A_1203, %sub3A_1223 : i32
      %select_n3A_1225 = arith.select %and3A_1222, %sub3A_1224, %div3A_1203 : i32
      %jit3A_1226 = arith.constant 7 : i32
      %eq3A_1227 = arith.constant 0 : i32
      %eq3A_1228 = arith.cmpi eq, %jit3A_1226, %eq3A_1227 : i32
      %jit3A_1229 = arith.constant 1 : i32
      %select_n3A_1230 = arith.select %eq3A_1228, %jit3A_1229, %jit3A_1226 : i32
      %rem3A_1231 = arith.remsi %select_n3A_1225, %select_n3A_1230 : i32
      %ne3A_1232 = arith.constant 0 : i32
      %ne3A_1233 = arith.cmpi ne, %rem3A_1231, %ne3A_1232 : i32
      %lt3A_1234 = arith.constant 0 : i32
      %lt3A_1235 = arith.cmpi slt, %rem3A_1231, %lt3A_1234 : i32
      %lt3A_1236 = arith.constant 0 : i32
      %lt3A_1237 = arith.cmpi slt, %select_n3A_1230, %lt3A_1236 : i32
      %ne3A_1238 = arith.xori %lt3A_1235, %lt3A_1237 : i1
      %and3A_1239 = arith.andi %ne3A_1238, %ne3A_1233 : i1
      %add3A_1240 = arith.addi %rem3A_1231, %select_n3A_1230 : i32
      %select_n3A_1241 = arith.select %and3A_1239, %add3A_1240, %rem3A_1231 : i32
      %jit3A_1242 = arith.constant 8 : i32
      %eq3A_1243 = arith.constant 0 : i32
      %eq3A_1244 = arith.cmpi eq, %jit3A_1242, %eq3A_1243 : i32
      %jit3A_1245 = arith.constant 1 : i32
      %select_n3A_1246 = arith.select %eq3A_1244, %jit3A_1245, %jit3A_1242 : i32
      %rem3A_1247 = arith.remsi %add3A_1177, %select_n3A_1246 : i32
      %ne3A_1248 = arith.constant 0 : i32
      %ne3A_1249 = arith.cmpi ne, %rem3A_1247, %ne3A_1248 : i32
      %lt3A_1250 = arith.constant 0 : i32
      %lt3A_1251 = arith.cmpi slt, %rem3A_1247, %lt3A_1250 : i32
      %lt3A_1252 = arith.constant 0 : i32
      %lt3A_1253 = arith.cmpi slt, %select_n3A_1246, %lt3A_1252 : i32
      %ne3A_1254 = arith.xori %lt3A_1251, %lt3A_1253 : i1
      %and3A_1255 = arith.andi %ne3A_1254, %ne3A_1249 : i1
      %add3A_1256 = arith.addi %rem3A_1247, %select_n3A_1246 : i32
      %select_n3A_1257 = arith.select %and3A_1255, %add3A_1256, %rem3A_1247 : i32
      %mul3A_1258 = arith.constant 8 : i32
      %mul3A_1259 = arith.muli %select_n3A_1241, %mul3A_1258 : i32
      %add3A_1260 = arith.addi %mul3A_1259, %select_n3A_1257 : i32
      %lt3A_1261 = arith.constant 224 : i32
      %lt3A_1262 = arith.cmpi slt, %add3A_1177, %lt3A_1261 : i32
      %lt3A_1263 = arith.constant 50 : i32
      %lt3A_1264 = arith.cmpi slt, %add3A_1260, %lt3A_1263 : i32
      %and3A_1265 = arith.andi %lt3A_1262, %lt3A_1264 : i1
      %convert_element_type3A_1266 = arith.extui %and3A_1265 : i1 to i32
      %cond3A_1267 = arith.constant 0 : i32
      %cond3A_1268 = arith.cmpi ne, %convert_element_type3A_1266, %cond3A_1267 : i32
      scf.if %cond3A_1268 {
        %jit3A_1549 = arith.constant 56 : i32
        %div3A_1550 = arith.divsi %add3A_1177, %jit3A_1549 : i32
        %sign3A_1551 = arith.constant 0 : i32
        %sign3A_1552 = arith.cmpi sgt, %add3A_1177, %sign3A_1551 : i32
        %sign3A_1553 = arith.extui %sign3A_1552 : i1 to i32
        %sign3A_1554 = arith.constant 0 : i32
        %sign3A_1555 = arith.cmpi slt, %add3A_1177, %sign3A_1554 : i32
        %sign3A_1556 = arith.extui %sign3A_1555 : i1 to i32
        %sign3A_1557 = arith.subi %sign3A_1553, %sign3A_1556 : i32
        %sign3A_1558 = arith.constant 0 : i32
        %sign3A_1559 = arith.cmpi sgt, %jit3A_1549, %sign3A_1558 : i32
        %sign3A_1560 = arith.extui %sign3A_1559 : i1 to i32
        %sign3A_1561 = arith.constant 0 : i32
        %sign3A_1562 = arith.cmpi slt, %jit3A_1549, %sign3A_1561 : i32
        %sign3A_1563 = arith.extui %sign3A_1562 : i1 to i32
        %sign3A_1564 = arith.subi %sign3A_1560, %sign3A_1563 : i32
        %ne3A_1565 = arith.cmpi ne, %sign3A_1557, %sign3A_1564 : i32
        %rem3A_1566 = arith.remsi %add3A_1177, %jit3A_1549 : i32
        %ne3A_1567 = arith.constant 0 : i32
        %ne3A_1568 = arith.cmpi ne, %rem3A_1566, %ne3A_1567 : i32
        %and3A_1569 = arith.andi %ne3A_1565, %ne3A_1568 : i1
        %sub3A_1570 = arith.constant 1 : i32
        %sub3A_1571 = arith.subi %div3A_1550, %sub3A_1570 : i32
        %select_n3A_1572 = arith.select %and3A_1569, %sub3A_1571, %div3A_1550 : i32
        %jit3A_1573 = arith.constant 8 : i32
        %div3A_1574 = arith.divsi %add3A_1177, %jit3A_1573 : i32
        %sign3A_1575 = arith.constant 0 : i32
        %sign3A_1576 = arith.cmpi sgt, %add3A_1177, %sign3A_1575 : i32
        %sign3A_1577 = arith.extui %sign3A_1576 : i1 to i32
        %sign3A_1578 = arith.constant 0 : i32
        %sign3A_1579 = arith.cmpi slt, %add3A_1177, %sign3A_1578 : i32
        %sign3A_1580 = arith.extui %sign3A_1579 : i1 to i32
        %sign3A_1581 = arith.subi %sign3A_1577, %sign3A_1580 : i32
        %sign3A_1582 = arith.constant 0 : i32
        %sign3A_1583 = arith.cmpi sgt, %jit3A_1573, %sign3A_1582 : i32
        %sign3A_1584 = arith.extui %sign3A_1583 : i1 to i32
        %sign3A_1585 = arith.constant 0 : i32
        %sign3A_1586 = arith.cmpi slt, %jit3A_1573, %sign3A_1585 : i32
        %sign3A_1587 = arith.extui %sign3A_1586 : i1 to i32
        %sign3A_1588 = arith.subi %sign3A_1584, %sign3A_1587 : i32
        %ne3A_1589 = arith.cmpi ne, %sign3A_1581, %sign3A_1588 : i32
        %rem3A_1590 = arith.remsi %add3A_1177, %jit3A_1573 : i32
        %ne3A_1591 = arith.constant 0 : i32
        %ne3A_1592 = arith.cmpi ne, %rem3A_1590, %ne3A_1591 : i32
        %and3A_1593 = arith.andi %ne3A_1589, %ne3A_1592 : i1
        %sub3A_1594 = arith.constant 1 : i32
        %sub3A_1595 = arith.subi %div3A_1574, %sub3A_1594 : i32
        %select_n3A_1596 = arith.select %and3A_1593, %sub3A_1595, %div3A_1574 : i32
        %jit3A_1597 = arith.constant 7 : i32
        %eq3A_1598 = arith.constant 0 : i32
        %eq3A_1599 = arith.cmpi eq, %jit3A_1597, %eq3A_1598 : i32
        %jit3A_1600 = arith.constant 1 : i32
        %select_n3A_1601 = arith.select %eq3A_1599, %jit3A_1600, %jit3A_1597 : i32
        %rem3A_1602 = arith.remsi %select_n3A_1596, %select_n3A_1601 : i32
        %ne3A_1603 = arith.constant 0 : i32
        %ne3A_1604 = arith.cmpi ne, %rem3A_1602, %ne3A_1603 : i32
        %lt3A_1605 = arith.constant 0 : i32
        %lt3A_1606 = arith.cmpi slt, %rem3A_1602, %lt3A_1605 : i32
        %lt3A_1607 = arith.constant 0 : i32
        %lt3A_1608 = arith.cmpi slt, %select_n3A_1601, %lt3A_1607 : i32
        %ne3A_1609 = arith.xori %lt3A_1606, %lt3A_1608 : i1
        %and3A_1610 = arith.andi %ne3A_1609, %ne3A_1604 : i1
        %add3A_1611 = arith.addi %rem3A_1602, %select_n3A_1601 : i32
        %select_n3A_1612 = arith.select %and3A_1610, %add3A_1611, %rem3A_1602 : i32
        %jit3A_1613 = arith.constant 8 : i32
        %eq3A_1614 = arith.constant 0 : i32
        %eq3A_1615 = arith.cmpi eq, %jit3A_1613, %eq3A_1614 : i32
        %jit3A_1616 = arith.constant 1 : i32
        %select_n3A_1617 = arith.select %eq3A_1615, %jit3A_1616, %jit3A_1613 : i32
        %rem3A_1618 = arith.remsi %add3A_1177, %select_n3A_1617 : i32
        %ne3A_1619 = arith.constant 0 : i32
        %ne3A_1620 = arith.cmpi ne, %rem3A_1618, %ne3A_1619 : i32
        %lt3A_1621 = arith.constant 0 : i32
        %lt3A_1622 = arith.cmpi slt, %rem3A_1618, %lt3A_1621 : i32
        %lt3A_1623 = arith.constant 0 : i32
        %lt3A_1624 = arith.cmpi slt, %select_n3A_1617, %lt3A_1623 : i32
        %ne3A_1625 = arith.xori %lt3A_1622, %lt3A_1624 : i1
        %and3A_1626 = arith.andi %ne3A_1625, %ne3A_1620 : i1
        %add3A_1627 = arith.addi %rem3A_1618, %select_n3A_1617 : i32
        %select_n3A_1628 = arith.select %and3A_1626, %add3A_1627, %rem3A_1618 : i32
        %mul3A_1629 = arith.constant 8 : i32
        %mul3A_1630 = arith.muli %select_n3A_1612, %mul3A_1629 : i32
        %add3A_1631 = arith.addi %mul3A_1630, %select_n3A_1628 : i32
        %mul3A_1632 = arith.constant 128 : i32
        %mul3A_1633 = arith.muli %select_n3A_1572, %mul3A_1632 : i32
        %dma_wait3A = tpu.memref_slice %arg6[%select_n3A_1612, %select_n3A_1628, %mul3A_1633] : memref<7x8x512xi32, #tpu.memory_space<vmem>> -> memref<1x1x128xi32, #tpu.memory_space<vmem>>
        %dma_wait3A_1634 = tpu.memref_squeeze %dma_wait3A : memref<1x1x128xi32, #tpu.memory_space<vmem>> -> memref<128xi32, #tpu.memory_space<vmem>>
        %dma_wait3A_1635 = arith.constant 0 : i32
        %dma_wait3A_1636 = arith.constant 0 : i32
        %dma_wait3A_1637 = tpu.memref_slice %arg5[%dma_wait3A_1635, %dma_wait3A_1636] : memref<1008x128xf32, #tpu.memory_space<vmem_shared>> -> memref<1008x128xf32, #tpu.memory_space<vmem_shared>>
        tpu.wait_indirect_dma semaphore(%arg16 : memref<!tpu.dma_semaphore, #tpu.memory_space<semaphore_mem>>) src(%dma_wait3A_1637 : memref<1008x128xf32, #tpu.memory_space<vmem_shared>>) dst(%arg10 : memref<128x128xf32, #tpu.memory_space<vmem>>)
      } else {
      }
      %add3A_1269 = arith.constant 3 : i32
      %add3A_1270 = arith.addi %add3A_1177, %add3A_1269 : i32
      %jit3A_1271 = arith.constant 56 : i32
      %div3A_1272 = arith.divsi %add3A_1270, %jit3A_1271 : i32
      %sign3A_1273 = arith.constant 0 : i32
      %sign3A_1274 = arith.cmpi sgt, %add3A_1270, %sign3A_1273 : i32
      %sign3A_1275 = arith.extui %sign3A_1274 : i1 to i32
      %sign3A_1276 = arith.constant 0 : i32
      %sign3A_1277 = arith.cmpi slt, %add3A_1270, %sign3A_1276 : i32
      %sign3A_1278 = arith.extui %sign3A_1277 : i1 to i32
      %sign3A_1279 = arith.subi %sign3A_1275, %sign3A_1278 : i32
      %sign3A_1280 = arith.constant 0 : i32
      %sign3A_1281 = arith.cmpi sgt, %jit3A_1271, %sign3A_1280 : i32
      %sign3A_1282 = arith.extui %sign3A_1281 : i1 to i32
      %sign3A_1283 = arith.constant 0 : i32
      %sign3A_1284 = arith.cmpi slt, %jit3A_1271, %sign3A_1283 : i32
      %sign3A_1285 = arith.extui %sign3A_1284 : i1 to i32
      %sign3A_1286 = arith.subi %sign3A_1282, %sign3A_1285 : i32
      %ne3A_1287 = arith.cmpi ne, %sign3A_1279, %sign3A_1286 : i32
      %rem3A_1288 = arith.remsi %add3A_1270, %jit3A_1271 : i32
      %ne3A_1289 = arith.constant 0 : i32
      %ne3A_1290 = arith.cmpi ne, %rem3A_1288, %ne3A_1289 : i32
      %and3A_1291 = arith.andi %ne3A_1287, %ne3A_1290 : i1
      %sub3A_1292 = arith.constant 1 : i32
      %sub3A_1293 = arith.subi %div3A_1272, %sub3A_1292 : i32
      %select_n3A_1294 = arith.select %and3A_1291, %sub3A_1293, %div3A_1272 : i32
      %jit3A_1295 = arith.constant 8 : i32
      %div3A_1296 = arith.divsi %add3A_1270, %jit3A_1295 : i32
      %sign3A_1297 = arith.constant 0 : i32
      %sign3A_1298 = arith.cmpi sgt, %add3A_1270, %sign3A_1297 : i32
      %sign3A_1299 = arith.extui %sign3A_1298 : i1 to i32
      %sign3A_1300 = arith.constant 0 : i32
      %sign3A_1301 = arith.cmpi slt, %add3A_1270, %sign3A_1300 : i32
      %sign3A_1302 = arith.extui %sign3A_1301 : i1 to i32
      %sign3A_1303 = arith.subi %sign3A_1299, %sign3A_1302 : i32
      %sign3A_1304 = arith.constant 0 : i32
      %sign3A_1305 = arith.cmpi sgt, %jit3A_1295, %sign3A_1304 : i32
      %sign3A_1306 = arith.extui %sign3A_1305 : i1 to i32
      %sign3A_1307 = arith.constant 0 : i32
      %sign3A_1308 = arith.cmpi slt, %jit3A_1295, %sign3A_1307 : i32
      %sign3A_1309 = arith.extui %sign3A_1308 : i1 to i32
      %sign3A_1310 = arith.subi %sign3A_1306, %sign3A_1309 : i32
      %ne3A_1311 = arith.cmpi ne, %sign3A_1303, %sign3A_1310 : i32
      %rem3A_1312 = arith.remsi %add3A_1270, %jit3A_1295 : i32
      %ne3A_1313 = arith.constant 0 : i32
      %ne3A_1314 = arith.cmpi ne, %rem3A_1312, %ne3A_1313 : i32
      %and3A_1315 = arith.andi %ne3A_1311, %ne3A_1314 : i1
      %sub3A_1316 = arith.constant 1 : i32
      %sub3A_1317 = arith.subi %div3A_1296, %sub3A_1316 : i32
      %select_n3A_1318 = arith.select %and3A_1315, %sub3A_1317, %div3A_1296 : i32
      %jit3A_1319 = arith.constant 7 : i32
      %eq3A_1320 = arith.constant 0 : i32
      %eq3A_1321 = arith.cmpi eq, %jit3A_1319, %eq3A_1320 : i32
      %jit3A_1322 = arith.constant 1 : i32
      %select_n3A_1323 = arith.select %eq3A_1321, %jit3A_1322, %jit3A_1319 : i32
      %rem3A_1324 = arith.remsi %select_n3A_1318, %select_n3A_1323 : i32
      %ne3A_1325 = arith.constant 0 : i32
      %ne3A_1326 = arith.cmpi ne, %rem3A_1324, %ne3A_1325 : i32
      %lt3A_1327 = arith.constant 0 : i32
      %lt3A_1328 = arith.cmpi slt, %rem3A_1324, %lt3A_1327 : i32
      %lt3A_1329 = arith.constant 0 : i32
      %lt3A_1330 = arith.cmpi slt, %select_n3A_1323, %lt3A_1329 : i32
      %ne3A_1331 = arith.xori %lt3A_1328, %lt3A_1330 : i1
      %and3A_1332 = arith.andi %ne3A_1331, %ne3A_1326 : i1
      %add3A_1333 = arith.addi %rem3A_1324, %select_n3A_1323 : i32
      %select_n3A_1334 = arith.select %and3A_1332, %add3A_1333, %rem3A_1324 : i32
      %jit3A_1335 = arith.constant 8 : i32
      %eq3A_1336 = arith.constant 0 : i32
      %eq3A_1337 = arith.cmpi eq, %jit3A_1335, %eq3A_1336 : i32
      %jit3A_1338 = arith.constant 1 : i32
      %select_n3A_1339 = arith.select %eq3A_1337, %jit3A_1338, %jit3A_1335 : i32
      %rem3A_1340 = arith.remsi %add3A_1270, %select_n3A_1339 : i32
      %ne3A_1341 = arith.constant 0 : i32
      %ne3A_1342 = arith.cmpi ne, %rem3A_1340, %ne3A_1341 : i32
      %lt3A_1343 = arith.constant 0 : i32
      %lt3A_1344 = arith.cmpi slt, %rem3A_1340, %lt3A_1343 : i32
      %lt3A_1345 = arith.constant 0 : i32
      %lt3A_1346 = arith.cmpi slt, %select_n3A_1339, %lt3A_1345 : i32
      %ne3A_1347 = arith.xori %lt3A_1344, %lt3A_1346 : i1
      %and3A_1348 = arith.andi %ne3A_1347, %ne3A_1342 : i1
      %add3A_1349 = arith.addi %rem3A_1340, %select_n3A_1339 : i32
      %select_n3A_1350 = arith.select %and3A_1348, %add3A_1349, %rem3A_1340 : i32
      %mul3A_1351 = arith.constant 8 : i32
      %mul3A_1352 = arith.muli %select_n3A_1334, %mul3A_1351 : i32
      %add3A_1353 = arith.addi %mul3A_1352, %select_n3A_1350 : i32
      %lt3A_1354 = arith.constant 224 : i32
      %lt3A_1355 = arith.cmpi slt, %add3A_1270, %lt3A_1354 : i32
      %lt3A_1356 = arith.constant 50 : i32
      %lt3A_1357 = arith.cmpi slt, %add3A_1353, %lt3A_1356 : i32
      %and3A_1358 = arith.andi %lt3A_1355, %lt3A_1357 : i1
      %convert_element_type3A_1359 = arith.extui %and3A_1358 : i1 to i32
      %cond3A_1360 = arith.constant 0 : i32
      %cond3A_1361 = arith.cmpi ne, %convert_element_type3A_1359, %cond3A_1360 : i32
      scf.if %cond3A_1361 {
        %add3A_1549 = arith.constant 3 : i32
        %add3A_1550 = arith.addi %add3A_1177, %add3A_1549 : i32
        %jit3A_1551 = arith.constant 56 : i32
        %div3A_1552 = arith.divsi %add3A_1550, %jit3A_1551 : i32
        %sign3A_1553 = arith.constant 0 : i32
        %sign3A_1554 = arith.cmpi sgt, %add3A_1550, %sign3A_1553 : i32
        %sign3A_1555 = arith.extui %sign3A_1554 : i1 to i32
        %sign3A_1556 = arith.constant 0 : i32
        %sign3A_1557 = arith.cmpi slt, %add3A_1550, %sign3A_1556 : i32
        %sign3A_1558 = arith.extui %sign3A_1557 : i1 to i32
        %sign3A_1559 = arith.subi %sign3A_1555, %sign3A_1558 : i32
        %sign3A_1560 = arith.constant 0 : i32
        %sign3A_1561 = arith.cmpi sgt, %jit3A_1551, %sign3A_1560 : i32
        %sign3A_1562 = arith.extui %sign3A_1561 : i1 to i32
        %sign3A_1563 = arith.constant 0 : i32
        %sign3A_1564 = arith.cmpi slt, %jit3A_1551, %sign3A_1563 : i32
        %sign3A_1565 = arith.extui %sign3A_1564 : i1 to i32
        %sign3A_1566 = arith.subi %sign3A_1562, %sign3A_1565 : i32
        %ne3A_1567 = arith.cmpi ne, %sign3A_1559, %sign3A_1566 : i32
        %rem3A_1568 = arith.remsi %add3A_1550, %jit3A_1551 : i32
        %ne3A_1569 = arith.constant 0 : i32
        %ne3A_1570 = arith.cmpi ne, %rem3A_1568, %ne3A_1569 : i32
        %and3A_1571 = arith.andi %ne3A_1567, %ne3A_1570 : i1
        %sub3A_1572 = arith.constant 1 : i32
        %sub3A_1573 = arith.subi %div3A_1552, %sub3A_1572 : i32
        %select_n3A_1574 = arith.select %and3A_1571, %sub3A_1573, %div3A_1552 : i32
        %jit3A_1575 = arith.constant 8 : i32
        %div3A_1576 = arith.divsi %add3A_1550, %jit3A_1575 : i32
        %sign3A_1577 = arith.constant 0 : i32
        %sign3A_1578 = arith.cmpi sgt, %add3A_1550, %sign3A_1577 : i32
        %sign3A_1579 = arith.extui %sign3A_1578 : i1 to i32
        %sign3A_1580 = arith.constant 0 : i32
        %sign3A_1581 = arith.cmpi slt, %add3A_1550, %sign3A_1580 : i32
        %sign3A_1582 = arith.extui %sign3A_1581 : i1 to i32
        %sign3A_1583 = arith.subi %sign3A_1579, %sign3A_1582 : i32
        %sign3A_1584 = arith.constant 0 : i32
        %sign3A_1585 = arith.cmpi sgt, %jit3A_1575, %sign3A_1584 : i32
        %sign3A_1586 = arith.extui %sign3A_1585 : i1 to i32
        %sign3A_1587 = arith.constant 0 : i32
        %sign3A_1588 = arith.cmpi slt, %jit3A_1575, %sign3A_1587 : i32
        %sign3A_1589 = arith.extui %sign3A_1588 : i1 to i32
        %sign3A_1590 = arith.subi %sign3A_1586, %sign3A_1589 : i32
        %ne3A_1591 = arith.cmpi ne, %sign3A_1583, %sign3A_1590 : i32
        %rem3A_1592 = arith.remsi %add3A_1550, %jit3A_1575 : i32
        %ne3A_1593 = arith.constant 0 : i32
        %ne3A_1594 = arith.cmpi ne, %rem3A_1592, %ne3A_1593 : i32
        %and3A_1595 = arith.andi %ne3A_1591, %ne3A_1594 : i1
        %sub3A_1596 = arith.constant 1 : i32
        %sub3A_1597 = arith.subi %div3A_1576, %sub3A_1596 : i32
        %select_n3A_1598 = arith.select %and3A_1595, %sub3A_1597, %div3A_1576 : i32
        %jit3A_1599 = arith.constant 7 : i32
        %eq3A_1600 = arith.constant 0 : i32
        %eq3A_1601 = arith.cmpi eq, %jit3A_1599, %eq3A_1600 : i32
        %jit3A_1602 = arith.constant 1 : i32
        %select_n3A_1603 = arith.select %eq3A_1601, %jit3A_1602, %jit3A_1599 : i32
        %rem3A_1604 = arith.remsi %select_n3A_1598, %select_n3A_1603 : i32
        %ne3A_1605 = arith.constant 0 : i32
        %ne3A_1606 = arith.cmpi ne, %rem3A_1604, %ne3A_1605 : i32
        %lt3A_1607 = arith.constant 0 : i32
        %lt3A_1608 = arith.cmpi slt, %rem3A_1604, %lt3A_1607 : i32
        %lt3A_1609 = arith.constant 0 : i32
        %lt3A_1610 = arith.cmpi slt, %select_n3A_1603, %lt3A_1609 : i32
        %ne3A_1611 = arith.xori %lt3A_1608, %lt3A_1610 : i1
        %and3A_1612 = arith.andi %ne3A_1611, %ne3A_1606 : i1
        %add3A_1613 = arith.addi %rem3A_1604, %select_n3A_1603 : i32
        %select_n3A_1614 = arith.select %and3A_1612, %add3A_1613, %rem3A_1604 : i32
        %jit3A_1615 = arith.constant 8 : i32
        %eq3A_1616 = arith.constant 0 : i32
        %eq3A_1617 = arith.cmpi eq, %jit3A_1615, %eq3A_1616 : i32
        %jit3A_1618 = arith.constant 1 : i32
        %select_n3A_1619 = arith.select %eq3A_1617, %jit3A_1618, %jit3A_1615 : i32
        %rem3A_1620 = arith.remsi %add3A_1550, %select_n3A_1619 : i32
        %ne3A_1621 = arith.constant 0 : i32
        %ne3A_1622 = arith.cmpi ne, %rem3A_1620, %ne3A_1621 : i32
        %lt3A_1623 = arith.constant 0 : i32
        %lt3A_1624 = arith.cmpi slt, %rem3A_1620, %lt3A_1623 : i32
        %lt3A_1625 = arith.constant 0 : i32
        %lt3A_1626 = arith.cmpi slt, %select_n3A_1619, %lt3A_1625 : i32
        %ne3A_1627 = arith.xori %lt3A_1624, %lt3A_1626 : i1
        %and3A_1628 = arith.andi %ne3A_1627, %ne3A_1622 : i1
        %add3A_1629 = arith.addi %rem3A_1620, %select_n3A_1619 : i32
        %select_n3A_1630 = arith.select %and3A_1628, %add3A_1629, %rem3A_1620 : i32
        %mul3A_1631 = arith.constant 8 : i32
        %mul3A_1632 = arith.muli %select_n3A_1614, %mul3A_1631 : i32
        %add3A_1633 = arith.addi %mul3A_1632, %select_n3A_1630 : i32
        %mul3A_1634 = arith.constant 128 : i32
        %mul3A_1635 = arith.muli %select_n3A_1574, %mul3A_1634 : i32
        %dma_start3A = tpu.memref_slice %arg6[%select_n3A_1614, %select_n3A_1630, %mul3A_1635] : memref<7x8x512xi32, #tpu.memory_space<vmem>> -> memref<1x1x128xi32, #tpu.memory_space<vmem>>
        %dma_start3A_1636 = tpu.memref_squeeze %dma_start3A : memref<1x1x128xi32, #tpu.memory_space<vmem>> -> memref<128xi32, #tpu.memory_space<vmem>>
        %dma_start3A_1637 = arith.constant 0 : i32
        %dma_start3A_1638 = arith.constant 0 : i32
        %dma_start3A_1639 = tpu.memref_slice %arg5[%dma_start3A_1637, %dma_start3A_1638] : memref<1008x128xf32, #tpu.memory_space<vmem_shared>> -> memref<1008x128xf32, #tpu.memory_space<vmem_shared>>
        tpu.enqueue_indirect_dma source(%dma_start3A_1639 : memref<1008x128xf32, #tpu.memory_space<vmem_shared>>) target(%arg9 : memref<128x128xf32, #tpu.memory_space<vmem>>) offsets(%dma_start3A_1636 : memref<128xi32, #tpu.memory_space<vmem>>) semaphore(%arg15 : memref<!tpu.dma_semaphore, #tpu.memory_space<semaphore_mem>>)
      } else {
      }
      %ge3A_1362 = arith.constant 2 : i32
      %ge3A_1363 = arith.cmpi sge, %add3A_1177, %ge3A_1362 : i32
      %sub3A_1364 = arith.constant 2 : i32
      %sub3A_1365 = arith.subi %add3A_1177, %sub3A_1364 : i32
      %jit3A_1366 = arith.constant 56 : i32
      %div3A_1367 = arith.divsi %sub3A_1365, %jit3A_1366 : i32
      %sign3A_1368 = arith.constant 0 : i32
      %sign3A_1369 = arith.cmpi sgt, %sub3A_1365, %sign3A_1368 : i32
      %sign3A_1370 = arith.extui %sign3A_1369 : i1 to i32
      %sign3A_1371 = arith.constant 0 : i32
      %sign3A_1372 = arith.cmpi slt, %sub3A_1365, %sign3A_1371 : i32
      %sign3A_1373 = arith.extui %sign3A_1372 : i1 to i32
      %sign3A_1374 = arith.subi %sign3A_1370, %sign3A_1373 : i32
      %sign3A_1375 = arith.constant 0 : i32
      %sign3A_1376 = arith.cmpi sgt, %jit3A_1366, %sign3A_1375 : i32
      %sign3A_1377 = arith.extui %sign3A_1376 : i1 to i32
      %sign3A_1378 = arith.constant 0 : i32
      %sign3A_1379 = arith.cmpi slt, %jit3A_1366, %sign3A_1378 : i32
      %sign3A_1380 = arith.extui %sign3A_1379 : i1 to i32
      %sign3A_1381 = arith.subi %sign3A_1377, %sign3A_1380 : i32
      %ne3A_1382 = arith.cmpi ne, %sign3A_1374, %sign3A_1381 : i32
      %rem3A_1383 = arith.remsi %sub3A_1365, %jit3A_1366 : i32
      %ne3A_1384 = arith.constant 0 : i32
      %ne3A_1385 = arith.cmpi ne, %rem3A_1383, %ne3A_1384 : i32
      %and3A_1386 = arith.andi %ne3A_1382, %ne3A_1385 : i1
      %sub3A_1387 = arith.constant 1 : i32
      %sub3A_1388 = arith.subi %div3A_1367, %sub3A_1387 : i32
      %select_n3A_1389 = arith.select %and3A_1386, %sub3A_1388, %div3A_1367 : i32
      %jit3A_1390 = arith.constant 8 : i32
      %div3A_1391 = arith.divsi %sub3A_1365, %jit3A_1390 : i32
      %sign3A_1392 = arith.constant 0 : i32
      %sign3A_1393 = arith.cmpi sgt, %sub3A_1365, %sign3A_1392 : i32
      %sign3A_1394 = arith.extui %sign3A_1393 : i1 to i32
      %sign3A_1395 = arith.constant 0 : i32
      %sign3A_1396 = arith.cmpi slt, %sub3A_1365, %sign3A_1395 : i32
      %sign3A_1397 = arith.extui %sign3A_1396 : i1 to i32
      %sign3A_1398 = arith.subi %sign3A_1394, %sign3A_1397 : i32
      %sign3A_1399 = arith.constant 0 : i32
      %sign3A_1400 = arith.cmpi sgt, %jit3A_1390, %sign3A_1399 : i32
      %sign3A_1401 = arith.extui %sign3A_1400 : i1 to i32
      %sign3A_1402 = arith.constant 0 : i32
      %sign3A_1403 = arith.cmpi slt, %jit3A_1390, %sign3A_1402 : i32
      %sign3A_1404 = arith.extui %sign3A_1403 : i1 to i32
      %sign3A_1405 = arith.subi %sign3A_1401, %sign3A_1404 : i32
      %ne3A_1406 = arith.cmpi ne, %sign3A_1398, %sign3A_1405 : i32
      %rem3A_1407 = arith.remsi %sub3A_1365, %jit3A_1390 : i32
      %ne3A_1408 = arith.constant 0 : i32
      %ne3A_1409 = arith.cmpi ne, %rem3A_1407, %ne3A_1408 : i32
      %and3A_1410 = arith.andi %ne3A_1406, %ne3A_1409 : i1
      %sub3A_1411 = arith.constant 1 : i32
      %sub3A_1412 = arith.subi %div3A_1391, %sub3A_1411 : i32
      %select_n3A_1413 = arith.select %and3A_1410, %sub3A_1412, %div3A_1391 : i32
      %jit3A_1414 = arith.constant 7 : i32
      %eq3A_1415 = arith.constant 0 : i32
      %eq3A_1416 = arith.cmpi eq, %jit3A_1414, %eq3A_1415 : i32
      %jit3A_1417 = arith.constant 1 : i32
      %select_n3A_1418 = arith.select %eq3A_1416, %jit3A_1417, %jit3A_1414 : i32
      %rem3A_1419 = arith.remsi %select_n3A_1413, %select_n3A_1418 : i32
      %ne3A_1420 = arith.constant 0 : i32
      %ne3A_1421 = arith.cmpi ne, %rem3A_1419, %ne3A_1420 : i32
      %lt3A_1422 = arith.constant 0 : i32
      %lt3A_1423 = arith.cmpi slt, %rem3A_1419, %lt3A_1422 : i32
      %lt3A_1424 = arith.constant 0 : i32
      %lt3A_1425 = arith.cmpi slt, %select_n3A_1418, %lt3A_1424 : i32
      %ne3A_1426 = arith.xori %lt3A_1423, %lt3A_1425 : i1
      %and3A_1427 = arith.andi %ne3A_1426, %ne3A_1421 : i1
      %add3A_1428 = arith.addi %rem3A_1419, %select_n3A_1418 : i32
      %select_n3A_1429 = arith.select %and3A_1427, %add3A_1428, %rem3A_1419 : i32
      %jit3A_1430 = arith.constant 8 : i32
      %eq3A_1431 = arith.constant 0 : i32
      %eq3A_1432 = arith.cmpi eq, %jit3A_1430, %eq3A_1431 : i32
      %jit3A_1433 = arith.constant 1 : i32
      %select_n3A_1434 = arith.select %eq3A_1432, %jit3A_1433, %jit3A_1430 : i32
      %rem3A_1435 = arith.remsi %sub3A_1365, %select_n3A_1434 : i32
      %ne3A_1436 = arith.constant 0 : i32
      %ne3A_1437 = arith.cmpi ne, %rem3A_1435, %ne3A_1436 : i32
      %lt3A_1438 = arith.constant 0 : i32
      %lt3A_1439 = arith.cmpi slt, %rem3A_1435, %lt3A_1438 : i32
      %lt3A_1440 = arith.constant 0 : i32
      %lt3A_1441 = arith.cmpi slt, %select_n3A_1434, %lt3A_1440 : i32
      %ne3A_1442 = arith.xori %lt3A_1439, %lt3A_1441 : i1
      %and3A_1443 = arith.andi %ne3A_1442, %ne3A_1437 : i1
      %add3A_1444 = arith.addi %rem3A_1435, %select_n3A_1434 : i32
      %select_n3A_1445 = arith.select %and3A_1443, %add3A_1444, %rem3A_1435 : i32
      %mul3A_1446 = arith.constant 8 : i32
      %mul3A_1447 = arith.muli %select_n3A_1429, %mul3A_1446 : i32
      %add3A_1448 = arith.addi %mul3A_1447, %select_n3A_1445 : i32
      %lt3A_1449 = arith.constant 224 : i32
      %lt3A_1450 = arith.cmpi slt, %sub3A_1365, %lt3A_1449 : i32
      %lt3A_1451 = arith.constant 50 : i32
      %lt3A_1452 = arith.cmpi slt, %add3A_1448, %lt3A_1451 : i32
      %and3A_1453 = arith.andi %lt3A_1450, %lt3A_1452 : i1
      %and3A_1454 = arith.andi %ge3A_1363, %and3A_1453 : i1
      %convert_element_type3A_1455 = arith.extui %and3A_1454 : i1 to i32
      %cond3A_1456 = arith.constant 0 : i32
      %cond3A_1457 = arith.cmpi ne, %convert_element_type3A_1455, %cond3A_1456 : i32
      scf.if %cond3A_1457 {
        %sub3A_1549 = arith.constant 2 : i32
        %sub3A_1550 = arith.subi %add3A_1177, %sub3A_1549 : i32
        %jit3A_1551 = arith.constant 56 : i32
        %div3A_1552 = arith.divsi %sub3A_1550, %jit3A_1551 : i32
        %sign3A_1553 = arith.constant 0 : i32
        %sign3A_1554 = arith.cmpi sgt, %sub3A_1550, %sign3A_1553 : i32
        %sign3A_1555 = arith.extui %sign3A_1554 : i1 to i32
        %sign3A_1556 = arith.constant 0 : i32
        %sign3A_1557 = arith.cmpi slt, %sub3A_1550, %sign3A_1556 : i32
        %sign3A_1558 = arith.extui %sign3A_1557 : i1 to i32
        %sign3A_1559 = arith.subi %sign3A_1555, %sign3A_1558 : i32
        %sign3A_1560 = arith.constant 0 : i32
        %sign3A_1561 = arith.cmpi sgt, %jit3A_1551, %sign3A_1560 : i32
        %sign3A_1562 = arith.extui %sign3A_1561 : i1 to i32
        %sign3A_1563 = arith.constant 0 : i32
        %sign3A_1564 = arith.cmpi slt, %jit3A_1551, %sign3A_1563 : i32
        %sign3A_1565 = arith.extui %sign3A_1564 : i1 to i32
        %sign3A_1566 = arith.subi %sign3A_1562, %sign3A_1565 : i32
        %ne3A_1567 = arith.cmpi ne, %sign3A_1559, %sign3A_1566 : i32
        %rem3A_1568 = arith.remsi %sub3A_1550, %jit3A_1551 : i32
        %ne3A_1569 = arith.constant 0 : i32
        %ne3A_1570 = arith.cmpi ne, %rem3A_1568, %ne3A_1569 : i32
        %and3A_1571 = arith.andi %ne3A_1567, %ne3A_1570 : i1
        %sub3A_1572 = arith.constant 1 : i32
        %sub3A_1573 = arith.subi %div3A_1552, %sub3A_1572 : i32
        %select_n3A_1574 = arith.select %and3A_1571, %sub3A_1573, %div3A_1552 : i32
        %jit3A_1575 = arith.constant 8 : i32
        %div3A_1576 = arith.divsi %sub3A_1550, %jit3A_1575 : i32
        %sign3A_1577 = arith.constant 0 : i32
        %sign3A_1578 = arith.cmpi sgt, %sub3A_1550, %sign3A_1577 : i32
        %sign3A_1579 = arith.extui %sign3A_1578 : i1 to i32
        %sign3A_1580 = arith.constant 0 : i32
        %sign3A_1581 = arith.cmpi slt, %sub3A_1550, %sign3A_1580 : i32
        %sign3A_1582 = arith.extui %sign3A_1581 : i1 to i32
        %sign3A_1583 = arith.subi %sign3A_1579, %sign3A_1582 : i32
        %sign3A_1584 = arith.constant 0 : i32
        %sign3A_1585 = arith.cmpi sgt, %jit3A_1575, %sign3A_1584 : i32
        %sign3A_1586 = arith.extui %sign3A_1585 : i1 to i32
        %sign3A_1587 = arith.constant 0 : i32
        %sign3A_1588 = arith.cmpi slt, %jit3A_1575, %sign3A_1587 : i32
        %sign3A_1589 = arith.extui %sign3A_1588 : i1 to i32
        %sign3A_1590 = arith.subi %sign3A_1586, %sign3A_1589 : i32
        %ne3A_1591 = arith.cmpi ne, %sign3A_1583, %sign3A_1590 : i32
        %rem3A_1592 = arith.remsi %sub3A_1550, %jit3A_1575 : i32
        %ne3A_1593 = arith.constant 0 : i32
        %ne3A_1594 = arith.cmpi ne, %rem3A_1592, %ne3A_1593 : i32
        %and3A_1595 = arith.andi %ne3A_1591, %ne3A_1594 : i1
        %sub3A_1596 = arith.constant 1 : i32
        %sub3A_1597 = arith.subi %div3A_1576, %sub3A_1596 : i32
        %select_n3A_1598 = arith.select %and3A_1595, %sub3A_1597, %div3A_1576 : i32
        %jit3A_1599 = arith.constant 7 : i32
        %eq3A_1600 = arith.constant 0 : i32
        %eq3A_1601 = arith.cmpi eq, %jit3A_1599, %eq3A_1600 : i32
        %jit3A_1602 = arith.constant 1 : i32
        %select_n3A_1603 = arith.select %eq3A_1601, %jit3A_1602, %jit3A_1599 : i32
        %rem3A_1604 = arith.remsi %select_n3A_1598, %select_n3A_1603 : i32
        %ne3A_1605 = arith.constant 0 : i32
        %ne3A_1606 = arith.cmpi ne, %rem3A_1604, %ne3A_1605 : i32
        %lt3A_1607 = arith.constant 0 : i32
        %lt3A_1608 = arith.cmpi slt, %rem3A_1604, %lt3A_1607 : i32
        %lt3A_1609 = arith.constant 0 : i32
        %lt3A_1610 = arith.cmpi slt, %select_n3A_1603, %lt3A_1609 : i32
        %ne3A_1611 = arith.xori %lt3A_1608, %lt3A_1610 : i1
        %and3A_1612 = arith.andi %ne3A_1611, %ne3A_1606 : i1
        %add3A_1613 = arith.addi %rem3A_1604, %select_n3A_1603 : i32
        %select_n3A_1614 = arith.select %and3A_1612, %add3A_1613, %rem3A_1604 : i32
        %jit3A_1615 = arith.constant 8 : i32
        %eq3A_1616 = arith.constant 0 : i32
        %eq3A_1617 = arith.cmpi eq, %jit3A_1615, %eq3A_1616 : i32
        %jit3A_1618 = arith.constant 1 : i32
        %select_n3A_1619 = arith.select %eq3A_1617, %jit3A_1618, %jit3A_1615 : i32
        %rem3A_1620 = arith.remsi %sub3A_1550, %select_n3A_1619 : i32
        %ne3A_1621 = arith.constant 0 : i32
        %ne3A_1622 = arith.cmpi ne, %rem3A_1620, %ne3A_1621 : i32
        %lt3A_1623 = arith.constant 0 : i32
        %lt3A_1624 = arith.cmpi slt, %rem3A_1620, %lt3A_1623 : i32
        %lt3A_1625 = arith.constant 0 : i32
        %lt3A_1626 = arith.cmpi slt, %select_n3A_1619, %lt3A_1625 : i32
        %ne3A_1627 = arith.xori %lt3A_1624, %lt3A_1626 : i1
        %and3A_1628 = arith.andi %ne3A_1627, %ne3A_1622 : i1
        %add3A_1629 = arith.addi %rem3A_1620, %select_n3A_1619 : i32
        %select_n3A_1630 = arith.select %and3A_1628, %add3A_1629, %rem3A_1620 : i32
        %mul3A_1631 = arith.constant 8 : i32
        %mul3A_1632 = arith.muli %select_n3A_1614, %mul3A_1631 : i32
        %add3A_1633 = arith.addi %mul3A_1632, %select_n3A_1630 : i32
        %mul3A_1634 = arith.constant 4 : i32
        %mul3A_1635 = arith.muli %add3A, %mul3A_1634 : i32
        %add3A_1636 = arith.addi %mul3A_1635, %select_n3A_1574 : i32
        %mul3A_1637 = arith.constant 128 : i32
        %mul3A_1638 = arith.muli %add3A_1636, %mul3A_1637 : i32
        %dma_wait3A = arith.constant 0 : i32
        %dma_wait3A_1639 = tpu.memref_slice %arg4[%add3A_1633, %dma_wait3A, %mul3A_1638] : memref<50x64x16384xf32, #tpu.memory_space<hbm>> -> memref<1x64x128xf32, #tpu.memory_space<hbm>>
        %dma_wait3A_1640 = tpu.memref_squeeze %dma_wait3A_1639 : memref<1x64x128xf32, #tpu.memory_space<hbm>> -> memref<64x128xf32, #tpu.memory_space<hbm>>
        %dma_wait3A_1641 = arith.constant 0 : i32
        %dma_wait3A_1642 = tpu.memref_slice %arg4[%add3A_1633, %dma_wait3A_1641, %mul3A_1638] : memref<50x64x16384xf32, #tpu.memory_space<hbm>> -> memref<1x64x128xf32, #tpu.memory_space<hbm>>
        %dma_wait3A_1643 = tpu.memref_squeeze %dma_wait3A_1642 : memref<1x64x128xf32, #tpu.memory_space<hbm>> -> memref<64x128xf32, #tpu.memory_space<hbm>>
        tpu.wait_dma2 semaphore(%arg18 : memref<!tpu.dma_semaphore, #tpu.memory_space<semaphore_mem>>) src(%arg12 : memref<64x128xf32, #tpu.memory_space<vmem>>) dst(%dma_wait3A_1643 : memref<64x128xf32, #tpu.memory_space<hbm>>)
      } else {
      }
      %jit3A_1458 = arith.constant 56 : i32
      %div3A_1459 = arith.divsi %add3A_1177, %jit3A_1458 : i32
      %sign3A_1460 = arith.constant 0 : i32
      %sign3A_1461 = arith.cmpi sgt, %add3A_1177, %sign3A_1460 : i32
      %sign3A_1462 = arith.extui %sign3A_1461 : i1 to i32
      %sign3A_1463 = arith.constant 0 : i32
      %sign3A_1464 = arith.cmpi slt, %add3A_1177, %sign3A_1463 : i32
      %sign3A_1465 = arith.extui %sign3A_1464 : i1 to i32
      %sign3A_1466 = arith.subi %sign3A_1462, %sign3A_1465 : i32
      %sign3A_1467 = arith.constant 0 : i32
      %sign3A_1468 = arith.cmpi sgt, %jit3A_1458, %sign3A_1467 : i32
      %sign3A_1469 = arith.extui %sign3A_1468 : i1 to i32
      %sign3A_1470 = arith.constant 0 : i32
      %sign3A_1471 = arith.cmpi slt, %jit3A_1458, %sign3A_1470 : i32
      %sign3A_1472 = arith.extui %sign3A_1471 : i1 to i32
      %sign3A_1473 = arith.subi %sign3A_1469, %sign3A_1472 : i32
      %ne3A_1474 = arith.cmpi ne, %sign3A_1466, %sign3A_1473 : i32
      %rem3A_1475 = arith.remsi %add3A_1177, %jit3A_1458 : i32
      %ne3A_1476 = arith.constant 0 : i32
      %ne3A_1477 = arith.cmpi ne, %rem3A_1475, %ne3A_1476 : i32
      %and3A_1478 = arith.andi %ne3A_1474, %ne3A_1477 : i1
      %sub3A_1479 = arith.constant 1 : i32
      %sub3A_1480 = arith.subi %div3A_1459, %sub3A_1479 : i32
      %select_n3A_1481 = arith.select %and3A_1478, %sub3A_1480, %div3A_1459 : i32
      %jit3A_1482 = arith.constant 8 : i32
      %div3A_1483 = arith.divsi %add3A_1177, %jit3A_1482 : i32
      %sign3A_1484 = arith.constant 0 : i32
      %sign3A_1485 = arith.cmpi sgt, %add3A_1177, %sign3A_1484 : i32
      %sign3A_1486 = arith.extui %sign3A_1485 : i1 to i32
      %sign3A_1487 = arith.constant 0 : i32
      %sign3A_1488 = arith.cmpi slt, %add3A_1177, %sign3A_1487 : i32
      %sign3A_1489 = arith.extui %sign3A_1488 : i1 to i32
      %sign3A_1490 = arith.subi %sign3A_1486, %sign3A_1489 : i32
      %sign3A_1491 = arith.constant 0 : i32
      %sign3A_1492 = arith.cmpi sgt, %jit3A_1482, %sign3A_1491 : i32
      %sign3A_1493 = arith.extui %sign3A_1492 : i1 to i32
      %sign3A_1494 = arith.constant 0 : i32
      %sign3A_1495 = arith.cmpi slt, %jit3A_1482, %sign3A_1494 : i32
      %sign3A_1496 = arith.extui %sign3A_1495 : i1 to i32
      %sign3A_1497 = arith.subi %sign3A_1493, %sign3A_1496 : i32
      %ne3A_1498 = arith.cmpi ne, %sign3A_1490, %sign3A_1497 : i32
      %rem3A_1499 = arith.remsi %add3A_1177, %jit3A_1482 : i32
      %ne3A_1500 = arith.constant 0 : i32
      %ne3A_1501 = arith.cmpi ne, %rem3A_1499, %ne3A_1500 : i32
      %and3A_1502 = arith.andi %ne3A_1498, %ne3A_1501 : i1
      %sub3A_1503 = arith.constant 1 : i32
      %sub3A_1504 = arith.subi %div3A_1483, %sub3A_1503 : i32
      %select_n3A_1505 = arith.select %and3A_1502, %sub3A_1504, %div3A_1483 : i32
      %jit3A_1506 = arith.constant 7 : i32
      %eq3A_1507 = arith.constant 0 : i32
      %eq3A_1508 = arith.cmpi eq, %jit3A_1506, %eq3A_1507 : i32
      %jit3A_1509 = arith.constant 1 : i32
      %select_n3A_1510 = arith.select %eq3A_1508, %jit3A_1509, %jit3A_1506 : i32
      %rem3A_1511 = arith.remsi %select_n3A_1505, %select_n3A_1510 : i32
      %ne3A_1512 = arith.constant 0 : i32
      %ne3A_1513 = arith.cmpi ne, %rem3A_1511, %ne3A_1512 : i32
      %lt3A_1514 = arith.constant 0 : i32
      %lt3A_1515 = arith.cmpi slt, %rem3A_1511, %lt3A_1514 : i32
      %lt3A_1516 = arith.constant 0 : i32
      %lt3A_1517 = arith.cmpi slt, %select_n3A_1510, %lt3A_1516 : i32
      %ne3A_1518 = arith.xori %lt3A_1515, %lt3A_1517 : i1
      %and3A_1519 = arith.andi %ne3A_1518, %ne3A_1513 : i1
      %add3A_1520 = arith.addi %rem3A_1511, %select_n3A_1510 : i32
      %select_n3A_1521 = arith.select %and3A_1519, %add3A_1520, %rem3A_1511 : i32
      %jit3A_1522 = arith.constant 8 : i32
      %eq3A_1523 = arith.constant 0 : i32
      %eq3A_1524 = arith.cmpi eq, %jit3A_1522, %eq3A_1523 : i32
      %jit3A_1525 = arith.constant 1 : i32
      %select_n3A_1526 = arith.select %eq3A_1524, %jit3A_1525, %jit3A_1522 : i32
      %rem3A_1527 = arith.remsi %add3A_1177, %select_n3A_1526 : i32
      %ne3A_1528 = arith.constant 0 : i32
      %ne3A_1529 = arith.cmpi ne, %rem3A_1527, %ne3A_1528 : i32
      %lt3A_1530 = arith.constant 0 : i32
      %lt3A_1531 = arith.cmpi slt, %rem3A_1527, %lt3A_1530 : i32
      %lt3A_1532 = arith.constant 0 : i32
      %lt3A_1533 = arith.cmpi slt, %select_n3A_1526, %lt3A_1532 : i32
      %ne3A_1534 = arith.xori %lt3A_1531, %lt3A_1533 : i1
      %and3A_1535 = arith.andi %ne3A_1534, %ne3A_1529 : i1
      %add3A_1536 = arith.addi %rem3A_1527, %select_n3A_1526 : i32
      %select_n3A_1537 = arith.select %and3A_1535, %add3A_1536, %rem3A_1527 : i32
      %mul3A_1538 = arith.constant 8 : i32
      %mul3A_1539 = arith.muli %select_n3A_1521, %mul3A_1538 : i32
      %add3A_1540 = arith.addi %mul3A_1539, %select_n3A_1537 : i32
      %lt3A_1541 = arith.constant 224 : i32
      %lt3A_1542 = arith.cmpi slt, %add3A_1177, %lt3A_1541 : i32
      %lt3A_1543 = arith.constant 50 : i32
      %lt3A_1544 = arith.cmpi slt, %add3A_1540, %lt3A_1543 : i32
      %and3A_1545 = arith.andi %lt3A_1542, %lt3A_1544 : i1
      %convert_element_type3A_1546 = arith.extui %and3A_1545 : i1 to i32
      %cond3A_1547 = arith.constant 0 : i32
      %cond3A_1548 = arith.cmpi ne, %convert_element_type3A_1546, %cond3A_1547 : i32
      scf.if %cond3A_1548 {
        %add3A_1549 = arith.constant 0 : i32
        %add3A_1550 = vector.broadcast %add3A_1549 : i32 to vector<16xi32>
        %add3A_1551 = arith.addi %add3A_1550, %iota3A : vector<16xi32>
        %add3A_1552 = arith.constant 16 : i32
        %add3A_1553 = vector.broadcast %add3A_1552 : i32 to vector<16xi32>
        %add3A_1554 = arith.addi %add3A_1553, %iota3A : vector<16xi32>
        %add3A_1555 = arith.constant 32 : i32
        %add3A_1556 = vector.broadcast %add3A_1555 : i32 to vector<16xi32>
        %add3A_1557 = arith.addi %add3A_1556, %iota3A : vector<16xi32>
        %add3A_1558 = arith.constant 48 : i32
        %add3A_1559 = vector.broadcast %add3A_1558 : i32 to vector<16xi32>
        %add3A_1560 = arith.addi %add3A_1559, %iota3A : vector<16xi32>
        %parallel_loop3A = arith.constant 0 : i32
        %parallel_loop3A_1561 = arith.constant 128 : i32
        %parallel_loop3A_1562 = arith.constant 1 : i32
        scf.for %parallel_loop3A_1656 = %parallel_loop3A to %parallel_loop3A_1561 step %parallel_loop3A_1562  : i32 {
          %parallel_loop3A_1657 = arith.constant 15 : i32
          %parallel_loop3A_1658 = arith.andi %parallel_loop3A_1656, %parallel_loop3A_1657 : i32
          %parallel_loop3A_1659 = arith.constant 4 : i32
          %parallel_loop3A_1660 = arith.shrsi %parallel_loop3A_1656, %parallel_loop3A_1659 : i32
          %parallel_loop3A_1661 = vector.broadcast %parallel_loop3A_1658 : i32 to vector<16xi32>
          %parallel_loop3A_1662 = arith.addi %parallel_loop3A_1661, %iota3A : vector<16xi32>
          %parallel_loop3A_1663 = arith.constant 15 : i32
          %parallel_loop3A_1664 = vector.broadcast %parallel_loop3A_1663 : i32 to vector<16xi32>
          %parallel_loop3A_1665 = arith.andi %parallel_loop3A_1662, %parallel_loop3A_1664 : vector<16xi32>
          %parallel_loop3A_1666 = arith.constant 16 : i32
          %parallel_loop3A_1667 = arith.muli %parallel_loop3A_1660, %parallel_loop3A_1666 : i32
          %parallel_loop3A_1668 = vector.broadcast %parallel_loop3A_1667 : i32 to vector<16xi32>
          %parallel_loop3A_1669 = arith.addi %parallel_loop3A_1665, %parallel_loop3A_1668 : vector<16xi32>
          %parallel_loop3A_1670 = tpu.vector_load_idx %arg10[%parallel_loop3A_1669, %add3A_1551] : memref<128x128xf32, #tpu.memory_space<vmem>>[vector<16xi32>, vector<16xi32>], vector<16xf32>,
          tpu.vector_store_idx %arg12[%add3A_1551, %parallel_loop3A_1669], %parallel_loop3A_1670 : memref<64x128xf32, #tpu.memory_space<vmem>>[vector<16xi32>, vector<16xi32>], vector<16xf32>,
          %parallel_loop3A_1671 = tpu.vector_load_idx %arg10[%parallel_loop3A_1669, %add3A_1554] : memref<128x128xf32, #tpu.memory_space<vmem>>[vector<16xi32>, vector<16xi32>], vector<16xf32>,
          tpu.vector_store_idx %arg12[%add3A_1554, %parallel_loop3A_1669], %parallel_loop3A_1671 : memref<64x128xf32, #tpu.memory_space<vmem>>[vector<16xi32>, vector<16xi32>], vector<16xf32>,
          %parallel_loop3A_1672 = tpu.vector_load_idx %arg10[%parallel_loop3A_1669, %add3A_1557] : memref<128x128xf32, #tpu.memory_space<vmem>>[vector<16xi32>, vector<16xi32>], vector<16xf32>,
          tpu.vector_store_idx %arg12[%add3A_1557, %parallel_loop3A_1669], %parallel_loop3A_1672 : memref<64x128xf32, #tpu.memory_space<vmem>>[vector<16xi32>, vector<16xi32>], vector<16xf32>,
          %parallel_loop3A_1673 = tpu.vector_load_idx %arg10[%parallel_loop3A_1669, %add3A_1560] : memref<128x128xf32, #tpu.memory_space<vmem>>[vector<16xi32>, vector<16xi32>], vector<16xf32>,
          tpu.vector_store_idx %arg12[%add3A_1560, %parallel_loop3A_1669], %parallel_loop3A_1673 : memref<64x128xf32, #tpu.memory_space<vmem>>[vector<16xi32>, vector<16xi32>], vector<16xf32>,
        } {sc.loop_unroll_factor = 4 : i64, sc.parallel_access}
        %jit3A_1563 = arith.constant 56 : i32
        %div3A_1564 = arith.divsi %add3A_1177, %jit3A_1563 : i32
        %sign3A_1565 = arith.constant 0 : i32
        %sign3A_1566 = arith.cmpi sgt, %add3A_1177, %sign3A_1565 : i32
        %sign3A_1567 = arith.extui %sign3A_1566 : i1 to i32
        %sign3A_1568 = arith.constant 0 : i32
        %sign3A_1569 = arith.cmpi slt, %add3A_1177, %sign3A_1568 : i32
        %sign3A_1570 = arith.extui %sign3A_1569 : i1 to i32
        %sign3A_1571 = arith.subi %sign3A_1567, %sign3A_1570 : i32
        %sign3A_1572 = arith.constant 0 : i32
        %sign3A_1573 = arith.cmpi sgt, %jit3A_1563, %sign3A_1572 : i32
        %sign3A_1574 = arith.extui %sign3A_1573 : i1 to i32
        %sign3A_1575 = arith.constant 0 : i32
        %sign3A_1576 = arith.cmpi slt, %jit3A_1563, %sign3A_1575 : i32
        %sign3A_1577 = arith.extui %sign3A_1576 : i1 to i32
        %sign3A_1578 = arith.subi %sign3A_1574, %sign3A_1577 : i32
        %ne3A_1579 = arith.cmpi ne, %sign3A_1571, %sign3A_1578 : i32
        %rem3A_1580 = arith.remsi %add3A_1177, %jit3A_1563 : i32
        %ne3A_1581 = arith.constant 0 : i32
        %ne3A_1582 = arith.cmpi ne, %rem3A_1580, %ne3A_1581 : i32
        %and3A_1583 = arith.andi %ne3A_1579, %ne3A_1582 : i1
        %sub3A_1584 = arith.constant 1 : i32
        %sub3A_1585 = arith.subi %div3A_1564, %sub3A_1584 : i32
        %select_n3A_1586 = arith.select %and3A_1583, %sub3A_1585, %div3A_1564 : i32
        %jit3A_1587 = arith.constant 8 : i32
        %div3A_1588 = arith.divsi %add3A_1177, %jit3A_1587 : i32
        %sign3A_1589 = arith.constant 0 : i32
        %sign3A_1590 = arith.cmpi sgt, %add3A_1177, %sign3A_1589 : i32
        %sign3A_1591 = arith.extui %sign3A_1590 : i1 to i32
        %sign3A_1592 = arith.constant 0 : i32
        %sign3A_1593 = arith.cmpi slt, %add3A_1177, %sign3A_1592 : i32
        %sign3A_1594 = arith.extui %sign3A_1593 : i1 to i32
        %sign3A_1595 = arith.subi %sign3A_1591, %sign3A_1594 : i32
        %sign3A_1596 = arith.constant 0 : i32
        %sign3A_1597 = arith.cmpi sgt, %jit3A_1587, %sign3A_1596 : i32
        %sign3A_1598 = arith.extui %sign3A_1597 : i1 to i32
        %sign3A_1599 = arith.constant 0 : i32
        %sign3A_1600 = arith.cmpi slt, %jit3A_1587, %sign3A_1599 : i32
        %sign3A_1601 = arith.extui %sign3A_1600 : i1 to i32
        %sign3A_1602 = arith.subi %sign3A_1598, %sign3A_1601 : i32
        %ne3A_1603 = arith.cmpi ne, %sign3A_1595, %sign3A_1602 : i32
        %rem3A_1604 = arith.remsi %add3A_1177, %jit3A_1587 : i32
        %ne3A_1605 = arith.constant 0 : i32
        %ne3A_1606 = arith.cmpi ne, %rem3A_1604, %ne3A_1605 : i32
        %and3A_1607 = arith.andi %ne3A_1603, %ne3A_1606 : i1
        %sub3A_1608 = arith.constant 1 : i32
        %sub3A_1609 = arith.subi %div3A_1588, %sub3A_1608 : i32
        %select_n3A_1610 = arith.select %and3A_1607, %sub3A_1609, %div3A_1588 : i32
        %jit3A_1611 = arith.constant 7 : i32
        %eq3A_1612 = arith.constant 0 : i32
        %eq3A_1613 = arith.cmpi eq, %jit3A_1611, %eq3A_1612 : i32
        %jit3A_1614 = arith.constant 1 : i32
        %select_n3A_1615 = arith.select %eq3A_1613, %jit3A_1614, %jit3A_1611 : i32
        %rem3A_1616 = arith.remsi %select_n3A_1610, %select_n3A_1615 : i32
        %ne3A_1617 = arith.constant 0 : i32
        %ne3A_1618 = arith.cmpi ne, %rem3A_1616, %ne3A_1617 : i32
        %lt3A_1619 = arith.constant 0 : i32
        %lt3A_1620 = arith.cmpi slt, %rem3A_1616, %lt3A_1619 : i32
        %lt3A_1621 = arith.constant 0 : i32
        %lt3A_1622 = arith.cmpi slt, %select_n3A_1615, %lt3A_1621 : i32
        %ne3A_1623 = arith.xori %lt3A_1620, %lt3A_1622 : i1
        %and3A_1624 = arith.andi %ne3A_1623, %ne3A_1618 : i1
        %add3A_1625 = arith.addi %rem3A_1616, %select_n3A_1615 : i32
        %select_n3A_1626 = arith.select %and3A_1624, %add3A_1625, %rem3A_1616 : i32
        %jit3A_1627 = arith.constant 8 : i32
        %eq3A_1628 = arith.constant 0 : i32
        %eq3A_1629 = arith.cmpi eq, %jit3A_1627, %eq3A_1628 : i32
        %jit3A_1630 = arith.constant 1 : i32
        %select_n3A_1631 = arith.select %eq3A_1629, %jit3A_1630, %jit3A_1627 : i32
        %rem3A_1632 = arith.remsi %add3A_1177, %select_n3A_1631 : i32
        %ne3A_1633 = arith.constant 0 : i32
        %ne3A_1634 = arith.cmpi ne, %rem3A_1632, %ne3A_1633 : i32
        %lt3A_1635 = arith.constant 0 : i32
        %lt3A_1636 = arith.cmpi slt, %rem3A_1632, %lt3A_1635 : i32
        %lt3A_1637 = arith.constant 0 : i32
        %lt3A_1638 = arith.cmpi slt, %select_n3A_1631, %lt3A_1637 : i32
        %ne3A_1639 = arith.xori %lt3A_1636, %lt3A_1638 : i1
        %and3A_1640 = arith.andi %ne3A_1639, %ne3A_1634 : i1
        %add3A_1641 = arith.addi %rem3A_1632, %select_n3A_1631 : i32
        %select_n3A_1642 = arith.select %and3A_1640, %add3A_1641, %rem3A_1632 : i32
        %mul3A_1643 = arith.constant 8 : i32
        %mul3A_1644 = arith.muli %select_n3A_1626, %mul3A_1643 : i32
        %add3A_1645 = arith.addi %mul3A_1644, %select_n3A_1642 : i32
        %mul3A_1646 = arith.constant 4 : i32
        %mul3A_1647 = arith.muli %add3A, %mul3A_1646 : i32
        %add3A_1648 = arith.addi %mul3A_1647, %select_n3A_1586 : i32
        %mul3A_1649 = arith.constant 128 : i32
        %mul3A_1650 = arith.muli %add3A_1648, %mul3A_1649 : i32
        %dma_start3A = arith.constant 0 : i32
        %dma_start3A_1651 = tpu.memref_slice %arg4[%add3A_1645, %dma_start3A, %mul3A_1650] : memref<50x64x16384xf32, #tpu.memory_space<hbm>> -> memref<1x64x128xf32, #tpu.memory_space<hbm>>
        %dma_start3A_1652 = tpu.memref_squeeze %dma_start3A_1651 : memref<1x64x128xf32, #tpu.memory_space<hbm>> -> memref<64x128xf32, #tpu.memory_space<hbm>>
        %dma_start3A_1653 = arith.constant 0 : i32
        %dma_start3A_1654 = tpu.memref_slice %arg4[%add3A_1645, %dma_start3A_1653, %mul3A_1650] : memref<50x64x16384xf32, #tpu.memory_space<hbm>> -> memref<1x64x128xf32, #tpu.memory_space<hbm>>
        %dma_start3A_1655 = tpu.memref_squeeze %dma_start3A_1654 : memref<1x64x128xf32, #tpu.memory_space<hbm>> -> memref<64x128xf32, #tpu.memory_space<hbm>>
        tpu.enqueue_dma source(%arg12 : memref<64x128xf32, #tpu.memory_space<vmem>>) target(%dma_start3A_1655 : memref<64x128xf32, #tpu.memory_space<hbm>>) target_semaphore(%arg18 : memref<!tpu.dma_semaphore, #tpu.memory_space<semaphore_mem>>)
      } else {
      }
    }
    %scan3A_44 = arith.constant 56 : i32
    %and3A_45 = arith.constant true
    %and3A_46 = arith.constant false
    %and3A_47 = arith.andi %and3A_45, %and3A_46 : i1
    %convert_element_type3A_48 = arith.extui %and3A_47 : i1 to i32
    %cond3A_49 = arith.constant 0 : i32
    %cond3A_50 = arith.cmpi ne, %convert_element_type3A_48, %cond3A_49 : i32
    scf.if %cond3A_50 {
      %mul3A_57 = arith.constant 4 : i32
      %mul3A_58 = arith.muli %add3A, %mul3A_57 : i32
      %add3A_59 = arith.constant 3 : i32
      %add3A_60 = arith.addi %mul3A_58, %add3A_59 : i32
      %mul3A_61 = arith.constant 128 : i32
      %mul3A_62 = arith.muli %add3A_60, %mul3A_61 : i32
      %dma_wait3A = arith.constant 54 : i32
      %dma_wait3A_63 = arith.constant 0 : i32
      %dma_wait3A_64 = tpu.memref_slice %arg4[%dma_wait3A, %dma_wait3A_63, %mul3A_62] : memref<50x64x16384xf32, #tpu.memory_space<hbm>> -> memref<1x64x128xf32, #tpu.memory_space<hbm>>
      %dma_wait3A_65 = tpu.memref_squeeze %dma_wait3A_64 : memref<1x64x128xf32, #tpu.memory_space<hbm>> -> memref<64x128xf32, #tpu.memory_space<hbm>>
      %dma_wait3A_66 = arith.constant 0 : i32
      %dma_wait3A_67 = tpu.memref_slice %arg4[%dma_wait3A, %dma_wait3A_66, %mul3A_62] : memref<50x64x16384xf32, #tpu.memory_space<hbm>> -> memref<1x64x128xf32, #tpu.memory_space<hbm>>
      %dma_wait3A_68 = tpu.memref_squeeze %dma_wait3A_67 : memref<1x64x128xf32, #tpu.memory_space<hbm>> -> memref<64x128xf32, #tpu.memory_space<hbm>>
      tpu.wait_dma2 semaphore(%arg17 : memref<!tpu.dma_semaphore, #tpu.memory_space<semaphore_mem>>) src(%arg11 : memref<64x128xf32, #tpu.memory_space<vmem>>) dst(%dma_wait3A_68 : memref<64x128xf32, #tpu.memory_space<hbm>>)
    } else {
    }
    %and3A_51 = arith.constant true
    %and3A_52 = arith.constant false
    %and3A_53 = arith.andi %and3A_51, %and3A_52 : i1
    %convert_element_type3A_54 = arith.extui %and3A_53 : i1 to i32
    %cond3A_55 = arith.constant 0 : i32
    %cond3A_56 = arith.cmpi ne, %convert_element_type3A_54, %cond3A_55 : i32
    scf.if %cond3A_56 {
      %mul3A_57 = arith.constant 4 : i32
      %mul3A_58 = arith.muli %add3A, %mul3A_57 : i32
      %add3A_59 = arith.constant 3 : i32
      %add3A_60 = arith.addi %mul3A_58, %add3A_59 : i32
      %mul3A_61 = arith.constant 128 : i32
      %mul3A_62 = arith.muli %add3A_60, %mul3A_61 : i32
      %dma_wait3A = arith.constant 55 : i32
      %dma_wait3A_63 = arith.constant 0 : i32
      %dma_wait3A_64 = tpu.memref_slice %arg4[%dma_wait3A, %dma_wait3A_63, %mul3A_62] : memref<50x64x16384xf32, #tpu.memory_space<hbm>> -> memref<1x64x128xf32, #tpu.memory_space<hbm>>
      %dma_wait3A_65 = tpu.memref_squeeze %dma_wait3A_64 : memref<1x64x128xf32, #tpu.memory_space<hbm>> -> memref<64x128xf32, #tpu.memory_space<hbm>>
      %dma_wait3A_66 = arith.constant 0 : i32
      %dma_wait3A_67 = tpu.memref_slice %arg4[%dma_wait3A, %dma_wait3A_66, %mul3A_62] : memref<50x64x16384xf32, #tpu.memory_space<hbm>> -> memref<1x64x128xf32, #tpu.memory_space<hbm>>
      %dma_wait3A_68 = tpu.memref_squeeze %dma_wait3A_67 : memref<1x64x128xf32, #tpu.memory_space<hbm>> -> memref<64x128xf32, #tpu.memory_space<hbm>>
      tpu.wait_dma2 semaphore(%arg18 : memref<!tpu.dma_semaphore, #tpu.memory_space<semaphore_mem>>) src(%arg12 : memref<64x128xf32, #tpu.memory_space<vmem>>) dst(%dma_wait3A_68 : memref<64x128xf32, #tpu.memory_space<hbm>>)
    } else {
    }
    return
  }
}

</mosaic_0001>

<sc_bundles>
// kernel: kernel.3.cloned.1.call-start
scs
__scs_entry_jumppad:
0x0: {  	(pc) =	sbr.rel $0x88, $3  }
0x1: {  	(tag) =	ssettag $0x0;
	lr =	simm.s32 $0x1  }
0x2: {  	[smem:$0x3F9F] =	sst lr;
	_ =	strace $0xD0000000  }
0x3: {  	_ = 	snop  }
0x4: {  	_ = 	snop  }
0x5: {  	_ = 	snop  }
0x6: {  	_ = 	snop  }
0x7: {  	_ = 	snop  }
__scs_overlays_trampoline_lowered:
0x8: {  	[smem:$0x3FAE] =	sst s0  }
0x9: {  	[smem:$0x3FAF] =	sst s1  }
0xa: {  	[smem:$0x3FB0] =	sst s2  }
0xb: {  	[smem:$0x3FB1] =	sst s3  }
0xc: {  	[smem:$0x3FB2] =	sst s4  }
0xd: {  	[smem:$0x3FB3] =	sst s5  }
0xe: {  	[smem:$0x3FB4] =	sst s6  }
0xf: {  	[smem:$0x3FB5] =	sst s7  }
0x10: {  	[smem:$0x3FB6] =	sst s8  }
0x11: {  	[smem:$0x3FB7] =	sst s9;
	s0 =	simm.s32 @!p0 $0x0  }
0x12: {  	s1 =	sld [smem:$0x3F9D];
	s0 =	simm.s32 @p0 $0x1  }
0x13: {  	[smem:$0x3FB8] =	sst s0;
	s0 =	simm.s32 @!p1 $0x0  }
0x14: {  	s2 =	sld [smem:$0x3F9C];
	s0 =	simm.s32 @p1 $0x1  }
0x15: {  	[smem:$0x3FB9] =	sst s0;
	s0 =	simm.s32 @!p2 $0x0  }
0x16: {  	s3 =	sld [smem:$0x3FDB];
	s0 =	simm.s32 @p2 $0x1  }
0x17: {  	s4 =	simm.s32 $0x1BF5;
	[smem:$0x3FBB] =	sst s0  }
0x18: {  	s0 =	sld [smem:$0x3F9E];
	_ =	swait.ge [sflag:s4], $0x0  }
0x19: {  	s7 =	sld [smem:$0x3F9F]  }
0x1a: {  	s8 =	sadd.s32 $0xFFFFE003, lr  }
0x1b: {  	s9 =	sadd.s32 $0xFFFFFEF7, lr;
	s5 =	simm.s32 $0xFFFFFFFF;
	p2 =	slt.u32 s8, $0xFFFFF086  }
0x1c: {  	p1 =	slt.u32 s9, $0xF7A;
	s5 =	simm.s32 @!p2 $0x0  }
0x1d: {  	s5 =	simm.s32 @p1 $0x1;
	p0 =	seq.s32 s7, s2  }
0x1e: {  	s7 =	smul.u32 @!p0 $0xF7A, s2;
	p2 =	seq.s32 @!p0 s5, $0x0  }
0x1f: {  	s9 =	smul.u32 $0xF7A, s1;
	s8 =	simm.s32 @!p0 $0x1BF5;
	p2 =	por !p2, p0  }
0x20: {  	[sflag:s8] =	ssyncset.s32 @!p0 $0xFFFFF086;
	s6 =	sadd.s32 @!p0 s3, s7;
	s7 =	simm.s32 @!p0 $0x108  }
0x21: {  	s3 =	sadd.s32 s3, s9;
	s6 =	sadd.s32 @!p0 $0x88, s6;
	s7 =	simm.s32 @p2 $0x1082  }
0x22: {  	[simem:s7], [sflag:s8] =	dma.local @!p0 [hbm:s6], $0xF7A  }
0x23: {  	s9 =	sor.u32 $0xD0000000, s2;
	s6 =	simm.s32 $0x108;
	_ =	swait.ge @!p0 [sflag:s8], $0x0  }
0x24: {  	s3 =	sadd.s32 $0x88, s3;
	s6 =	simm.s32 @!p1 $0x1082;
	[sflag:s4] =	ssyncset.s32 $0xFFFFF086  }
0x25: {  	[simem:s6], [sflag:s4] =	dma.local [hbm:s3], $0xF7A  }
0x26: {  	[smem:$0x3F9F] =	sst s1;
	(tag) =	ssettag s2;
	_ =	strace s9  }
0x27: {  	s1 =	sld [smem:$0x3FAF]  }
0x28: {  	s2 =	sld [smem:$0x3FB0]  }
0x29: {  	s4 =	sld [smem:$0x3FB2]  }
0x2a: {  	p0 =	seq.s32 s5, $0x0;
	s5 =	sld [smem:$0x3FB3]  }
0x2b: {  	s6 =	sld [smem:$0x3FB4]  }
0x2c: {  	s7 =	sld [smem:$0x3FB5]  }
0x2d: {  	s3 =	simm.s32 $0x108;
	s8 =	sld [smem:$0x3FB6]  }
0x2e: {  	s3 =	simm.s32 @!p0 $0x1082;
	s9 =	sld [smem:$0x3FB7]  }
0x2f: {  	lr =	sadd.s32 s0, s3;
	s0 =	sld [smem:$0x3FAE]  }
0x30: {  	s3 =	sld [smem:$0x3FB1]  }
0x31: {  	[smem:$0x3FBA] =	sst s10  }
0x32: {  	s10 =	sld [smem:$0x3FB8];
	_ =	sdelay $0x3  }
0x33: {  	p0 =	seq.s32 s10, $0x1;
	s10 =	sld [smem:$0x3FBA];
	_ =	sdelay $0x3  }
0x34: {  	[smem:$0x3FBA] =	sst s10  }
0x35: {  	s10 =	sld [smem:$0x3FB9];
	_ =	sdelay $0x3  }
0x36: {  	p1 =	seq.s32 s10, $0x1;
	s10 =	sld [smem:$0x3FBA];
	_ =	sdelay $0x3  }
0x37: {  	[smem:$0x3FBA] =	sst s10  }
0x38: {  	s10 =	sld [smem:$0x3FBB]  }
0x39: {  	_ = 	snop;
	(pc) =	sbr.ind lr, $3  }
0x3a: {  	_ = 	snop  }
0x3b: {  	_ = 	snop  }
0x3c: {  	p2 =	seq.s32 s10, $0x1;
	s10 =	sld [smem:$0x3FBA]  }
0x3d: {  	_ =	shalt  }
0x3e: {  	_ =	shalt  }
0x3f: {  	_ =	shalt  }
0x40: {  	_ =	shalt  }
0x41: {  	_ =	shalt  }
0x42: {  	_ =	shalt  }
0x43: {  	_ =	shalt  }
0x44: {  	_ =	shalt  }
0x45: {  	_ =	shalt  }
0x46: {  	_ =	shalt  }
0x47: {  	_ =	shalt  }
0x48: {  	_ =	shalt  }
0x49: {  	_ =	shalt  }
0x4a: {  	_ =	shalt  }
0x4b: {  	_ =	shalt  }
0x4c: {  	_ =	shalt  }
0x4d: {  	_ =	shalt  }
0x4e: {  	_ =	shalt  }
0x4f: {  	_ =	shalt  }
0x50: {  	_ =	shalt  }
0x51: {  	_ =	shalt  }
0x52: {  	_ =	shalt  }
0x53: {  	_ =	shalt  }
0x54: {  	_ =	shalt  }
0x55: {  	_ =	shalt  }
0x56: {  	_ =	shalt  }
0x57: {  	_ =	shalt  }
0x58: {  	_ =	shalt  }
0x59: {  	_ =	shalt  }
0x5a: {  	_ =	shalt  }
0x5b: {  	_ =	shalt  }
0x5c: {  	_ =	shalt  }
0x5d: {  	_ =	shalt  }
0x5e: {  	_ =	shalt  }
0x5f: {  	_ =	shalt  }
0x60: {  	_ =	shalt  }
0x61: {  	_ =	shalt  }
0x62: {  	_ =	shalt  }
0x63: {  	_ =	shalt  }
0x64: {  	_ =	shalt  }
0x65: {  	_ =	shalt  }
0x66: {  	_ =	shalt  }
0x67: {  	_ =	shalt  }
0x68: {  	_ =	shalt  }
0x69: {  	_ =	shalt  }
0x6a: {  	_ =	shalt  }
0x6b: {  	_ =	shalt  }
0x6c: {  	_ =	shalt  }
0x6d: {  	_ =	shalt  }
0x6e: {  	_ =	shalt  }
0x6f: {  	_ =	shalt  }
0x70: {  	_ =	shalt  }
0x71: {  	_ =	shalt  }
0x72: {  	_ =	shalt  }
0x73: {  	_ =	shalt  }
0x74: {  	_ =	shalt  }
0x75: {  	_ =	shalt  }
0x76: {  	_ =	shalt  }
0x77: {  	_ =	shalt  }
0x78: {  	_ =	shalt  }
0x79: {  	_ =	shalt  }
0x7a: {  	_ =	shalt  }
0x7b: {  	_ =	shalt  }
0x7c: {  	_ =	shalt  }
0x7d: {  	_ =	shalt  }
0x7e: {  	_ =	shalt  }
0x7f: {  	_ =	shalt  }
0x80: {  	_ =	shalt  }
0x81: {  	_ =	shalt  }
0x82: {  	_ =	shalt  }
0x83: {  	_ =	shalt  }
0x84: {  	_ =	shalt  }
0x85: {  	_ =	shalt  }
0x86: {  	_ =	shalt  }
0x87: {  	_ =	shalt  }
.Lfunc_end0:
.L_simem_size_0:
called_computation_lowered:
.L_overlay_start_0:
0x88: {  	s2 =	sld [smem:$0x3FD9]  }
0x89: {  	s3 =	sld [smem:$0x3FFE];
	_ =	sdelay $0x1  }
0x8a: {  	s1 =	srdreg.scid  }
0x8b: {  	s0 =	sand.u32 $0x1, s1  }
0x8c: {  	s17 =	sshll.u32 s0, $0xA;
	s2 =	sadd.s32 s3, s2  }
0x8d: {  	s2 =	sadd.s32 s2, s17  }
0x8e: {  	[smem:$0x3FC6] =	sst s2  }
0x8f: {  	_ = 	snop  }
0x90: {  	s2 =	sld [smem:$0x3FD0];
	(tm) =	ssettm $0x1  }
0x91: {  	s18 =	sld [smem:$0x3FFB];
	_ =	sdelay $0x3  }
0x92: {  	_ =	strace s18  }
0x93: {  	s3 =	sld [smem:$0x3FFC];
	_ =	sdelay $0x3  }
0x94: {  	_ =	strace s3  }
0x95: {  	s3 =	sld [smem:$0x3FFD];
	_ =	sdelay $0x3  }
0x96: {  	_ =	strace s3  }
0x97: {  	_ =	strace $0x8FFFFFFF  }
0x98: {  	s19 =	sld [smem:$0x3FDB];
	_ =	sdelay $0x1  }
0x99: {  	s4 =	simm.s32 $_scs_section_size  }
0x9a: {  	s5 =	simm.s32 $_size__tile_overlayer_lowered;
	s6 =	simm.s32 $_tile_overlayer_lowered  }
0x9b: {  	s22 =	simm.s32 $0x1BFF;
	s21 =	sshll.u32 s6, $0x1;
	s3 =	sadd.s32 s4, s19  }
0x9c: {  	s7 =	simm.s32 $0x0;
	s20 =	sshll.u32 s5, $0x1;
	s5 =	sadd.s32 s21, s3  }
0x9d: {  	[timem:s7], [sflag:s22] =	dma.local [hbm:s5], s20  }
0x9e: {  	_ =	swait.ge [sflag:s22], s20  }
0x9f: {  	s4 =	ssub.s32 $0x0, s20;
	[sflag:s22] =	ssyncset.done $0x0  }
0xa0: {  	[sflag:s22] =	ssyncadd.s32 s4;
	_ =	sdelay $0x1  }
0xa1: {  	s23 =	simm.s32 $0x1B8B  }
0xa2: {  	_ =	swait.ge [sflag:s23], $0x1  }
0xa3: {  	[sflag:s23] =	ssyncset.done $0x0  }
0xa4: {  	s25 =	simm.s32 $0x1B8E;
	s24 =	sld [smem:$0x3FFE];
	[sflag:s23] =	ssyncadd.s32 $0xFFFFFFFF  }
0xa5: {  	s26 =	simm.s32 $execute0_lowered;
	[smem:$0x3FD2] =	sst s25  }
0xa6: {  	s5 =	sshll.u32 s26, $0x1;
	_ =	strace $0x80000046;
	[dreg:$0x1] =	wrdreg $0xFFFFFFFF  }
0xa7: {  	s28 =	simm.s32 $_size_execute0_lowered;
	s3 =	sadd.s32 s3, s5;
	[dreg:$0x0] =	wrdreg $0x0  }
0xa8: {  	s5 =	sshll.u32 s28, $0x1;
	[dreg:$0x2] =	wrdreg s3  }
0xa9: {  	[dreg:$0x3] =	wrdreg s5  }
0xaa: {  	[dreg:$0x4] =	wrdreg $0xC0  }
0xab: {  	_ =	task [dreg:s7], $0x5FFFF  }
0xac: {  	[dreg:$0x1] =	wrdreg $0xFFFFFFFF  }
0xad: {  	[dreg:$0x0] =	wrdreg $0x60  }
0xae: {  	[dreg:$0x2] =	wrdreg s24  }
0xaf: {  	[dreg:$0x3] =	wrdreg s2  }
0xb0: {  	[dreg:$0x4] =	wrdreg $0x0  }
0xb1: {  	[dreg:$0x5] =	wrdreg $0x9  }
0xb2: {  	_ =	task.clear_ibuf [dreg:s7], $0x6FFFF;
	_ =	strace $0x90000046  }
0xb3: {  	s29 =	simm.s32 $0x9;
	_ =	strace $0x80000048  }
0xb4: {  	_ =	swait.ge [sflag:s29], $0x1  }
0xb5: {  	[sflag:s29] =	ssyncadd.s32 $0xFFFFFFFF  }
0xb6: {  	_ =	strace $0x90000048  }
0xb7: {  	_ =	sfence  }
0xb8: {  	s30 =	sld [smem:$0x0];
	_ =	sdelay $0x2  }
0xb9: {  	s31 =	sshll.u32 s1, $0xD;
	s1 =	sshrl.u32 s1, $0x2  }
0xba: {  	s3 =	sand.u32 $0x4000, s31;
	s1 =	sadd.s32 s1, s30  }
0xbb: {  	s0 =	sor.u32 s3, s0;
	s1 =	sshll.u32 s1, $0x11  }
0xbc: {  	s0 =	sor.u32 s1, s0  }
0xbd: {  	s0 =	sadd.s32 $0x8F2B, s0  }
0xbe: {  	[sflag:s0] =	ssyncadd.remote.s32 $0x1  }
0xbf: {  	_ =	sfence.sel $0xFFFF  }
0xc0: {  	[dreg:$0x0] =	wrdreg $0xFFFFFFFF;
	(pc) =	sbr.abs _section_cstart, $3  }
0xc1: {  	[dreg:$0x1] =	wrdreg $0xFFFFFFFF  }
0xc2: {  	_ =	task.clear_ibuf [dreg:s7], $0x2FFFF;
	_ =	strace $0x9FFFFFFF  }
0xc3: {  	(tm) =	ssettm $0x7FFFFFFF  }
tec
execute0_lowered:
.L_overlay_start_1:
0x0: {  	(tag) =	ssettag $0x1  }
0x1: {  	s0 =	rddreg [dreg:$0x0]  }
0x2: {  	s11 =	rddreg [dreg:$0x1]  }
0x3: {  	s1 =	rddreg [dreg:$0x2];
	s3 =	srdreg.scid;
	s2 =	simm.s32 $0x0  }
0x4: {  	s12 =	stileid.u32;
	s15 =	simm.s32 $0x7;
	s28 =	simm.s32 $0x10F80  }
0x5: {  	s29 =	simm.s32 $0x18F80;
	s30 =	simm.s32 $0x400;
	s31 =	simm.s32 $0x20000  }
0x6: {  	s16 =	simm.s32 $0x1AF80;
	s17 =	simm.s32 $0x14F80;
	s18 =	simm.s32 $0x0  }
0x7: {  	s3 =	sand.u32 $0x1, s3;
	[smem:$0x7FF] =	sst s2;
	s4 =	sshll.u32 s12, $0xA  }
0x8: {  	p0 =	sne.s32 s12, $0x0;
	s5 =	sshll.u32 s3, $0x9;
	s20 =	ssub.s32 $0x2, s3  }
0x9: {  	_ =	strace $0x80000047;
	s13 =	sor.u32 s5, s4;
	s21 =	sshrl.u32 s20, $0x1  }
0xa: {  	s10 =	sadd.s32 s13, s0;
	s0 =	sadd.s32 $0x400, s0;
	s11 =	sadd.s32 s11, s13  }
0xb: {  	s13 =	sshrl.u32 @!p0 s1, $0x3;
	[dreg:$0x4] =	wrdreg s0;
	s22 =	sadd.s32 $0x4400, s10  }
0xc: {  	s0 =	ssub.s32 s20, s21;
	s23 =	sadd.s32 $0x8400, s10;
	[dreg:$0x5] =	wrdreg s22  }
.Ltmp0:
0xd: {  	s24 =	sadd.s32 $0xC400, s10;
	[dreg:$0x6] =	wrdreg s23;
	(pc) =	sbr.rel .LBB2_1-.Ltmp0, $4  }
0xe: {  	v0 =	vlaneseq.u32;
	s25 =	sadd.s32 $0x10400, s10;
	s26 =	sadd.s32 $0x14400, s10;
	[dreg:$0x7] =	wrdreg s24  }
0xf: {  	v1 =	vmul.u32 $0x80, v0;
	s9 =	sadd.s32 $0x18400, s10;
	s10 =	sadd.s32 $0x1C400, s10;
	[dreg:$0x8] =	wrdreg s25  }
0x10: {  	v2 =	vor.u32 $0x10, v0;
	v4 =	vor.u32 $0x20, v0;
	v6 =	vor.u32 $0x30, v0;
	[dreg:$0x9] =	wrdreg s26;
	s12 =	smax.u32 s0, $0x1;
	s22 =	simm.s32 $0x80  }
0x11: {  	v3 =	vor.u32 $0x800, v1;
	v5 =	vor.u32 $0x1000, v1;
	v7 =	vor.u32 $0x1800, v1;
	s23 =	simm.s32 $0x8F80;
	s25 =	simm.s32 $0xCF80;
	s0 =	simm.s32 $0x2  }
.LBB2_19:
0x12: {  	s18 =	sadd.s32 $0x1, s18  }
0x13: {  	p1 =	sne.s32 s18, s12  }
.Ltmp1:
0x14: {  	_ = 	snop;
	(pc) =	sbr.rel @!p1 .LBB2_20-.Ltmp1, $1  }
0x15: {  	_ =	sdelay $0x3  }
.LBB2_1:
0x16: {  	s14 =	simm.s32 @!p0 $0x1C07;
	s3 =	rddreg [dreg:$0x4]  }
0x17: {  	[spmem:s13], [sflag:s14] =	dma.local @!p0 [hbm:s3], $0x3F00  }
0x18: {  	s14 =	simm.s32 @!p0 $0x7  }
0x19: {  	_ =	swait.ge @!p0 [sflag:s14], $0x3F00  }
0x1a: {  	[sflag:s14] =	ssyncset.done @!p0 $0x0  }
0x1b: {  	s4 =	simm.s32 $0x1F80;
	s24 =	rddreg [dreg:$0x5];
	[sflag:s14] =	ssyncadd.s32 @!p0 $0xFFFFC100  }
0x1c: {  	[tilespmem:s4], [sflag:$0x7] =	stream.linear.gather [hbm4b:s24+s2], $0x1000, $0x38;
	[tilespmem:$0x1CF80] =	vst v63  }
0x1d: {  	_ =	swait.ge [sflag:s15], $0x1000  }
0x1e: {  	[sflag:s15] =	ssyncset.done $0x0  }
0x1f: {  	s5 =	simm.s32 $0x2F80;
	s26 =	rddreg [dreg:$0x6];
	[sflag:s15] =	ssyncadd.s32 $0xFFFFF000  }
0x20: {  	[tilespmem:s5], [sflag:$0x7] =	stream.linear.gather [hbm4b:s26+s2], $0x1000, $0x38;
	[tilespmem:$0x1CF80] =	vst v63  }
0x21: {  	_ =	swait.ge [sflag:s15], $0x1000  }
0x22: {  	[sflag:s15] =	ssyncset.done $0x0  }
0x23: {  	s6 =	simm.s32 $0x3F80;
	s5 =	rddreg [dreg:$0x7];
	[sflag:s15] =	ssyncadd.s32 $0xFFFFF000  }
0x24: {  	[tilespmem:s6], [sflag:$0x7] =	stream.linear.gather [hbm4b:s5+s2], $0x1000, $0x38;
	[tilespmem:$0x1CF80] =	vst v63  }
0x25: {  	_ =	swait.ge [sflag:s15], $0x1000  }
0x26: {  	[sflag:s15] =	ssyncset.done $0x0  }
0x27: {  	s8 =	simm.s32 $0x4F80;
	s7 =	rddreg [dreg:$0x8];
	[sflag:s15] =	ssyncadd.s32 $0xFFFFF000  }
0x28: {  	[tilespmem:s8], [sflag:$0x7] =	stream.linear.gather [hbm4b:s7+s2], $0x1000, $0x38;
	[tilespmem:$0x1CF80] =	vst v63  }
0x29: {  	_ =	swait.ge [sflag:s15], $0x1000  }
0x2a: {  	[sflag:s15] =	ssyncset.done $0x0  }
0x2b: {  	s19 =	simm.s32 $0x5F80;
	s14 =	rddreg [dreg:$0x9];
	[sflag:s15] =	ssyncadd.s32 $0xFFFFF000  }
0x2c: {  	[tilespmem:s19], [sflag:$0x7] =	stream.linear.gather [hbm4b:s14+s2], $0x1000, $0x38;
	[tilespmem:$0x1CF80] =	vst v63  }
0x2d: {  	_ =	swait.ge [sflag:s15], $0x1000  }
0x2e: {  	[sflag:s15] =	ssyncset.done $0x0  }
0x2f: {  	s20 =	simm.s32 $0x6F80;
	[sflag:s15] =	ssyncadd.s32 $0xFFFFF000  }
0x30: {  	[tilespmem:s20], [sflag:$0x7] =	stream.linear.gather [hbm4b:s9+s2], $0x1000, $0x38;
	[tilespmem:$0x1CF80] =	vst v63  }
0x31: {  	_ =	swait.ge [sflag:s15], $0x1000  }
0x32: {  	[sflag:s15] =	ssyncset.done $0x0  }
0x33: {  	s21 =	simm.s32 $0x7F80;
	[sflag:s15] =	ssyncadd.s32 $0xFFFFF000  }
0x34: {  	[tilespmem:s21], [sflag:$0x7] =	stream.linear.gather [hbm4b:s10+s2], $0x1000, $0x38;
	[tilespmem:$0x1CF80] =	vst v63  }
0x35: {  	_ =	swait.ge [sflag:s15], $0x1000  }
0x36: {  	[sflag:s15] =	ssyncset.done $0x0  }
0x37: {  	[sflag:s15] =	ssyncadd.s32 $0xFFFFF000  }
0x38: {  	[bflag:$0x0] =	sbarrier.arrive $0xFFFF  }
0x39: {  	[tilespmem:s23], [sflag:$0x1] =	stream.indirect.gather [spmem:s1], $0x80, s4, s22, $0xb8;
	[tilespmem:$0x1CF80] =	vst v63  }
.Ltmp2:
0x3a: {  	_ = 	snop;
	(pc) =	sbr.rel .LBB2_2-.Ltmp2, $4  }
0x3b: {  	s24 =	simm.s32 $0x2000  }
0x3c: {  	[tilespmem:s25], [sflag:$0x2] =	stream.indirect.gather [spmem:s1], $0x80, s24, s22, $0xb8;
	[tilespmem:$0x1CF80] =	vst v63  }
0x3d: {  	s26 =	simm.s32 $0x2080;
	s19 =	simm.s32 $0x0  }
0x3e: {  	[tilespmem:s28], [sflag:$0x3] =	stream.indirect.gather [spmem:s1], $0x80, s26, s22, $0xb8;
	[tilespmem:$0x1CF80] =	vst v63  }
.LBB2_18:
0x3f: {  	s19 =	sadd.s32 $0x1, s19  }
0x40: {  	p1 =	sne.s32 s19, $0x38  }
.Ltmp3:
0x41: {  	_ = 	snop;
	(pc) =	sbr.rel @!p1 .LBB2_19-.Ltmp3, $1  }
0x42: {  	_ =	sdelay $0x3  }
.LBB2_2:
0x43: {  	s20 =	sshrl.u32 s19, $0x1  }
0x44: {  	s14 =	smul.u32 $0x25, s20;
	_ =	sdelay $0x1  }
0x45: {  	s14 =	sshrl.u32 s14, $0x8  }
0x46: {  	s21 =	ssub.s32 s20, s14  }
0x47: {  	s21 =	sand.u32 $0xFE, s21  }
0x48: {  	s21 =	sshrl.u32 s21, $0x1  }
0x49: {  	s14 =	sadd.s32 s14, s21  }
0x4a: {  	s14 =	sand.u32 $0xFC, s14  }
0x4b: {  	s24 =	sshll.u32 s19, $0x2;
	s14 =	sshrl.u32 s14, $0x2  }
0x4c: {  	s3 =	sadd.s32 $0xFFFFFFFE, s24;
	s14 =	smul.u32 $0x7, s14  }
0x4d: {  	s8 =	sshll.u32 s3, $0x10  }
0x4e: {  	s21 =	sshra.s32 s8, $0x1F;
	s14 =	ssub.s32 s20, s14  }
0x4f: {  	s26 =	sand.u32 $0x4, s24;
	s21 =	sand.u32 $0x7, s21;
	s14 =	sand.u32 $0xFF, s14  }
0x50: {  	s5 =	sor.u32 $0x3, s26;
	s6 =	sadd.s32 s21, s3;
	s4 =	sshll.u32 s14, $0x3  }
0x51: {  	s6 =	sshll.u32 s6, $0x10;
	s21 =	sor.u32 s5, s4  }
0x52: {  	s7 =	sshra.s32 s3, $0x1F;
	s6 =	sshra.s32 s6, $0x13;
	p1 =	sgt.u32 s21, $0x31  }
0x53: {  	s6 =	sadd.s32 s6, s7;
	s8 =	sand.u32 @!p1 $0xFE, s19  }
0x54: {  	s7 =	sshrl.u32 @!p1 s8, $0x1;
	s8 =	sshll.u32 s6, $0x18  }
0x55: {  	s7 =	smul.u32 @!p1 $0x93, s7;
	s8 =	sshra.s32 s8, $0x18  }
0x56: {  	s26 =	sor.u32 s26, s4;
	s4 =	smul.u32 $0xFFFFFF93, s8  }
0x57: {  	p2 =	sgt.u32 s26, $0x31;
	s8 =	sshll.u32 @!p1 s14, $0xC;
	s7 =	sand.u32 @!p1 $0x7C00, s7  }
0x58: {  	s7 =	sadd.s32 @!p1 s7, s8;
	s8 =	simm.s32 @!p2 $0x1;
	s4 =	sshrl.u32 s4, $0x8  }
0x59: {  	s5 =	sshll.u32 @!p1 s5, $0x7;
	_ =	swait.ge @!p2 [sflag:s8], $0x4000;
	s4 =	sadd.s32 s6, s4  }
0x5a: {  	s5 =	sor.u32 @!p1 s5, s7;
	s14 =	sand.u32 $0x80, s4;
	s4 =	sshll.u32 s4, $0x18  }
0x5b: {  	[sflag:s8] =	ssyncset.done @!p2 $0x0;
	s7 =	sshrl.u32 s14, $0x7;
	s4 =	sshra.s32 s4, $0x1A  }
0x5c: {  	s5 =	sadd.s32 @!p1 $0x1F80, s5;
	[sflag:s8] =	ssyncadd.s32 @!p2 $0xFFFFC000;
	s4 =	sadd.s32 s7, s4  }
0x5d: {  	s8 =	simm.s32 @!p1 $0x14F80;
	s7 =	simm.s32 @!p1 $0x80;
	s4 =	smul.u32 $0x7, s4  }
0x5e: {  	[tilespmem:s8], [sflag:$0x4] =	stream.indirect.gather @!p1 [spmem:s1], $0x80, s5, s7, $0xb8;
	[tilespmem:$0x1CF80] =	vst v63  }
0x5f: {  	s4 =	ssub.s32 s6, s4  }
0x60: {  	s4 =	sshll.u32 s4, $0x18  }
0x61: {  	s4 =	sshra.s32 s4, $0x18  }
0x62: {  	s5 =	sshll.u32 s4, $0x3  }
0x63: {  	p3 =	slt.s32 s4, $0x0;
	s4 =	sadd.s32 $0x38, s5  }
0x64: {  	s3 =	sand.u32 $0x6, s3;
	s14 =	sadd.s32 $0xFFFFFFFC, s24;
	s5 =	smov.u32 @p3 s4  }
0x65: {  	p4 =	sgt.u32 s14, $0xDF;
	s3 =	sor.u32 s3, s5  }
0x66: {  	p3 =	sgt.s32 @!p4 s3, $0x31  }
.Ltmp4:
0x67: {  	p3 =	por p3, p4;
	(pc) =	sbr.rel @p2 .LBB2_6-.Ltmp4, $4  }
0x68: {  	s3 =	simm.s32 @!p3 $0x5  }
0x69: {  	_ =	swait.ge @!p3 [sflag:s3], $0x2000  }
0x6a: {  	[sflag:s3] =	ssyncset.done @!p3 $0x0  }
0x6b: {  	[sflag:s3] =	ssyncadd.s32 @!p3 $0xFFFFE000  }
0x6c: {  	s3 =	simm.s32 $0x0  }
0x6d: {  	s4 =	sand.u32 $0xC, s3  }
0x6e: {  	s5 =	sor.u32 $0x1, s4  }
0x6f: {  	v8 =	vadd.s32 s5, v0  }
0x70: {  	s3 =	sand.u32 $0x70, s3;
	s14 =	sor.u32 $0x2, s4;
	v8 =	vand.u32 $0xF, v8  }
0x71: {  	v9 =	vadd.s32 s4, v0;
	s4 =	sor.u32 $0x3, s4;
	v10 =	vadd.s32 s14, v0;
	v17 =	vor.u32 s3, v8  }
0x72: {  	v10 =	vand.u32 $0xF, v10;
	v8 =	vadd.s32 s4, v0;
	v20 =	vshll.u32 v17, $0x7  }
0x73: {  	v23 =	vor.u32 s3, v10;
	v8 =	vand.u32 $0xF, v8;
	v10 =	vor.u32 v0, v20  }
0x74: {  	v25 =	vshll.u32 v23, $0x7;
	v24 =	vor.u32 s3, v8;
	v8 =	vand.u32 $0xF, v9  }
0x75: {  	s14 =	simm.s32 $0x4;
	v9 =	vor.u32 v0, v25;
	v27 =	vshll.u32 v24, $0x7;
	v28 =	vor.u32 s3, v8  }
0x76: {  	s5 =	sand.u32 $0xC, s14;
	v8 =	vor.u32 v0, v27;
	v36 =	vshll.u32 v28, $0x7  }
0x77: {  	v34 =	vadd.s32 s5, v0;
	v11 =	vor.u32 v0, v36  }
0x78: {  	v12 =	vor.u32 v1, v23;
	v14 =	vor.u32 v1, v17;
	v22 =	vor.u32 v3, v23;
	v10 =	vld.idx.msk [tilespmem:v10+s23+$0x0], $0xffff  }
0x79: {  	v33 =	vor.u32 v3, v17;
	v44 =	vor.u32 v5, v17;
	v15 =	vor.u32 v2, v20  }
0x7a: {  	v47 =	vor.u32 v5, v23;
	v30 =	vor.u32 v4, v25;
	v19 =	vor.u32 v2, v25;
	v9 =	vld.idx.msk [tilespmem:v9+s23+$0x0], $0xffff  }
0x7b: {  	s6 =	sor.u32 $0x1, s5;
	v26 =	vor.u32 v4, v20;
	v45 =	vor.u32 v6, v20;
	v18 =	vor.u32 v1, v24;
	v8 =	vld.idx.msk [tilespmem:v8+s23+$0x0], $0xffff  }
0x7c: {  	v31 =	vor.u32 v3, v24;
	v13 =	vor.u32 v2, v27;
	v21 =	vld.idx.msk [tilespmem:v11+s23+$0x0], $0xffff;
	v11 =	vadd.s32 s6, v0  }
0x7d: {  	s8 =	sand.u32 $0x70, s14;
	v16 =	vor.u32 v1, v28;
	v29 =	vor.u32 v4, v27;
	[tilespmem:v14+s29+$0x0] =	vst.idx.msk $0xffff, v10;
	v10 =	vand.u32 $0xF, v11  }
0x7e: {  	s7 =	sor.u32 $0x2, s5;
	s3 =	sor.u32 $0x3, s5;
	v32 =	vor.u32 v3, v28;
	v35 =	vor.u32 v2, v36;
	v38 =	vld.idx.msk [tilespmem:v15+s23+$0x0], $0xffff;
	v11 =	vor.u32 s8, v10  }
0x7f: {  	v37 =	vadd.s32 s3, v0;
	v14 =	vadd.s32 s7, v0;
	[tilespmem:v12+s29+$0x0] =	vst.idx.msk $0xffff, v9;
	v15 =	vshll.u32 v11, $0x7  }
0x80: {  	v10 =	vand.u32 $0xF, v14;
	v14 =	vand.u32 $0xF, v37;
	[tilespmem:v18+s29+$0x0] =	vst.idx.msk $0xffff, v8;
	v18 =	vld.idx.msk [tilespmem:v19+s23+$0x0], $0xffff;
	v60 =	vor.u32 v0, v15  }
0x81: {  	v62 =	vor.u32 v4, v36;
	v37 =	vor.u32 v5, v28;
	v9 =	vor.u32 s8, v14;
	v39 =	vld.idx.msk [tilespmem:v13+s23+$0x0], $0xffff  }
0x82: {  	v10 =	vor.u32 s8, v10;
	v8 =	vand.u32 $0xF, v34;
	[tilespmem:v16+s29+$0x0] =	vst.idx.msk $0xffff, v21;
	v12 =	vshll.u32 v9, $0x7  }
0x83: {  	v34 =	vor.u32 v6, v25;
	v41 =	vor.u32 v0, v12;
	v61 =	vld.idx.msk [tilespmem:v35+s23+$0x0], $0xffff;
	[tilespmem:v33+s29+$0x0] =	vst.idx.msk $0xffff, v38  }
0x84: {  	v40 =	vor.u32 v1, v11;
	v14 =	vshll.u32 v10, $0x7;
	v8 =	vor.u32 s8, v8;
	v43 =	vld.idx.msk [tilespmem:v26+s23+$0x0], $0xffff  }
0x85: {  	v42 =	vor.u32 v0, v14;
	v13 =	vshll.u32 v8, $0x7;
	[tilespmem:v22+s29+$0x0] =	vst.idx.msk $0xffff, v18;
	v26 =	vld.idx.msk [tilespmem:v60+s23+$0x0], $0xffff  }
0x86: {  	v21 =	vor.u32 v1, v10;
	v63 =	vor.u32 v0, v13;
	v46 =	vld.idx.msk [tilespmem:v30+s23+$0x0], $0xffff;
	[tilespmem:v31+s29+$0x0] =	vst.idx.msk $0xffff, v39  }
0x87: {  	v16 =	vor.u32 v7, v24;
	v35 =	vor.u32 v5, v24;
	v22 =	vor.u32 v7, v17;
	v33 =	vld.idx.msk [tilespmem:v29+s23+$0x0], $0xffff  }
0x88: {  	v17 =	vor.u32 v7, v28;
	v28 =	vor.u32 v6, v36;
	[tilespmem:v32+s29+$0x0] =	vst.idx.msk $0xffff, v61;
	v36 =	vld.idx.msk [tilespmem:v41+s23+$0x0], $0xffff  }
0x89: {  	v25 =	vor.u32 v3, v10;
	v19 =	vor.u32 v2, v12;
	v29 =	vor.u32 v6, v27;
	v32 =	vld.idx.msk [tilespmem:v62+s23+$0x0], $0xffff  }
0x8a: {  	v20 =	vor.u32 v4, v12;
	v24 =	vor.u32 v3, v9;
	v18 =	vor.u32 v7, v23;
	v38 =	vld.idx.msk [tilespmem:v42+s23+$0x0], $0xffff  }
0x8b: {  	v23 =	vor.u32 v4, v14;
	v39 =	vor.u32 v1, v9;
	v30 =	vld.idx.msk [tilespmem:v63+s23+$0x0], $0xffff;
	[tilespmem:v44+s29+$0x0] =	vst.idx.msk $0xffff, v43  }
0x8c: {  	v31 =	vor.u32 v1, v8;
	v41 =	vor.u32 v2, v15;
	v27 =	vld.idx.msk [tilespmem:v45+s23+$0x0], $0xffff;
	[tilespmem:v47+s29+$0x0] =	vst.idx.msk $0xffff, v46  }
.LBB2_4:
0x8d: {  	s14 =	sadd.s32 $0x4, s14;
	v42 =	vor.u32 v3, v8;
	v43 =	vor.u32 v4, v15;
	v34 =	vld.idx.msk [tilespmem:v34+s23+$0x0], $0xffff;
	[tilespmem:v35+s29+$0x0] =	vst.idx.msk $0xffff, v33  }
0x8e: {  	v33 =	vor.u32 v3, v11;
	v35 =	vor.u32 v2, v14;
	s3 =	sand.u32 $0xC, s14;
	p3 =	slt.u32 s14, $0x7C;
	[tilespmem:v37+s29+$0x0] =	vst.idx.msk $0xffff, v32;
	v29 =	vld.idx.msk [tilespmem:v29+s23+$0x0], $0xffff  }
0x8f: {  	v37 =	vor.u32 v2, v13;
	v32 =	vadd.s32 s3, v0;
	s4 =	sor.u32 $0x1, s3;
	s5 =	sor.u32 $0x2, s3;
	s3 =	sor.u32 $0x3, s3;
	[tilespmem:v40+s29+$0x0] =	vst.idx.msk $0xffff, v26;
	v26 =	vld.idx.msk [tilespmem:v28+s23+$0x0], $0xffff;
	v28 =	vmov v11  }
0x90: {  	v11 =	vadd.s32 s4, v0;
	v45 =	vadd.s32 s5, v0;
	v44 =	vadd.s32 s3, v0;
	[tilespmem:v39+s29+$0x0] =	vst.idx.msk $0xffff, v36;
	v36 =	vmovc v10;
	v39 =	vmovc v9  }
0x91: {  	s3 =	sand.u32 $0x70, s14;
	v9 =	vand.u32 $0xF, v11;
	v10 =	vand.u32 $0xF, v45;
	v44 =	vand.u32 $0xF, v44;
	[tilespmem:v31+s29+$0x0] =	vst.idx.msk $0xffff, v30;
	v30 =	vld.idx.msk [tilespmem:v41+s23+$0x0], $0xffff;
	v31 =	vmovc v15  }
0x92: {  	v40 =	vmovc v14;
	v11 =	vor.u32 s3, v9;
	v10 =	vor.u32 s3, v10;
	v9 =	vor.u32 s3, v44;
	[tilespmem:v21+s29+$0x0] =	vst.idx.msk $0xffff, v38;
	v38 =	vld.idx.msk [tilespmem:v19+s23+$0x0], $0xffff  }
0x93: {  	v15 =	vshll.u32 v11, $0x7;
	v14 =	vshll.u32 v10, $0x7;
	v35 =	vld.idx.msk [tilespmem:v35+s23+$0x0], $0xffff;
	[tilespmem:v22+s29+$0x0] =	vst.idx.msk $0xffff, v27;
	v27 =	vmovc v12;
	v12 =	vshll.u32 v9, $0x7  }
0x94: {  	v19 =	vand.u32 $0xF, v32;
	v22 =	vor.u32 v0, v15;
	v44 =	vor.u32 v0, v14;
	[tilespmem:v18+s29+$0x0] =	vst.idx.msk $0xffff, v34  }
0x95: {  	v41 =	vor.u32 v0, v12;
	v32 =	vld.idx.msk [tilespmem:v37+s23+$0x0], $0xffff;
	[tilespmem:v16+s29+$0x0] =	vst.idx.msk $0xffff, v29;
	v37 =	vmov v8;
	v8 =	vor.u32 s3, v19  }
0x96: {  	v21 =	vor.u32 v1, v10;
	v19 =	vor.u32 v2, v12;
	v18 =	vshll.u32 v8, $0x7;
	[tilespmem:v17+s29+$0x0] =	vst.idx.msk $0xffff, v26  }
0x97: {  	v46 =	vmov v13;
	v29 =	vor.u32 v4, v13;
	v45 =	vor.u32 v0, v18;
	[tilespmem:v33+s29+$0x0] =	vst.idx.msk $0xffff, v30  }
0x98: {  	v16 =	vor.u32 v7, v39;
	v13 =	vmov v18;
	v43 =	vld.idx.msk [tilespmem:v43+s23+$0x0], $0xffff  }
0x99: {  	v47 =	vor.u32 v5, v28;
	v18 =	vor.u32 v7, v36;
	v26 =	vld.idx.msk [tilespmem:v22+s23+$0x0], $0xffff;
	[tilespmem:v25+s29+$0x0] =	vst.idx.msk $0xffff, v35  }
0x9a: {  	v25 =	vor.u32 v6, v31;
	v22 =	vor.u32 v7, v28;
	v48 =	vld.idx.msk [tilespmem:v23+s23+$0x0], $0xffff;
	[tilespmem:v24+s29+$0x0] =	vst.idx.msk $0xffff, v38  }
0x9b: {  	v17 =	vor.u32 v7, v37;
	[tilespmem:v42+s29+$0x0] =	vst.idx.msk $0xffff, v32;
	v42 =	vor.u32 v5, v36;
	v33 =	vld.idx.msk [tilespmem:v20+s23+$0x0], $0xffff  }
.Ltmp5:
0x9c: {  	v34 =	vor.u32 v6, v40;
	v35 =	vor.u32 v5, v39;
	v32 =	vld.idx.msk [tilespmem:v29+s23+$0x0], $0xffff;
	v29 =	vor.u32 v6, v27;
	(pc) =	sbr.rel @p3 .LBB2_4-.Ltmp5, $4  }
0x9d: {  	v37 =	vor.u32 v5, v37;
	v31 =	vor.u32 v1, v8;
	v28 =	vor.u32 v6, v46;
	v30 =	vld.idx.msk [tilespmem:v45+s23+$0x0], $0xffff  }
0x9e: {  	v40 =	vor.u32 v1, v11;
	v20 =	vor.u32 v4, v12;
	v36 =	vld.idx.msk [tilespmem:v41+s23+$0x0], $0xffff;
	[tilespmem:v47+s29+$0x0] =	vst.idx.msk $0xffff, v43  }
0x9f: {  	v39 =	vor.u32 v1, v9;
	v23 =	vor.u32 v4, v14;
	v24 =	vor.u32 v3, v9;
	v27 =	vld.idx.msk [tilespmem:v25+s23+$0x0], $0xffff  }
0xa0: {  	v41 =	vor.u32 v2, v15;
	v25 =	vor.u32 v3, v10;
	v38 =	vld.idx.msk [tilespmem:v44+s23+$0x0], $0xffff;
	[tilespmem:v42+s29+$0x0] =	vst.idx.msk $0xffff, v48  }
0xa1: {  	_ =	sdelay $0x1  }
0xa2: {  	v42 =	vor.u32 v2, v14  }
0xa3: {  	v43 =	vor.u32 v2, v13  }
0xa4: {  	[tilespmem:v40+s29+$0x0] =	vst.idx.msk $0xffff, v26  }
0xa5: {  	v45 =	vor.u32 v3, v11;
	v40 =	vld.idx.msk [tilespmem:v41+s23+$0x0], $0xffff;
	[tilespmem:v39+s29+$0x0] =	vst.idx.msk $0xffff, v36  }
0xa6: {  	v46 =	vor.u32 v4, v15;
	v19 =	vld.idx.msk [tilespmem:v19+s23+$0x0], $0xffff;
	[tilespmem:v21+s29+$0x0] =	vst.idx.msk $0xffff, v38  }
0xa7: {  	[tilespmem:v31+s29+$0x0] =	vst.idx.msk $0xffff, v30;
	v47 =	vld.idx.msk [tilespmem:v42+s23+$0x0], $0xffff  }
0xa8: {  	v48 =	vor.u32 v3, v8;
	[tilespmem:v35+s29+$0x0] =	vst.idx.msk $0xffff, v33;
	v31 =	vld.idx.msk [tilespmem:v43+s23+$0x0], $0xffff  }
0xa9: {  	[tilespmem:v37+s29+$0x0] =	vst.idx.msk $0xffff, v32;
	v49 =	vor.u32 v4, v13  }
0xaa: {  	v50 =	vld.idx.msk [tilespmem:v34+s23+$0x0], $0xffff;
	[tilespmem:v45+s29+$0x0] =	vst.idx.msk $0xffff, v40  }
0xab: {  	v51 =	vor.u32 v5, v11;
	v21 =	vld.idx.msk [tilespmem:v46+s23+$0x0], $0xffff;
	[tilespmem:v24+s29+$0x0] =	vst.idx.msk $0xffff, v19  }
0xac: {  	v52 =	vor.u32 v6, v15;
	v55 =	vor.u32 v5, v9;
	v20 =	vld.idx.msk [tilespmem:v20+s23+$0x0], $0xffff;
	[tilespmem:v25+s29+$0x0] =	vst.idx.msk $0xffff, v47  }
0xad: {  	v53 =	vor.u32 v5, v10;
	v12 =	vor.u32 v6, v12;
	[tilespmem:v48+s29+$0x0] =	vst.idx.msk $0xffff, v31;
	v23 =	vld.idx.msk [tilespmem:v23+s23+$0x0], $0xffff  }
0xae: {  	v54 =	vor.u32 v6, v14;
	v57 =	vor.u32 v5, v8;
	[tilespmem:v22+s29+$0x0] =	vst.idx.msk $0xffff, v27;
	v56 =	vld.idx.msk [tilespmem:v49+s23+$0x0], $0xffff  }
0xaf: {  	v59 =	vor.u32 v6, v13;
	v58 =	vld.idx.msk [tilespmem:v29+s23+$0x0], $0xffff;
	[tilespmem:v18+s29+$0x0] =	vst.idx.msk $0xffff, v50  }
0xb0: {  	v60 =	vld.idx.msk [tilespmem:v28+s23+$0x0], $0xffff;
	[tilespmem:v51+s29+$0x0] =	vst.idx.msk $0xffff, v21  }
0xb1: {  	v61 =	vor.u32 v7, v11;
	v15 =	vld.idx.msk [tilespmem:v52+s23+$0x0], $0xffff;
	[tilespmem:v55+s29+$0x0] =	vst.idx.msk $0xffff, v20  }
0xb2: {  	v63 =	vor.u32 v7, v9;
	v12 =	vld.idx.msk [tilespmem:v12+s23+$0x0], $0xffff;
	[tilespmem:v53+s29+$0x0] =	vst.idx.msk $0xffff, v23  }
0xb3: {  	v62 =	vor.u32 v7, v10;
	[tilespmem:v57+s29+$0x0] =	vst.idx.msk $0xffff, v56;
	v14 =	vld.idx.msk [tilespmem:v54+s23+$0x0], $0xffff  }
0xb4: {  	v8 =	vor.u32 v7, v8;
	s3 =	smulhi.u32 $0x92492493, s20;
	[tilespmem:v16+s29+$0x0] =	vst.idx.msk $0xffff, v58;
	v13 =	vld.idx.msk [tilespmem:v59+s23+$0x0], $0xffff  }
0xb5: {  	[tilespmem:v17+s29+$0x0] =	vst.idx.msk $0xffff, v60  }
0xb6: {  	s3 =	sshll.u32 s3, $0x5;
	[tilespmem:v61+s29+$0x0] =	vst.idx.msk $0xffff, v15  }
0xb7: {  	s3 =	sand.u32 $0xFFFFFF80, s3;
	[tilespmem:v63+s29+$0x0] =	vst.idx.msk $0xffff, v12  }
0xb8: {  	s4 =	sshll.u32 s26, $0x11;
	s3 =	sadd.s32 s3, s11;
	[tilespmem:v62+s29+$0x0] =	vst.idx.msk $0xffff, v14  }
0xb9: {  	s3 =	sadd.s32 s4, s3;
	[tilespmem:v8+s29+$0x0] =	vst.idx.msk $0xffff, v13  }
0xba: {  	[hbm4b:s3+s30] =	stream.strided.scatter [tilespmem:s29], [sflag:$0x5], $0x2000, s31, s30, $0x38;
	[tilespmem:$0x1CF80] =	vst v63  }
0xbb: {  	_ =	swait.ge [sflag:s0], $0x4000  }
0xbc: {  	[sflag:s0] =	ssyncset.done $0x0  }
0xbd: {  	[sflag:s0] =	ssyncadd.s32 $0xFFFFC000  }
.LBB2_6:
0xbe: {  	s3 =	sadd.s32 $0x4, s24  }
0xbf: {  	s4 =	sshrl.u32 s3, $0x3  }
0xc0: {  	s5 =	smulhi.u32 $0x24924925, s4;
	_ =	sdelay $0x1  }
0xc1: {  	s5 =	smul.u32 $0x7, s5;
	_ =	sdelay $0x1  }
0xc2: {  	s4 =	ssub.s32 s4, s5;
	s5 =	sadd.s32 $0xFFFFFFFF, s24  }
0xc3: {  	s6 =	sand.u32 $0x4, s3;
	s7 =	sshll.u32 s4, $0x3;
	s8 =	sshra.s32 s5, $0x1F  }
0xc4: {  	p3 =	seq.s32 s19, $0x37;
	s7 =	sor.u32 s6, s7;
	s14 =	sshrl.u32 s8, $0x1D  }
0xc5: {  	p5 =	sgt.u32 @!p3 s7, $0x31;
	s14 =	sadd.s32 s14, s5  }
0xc6: {  	p5 =	por p5, p3;
	s7 =	sshra.s32 s14, $0x3  }
0xc7: {  	s3 =	smulhi.u32 @!p5 $0x92492493, s3;
	s7 =	sadd.s32 s8, s7  }
0xc8: {  	s8 =	smulhi.u32 $0x92492493, s7;
	s14 =	sshra.s32 s7, $0x1F  }
0xc9: {  	s14 =	smul.u32 $0x92492493, s14  }
0xca: {  	s4 =	sshll.u32 @!p5 s4, $0xC;
	s3 =	sshll.u32 @!p5 s3, $0x5;
	s8 =	ssub.s32 s8, s7  }
0xcb: {  	s4 =	sand.u32 @!p5 $0x3FFFF000, s4;
	s3 =	sand.u32 @!p5 $0x3FFFFC00, s3;
	s8 =	sadd.s32 s14, s8  }
0xcc: {  	s3 =	sadd.s32 @!p5 s3, s4;
	s4 =	sshll.u32 @!p5 s6, $0x7;
	s14 =	sadd.s32 s7, s8  }
0xcd: {  	s3 =	sor.u32 @!p5 s4, s3;
	s8 =	sshrl.u32 s14, $0x1F;
	s6 =	sshra.s32 s14, $0x2  }
0xce: {  	s3 =	sadd.s32 @!p5 $0x1F80, s3;
	s4 =	sadd.s32 s8, s6  }
0xcf: {  	s6 =	simm.s32 @!p5 $0x80;
	s8 =	simm.s32 @!p5 $0x8F80;
	s4 =	smul.u32 $0x7, s4  }
0xd0: {  	[tilespmem:s8], [sflag:$0x1] =	stream.indirect.gather @!p5 [spmem:s1], $0x80, s3, s6, $0xb8;
	[tilespmem:$0x1CF80] =	vst v63  }
0xd1: {  	s14 =	ssub.s32 s7, s4  }
0xd2: {  	s4 =	sshll.u32 s14, $0x3  }
0xd3: {  	p5 =	slt.s32 s14, $0x0;
	s3 =	sadd.s32 $0x38, s4  }
0xd4: {  	s5 =	sand.u32 $0x7, s5;
	s4 =	smov.u32 @p5 s3  }
0xd5: {  	s3 =	sor.u32 s5, s4  }
0xd6: {  	p5 =	sgt.s32 @!p4 s3, $0x31  }
.Ltmp6:
0xd7: {  	p4 =	por p5, p4;
	(pc) =	sbr.rel @p2 .LBB2_10-.Ltmp6, $4  }
0xd8: {  	s3 =	simm.s32 @!p4 $0x6  }
0xd9: {  	_ =	swait.ge @!p4 [sflag:s3], $0x2000  }
0xda: {  	[sflag:s3] =	ssyncset.done @!p4 $0x0  }
0xdb: {  	[sflag:s3] =	ssyncadd.s32 @!p4 $0xFFFFE000  }
0xdc: {  	s3 =	simm.s32 $0x0  }
0xdd: {  	s4 =	sand.u32 $0xC, s3  }
0xde: {  	s5 =	sor.u32 $0x1, s4  }
0xdf: {  	v8 =	vadd.s32 s5, v0  }
0xe0: {  	s3 =	sand.u32 $0x70, s3;
	s14 =	sor.u32 $0x2, s4;
	v8 =	vand.u32 $0xF, v8  }
0xe1: {  	v9 =	vadd.s32 s4, v0;
	s4 =	sor.u32 $0x3, s4;
	v10 =	vadd.s32 s14, v0;
	v17 =	vor.u32 s3, v8  }
0xe2: {  	v10 =	vand.u32 $0xF, v10;
	v8 =	vadd.s32 s4, v0;
	v20 =	vshll.u32 v17, $0x7  }
0xe3: {  	v23 =	vor.u32 s3, v10;
	v8 =	vand.u32 $0xF, v8;
	v10 =	vor.u32 v0, v20  }
0xe4: {  	v25 =	vshll.u32 v23, $0x7;
	v24 =	vor.u32 s3, v8;
	v8 =	vand.u32 $0xF, v9  }
0xe5: {  	s14 =	simm.s32 $0x4;
	v9 =	vor.u32 v0, v25;
	v27 =	vshll.u32 v24, $0x7;
	v28 =	vor.u32 s3, v8  }
0xe6: {  	s5 =	sand.u32 $0xC, s14;
	v8 =	vor.u32 v0, v27;
	v36 =	vshll.u32 v28, $0x7  }
0xe7: {  	v34 =	vadd.s32 s5, v0;
	v11 =	vor.u32 v0, v36  }
0xe8: {  	v12 =	vor.u32 v1, v23;
	v14 =	vor.u32 v1, v17;
	v22 =	vor.u32 v3, v23;
	v10 =	vld.idx.msk [tilespmem:v10+s25+$0x0], $0xffff  }
0xe9: {  	v33 =	vor.u32 v3, v17;
	v44 =	vor.u32 v5, v17;
	v15 =	vor.u32 v2, v20  }
0xea: {  	v47 =	vor.u32 v5, v23;
	v30 =	vor.u32 v4, v25;
	v19 =	vor.u32 v2, v25;
	v9 =	vld.idx.msk [tilespmem:v9+s25+$0x0], $0xffff  }
0xeb: {  	s6 =	sor.u32 $0x1, s5;
	v26 =	vor.u32 v4, v20;
	v45 =	vor.u32 v6, v20;
	v18 =	vor.u32 v1, v24;
	v8 =	vld.idx.msk [tilespmem:v8+s25+$0x0], $0xffff  }
0xec: {  	v31 =	vor.u32 v3, v24;
	v13 =	vor.u32 v2, v27;
	v21 =	vld.idx.msk [tilespmem:v11+s25+$0x0], $0xffff;
	v11 =	vadd.s32 s6, v0  }
0xed: {  	s8 =	sand.u32 $0x70, s14;
	v16 =	vor.u32 v1, v28;
	v29 =	vor.u32 v4, v27;
	[tilespmem:v14+s16+$0x0] =	vst.idx.msk $0xffff, v10;
	v10 =	vand.u32 $0xF, v11  }
0xee: {  	s7 =	sor.u32 $0x2, s5;
	s3 =	sor.u32 $0x3, s5;
	v32 =	vor.u32 v3, v28;
	v35 =	vor.u32 v2, v36;
	v38 =	vld.idx.msk [tilespmem:v15+s25+$0x0], $0xffff;
	v11 =	vor.u32 s8, v10  }
0xef: {  	v37 =	vadd.s32 s3, v0;
	v14 =	vadd.s32 s7, v0;
	[tilespmem:v12+s16+$0x0] =	vst.idx.msk $0xffff, v9;
	v15 =	vshll.u32 v11, $0x7  }
0xf0: {  	v10 =	vand.u32 $0xF, v14;
	v14 =	vand.u32 $0xF, v37;
	[tilespmem:v18+s16+$0x0] =	vst.idx.msk $0xffff, v8;
	v18 =	vld.idx.msk [tilespmem:v19+s25+$0x0], $0xffff;
	v60 =	vor.u32 v0, v15  }
0xf1: {  	v62 =	vor.u32 v4, v36;
	v37 =	vor.u32 v5, v28;
	v9 =	vor.u32 s8, v14;
	v39 =	vld.idx.msk [tilespmem:v13+s25+$0x0], $0xffff  }
0xf2: {  	v10 =	vor.u32 s8, v10;
	v8 =	vand.u32 $0xF, v34;
	[tilespmem:v16+s16+$0x0] =	vst.idx.msk $0xffff, v21;
	v12 =	vshll.u32 v9, $0x7  }
0xf3: {  	v34 =	vor.u32 v6, v25;
	v41 =	vor.u32 v0, v12;
	v61 =	vld.idx.msk [tilespmem:v35+s25+$0x0], $0xffff;
	[tilespmem:v33+s16+$0x0] =	vst.idx.msk $0xffff, v38  }
0xf4: {  	v40 =	vor.u32 v1, v11;
	v14 =	vshll.u32 v10, $0x7;
	v8 =	vor.u32 s8, v8;
	v43 =	vld.idx.msk [tilespmem:v26+s25+$0x0], $0xffff  }
0xf5: {  	v42 =	vor.u32 v0, v14;
	v13 =	vshll.u32 v8, $0x7;
	[tilespmem:v22+s16+$0x0] =	vst.idx.msk $0xffff, v18;
	v26 =	vld.idx.msk [tilespmem:v60+s25+$0x0], $0xffff  }
0xf6: {  	v21 =	vor.u32 v1, v10;
	v63 =	vor.u32 v0, v13;
	v46 =	vld.idx.msk [tilespmem:v30+s25+$0x0], $0xffff;
	[tilespmem:v31+s16+$0x0] =	vst.idx.msk $0xffff, v39  }
0xf7: {  	v16 =	vor.u32 v7, v24;
	v35 =	vor.u32 v5, v24;
	v22 =	vor.u32 v7, v17;
	v33 =	vld.idx.msk [tilespmem:v29+s25+$0x0], $0xffff  }
0xf8: {  	v17 =	vor.u32 v7, v28;
	v28 =	vor.u32 v6, v36;
	[tilespmem:v32+s16+$0x0] =	vst.idx.msk $0xffff, v61;
	v36 =	vld.idx.msk [tilespmem:v41+s25+$0x0], $0xffff  }
0xf9: {  	v25 =	vor.u32 v3, v10;
	v19 =	vor.u32 v2, v12;
	v29 =	vor.u32 v6, v27;
	v32 =	vld.idx.msk [tilespmem:v62+s25+$0x0], $0xffff  }
0xfa: {  	v20 =	vor.u32 v4, v12;
	v24 =	vor.u32 v3, v9;
	v18 =	vor.u32 v7, v23;
	v38 =	vld.idx.msk [tilespmem:v42+s25+$0x0], $0xffff  }
0xfb: {  	v23 =	vor.u32 v4, v14;
	v39 =	vor.u32 v1, v9;
	v30 =	vld.idx.msk [tilespmem:v63+s25+$0x0], $0xffff;
	[tilespmem:v44+s16+$0x0] =	vst.idx.msk $0xffff, v43  }
0xfc: {  	v31 =	vor.u32 v1, v8;
	v41 =	vor.u32 v2, v15;
	v27 =	vld.idx.msk [tilespmem:v45+s25+$0x0], $0xffff;
	[tilespmem:v47+s16+$0x0] =	vst.idx.msk $0xffff, v46  }
.LBB2_8:
0xfd: {  	s14 =	sadd.s32 $0x4, s14;
	v42 =	vor.u32 v3, v8;
	v43 =	vor.u32 v4, v15;
	v34 =	vld.idx.msk [tilespmem:v34+s25+$0x0], $0xffff;
	[tilespmem:v35+s16+$0x0] =	vst.idx.msk $0xffff, v33  }
0xfe: {  	v33 =	vor.u32 v3, v11;
	v35 =	vor.u32 v2, v14;
	s3 =	sand.u32 $0xC, s14;
	p4 =	slt.u32 s14, $0x7C;
	[tilespmem:v37+s16+$0x0] =	vst.idx.msk $0xffff, v32;
	v29 =	vld.idx.msk [tilespmem:v29+s25+$0x0], $0xffff  }
0xff: {  	v37 =	vor.u32 v2, v13;
	v32 =	vadd.s32 s3, v0;
	s4 =	sor.u32 $0x1, s3;
	s5 =	sor.u32 $0x2, s3;
	s3 =	sor.u32 $0x3, s3;
	[tilespmem:v40+s16+$0x0] =	vst.idx.msk $0xffff, v26;
	v26 =	vld.idx.msk [tilespmem:v28+s25+$0x0], $0xffff;
	v28 =	vmov v11  }
0x100: {  	v11 =	vadd.s32 s4, v0;
	v45 =	vadd.s32 s5, v0;
	v44 =	vadd.s32 s3, v0;
	[tilespmem:v39+s16+$0x0] =	vst.idx.msk $0xffff, v36;
	v36 =	vmovc v10;
	v39 =	vmovc v9  }
0x101: {  	s3 =	sand.u32 $0x70, s14;
	v9 =	vand.u32 $0xF, v11;
	v10 =	vand.u32 $0xF, v45;
	v44 =	vand.u32 $0xF, v44;
	[tilespmem:v31+s16+$0x0] =	vst.idx.msk $0xffff, v30;
	v30 =	vld.idx.msk [tilespmem:v41+s25+$0x0], $0xffff;
	v31 =	vmovc v15  }
0x102: {  	v40 =	vmovc v14;
	v11 =	vor.u32 s3, v9;
	v10 =	vor.u32 s3, v10;
	v9 =	vor.u32 s3, v44;
	[tilespmem:v21+s16+$0x0] =	vst.idx.msk $0xffff, v38;
	v38 =	vld.idx.msk [tilespmem:v19+s25+$0x0], $0xffff  }
0x103: {  	v15 =	vshll.u32 v11, $0x7;
	v14 =	vshll.u32 v10, $0x7;
	v35 =	vld.idx.msk [tilespmem:v35+s25+$0x0], $0xffff;
	[tilespmem:v22+s16+$0x0] =	vst.idx.msk $0xffff, v27;
	v27 =	vmovc v12;
	v12 =	vshll.u32 v9, $0x7  }
0x104: {  	v19 =	vand.u32 $0xF, v32;
	v22 =	vor.u32 v0, v15;
	v44 =	vor.u32 v0, v14;
	[tilespmem:v18+s16+$0x0] =	vst.idx.msk $0xffff, v34  }
0x105: {  	v41 =	vor.u32 v0, v12;
	v32 =	vld.idx.msk [tilespmem:v37+s25+$0x0], $0xffff;
	[tilespmem:v16+s16+$0x0] =	vst.idx.msk $0xffff, v29;
	v37 =	vmov v8;
	v8 =	vor.u32 s3, v19  }
0x106: {  	v21 =	vor.u32 v1, v10;
	v19 =	vor.u32 v2, v12;
	v18 =	vshll.u32 v8, $0x7;
	[tilespmem:v17+s16+$0x0] =	vst.idx.msk $0xffff, v26  }
0x107: {  	v46 =	vmov v13;
	v29 =	vor.u32 v4, v13;
	v45 =	vor.u32 v0, v18;
	[tilespmem:v33+s16+$0x0] =	vst.idx.msk $0xffff, v30  }
0x108: {  	v16 =	vor.u32 v7, v39;
	v13 =	vmov v18;
	v43 =	vld.idx.msk [tilespmem:v43+s25+$0x0], $0xffff  }
0x109: {  	v47 =	vor.u32 v5, v28;
	v18 =	vor.u32 v7, v36;
	v26 =	vld.idx.msk [tilespmem:v22+s25+$0x0], $0xffff;
	[tilespmem:v25+s16+$0x0] =	vst.idx.msk $0xffff, v35  }
0x10a: {  	v25 =	vor.u32 v6, v31;
	v22 =	vor.u32 v7, v28;
	v48 =	vld.idx.msk [tilespmem:v23+s25+$0x0], $0xffff;
	[tilespmem:v24+s16+$0x0] =	vst.idx.msk $0xffff, v38  }
0x10b: {  	v17 =	vor.u32 v7, v37;
	[tilespmem:v42+s16+$0x0] =	vst.idx.msk $0xffff, v32;
	v42 =	vor.u32 v5, v36;
	v33 =	vld.idx.msk [tilespmem:v20+s25+$0x0], $0xffff  }
.Ltmp7:
0x10c: {  	v34 =	vor.u32 v6, v40;
	v35 =	vor.u32 v5, v39;
	v32 =	vld.idx.msk [tilespmem:v29+s25+$0x0], $0xffff;
	v29 =	vor.u32 v6, v27;
	(pc) =	sbr.rel @p4 .LBB2_8-.Ltmp7, $4  }
0x10d: {  	v37 =	vor.u32 v5, v37;
	v31 =	vor.u32 v1, v8;
	v28 =	vor.u32 v6, v46;
	v30 =	vld.idx.msk [tilespmem:v45+s25+$0x0], $0xffff  }
0x10e: {  	v40 =	vor.u32 v1, v11;
	v20 =	vor.u32 v4, v12;
	v36 =	vld.idx.msk [tilespmem:v41+s25+$0x0], $0xffff;
	[tilespmem:v47+s16+$0x0] =	vst.idx.msk $0xffff, v43  }
0x10f: {  	v39 =	vor.u32 v1, v9;
	v23 =	vor.u32 v4, v14;
	v24 =	vor.u32 v3, v9;
	v27 =	vld.idx.msk [tilespmem:v25+s25+$0x0], $0xffff  }
0x110: {  	v41 =	vor.u32 v2, v15;
	v25 =	vor.u32 v3, v10;
	v38 =	vld.idx.msk [tilespmem:v44+s25+$0x0], $0xffff;
	[tilespmem:v42+s16+$0x0] =	vst.idx.msk $0xffff, v48  }
0x111: {  	_ =	sdelay $0x1  }
0x112: {  	v42 =	vor.u32 v2, v14  }
0x113: {  	v43 =	vor.u32 v2, v13  }
0x114: {  	[tilespmem:v40+s16+$0x0] =	vst.idx.msk $0xffff, v26  }
0x115: {  	v45 =	vor.u32 v3, v11;
	v40 =	vld.idx.msk [tilespmem:v41+s25+$0x0], $0xffff;
	[tilespmem:v39+s16+$0x0] =	vst.idx.msk $0xffff, v36  }
0x116: {  	v46 =	vor.u32 v4, v15;
	v19 =	vld.idx.msk [tilespmem:v19+s25+$0x0], $0xffff;
	[tilespmem:v21+s16+$0x0] =	vst.idx.msk $0xffff, v38  }
0x117: {  	[tilespmem:v31+s16+$0x0] =	vst.idx.msk $0xffff, v30;
	v47 =	vld.idx.msk [tilespmem:v42+s25+$0x0], $0xffff  }
0x118: {  	v48 =	vor.u32 v3, v8;
	[tilespmem:v35+s16+$0x0] =	vst.idx.msk $0xffff, v33;
	v31 =	vld.idx.msk [tilespmem:v43+s25+$0x0], $0xffff  }
0x119: {  	[tilespmem:v37+s16+$0x0] =	vst.idx.msk $0xffff, v32;
	v49 =	vor.u32 v4, v13  }
0x11a: {  	v50 =	vld.idx.msk [tilespmem:v34+s25+$0x0], $0xffff;
	[tilespmem:v45+s16+$0x0] =	vst.idx.msk $0xffff, v40  }
0x11b: {  	v51 =	vor.u32 v5, v11;
	v21 =	vld.idx.msk [tilespmem:v46+s25+$0x0], $0xffff;
	[tilespmem:v24+s16+$0x0] =	vst.idx.msk $0xffff, v19  }
0x11c: {  	v52 =	vor.u32 v6, v15;
	v55 =	vor.u32 v5, v9;
	v20 =	vld.idx.msk [tilespmem:v20+s25+$0x0], $0xffff;
	[tilespmem:v25+s16+$0x0] =	vst.idx.msk $0xffff, v47  }
0x11d: {  	v53 =	vor.u32 v5, v10;
	v12 =	vor.u32 v6, v12;
	[tilespmem:v48+s16+$0x0] =	vst.idx.msk $0xffff, v31;
	v23 =	vld.idx.msk [tilespmem:v23+s25+$0x0], $0xffff  }
0x11e: {  	v54 =	vor.u32 v6, v14;
	v57 =	vor.u32 v5, v8;
	[tilespmem:v22+s16+$0x0] =	vst.idx.msk $0xffff, v27;
	v56 =	vld.idx.msk [tilespmem:v49+s25+$0x0], $0xffff  }
0x11f: {  	v59 =	vor.u32 v6, v13;
	v58 =	vld.idx.msk [tilespmem:v29+s25+$0x0], $0xffff;
	[tilespmem:v18+s16+$0x0] =	vst.idx.msk $0xffff, v50  }
0x120: {  	v60 =	vld.idx.msk [tilespmem:v28+s25+$0x0], $0xffff;
	[tilespmem:v51+s16+$0x0] =	vst.idx.msk $0xffff, v21  }
0x121: {  	v61 =	vor.u32 v7, v11;
	v15 =	vld.idx.msk [tilespmem:v52+s25+$0x0], $0xffff;
	[tilespmem:v55+s16+$0x0] =	vst.idx.msk $0xffff, v20  }
0x122: {  	v63 =	vor.u32 v7, v9;
	v12 =	vld.idx.msk [tilespmem:v12+s25+$0x0], $0xffff;
	[tilespmem:v53+s16+$0x0] =	vst.idx.msk $0xffff, v23  }
0x123: {  	v62 =	vor.u32 v7, v10;
	s3 =	smulhi.u32 $0x92492493, s20;
	[tilespmem:v57+s16+$0x0] =	vst.idx.msk $0xffff, v56;
	v14 =	vld.idx.msk [tilespmem:v54+s25+$0x0], $0xffff  }
0x124: {  	v8 =	vor.u32 v7, v8;
	[tilespmem:v16+s16+$0x0] =	vst.idx.msk $0xffff, v58;
	v13 =	vld.idx.msk [tilespmem:v59+s25+$0x0], $0xffff  }
0x125: {  	s3 =	sshll.u32 s3, $0x5;
	[tilespmem:v17+s16+$0x0] =	vst.idx.msk $0xffff, v60  }
0x126: {  	s3 =	sand.u32 $0xFFFFFF80, s3;
	[tilespmem:v61+s16+$0x0] =	vst.idx.msk $0xffff, v15  }
0x127: {  	s4 =	sshll.u32 s26, $0x11;
	s3 =	sadd.s32 s3, s11;
	[tilespmem:v63+s16+$0x0] =	vst.idx.msk $0xffff, v12  }
0x128: {  	s3 =	sadd.s32 s4, s3;
	[tilespmem:v62+s16+$0x0] =	vst.idx.msk $0xffff, v14  }
0x129: {  	s3 =	sadd.s32 $0x20000, s3;
	[tilespmem:v8+s16+$0x0] =	vst.idx.msk $0xffff, v13  }
0x12a: {  	[hbm4b:s3+s30] =	stream.strided.scatter [tilespmem:s16], [sflag:$0x6], $0x2000, s31, s30, $0x38;
	[tilespmem:$0x1CF80] =	vst v63  }
.LBB2_10:
0x12b: {  	s3 =	sadd.s32 $0x5, s24  }
0x12c: {  	s4 =	sshrl.u32 s3, $0x3  }
0x12d: {  	s5 =	smulhi.u32 $0x24924925, s4;
	_ =	sdelay $0x1  }
0x12e: {  	s5 =	smul.u32 $0x7, s5;
	_ =	sdelay $0x1  }
0x12f: {  	s4 =	ssub.s32 s4, s5  }
0x130: {  	s5 =	sand.u32 $0x5, s3;
	s6 =	sshll.u32 s4, $0x3  }
0x131: {  	s6 =	sor.u32 s5, s6  }
0x132: {  	p4 =	sgt.u32 @!p3 s6, $0x31  }
0x133: {  	p4 =	por p4, p3  }
0x134: {  	s26 =	sor.u32 $0x2, s26;
	s3 =	smulhi.u32 @!p4 $0x92492493, s3  }
0x135: {  	p5 =	sgt.u32 s26, $0x31  }
0x136: {  	s6 =	simm.s32 @!p5 $0x3;
	s4 =	sshll.u32 @!p4 s4, $0xC;
	s3 =	sshll.u32 @!p4 s3, $0x5  }
0x137: {  	_ =	swait.ge @!p5 [sflag:s6], $0x4000;
	s4 =	sand.u32 @!p4 $0x3FFFF000, s4;
	s3 =	sand.u32 @!p4 $0x3FFFFC00, s3  }
0x138: {  	[sflag:s6] =	ssyncset.done @!p5 $0x0;
	s3 =	sadd.s32 @!p4 s3, s4;
	s4 =	sshll.u32 @!p4 s5, $0x7  }
0x139: {  	[sflag:s6] =	ssyncadd.s32 @!p5 $0xFFFFC000;
	s3 =	sor.u32 @!p4 s4, s3  }
0x13a: {  	s5 =	simm.s32 @!p4 $0xCF80;
	s4 =	simm.s32 @!p4 $0x80;
	s3 =	sadd.s32 @!p4 $0x1F80, s3  }
0x13b: {  	[tilespmem:s5], [sflag:$0x2] =	stream.indirect.gather @!p4 [spmem:s1], $0x80, s3, s4, $0xb8;
	[tilespmem:$0x1CF80] =	vst v63  }
0x13c: {  	p4 =	sgt.u32 @!p2 s26, $0x31  }
0x13d: {  	p4 =	por p2, p4  }
.Ltmp8:
0x13e: {  	_ = 	snop;
	(pc) =	sbr.rel @p4 .LBB2_14-.Ltmp8, $4  }
0x13f: {  	s3 =	simm.s32 @!p2 $0x5  }
0x140: {  	_ =	swait.ge @!p2 [sflag:s3], $0x2000  }
0x141: {  	[sflag:s3] =	ssyncset.done @!p2 $0x0  }
0x142: {  	[sflag:s3] =	ssyncadd.s32 @!p2 $0xFFFFE000  }
0x143: {  	s3 =	simm.s32 $0x0  }
0x144: {  	s4 =	sand.u32 $0xC, s3  }
0x145: {  	s5 =	sor.u32 $0x1, s4  }
0x146: {  	v8 =	vadd.s32 s5, v0  }
0x147: {  	s3 =	sand.u32 $0x70, s3;
	s14 =	sor.u32 $0x2, s4;
	v8 =	vand.u32 $0xF, v8  }
0x148: {  	v9 =	vadd.s32 s4, v0;
	s4 =	sor.u32 $0x3, s4;
	v10 =	vadd.s32 s14, v0;
	v17 =	vor.u32 s3, v8  }
0x149: {  	v10 =	vand.u32 $0xF, v10;
	v8 =	vadd.s32 s4, v0;
	v20 =	vshll.u32 v17, $0x7  }
0x14a: {  	v23 =	vor.u32 s3, v10;
	v8 =	vand.u32 $0xF, v8;
	v10 =	vor.u32 v0, v20  }
0x14b: {  	v25 =	vshll.u32 v23, $0x7;
	v24 =	vor.u32 s3, v8;
	v8 =	vand.u32 $0xF, v9  }
0x14c: {  	s14 =	simm.s32 $0x4;
	v9 =	vor.u32 v0, v25;
	v27 =	vshll.u32 v24, $0x7;
	v28 =	vor.u32 s3, v8  }
0x14d: {  	s5 =	sand.u32 $0xC, s14;
	v8 =	vor.u32 v0, v27;
	v36 =	vshll.u32 v28, $0x7  }
0x14e: {  	v34 =	vadd.s32 s5, v0;
	v11 =	vor.u32 v0, v36  }
0x14f: {  	v12 =	vor.u32 v1, v23;
	v14 =	vor.u32 v1, v17;
	v22 =	vor.u32 v3, v23;
	v10 =	vld.idx.msk [tilespmem:v10+s28+$0x0], $0xffff  }
0x150: {  	v33 =	vor.u32 v3, v17;
	v44 =	vor.u32 v5, v17;
	v15 =	vor.u32 v2, v20  }
0x151: {  	v47 =	vor.u32 v5, v23;
	v30 =	vor.u32 v4, v25;
	v19 =	vor.u32 v2, v25;
	v9 =	vld.idx.msk [tilespmem:v9+s28+$0x0], $0xffff  }
0x152: {  	s6 =	sor.u32 $0x1, s5;
	v26 =	vor.u32 v4, v20;
	v45 =	vor.u32 v6, v20;
	v18 =	vor.u32 v1, v24;
	v8 =	vld.idx.msk [tilespmem:v8+s28+$0x0], $0xffff  }
0x153: {  	v31 =	vor.u32 v3, v24;
	v13 =	vor.u32 v2, v27;
	v21 =	vld.idx.msk [tilespmem:v11+s28+$0x0], $0xffff;
	v11 =	vadd.s32 s6, v0  }
0x154: {  	s8 =	sand.u32 $0x70, s14;
	v16 =	vor.u32 v1, v28;
	v29 =	vor.u32 v4, v27;
	[tilespmem:v14+s29+$0x0] =	vst.idx.msk $0xffff, v10;
	v10 =	vand.u32 $0xF, v11  }
0x155: {  	s7 =	sor.u32 $0x2, s5;
	s3 =	sor.u32 $0x3, s5;
	v32 =	vor.u32 v3, v28;
	v35 =	vor.u32 v2, v36;
	v38 =	vld.idx.msk [tilespmem:v15+s28+$0x0], $0xffff;
	v11 =	vor.u32 s8, v10  }
0x156: {  	v37 =	vadd.s32 s3, v0;
	v14 =	vadd.s32 s7, v0;
	[tilespmem:v12+s29+$0x0] =	vst.idx.msk $0xffff, v9;
	v15 =	vshll.u32 v11, $0x7  }
0x157: {  	v10 =	vand.u32 $0xF, v14;
	v14 =	vand.u32 $0xF, v37;
	[tilespmem:v18+s29+$0x0] =	vst.idx.msk $0xffff, v8;
	v18 =	vld.idx.msk [tilespmem:v19+s28+$0x0], $0xffff;
	v60 =	vor.u32 v0, v15  }
0x158: {  	v62 =	vor.u32 v4, v36;
	v37 =	vor.u32 v5, v28;
	v9 =	vor.u32 s8, v14;
	v39 =	vld.idx.msk [tilespmem:v13+s28+$0x0], $0xffff  }
0x159: {  	v10 =	vor.u32 s8, v10;
	v8 =	vand.u32 $0xF, v34;
	[tilespmem:v16+s29+$0x0] =	vst.idx.msk $0xffff, v21;
	v12 =	vshll.u32 v9, $0x7  }
0x15a: {  	v34 =	vor.u32 v6, v25;
	v41 =	vor.u32 v0, v12;
	v61 =	vld.idx.msk [tilespmem:v35+s28+$0x0], $0xffff;
	[tilespmem:v33+s29+$0x0] =	vst.idx.msk $0xffff, v38  }
0x15b: {  	v40 =	vor.u32 v1, v11;
	v14 =	vshll.u32 v10, $0x7;
	v8 =	vor.u32 s8, v8;
	v43 =	vld.idx.msk [tilespmem:v26+s28+$0x0], $0xffff  }
0x15c: {  	v42 =	vor.u32 v0, v14;
	v13 =	vshll.u32 v8, $0x7;
	[tilespmem:v22+s29+$0x0] =	vst.idx.msk $0xffff, v18;
	v26 =	vld.idx.msk [tilespmem:v60+s28+$0x0], $0xffff  }
0x15d: {  	v21 =	vor.u32 v1, v10;
	v63 =	vor.u32 v0, v13;
	v46 =	vld.idx.msk [tilespmem:v30+s28+$0x0], $0xffff;
	[tilespmem:v31+s29+$0x0] =	vst.idx.msk $0xffff, v39  }
0x15e: {  	v16 =	vor.u32 v7, v24;
	v35 =	vor.u32 v5, v24;
	v22 =	vor.u32 v7, v17;
	v33 =	vld.idx.msk [tilespmem:v29+s28+$0x0], $0xffff  }
0x15f: {  	v17 =	vor.u32 v7, v28;
	v28 =	vor.u32 v6, v36;
	[tilespmem:v32+s29+$0x0] =	vst.idx.msk $0xffff, v61;
	v36 =	vld.idx.msk [tilespmem:v41+s28+$0x0], $0xffff  }
0x160: {  	v25 =	vor.u32 v3, v10;
	v19 =	vor.u32 v2, v12;
	v29 =	vor.u32 v6, v27;
	v32 =	vld.idx.msk [tilespmem:v62+s28+$0x0], $0xffff  }
0x161: {  	v20 =	vor.u32 v4, v12;
	v24 =	vor.u32 v3, v9;
	v18 =	vor.u32 v7, v23;
	v38 =	vld.idx.msk [tilespmem:v42+s28+$0x0], $0xffff  }
0x162: {  	v23 =	vor.u32 v4, v14;
	v39 =	vor.u32 v1, v9;
	v30 =	vld.idx.msk [tilespmem:v63+s28+$0x0], $0xffff;
	[tilespmem:v44+s29+$0x0] =	vst.idx.msk $0xffff, v43  }
0x163: {  	v31 =	vor.u32 v1, v8;
	v41 =	vor.u32 v2, v15;
	v27 =	vld.idx.msk [tilespmem:v45+s28+$0x0], $0xffff;
	[tilespmem:v47+s29+$0x0] =	vst.idx.msk $0xffff, v46  }
.LBB2_12:
0x164: {  	s14 =	sadd.s32 $0x4, s14;
	v42 =	vor.u32 v3, v8;
	v43 =	vor.u32 v4, v15;
	v34 =	vld.idx.msk [tilespmem:v34+s28+$0x0], $0xffff;
	[tilespmem:v35+s29+$0x0] =	vst.idx.msk $0xffff, v33  }
0x165: {  	v33 =	vor.u32 v3, v11;
	v35 =	vor.u32 v2, v14;
	s3 =	sand.u32 $0xC, s14;
	p4 =	slt.u32 s14, $0x7C;
	[tilespmem:v37+s29+$0x0] =	vst.idx.msk $0xffff, v32;
	v29 =	vld.idx.msk [tilespmem:v29+s28+$0x0], $0xffff  }
0x166: {  	v37 =	vor.u32 v2, v13;
	v32 =	vadd.s32 s3, v0;
	s4 =	sor.u32 $0x1, s3;
	s5 =	sor.u32 $0x2, s3;
	s3 =	sor.u32 $0x3, s3;
	[tilespmem:v40+s29+$0x0] =	vst.idx.msk $0xffff, v26;
	v26 =	vld.idx.msk [tilespmem:v28+s28+$0x0], $0xffff;
	v28 =	vmov v11  }
0x167: {  	v11 =	vadd.s32 s4, v0;
	v45 =	vadd.s32 s5, v0;
	v44 =	vadd.s32 s3, v0;
	[tilespmem:v39+s29+$0x0] =	vst.idx.msk $0xffff, v36;
	v36 =	vmovc v10;
	v39 =	vmovc v9  }
0x168: {  	s3 =	sand.u32 $0x70, s14;
	v9 =	vand.u32 $0xF, v11;
	v10 =	vand.u32 $0xF, v45;
	v44 =	vand.u32 $0xF, v44;
	[tilespmem:v31+s29+$0x0] =	vst.idx.msk $0xffff, v30;
	v30 =	vld.idx.msk [tilespmem:v41+s28+$0x0], $0xffff;
	v31 =	vmovc v15  }
0x169: {  	v40 =	vmovc v14;
	v11 =	vor.u32 s3, v9;
	v10 =	vor.u32 s3, v10;
	v9 =	vor.u32 s3, v44;
	[tilespmem:v21+s29+$0x0] =	vst.idx.msk $0xffff, v38;
	v38 =	vld.idx.msk [tilespmem:v19+s28+$0x0], $0xffff  }
0x16a: {  	v15 =	vshll.u32 v11, $0x7;
	v14 =	vshll.u32 v10, $0x7;
	v35 =	vld.idx.msk [tilespmem:v35+s28+$0x0], $0xffff;
	[tilespmem:v22+s29+$0x0] =	vst.idx.msk $0xffff, v27;
	v27 =	vmovc v12;
	v12 =	vshll.u32 v9, $0x7  }
0x16b: {  	v19 =	vand.u32 $0xF, v32;
	v22 =	vor.u32 v0, v15;
	v44 =	vor.u32 v0, v14;
	[tilespmem:v18+s29+$0x0] =	vst.idx.msk $0xffff, v34  }
0x16c: {  	v41 =	vor.u32 v0, v12;
	v32 =	vld.idx.msk [tilespmem:v37+s28+$0x0], $0xffff;
	[tilespmem:v16+s29+$0x0] =	vst.idx.msk $0xffff, v29;
	v37 =	vmov v8;
	v8 =	vor.u32 s3, v19  }
0x16d: {  	v21 =	vor.u32 v1, v10;
	v19 =	vor.u32 v2, v12;
	v18 =	vshll.u32 v8, $0x7;
	[tilespmem:v17+s29+$0x0] =	vst.idx.msk $0xffff, v26  }
0x16e: {  	v46 =	vmov v13;
	v29 =	vor.u32 v4, v13;
	v45 =	vor.u32 v0, v18;
	[tilespmem:v33+s29+$0x0] =	vst.idx.msk $0xffff, v30  }
0x16f: {  	v16 =	vor.u32 v7, v39;
	v13 =	vmov v18;
	v43 =	vld.idx.msk [tilespmem:v43+s28+$0x0], $0xffff  }
0x170: {  	v47 =	vor.u32 v5, v28;
	v18 =	vor.u32 v7, v36;
	v26 =	vld.idx.msk [tilespmem:v22+s28+$0x0], $0xffff;
	[tilespmem:v25+s29+$0x0] =	vst.idx.msk $0xffff, v35  }
0x171: {  	v25 =	vor.u32 v6, v31;
	v22 =	vor.u32 v7, v28;
	v48 =	vld.idx.msk [tilespmem:v23+s28+$0x0], $0xffff;
	[tilespmem:v24+s29+$0x0] =	vst.idx.msk $0xffff, v38  }
0x172: {  	v17 =	vor.u32 v7, v37;
	[tilespmem:v42+s29+$0x0] =	vst.idx.msk $0xffff, v32;
	v42 =	vor.u32 v5, v36;
	v33 =	vld.idx.msk [tilespmem:v20+s28+$0x0], $0xffff  }
.Ltmp9:
0x173: {  	v34 =	vor.u32 v6, v40;
	v35 =	vor.u32 v5, v39;
	v32 =	vld.idx.msk [tilespmem:v29+s28+$0x0], $0xffff;
	v29 =	vor.u32 v6, v27;
	(pc) =	sbr.rel @p4 .LBB2_12-.Ltmp9, $4  }
0x174: {  	v37 =	vor.u32 v5, v37;
	v31 =	vor.u32 v1, v8;
	v28 =	vor.u32 v6, v46;
	v30 =	vld.idx.msk [tilespmem:v45+s28+$0x0], $0xffff  }
0x175: {  	v40 =	vor.u32 v1, v11;
	v20 =	vor.u32 v4, v12;
	v36 =	vld.idx.msk [tilespmem:v41+s28+$0x0], $0xffff;
	[tilespmem:v47+s29+$0x0] =	vst.idx.msk $0xffff, v43  }
0x176: {  	v39 =	vor.u32 v1, v9;
	v23 =	vor.u32 v4, v14;
	v24 =	vor.u32 v3, v9;
	v27 =	vld.idx.msk [tilespmem:v25+s28+$0x0], $0xffff  }
0x177: {  	v41 =	vor.u32 v2, v15;
	v25 =	vor.u32 v3, v10;
	v38 =	vld.idx.msk [tilespmem:v44+s28+$0x0], $0xffff;
	[tilespmem:v42+s29+$0x0] =	vst.idx.msk $0xffff, v48  }
0x178: {  	_ =	sdelay $0x1  }
0x179: {  	v42 =	vor.u32 v2, v14  }
0x17a: {  	v43 =	vor.u32 v2, v13  }
0x17b: {  	[tilespmem:v40+s29+$0x0] =	vst.idx.msk $0xffff, v26  }
0x17c: {  	v45 =	vor.u32 v3, v11;
	v40 =	vld.idx.msk [tilespmem:v41+s28+$0x0], $0xffff;
	[tilespmem:v39+s29+$0x0] =	vst.idx.msk $0xffff, v36  }
0x17d: {  	v46 =	vor.u32 v4, v15;
	v19 =	vld.idx.msk [tilespmem:v19+s28+$0x0], $0xffff;
	[tilespmem:v21+s29+$0x0] =	vst.idx.msk $0xffff, v38  }
0x17e: {  	[tilespmem:v31+s29+$0x0] =	vst.idx.msk $0xffff, v30;
	v47 =	vld.idx.msk [tilespmem:v42+s28+$0x0], $0xffff  }
0x17f: {  	v48 =	vor.u32 v3, v8;
	[tilespmem:v35+s29+$0x0] =	vst.idx.msk $0xffff, v33;
	v31 =	vld.idx.msk [tilespmem:v43+s28+$0x0], $0xffff  }
0x180: {  	[tilespmem:v37+s29+$0x0] =	vst.idx.msk $0xffff, v32;
	v49 =	vor.u32 v4, v13  }
0x181: {  	v50 =	vld.idx.msk [tilespmem:v34+s28+$0x0], $0xffff;
	[tilespmem:v45+s29+$0x0] =	vst.idx.msk $0xffff, v40  }
0x182: {  	v51 =	vor.u32 v5, v11;
	v21 =	vld.idx.msk [tilespmem:v46+s28+$0x0], $0xffff;
	[tilespmem:v24+s29+$0x0] =	vst.idx.msk $0xffff, v19  }
0x183: {  	v52 =	vor.u32 v6, v15;
	v55 =	vor.u32 v5, v9;
	v20 =	vld.idx.msk [tilespmem:v20+s28+$0x0], $0xffff;
	[tilespmem:v25+s29+$0x0] =	vst.idx.msk $0xffff, v47  }
0x184: {  	v53 =	vor.u32 v5, v10;
	v12 =	vor.u32 v6, v12;
	[tilespmem:v48+s29+$0x0] =	vst.idx.msk $0xffff, v31;
	v23 =	vld.idx.msk [tilespmem:v23+s28+$0x0], $0xffff  }
0x185: {  	v54 =	vor.u32 v6, v14;
	v57 =	vor.u32 v5, v8;
	[tilespmem:v22+s29+$0x0] =	vst.idx.msk $0xffff, v27;
	v56 =	vld.idx.msk [tilespmem:v49+s28+$0x0], $0xffff  }
0x186: {  	v59 =	vor.u32 v6, v13;
	v58 =	vld.idx.msk [tilespmem:v29+s28+$0x0], $0xffff;
	[tilespmem:v18+s29+$0x0] =	vst.idx.msk $0xffff, v50  }
0x187: {  	v60 =	vld.idx.msk [tilespmem:v28+s28+$0x0], $0xffff;
	[tilespmem:v51+s29+$0x0] =	vst.idx.msk $0xffff, v21  }
0x188: {  	v61 =	vor.u32 v7, v11;
	v15 =	vld.idx.msk [tilespmem:v52+s28+$0x0], $0xffff;
	[tilespmem:v55+s29+$0x0] =	vst.idx.msk $0xffff, v20  }
0x189: {  	v63 =	vor.u32 v7, v9;
	v12 =	vld.idx.msk [tilespmem:v12+s28+$0x0], $0xffff;
	[tilespmem:v53+s29+$0x0] =	vst.idx.msk $0xffff, v23  }
0x18a: {  	v62 =	vor.u32 v7, v10;
	[tilespmem:v57+s29+$0x0] =	vst.idx.msk $0xffff, v56;
	v14 =	vld.idx.msk [tilespmem:v54+s28+$0x0], $0xffff  }
0x18b: {  	v8 =	vor.u32 v7, v8;
	s3 =	smulhi.u32 $0x92492493, s20;
	[tilespmem:v16+s29+$0x0] =	vst.idx.msk $0xffff, v58;
	v13 =	vld.idx.msk [tilespmem:v59+s28+$0x0], $0xffff  }
0x18c: {  	[tilespmem:v17+s29+$0x0] =	vst.idx.msk $0xffff, v60  }
0x18d: {  	s3 =	sshll.u32 s3, $0x5;
	[tilespmem:v61+s29+$0x0] =	vst.idx.msk $0xffff, v15  }
0x18e: {  	s3 =	sand.u32 $0xFFFFFF80, s3;
	[tilespmem:v63+s29+$0x0] =	vst.idx.msk $0xffff, v12  }
0x18f: {  	s4 =	sshll.u32 s26, $0x11;
	s3 =	sadd.s32 s3, s11;
	[tilespmem:v62+s29+$0x0] =	vst.idx.msk $0xffff, v14  }
0x190: {  	s3 =	sadd.s32 s4, s3;
	[tilespmem:v8+s29+$0x0] =	vst.idx.msk $0xffff, v13  }
0x191: {  	[hbm4b:s3+s30] =	stream.strided.scatter [tilespmem:s29], [sflag:$0x5], $0x2000, s31, s30, $0x38;
	[tilespmem:$0x1CF80] =	vst v63  }
.LBB2_14:
0x192: {  	s3 =	sadd.s32 $0x6, s24  }
0x193: {  	s4 =	sshrl.u32 s3, $0x3  }
0x194: {  	s5 =	smulhi.u32 $0x24924925, s4;
	_ =	sdelay $0x1  }
0x195: {  	s5 =	smul.u32 $0x7, s5;
	_ =	sdelay $0x1  }
0x196: {  	s4 =	ssub.s32 s4, s5  }
0x197: {  	s5 =	sand.u32 $0x6, s3;
	s6 =	sshll.u32 s4, $0x3  }
0x198: {  	s6 =	sor.u32 s5, s6  }
0x199: {  	p4 =	sgt.u32 @!p3 s6, $0x31  }
0x19a: {  	p3 =	por p4, p3  }
0x19b: {  	s3 =	smulhi.u32 @!p3 $0x92492493, s3;
	_ =	sdelay $0x1  }
0x19c: {  	s6 =	simm.s32 @!p1 $0x4;
	s4 =	sshll.u32 @!p3 s4, $0xC;
	s3 =	sshll.u32 @!p3 s3, $0x5  }
0x19d: {  	_ =	swait.ge @!p1 [sflag:s6], $0x4000;
	s4 =	sand.u32 @!p3 $0x3FFFF000, s4;
	s3 =	sand.u32 @!p3 $0x3FFFFC00, s3  }
0x19e: {  	[sflag:s6] =	ssyncset.done @!p1 $0x0;
	s3 =	sadd.s32 @!p3 s3, s4;
	s4 =	sshll.u32 @!p3 s5, $0x7  }
0x19f: {  	[sflag:s6] =	ssyncadd.s32 @!p1 $0xFFFFC000;
	s3 =	sor.u32 @!p3 s4, s3  }
0x1a0: {  	s5 =	simm.s32 @!p3 $0x10F80;
	s4 =	simm.s32 @!p3 $0x80;
	s3 =	sadd.s32 @!p3 $0x1F80, s3  }
0x1a1: {  	[tilespmem:s5], [sflag:$0x3] =	stream.indirect.gather @!p3 [spmem:s1], $0x80, s3, s4, $0xb8;
	[tilespmem:$0x1CF80] =	vst v63  }
.Ltmp10:
0x1a2: {  	_ = 	snop;
	(pc) =	sbr.rel @p1 .LBB2_18-.Ltmp10, $4  }
0x1a3: {  	s3 =	simm.s32 @!p2 $0x6  }
0x1a4: {  	_ =	swait.ge @!p2 [sflag:s3], $0x2000  }
0x1a5: {  	[sflag:s3] =	ssyncset.done @!p2 $0x0  }
0x1a6: {  	[sflag:s3] =	ssyncadd.s32 @!p2 $0xFFFFE000  }
0x1a7: {  	s3 =	simm.s32 $0x0  }
0x1a8: {  	s4 =	sand.u32 $0xC, s3  }
0x1a9: {  	s5 =	sor.u32 $0x1, s4  }
0x1aa: {  	v8 =	vadd.s32 s5, v0  }
0x1ab: {  	s3 =	sand.u32 $0x70, s3;
	s6 =	sor.u32 $0x2, s4;
	v8 =	vand.u32 $0xF, v8  }
0x1ac: {  	v9 =	vadd.s32 s4, v0;
	s4 =	sor.u32 $0x3, s4;
	v10 =	vadd.s32 s6, v0;
	v17 =	vor.u32 s3, v8  }
0x1ad: {  	v10 =	vand.u32 $0xF, v10;
	v8 =	vadd.s32 s4, v0;
	v20 =	vshll.u32 v17, $0x7  }
0x1ae: {  	v23 =	vor.u32 s3, v10;
	v8 =	vand.u32 $0xF, v8;
	v10 =	vor.u32 v0, v20  }
0x1af: {  	v25 =	vshll.u32 v23, $0x7;
	v24 =	vor.u32 s3, v8;
	v8 =	vand.u32 $0xF, v9  }
0x1b0: {  	s14 =	simm.s32 $0x4;
	v9 =	vor.u32 v0, v25;
	v27 =	vshll.u32 v24, $0x7;
	v28 =	vor.u32 s3, v8  }
0x1b1: {  	s7 =	sand.u32 $0xC, s14;
	v8 =	vor.u32 v0, v27;
	v36 =	vshll.u32 v28, $0x7  }
0x1b2: {  	v34 =	vadd.s32 s7, v0;
	v11 =	vor.u32 v0, v36  }
0x1b3: {  	v12 =	vor.u32 v1, v23;
	v14 =	vor.u32 v1, v17;
	v22 =	vor.u32 v3, v23;
	v10 =	vld.idx.msk [tilespmem:v10+s17+$0x0], $0xffff  }
0x1b4: {  	v33 =	vor.u32 v3, v17;
	v44 =	vor.u32 v5, v17;
	v15 =	vor.u32 v2, v20  }
0x1b5: {  	v47 =	vor.u32 v5, v23;
	v30 =	vor.u32 v4, v25;
	v19 =	vor.u32 v2, v25;
	v9 =	vld.idx.msk [tilespmem:v9+s17+$0x0], $0xffff  }
0x1b6: {  	s8 =	sor.u32 $0x1, s7;
	v26 =	vor.u32 v4, v20;
	v45 =	vor.u32 v6, v20;
	v18 =	vor.u32 v1, v24;
	v8 =	vld.idx.msk [tilespmem:v8+s17+$0x0], $0xffff  }
0x1b7: {  	v31 =	vor.u32 v3, v24;
	v13 =	vor.u32 v2, v27;
	v21 =	vld.idx.msk [tilespmem:v11+s17+$0x0], $0xffff;
	v11 =	vadd.s32 s8, v0  }
0x1b8: {  	s26 =	sand.u32 $0x70, s14;
	v16 =	vor.u32 v1, v28;
	v29 =	vor.u32 v4, v27;
	[tilespmem:v14+s16+$0x0] =	vst.idx.msk $0xffff, v10;
	v10 =	vand.u32 $0xF, v11  }
0x1b9: {  	s24 =	sor.u32 $0x2, s7;
	s3 =	sor.u32 $0x3, s7;
	v32 =	vor.u32 v3, v28;
	v35 =	vor.u32 v2, v36;
	v38 =	vld.idx.msk [tilespmem:v15+s17+$0x0], $0xffff;
	v11 =	vor.u32 s26, v10  }
0x1ba: {  	v37 =	vadd.s32 s3, v0;
	v14 =	vadd.s32 s24, v0;
	[tilespmem:v12+s16+$0x0] =	vst.idx.msk $0xffff, v9;
	v15 =	vshll.u32 v11, $0x7  }
0x1bb: {  	v10 =	vand.u32 $0xF, v14;
	v14 =	vand.u32 $0xF, v37;
	[tilespmem:v18+s16+$0x0] =	vst.idx.msk $0xffff, v8;
	v18 =	vld.idx.msk [tilespmem:v19+s17+$0x0], $0xffff;
	v60 =	vor.u32 v0, v15  }
0x1bc: {  	v62 =	vor.u32 v4, v36;
	v37 =	vor.u32 v5, v28;
	v9 =	vor.u32 s26, v14;
	v39 =	vld.idx.msk [tilespmem:v13+s17+$0x0], $0xffff  }
0x1bd: {  	v10 =	vor.u32 s26, v10;
	v8 =	vand.u32 $0xF, v34;
	[tilespmem:v16+s16+$0x0] =	vst.idx.msk $0xffff, v21;
	v12 =	vshll.u32 v9, $0x7  }
0x1be: {  	v34 =	vor.u32 v6, v25;
	v41 =	vor.u32 v0, v12;
	v61 =	vld.idx.msk [tilespmem:v35+s17+$0x0], $0xffff;
	[tilespmem:v33+s16+$0x0] =	vst.idx.msk $0xffff, v38  }
0x1bf: {  	v40 =	vor.u32 v1, v11;
	v14 =	vshll.u32 v10, $0x7;
	v8 =	vor.u32 s26, v8;
	v43 =	vld.idx.msk [tilespmem:v26+s17+$0x0], $0xffff  }
0x1c0: {  	v42 =	vor.u32 v0, v14;
	v13 =	vshll.u32 v8, $0x7;
	[tilespmem:v22+s16+$0x0] =	vst.idx.msk $0xffff, v18;
	v26 =	vld.idx.msk [tilespmem:v60+s17+$0x0], $0xffff  }
0x1c1: {  	v21 =	vor.u32 v1, v10;
	v63 =	vor.u32 v0, v13;
	v46 =	vld.idx.msk [tilespmem:v30+s17+$0x0], $0xffff;
	[tilespmem:v31+s16+$0x0] =	vst.idx.msk $0xffff, v39  }
0x1c2: {  	v16 =	vor.u32 v7, v24;
	v35 =	vor.u32 v5, v24;
	v22 =	vor.u32 v7, v17;
	v33 =	vld.idx.msk [tilespmem:v29+s17+$0x0], $0xffff  }
0x1c3: {  	v17 =	vor.u32 v7, v28;
	v28 =	vor.u32 v6, v36;
	[tilespmem:v32+s16+$0x0] =	vst.idx.msk $0xffff, v61;
	v36 =	vld.idx.msk [tilespmem:v41+s17+$0x0], $0xffff  }
0x1c4: {  	v25 =	vor.u32 v3, v10;
	v19 =	vor.u32 v2, v12;
	v29 =	vor.u32 v6, v27;
	v32 =	vld.idx.msk [tilespmem:v62+s17+$0x0], $0xffff  }
0x1c5: {  	v20 =	vor.u32 v4, v12;
	v24 =	vor.u32 v3, v9;
	v18 =	vor.u32 v7, v23;
	v38 =	vld.idx.msk [tilespmem:v42+s17+$0x0], $0xffff  }
0x1c6: {  	v23 =	vor.u32 v4, v14;
	v39 =	vor.u32 v1, v9;
	v30 =	vld.idx.msk [tilespmem:v63+s17+$0x0], $0xffff;
	[tilespmem:v44+s16+$0x0] =	vst.idx.msk $0xffff, v43  }
0x1c7: {  	v31 =	vor.u32 v1, v8;
	v41 =	vor.u32 v2, v15;
	v27 =	vld.idx.msk [tilespmem:v45+s17+$0x0], $0xffff;
	[tilespmem:v47+s16+$0x0] =	vst.idx.msk $0xffff, v46  }
.LBB2_16:
0x1c8: {  	s14 =	sadd.s32 $0x4, s14;
	v42 =	vor.u32 v3, v8;
	v43 =	vor.u32 v4, v15;
	v34 =	vld.idx.msk [tilespmem:v34+s17+$0x0], $0xffff;
	[tilespmem:v35+s16+$0x0] =	vst.idx.msk $0xffff, v33  }
0x1c9: {  	v33 =	vor.u32 v3, v11;
	v35 =	vor.u32 v2, v14;
	s3 =	sand.u32 $0xC, s14;
	p1 =	slt.u32 s14, $0x7C;
	[tilespmem:v37+s16+$0x0] =	vst.idx.msk $0xffff, v32;
	v29 =	vld.idx.msk [tilespmem:v29+s17+$0x0], $0xffff  }
0x1ca: {  	v37 =	vor.u32 v2, v13;
	v32 =	vadd.s32 s3, v0;
	s4 =	sor.u32 $0x1, s3;
	s5 =	sor.u32 $0x2, s3;
	s3 =	sor.u32 $0x3, s3;
	[tilespmem:v40+s16+$0x0] =	vst.idx.msk $0xffff, v26;
	v26 =	vld.idx.msk [tilespmem:v28+s17+$0x0], $0xffff;
	v28 =	vmov v11  }
0x1cb: {  	v11 =	vadd.s32 s4, v0;
	v45 =	vadd.s32 s5, v0;
	v44 =	vadd.s32 s3, v0;
	[tilespmem:v39+s16+$0x0] =	vst.idx.msk $0xffff, v36;
	v36 =	vmovc v10;
	v39 =	vmovc v9  }
0x1cc: {  	s3 =	sand.u32 $0x70, s14;
	v9 =	vand.u32 $0xF, v11;
	v10 =	vand.u32 $0xF, v45;
	v44 =	vand.u32 $0xF, v44;
	[tilespmem:v31+s16+$0x0] =	vst.idx.msk $0xffff, v30;
	v30 =	vld.idx.msk [tilespmem:v41+s17+$0x0], $0xffff;
	v31 =	vmovc v15  }
0x1cd: {  	v40 =	vmovc v14;
	v11 =	vor.u32 s3, v9;
	v10 =	vor.u32 s3, v10;
	v9 =	vor.u32 s3, v44;
	[tilespmem:v21+s16+$0x0] =	vst.idx.msk $0xffff, v38;
	v38 =	vld.idx.msk [tilespmem:v19+s17+$0x0], $0xffff  }
0x1ce: {  	v15 =	vshll.u32 v11, $0x7;
	v14 =	vshll.u32 v10, $0x7;
	v35 =	vld.idx.msk [tilespmem:v35+s17+$0x0], $0xffff;
	[tilespmem:v22+s16+$0x0] =	vst.idx.msk $0xffff, v27;
	v27 =	vmovc v12;
	v12 =	vshll.u32 v9, $0x7  }
0x1cf: {  	v19 =	vand.u32 $0xF, v32;
	v22 =	vor.u32 v0, v15;
	v44 =	vor.u32 v0, v14;
	[tilespmem:v18+s16+$0x0] =	vst.idx.msk $0xffff, v34  }
0x1d0: {  	v41 =	vor.u32 v0, v12;
	v32 =	vld.idx.msk [tilespmem:v37+s17+$0x0], $0xffff;
	[tilespmem:v16+s16+$0x0] =	vst.idx.msk $0xffff, v29;
	v37 =	vmov v8;
	v8 =	vor.u32 s3, v19  }
0x1d1: {  	v21 =	vor.u32 v1, v10;
	v19 =	vor.u32 v2, v12;
	v18 =	vshll.u32 v8, $0x7;
	[tilespmem:v17+s16+$0x0] =	vst.idx.msk $0xffff, v26  }
0x1d2: {  	v46 =	vmov v13;
	v29 =	vor.u32 v4, v13;
	v45 =	vor.u32 v0, v18;
	[tilespmem:v33+s16+$0x0] =	vst.idx.msk $0xffff, v30  }
0x1d3: {  	v16 =	vor.u32 v7, v39;
	v13 =	vmov v18;
	v43 =	vld.idx.msk [tilespmem:v43+s17+$0x0], $0xffff  }
0x1d4: {  	v47 =	vor.u32 v5, v28;
	v18 =	vor.u32 v7, v36;
	v26 =	vld.idx.msk [tilespmem:v22+s17+$0x0], $0xffff;
	[tilespmem:v25+s16+$0x0] =	vst.idx.msk $0xffff, v35  }
0x1d5: {  	v25 =	vor.u32 v6, v31;
	v22 =	vor.u32 v7, v28;
	v48 =	vld.idx.msk [tilespmem:v23+s17+$0x0], $0xffff;
	[tilespmem:v24+s16+$0x0] =	vst.idx.msk $0xffff, v38  }
0x1d6: {  	v17 =	vor.u32 v7, v37;
	[tilespmem:v42+s16+$0x0] =	vst.idx.msk $0xffff, v32;
	v42 =	vor.u32 v5, v36;
	v33 =	vld.idx.msk [tilespmem:v20+s17+$0x0], $0xffff  }
.Ltmp11:
0x1d7: {  	v34 =	vor.u32 v6, v40;
	v35 =	vor.u32 v5, v39;
	v32 =	vld.idx.msk [tilespmem:v29+s17+$0x0], $0xffff;
	v29 =	vor.u32 v6, v27;
	(pc) =	sbr.rel @p1 .LBB2_16-.Ltmp11, $4  }
0x1d8: {  	v37 =	vor.u32 v5, v37;
	v31 =	vor.u32 v1, v8;
	v28 =	vor.u32 v6, v46;
	v30 =	vld.idx.msk [tilespmem:v45+s17+$0x0], $0xffff  }
0x1d9: {  	v40 =	vor.u32 v1, v11;
	v20 =	vor.u32 v4, v12;
	v36 =	vld.idx.msk [tilespmem:v41+s17+$0x0], $0xffff;
	[tilespmem:v47+s16+$0x0] =	vst.idx.msk $0xffff, v43  }
0x1da: {  	v39 =	vor.u32 v1, v9;
	v23 =	vor.u32 v4, v14;
	v24 =	vor.u32 v3, v9;
	v27 =	vld.idx.msk [tilespmem:v25+s17+$0x0], $0xffff  }
0x1db: {  	v41 =	vor.u32 v2, v15;
	v25 =	vor.u32 v3, v10;
	v38 =	vld.idx.msk [tilespmem:v44+s17+$0x0], $0xffff;
	[tilespmem:v42+s16+$0x0] =	vst.idx.msk $0xffff, v48  }
0x1dc: {  	_ =	sdelay $0x1  }
0x1dd: {  	v42 =	vor.u32 v2, v14  }
0x1de: {  	v43 =	vor.u32 v2, v13  }
0x1df: {  	[tilespmem:v40+s16+$0x0] =	vst.idx.msk $0xffff, v26  }
0x1e0: {  	v45 =	vor.u32 v3, v11;
	v40 =	vld.idx.msk [tilespmem:v41+s17+$0x0], $0xffff;
	[tilespmem:v39+s16+$0x0] =	vst.idx.msk $0xffff, v36  }
0x1e1: {  	v46 =	vor.u32 v4, v15;
	v19 =	vld.idx.msk [tilespmem:v19+s17+$0x0], $0xffff;
	[tilespmem:v21+s16+$0x0] =	vst.idx.msk $0xffff, v38  }
0x1e2: {  	[tilespmem:v31+s16+$0x0] =	vst.idx.msk $0xffff, v30;
	v47 =	vld.idx.msk [tilespmem:v42+s17+$0x0], $0xffff  }
0x1e3: {  	v48 =	vor.u32 v3, v8;
	[tilespmem:v35+s16+$0x0] =	vst.idx.msk $0xffff, v33;
	v31 =	vld.idx.msk [tilespmem:v43+s17+$0x0], $0xffff  }
0x1e4: {  	[tilespmem:v37+s16+$0x0] =	vst.idx.msk $0xffff, v32;
	v49 =	vor.u32 v4, v13  }
0x1e5: {  	v50 =	vld.idx.msk [tilespmem:v34+s17+$0x0], $0xffff;
	[tilespmem:v45+s16+$0x0] =	vst.idx.msk $0xffff, v40  }
0x1e6: {  	v51 =	vor.u32 v5, v11;
	v21 =	vld.idx.msk [tilespmem:v46+s17+$0x0], $0xffff;
	[tilespmem:v24+s16+$0x0] =	vst.idx.msk $0xffff, v19  }
0x1e7: {  	v52 =	vor.u32 v6, v15;
	v55 =	vor.u32 v5, v9;
	v20 =	vld.idx.msk [tilespmem:v20+s17+$0x0], $0xffff;
	[tilespmem:v25+s16+$0x0] =	vst.idx.msk $0xffff, v47  }
0x1e8: {  	v53 =	vor.u32 v5, v10;
	v12 =	vor.u32 v6, v12;
	[tilespmem:v48+s16+$0x0] =	vst.idx.msk $0xffff, v31;
	v23 =	vld.idx.msk [tilespmem:v23+s17+$0x0], $0xffff  }
0x1e9: {  	v54 =	vor.u32 v6, v14;
	v57 =	vor.u32 v5, v8;
	[tilespmem:v22+s16+$0x0] =	vst.idx.msk $0xffff, v27;
	v56 =	vld.idx.msk [tilespmem:v49+s17+$0x0], $0xffff  }
0x1ea: {  	v59 =	vor.u32 v6, v13;
	v58 =	vld.idx.msk [tilespmem:v29+s17+$0x0], $0xffff;
	[tilespmem:v18+s16+$0x0] =	vst.idx.msk $0xffff, v50  }
0x1eb: {  	v60 =	vld.idx.msk [tilespmem:v28+s17+$0x0], $0xffff;
	[tilespmem:v51+s16+$0x0] =	vst.idx.msk $0xffff, v21  }
0x1ec: {  	v61 =	vor.u32 v7, v11;
	v15 =	vld.idx.msk [tilespmem:v52+s17+$0x0], $0xffff;
	[tilespmem:v55+s16+$0x0] =	vst.idx.msk $0xffff, v20  }
0x1ed: {  	v63 =	vor.u32 v7, v9;
	v12 =	vld.idx.msk [tilespmem:v12+s17+$0x0], $0xffff;
	[tilespmem:v53+s16+$0x0] =	vst.idx.msk $0xffff, v23  }
0x1ee: {  	v62 =	vor.u32 v7, v10;
	[tilespmem:v57+s16+$0x0] =	vst.idx.msk $0xffff, v56;
	v14 =	vld.idx.msk [tilespmem:v54+s17+$0x0], $0xffff  }
0x1ef: {  	v8 =	vor.u32 v7, v8;
	s3 =	smulhi.u32 $0x92492493, s20;
	[tilespmem:v16+s16+$0x0] =	vst.idx.msk $0xffff, v58;
	v13 =	vld.idx.msk [tilespmem:v59+s17+$0x0], $0xffff  }
0x1f0: {  	[tilespmem:v17+s16+$0x0] =	vst.idx.msk $0xffff, v60  }
.Ltmp12:
0x1f1: {  	s3 =	sshll.u32 s3, $0x5;
	[tilespmem:v61+s16+$0x0] =	vst.idx.msk $0xffff, v15;
	(pc) =	sbr.rel .LBB2_18-.Ltmp12, $4  }
0x1f2: {  	s3 =	sand.u32 $0xFFFFFF80, s3;
	[tilespmem:v63+s16+$0x0] =	vst.idx.msk $0xffff, v12  }
0x1f3: {  	s4 =	sshll.u32 s21, $0x11;
	s3 =	sadd.s32 s3, s11;
	[tilespmem:v62+s16+$0x0] =	vst.idx.msk $0xffff, v14  }
0x1f4: {  	s3 =	sadd.s32 s4, s3;
	[tilespmem:v8+s16+$0x0] =	vst.idx.msk $0xffff, v13  }
0x1f5: {  	[hbm4b:s3+s30] =	stream.strided.scatter [tilespmem:s16], [sflag:$0x6], $0x2000, s31, s30, $0x38;
	[tilespmem:$0x1CF80] =	vst v63  }
.LBB2_20:
0x1f6: {  	_ =	sfence.sel $0x180000  }
0x1f7: {  	[bflag:$0x0] =	sbarrier.arrive $0xFFFF  }
0x1f8: {  	_ =	strace $0x90000047  }
0x1f9: {  	[bflag:$0x2] =	sbarrier.arrive $0xFFFF  }
0x1fa: {  	s0 =	rddreg [dreg:$0x3]  }
0x1fb: {  	s0 =	sadd.s32 @!p0 $0x100000, s0  }
0x1fc: {  	[sflag:s0] =	ssyncadd.tile.s32 @!p0 $0x1;
	_ =	shalt  }
.Lfunc_end2:
_tile_overlayer_lowered:
.L_overlay_start_2:
0x1fd: {  	(tag) =	ssettag $0x2  }
0x1fe: {  	s0 =	rddreg [dreg:$0x0];
	s2 =	stileid.u32  }
0x1ff: {  	s1 =	rddreg [dreg:$0x1];
	p0 =	sne.s32 s2, $0x0  }
0x200: {  	s3 =	rddreg [dreg:$0x2];
	[bflag:$0x3] =	sbarrier.arrive $0xFFFF;
	s2 =	simm.s32 @!p0 $0x1C07  }
0x201: {  	[timem:s3], [sflag:s2] =	dma.local @!p0 [hbm:s0], s1  }
0x202: {  	s0 =	simm.s32 @!p0 $0x7  }
0x203: {  	_ =	swait.ge @!p0 [sflag:s0], s1  }
0x204: {  	s1 =	ssub.s32 @!p0 $0x0, s1;
	[sflag:s0] =	ssyncset.done @!p0 $0x0  }
0x205: {  	[sflag:s0] =	ssyncadd.s32 @!p0 s1  }
0x206: {  	[bflag:$0x3] =	sbarrier.arrive $0xFFFF  }
0x207: {  	_ =	shalt  }

</sc_bundles>
